<compile_context>
chip_gen: v7x
topology: tpu7x:2x2x1
jax: 0.10.2.dev20260603
libtpu: 0.0.44.dev20260713+nightly
codegen_flags: <defaults>
</compile_context>

<pallas_src>
import dataclasses
import functools

import jax
import jax.numpy as jnp
from jax import lax
from jax.experimental import pallas as pl
from jax.experimental.pallas import tpu as pltpu
from jax.experimental.pallas import tpu_sc as plsc

N_NODES = 10000
N_EDGES = 320000
D = 128

CHUNK = 128
NW = 32
CPW = 80
N_CHUNKS = NW * CPW
E_PAD = N_CHUNKS * CHUNK
NPAD = 10240
DEG_ROWS = NPAD // D
ZR = 16


@functools.lru_cache(maxsize=None)
def _sc_mesh():
    return plsc.VectorSubcoreMesh(core_axis_name="c", subcore_axis_name="s")


def _fill_const(ref, nrows, val):
    if ref.dtype == jnp.bfloat16:
        @pl.loop(0, nrows)
        def _(r):
            for cc in range(D // 32):
                ref[r, pl.ds(cc * 32, 32)] = jnp.full((32,), val, jnp.bfloat16)
    else:
        @pl.loop(0, nrows)
        def _(r):
            for cc in range(D // 16):
                ref[r, pl.ds(cc * 16, 16)] = jnp.full((16,), val, jnp.float32)


def _sc_agg_body(compute_deg, x_hbm, ei_hbm, *refs):
    if compute_deg:
        (agg_out, deg_out, pbuf, ibuf, r0, r1, r2, r3, zbuf, deg_v, didx, zdegf,
         acc_sh, deg_sh, g0, g1, g2, g3, i0, i1, i2, i3) = refs
    else:
        (agg_out, pbuf, ibuf, r0, r1, r2, r3, zbuf, acc_sh,
         g0, g1, g2, g3, i0, i1, i2, i3) = refs
    rows = [r0, r1, r2, r3]
    gsem = [g0, g1, g2, g3]
    isem = [i0, i1, i2, i3]
    c = lax.axis_index("c")
    s = lax.axis_index("s")
    wid = s * 2 + c

    _fill_const(zbuf, ZR, 0.0)

    @pl.loop(0, NPAD // ZR // 16)
    def _(i):
        pltpu.sync_copy(zbuf, acc_sh.at[pl.ds((s * (NPAD // ZR // 16) + i) * ZR, ZR)])

    if compute_deg:
        _fill_const(deg_v, DEG_ROWS, 0.0)
        for m in range(DEG_ROWS // 16):
            didx[0, pl.ds(m * 16, 16)] = lax.iota(jnp.int32, 16) + m * 16

        _fill_const(zdegf, ZR, 0.0)

        @pl.when(s < DEG_ROWS // ZR)
        def _():
            pltpu.sync_copy(zdegf, deg_sh.at[pl.ds(s * ZR, ZR)])

    plsc.subcore_barrier()

    def iload(k, b, isem):
        pltpu.async_copy(ei_hbm.at[wid * CPW + k], pbuf.at[b], isem)

    def iload_wait(b, isem):
        pltpu.make_async_copy(ei_hbm.at[0], pbuf.at[b], isem).wait()

    def unpack(b):
        for m in range(CHUNK // 16):
            p = pbuf[b, pl.ds(m * 16, 16)]
            ibuf[b, 0, pl.ds(m * 16, 16)] = p >> 14
            ibuf[b, 1, pl.ds(m * 16, 16)] = p & 16383

    def gather(b, rbuf, sem):
        pltpu.async_copy(x_hbm.at[ibuf.at[b, 0]], rbuf, sem)

    def gather_wait(b, rbuf, sem):
        pltpu.make_async_copy(x_hbm.at[ibuf.at[b, 0]], rbuf, sem).wait()

    def scatter(b, rbuf):
        pltpu.sync_copy(rbuf, acc_sh.at[ibuf.at[b, 1]], add=True)

    def hist(b):
        for m in range(CHUNK // 16):
            d16 = ibuf[b, 1, pl.ds(m * 16, 16)]
            plsc.addupdate_scatter(
                deg_v, [d16 >> 7, d16 & 127], jnp.ones((16,), jnp.float32)
            )

    def start_chunk(g, b):
        @pl.when(g < CPW)
        def _():
            iload_wait(b, isem[b])
            unpack(b)
            gather(b, rows[b], gsem[b])

    def prefetch(g, b):
        @pl.when(g < CPW)
        def _():
            iload(g, b, isem[b])

    iload(0, 0, isem[0])
    iload(1, 1, isem[1])
    iload(2, 2, isem[2])
    start_chunk(0, 0)
    iload(3, 3, isem[3])
    start_chunk(1, 1)
    iload(4, 0, isem[0])
    start_chunk(2, 2)

    @pl.loop(0, CPW // 4)
    def _(j):
        k0 = 4 * j
        for t in range(4):
            b = t
            gather_wait(b, rows[b], gsem[b])
            scatter(b, rows[b])
            if compute_deg:
                hist(b)
            nb = (t + 3) % 4
            start_chunk(k0 + t + 3, nb)
            prefetch(k0 + t + 5, (t + 1) % 4)

    if compute_deg:
        pltpu.sync_copy(deg_v, deg_sh.at[didx.at[0]], add=True)

    plsc.subcore_barrier()

    @pl.loop(0, NPAD // ZR // 16)
    def _(i):
        b = (s * (NPAD // ZR // 16) + i) * ZR
        pltpu.sync_copy(acc_sh.at[pl.ds(b, ZR)], agg_out.at[c].at[pl.ds(b, ZR)])

    if compute_deg:
        @pl.when(s == 0)
        def _():
            pltpu.sync_copy(deg_sh, deg_out.at[c])


@functools.lru_cache(maxsize=None)
def _sc_compiler_params():
    cp = pltpu.CompilerParams()
    fields = pltpu.CompilerParams.__dataclass_fields__
    if "needs_layout_passes" in fields:
        cp = dataclasses.replace(cp, needs_layout_passes=False)
    if "use_tc_tiling_on_sc" in fields:
        cp = dataclasses.replace(cp, use_tc_tiling_on_sc=False)
    return cp


@functools.lru_cache(maxsize=None)
def _make_sc_agg(compute_deg):
    out_type = [jax.ShapeDtypeStruct((2, NPAD, D), jnp.bfloat16)]
    scratch = [
        pltpu.VMEM((4, CHUNK), jnp.int32),
        pltpu.VMEM((4, 2, CHUNK), jnp.int32),
        pltpu.VMEM((CHUNK, D), jnp.bfloat16),
        pltpu.VMEM((CHUNK, D), jnp.bfloat16),
        pltpu.VMEM((CHUNK, D), jnp.bfloat16),
        pltpu.VMEM((CHUNK, D), jnp.bfloat16),
        pltpu.VMEM((ZR, D), jnp.bfloat16),
    ]
    if compute_deg:
        out_type.append(jax.ShapeDtypeStruct((2, DEG_ROWS, D), jnp.float32))
        scratch += [
            pltpu.VMEM((DEG_ROWS, D), jnp.float32),
            pltpu.VMEM((1, DEG_ROWS), jnp.int32),
            pltpu.VMEM((ZR, D), jnp.float32),
        ]
    scratch.append(pltpu.VMEM_SHARED((NPAD, D), jnp.bfloat16))
    if compute_deg:
        scratch.append(pltpu.VMEM_SHARED((DEG_ROWS, D), jnp.float32))
    scratch += [pltpu.SemaphoreType.DMA] * 8
    return pl.kernel(
        functools.partial(_sc_agg_body, compute_deg),
        out_type=out_type,
        mesh=_sc_mesh(),
        scratch_types=scratch,
        compiler_params=_sc_compiler_params(),
    )



_BLK = 1280
_DBLK = _BLK // D


def _linear_body(x_ref, w_ref, b_ref, o_ref):
    o_ref[...] = (
        jnp.dot(x_ref[...], w_ref[...], preferred_element_type=jnp.float32)
        + b_ref[...]
    )


def _tc_linear(x, w, b):
    return pl.pallas_call(
        _linear_body,
        grid=(NPAD // _BLK,),
        in_specs=[
            pl.BlockSpec((_BLK, D), lambda i: (i, 0)),
            pl.BlockSpec((D, D), lambda i: (0, 0)),
            pl.BlockSpec((1, D), lambda i: (0, 0)),
        ],
        out_specs=pl.BlockSpec((_BLK, D), lambda i: (i, 0)),
        out_shape=jax.ShapeDtypeStruct((NPAD, D), jnp.float32),
    )(x, w, b.reshape(1, D))


def _combine_body(final, agg_ref, deg_ref, xr_ref, wl_ref, wlin_ref, blin_ref,
                  o_ref, ob_ref=None):
    a = agg_ref[0].astype(jnp.float32) + agg_ref[1].astype(jnp.float32)
    d = jnp.maximum(deg_ref[0] + deg_ref[1], 1.0)
    mean = a / d
    h = jnp.maximum(
        jnp.dot(mean, wl_ref[...], preferred_element_type=jnp.float32) + xr_ref[...],
        0.0,
    )
    if final:
        o_ref[...] = (
            jnp.dot(h, wlin_ref[...], preferred_element_type=jnp.float32)
            + blin_ref[...]
        )
    else:
        o_ref[...] = h
        ob_ref[...] = h.astype(jnp.bfloat16)


def _tc_combine(agg, deg, xr, wl):
    def body(agg_ref, deg_ref, xr_ref, wl_ref, o_ref, ob_ref):
        _combine_body(False, agg_ref, deg_ref, xr_ref, wl_ref, None, None,
                      o_ref, ob_ref)

    return pl.pallas_call(
        body,
        grid=(NPAD // _BLK,),
        in_specs=[
            pl.BlockSpec((2, _BLK, D), lambda i: (0, i, 0)),
            pl.BlockSpec((2, _BLK, 1), lambda i: (0, i, 0)),
            pl.BlockSpec((_BLK, D), lambda i: (i, 0)),
            pl.BlockSpec((D, D), lambda i: (0, 0)),
        ],
        out_specs=[
            pl.BlockSpec((_BLK, D), lambda i: (i, 0)),
            pl.BlockSpec((_BLK, D), lambda i: (i, 0)),
        ],
        out_shape=[
            jax.ShapeDtypeStruct((NPAD, D), jnp.float32),
            jax.ShapeDtypeStruct((NPAD, D), jnp.bfloat16),
        ],
    )(agg, deg, xr, wl)


def _tc_combine_final(agg, deg, xr, wl, wlin, blin):
    return pl.pallas_call(
        functools.partial(_combine_body, True),
        grid=(NPAD // _BLK,),
        in_specs=[
            pl.BlockSpec((2, _BLK, D), lambda i: (0, i, 0)),
            pl.BlockSpec((2, _BLK, 1), lambda i: (0, i, 0)),
            pl.BlockSpec((_BLK, D), lambda i: (i, 0)),
            pl.BlockSpec((D, D), lambda i: (0, 0)),
            pl.BlockSpec((D, D), lambda i: (0, 0)),
            pl.BlockSpec((1, D), lambda i: (0, 0)),
        ],
        out_specs=pl.BlockSpec((_BLK, D), lambda i: (i, 0)),
        out_shape=jax.ShapeDtypeStruct((NPAD, D), jnp.float32),
    )(agg, deg, xr, wl, wlin, blin.reshape(1, D))


def kernel(x, edge_index, Wl1, bl1, Wr1, Wl2, bl2, Wr2, Wlin, blin):
    ei = edge_index.astype(jnp.int32)
    pad = E_PAD - N_EDGES
    r = jnp.arange(pad, dtype=jnp.int32)
    srcp = jnp.concatenate([ei[0], r % N_NODES])
    dstp = jnp.concatenate([ei[1], N_NODES + r % (NPAD - N_NODES)])
    eip = (srcp * 16384 + dstp).reshape(N_CHUNKS, CHUNK)
    xp = jnp.pad(x, ((0, NPAD - N_NODES), (0, 0)))
    xb = xp.astype(jnp.bfloat16)

    agg1, degp = _make_sc_agg(True)(xb, eip)
    degp = degp.reshape(2, NPAD, 1)
    xr1 = _tc_linear(xp, Wr1, bl1)
    h1, h1b = _tc_combine(agg1, degp, xr1, Wl1)

    (agg2,) = _make_sc_agg(False)(h1b, eip)
    xr2 = _tc_linear(h1, Wr2, bl2)
    out = _tc_combine_final(agg2, degp, xr2, Wl2, Wlin, blin)
    return out[:N_NODES]

# --- scband reference (transcript-rebuilt; emitter-appended) ---
"""Pipeline reference for scband-graph-sage-17300128268562 (READ-ONLY COPY).

The authoritative reference and input builder live on the scoring server;
editing this copy changes nothing except your own understanding.
"""

import jax, jax.numpy as jnp
import numpy as np

N_NODES = 10000
N_EDGES = 320000
D_IN = 128
HIDDEN = 128
OUT = 128

def setup_inputs(seed: int = 0) -> dict:
    key = jax.random.key(seed)
    ks = jax.random.split(key, 12)
    x = jax.random.normal(ks[0], (N_NODES, D_IN), dtype=jnp.float32)
    edge_index = jax.random.randint(ks[1], (2, N_EDGES), 0, N_NODES, dtype=jnp.int64)
    s1 = 1.0 / np.sqrt(D_IN)
    s2 = 1.0 / np.sqrt(HIDDEN)
    Wl1 = jax.random.uniform(ks[2], (D_IN, HIDDEN), jnp.float32, -s1, s1)
    bl1 = jax.random.uniform(ks[3], (HIDDEN,), jnp.float32, -s1, s1)
    Wr1 = jax.random.uniform(ks[4], (D_IN, HIDDEN), jnp.float32, -s1, s1)
    Wl2 = jax.random.uniform(ks[5], (HIDDEN, HIDDEN), jnp.float32, -s2, s2)
    bl2 = jax.random.uniform(ks[6], (HIDDEN,), jnp.float32, -s2, s2)
    Wr2 = jax.random.uniform(ks[7], (HIDDEN, HIDDEN), jnp.float32, -s2, s2)
    Wlin = jax.random.uniform(ks[8], (HIDDEN, OUT), jnp.float32, -s2, s2)
    blin = jax.random.uniform(ks[9], (OUT,), jnp.float32, -s2, s2)
    return {"x": x, "edge_index": edge_index, "Wl1": Wl1, "bl1": bl1, "Wr1": Wr1,
            "Wl2": Wl2, "bl2": bl2, "Wr2": Wr2, "Wlin": Wlin, "blin": blin}

def _sage_conv(x, edge_index, Wl, bl, Wr):
    # PyG SAGEConv, mean aggregation:
    # out = lin_l(mean_{j in N(i)} x_j) + lin_r(x_i)
    src = edge_index[0]
    dst = edge_index[1]
    msgs = jnp.take(x, src, axis=0)
    agg = jax.ops.segment_sum(msgs, dst, num_segments=x.shape[0])
    deg = jax.ops.segment_sum(jnp.ones((edge_index.shape[1],), dtype=x.dtype), dst, num_segments=x.shape[0])
    deg = jnp.maximum(deg, 1.0)
    mean = agg / deg[:, None]
    return mean @ Wl + bl + x @ Wr

def reference(x, edge_index, Wl1, bl1, Wr1, Wl2, bl2, Wr2, Wlin, blin):
    h = _sage_conv(x, edge_index, Wl1, bl1, Wr1)
    h = jax.nn.relu(h)
    # dropout is identity in eval mode
    h = _sage_conv(h, edge_index, Wl2, bl2, Wr2)
    h = jax.nn.relu(h)
    return h @ Wlin + blin

if __name__ == "__main__":
    import jax
    _d = setup_inputs()
    print(jax.jit(kernel)(*tuple(_d.values())))

</pallas_src>

<mosaic_0001>
#map = affine_map<(d0, d1) -> (0, 0)>
#map1 = affine_map<(d0, d1) -> (0, 0, 0)>
module attributes {stable_mosaic.version = 14 : i64} {
  func.func @_sc_agg_body(%arg0: i32, %arg1: i32, %arg2: memref<10240x128xbf16, #tpu.memory_space<hbm>>, %arg3: memref<2560x128xi32, #tpu.memory_space<hbm>>, %arg4: memref<2x10240x128xbf16, #tpu.memory_space<hbm>>, %arg5: memref<2x80x128xf32, #tpu.memory_space<hbm>>, %arg6: memref<4x128xi32, #tpu.memory_space<vmem>>, %arg7: memref<4x2x128xi32, #tpu.memory_space<vmem>>, %arg8: memref<128x128xbf16, #tpu.memory_space<vmem>>, %arg9: memref<128x128xbf16, #tpu.memory_space<vmem>>, %arg10: memref<128x128xbf16, #tpu.memory_space<vmem>>, %arg11: memref<128x128xbf16, #tpu.memory_space<vmem>>, %arg12: memref<16x128xbf16, #tpu.memory_space<vmem>>, %arg13: memref<80x128xf32, #tpu.memory_space<vmem>>, %arg14: memref<1x80xi32, #tpu.memory_space<vmem>>, %arg15: memref<16x128xf32, #tpu.memory_space<vmem>>, %arg16: memref<10240x128xbf16, #tpu.memory_space<vmem_shared>>, %arg17: memref<80x128xf32, #tpu.memory_space<vmem_shared>>, %arg18: memref<!tpu.dma_semaphore, #tpu.memory_space<semaphore_mem>>, %arg19: memref<!tpu.dma_semaphore, #tpu.memory_space<semaphore_mem>>, %arg20: memref<!tpu.dma_semaphore, #tpu.memory_space<semaphore_mem>>, %arg21: memref<!tpu.dma_semaphore, #tpu.memory_space<semaphore_mem>>, %arg22: memref<!tpu.dma_semaphore, #tpu.memory_space<semaphore_mem>>, %arg23: memref<!tpu.dma_semaphore, #tpu.memory_space<semaphore_mem>>, %arg24: memref<!tpu.dma_semaphore, #tpu.memory_space<semaphore_mem>>, %arg25: memref<!tpu.dma_semaphore, #tpu.memory_space<semaphore_mem>>) attributes {dimension_semantics = [#tpu.dimension_semantics<core_parallel>, #tpu.dimension_semantics<subcore_parallel>], iteration_bounds = array<i64: 2, 16>, scalar_prefetch = 0 : i64, scratch_operands = 20 : i64, tpu.core_type = #tpu.core_type<sc_vector_subcore>, window_params = [{transform_indices = #map}, {transform_indices = #map}, {transform_indices = #map1}, {transform_indices = #map1}]} {
    %mul3A = arith.constant 2 : i32
    %mul3A_0 = arith.muli %arg1, %mul3A : i32
    %add3A = arith.addi %mul3A_0, %arg0 : i32
    %scan3A = arith.constant 0 : i32
    %scan3A_1 = arith.constant 16 : i32
    %scan3A_2 = arith.addi %scan3A, %scan3A_1 : i32
    %scan3A_3 = arith.constant 1 : i32
    scf.for %scan3A_749 = %scan3A to %scan3A_2 step %scan3A_3  : i32 {
      %mul3A_750 = arith.constant 1 : i32
      %mul3A_751 = arith.muli %scan3A_749, %mul3A_750 : i32
      %add3A_752 = arith.constant 0 : i32
      %add3A_753 = arith.addi %add3A_752, %mul3A_751 : i32
      %broadcast_in_dim3A = arith.constant 0.000000e+00 : bf16
      %broadcast_in_dim3A_754 = vector.broadcast %broadcast_in_dim3A : bf16 to vector<32xbf16>
      %swap3A_755 = arith.index_cast %add3A_753 : i32 to index
      %swap3A_756 = arith.constant 0 : index
      %swap3A_757 = tpu.vector_load %arg12[%swap3A_755, %swap3A_756] {strides = array<i32>} : memref<16x128xbf16, #tpu.memory_space<vmem>>, vector<32xbf16>,
      tpu.vector_store %arg12[%swap3A_755, %swap3A_756], %broadcast_in_dim3A_754 {strides = array<i32>} : memref<16x128xbf16, #tpu.memory_space<vmem>>, vector<32xbf16>,
      %broadcast_in_dim3A_758 = arith.constant 0.000000e+00 : bf16
      %broadcast_in_dim3A_759 = vector.broadcast %broadcast_in_dim3A_758 : bf16 to vector<32xbf16>
      %swap3A_760 = arith.index_cast %add3A_753 : i32 to index
      %swap3A_761 = arith.constant 32 : index
      %swap3A_762 = tpu.vector_load %arg12[%swap3A_760, %swap3A_761] {strides = array<i32>} : memref<16x128xbf16, #tpu.memory_space<vmem>>, vector<32xbf16>,
      tpu.vector_store %arg12[%swap3A_760, %swap3A_761], %broadcast_in_dim3A_759 {strides = array<i32>} : memref<16x128xbf16, #tpu.memory_space<vmem>>, vector<32xbf16>,
      %broadcast_in_dim3A_763 = arith.constant 0.000000e+00 : bf16
      %broadcast_in_dim3A_764 = vector.broadcast %broadcast_in_dim3A_763 : bf16 to vector<32xbf16>
      %swap3A_765 = arith.index_cast %add3A_753 : i32 to index
      %swap3A_766 = arith.constant 64 : index
      %swap3A_767 = tpu.vector_load %arg12[%swap3A_765, %swap3A_766] {strides = array<i32>} : memref<16x128xbf16, #tpu.memory_space<vmem>>, vector<32xbf16>,
      tpu.vector_store %arg12[%swap3A_765, %swap3A_766], %broadcast_in_dim3A_764 {strides = array<i32>} : memref<16x128xbf16, #tpu.memory_space<vmem>>, vector<32xbf16>,
      %broadcast_in_dim3A_768 = arith.constant 0.000000e+00 : bf16
      %broadcast_in_dim3A_769 = vector.broadcast %broadcast_in_dim3A_768 : bf16 to vector<32xbf16>
      %swap3A_770 = arith.index_cast %add3A_753 : i32 to index
      %swap3A_771 = arith.constant 96 : index
      %swap3A_772 = tpu.vector_load %arg12[%swap3A_770, %swap3A_771] {strides = array<i32>} : memref<16x128xbf16, #tpu.memory_space<vmem>>, vector<32xbf16>,
      tpu.vector_store %arg12[%swap3A_770, %swap3A_771], %broadcast_in_dim3A_769 {strides = array<i32>} : memref<16x128xbf16, #tpu.memory_space<vmem>>, vector<32xbf16>,
    }
    %scan3A_4 = arith.constant 16 : i32
    %scan3A_5 = arith.constant 0 : i32
    %scan3A_6 = arith.constant 40 : i32
    %scan3A_7 = arith.addi %scan3A_5, %scan3A_6 : i32
    %scan3A_8 = arith.constant 1 : i32
    scf.for %scan3A_749 = %scan3A_5 to %scan3A_7 step %scan3A_8  : i32 {
      %mul3A_750 = arith.constant 1 : i32
      %mul3A_751 = arith.muli %scan3A_749, %mul3A_750 : i32
      %add3A_752 = arith.constant 0 : i32
      %add3A_753 = arith.addi %add3A_752, %mul3A_751 : i32
      %mul3A_754 = arith.constant 40 : i32
      %mul3A_755 = arith.muli %arg1, %mul3A_754 : i32
      %add3A_756 = arith.addi %mul3A_755, %add3A_753 : i32
      %mul3A_757 = arith.constant 16 : i32
      %mul3A_758 = arith.muli %add3A_756, %mul3A_757 : i32
      "tpu.region"() ({
        %run_scoped3A_759 = tpu.sem_alloc : memref<!tpu.dma_semaphore, #tpu.memory_space<semaphore_mem>>
        %dma_start3A_760 = arith.constant 0 : i32
        %dma_start3A_761 = tpu.memref_slice %arg16[%mul3A_758, %dma_start3A_760] : memref<10240x128xbf16, #tpu.memory_space<vmem_shared>> -> memref<16x128xbf16, #tpu.memory_space<vmem_shared>>
        %dma_start3A_762 = arith.constant 0 : i32
        %dma_start3A_763 = tpu.memref_slice %arg16[%mul3A_758, %dma_start3A_762] : memref<10240x128xbf16, #tpu.memory_space<vmem_shared>> -> memref<16x128xbf16, #tpu.memory_space<vmem_shared>>
        tpu.enqueue_dma source(%arg12 : memref<16x128xbf16, #tpu.memory_space<vmem>>) target(%dma_start3A_763 : memref<16x128xbf16, #tpu.memory_space<vmem_shared>>) target_semaphore(%run_scoped3A_759 : memref<!tpu.dma_semaphore, #tpu.memory_space<semaphore_mem>>)
        %dma_wait3A_764 = arith.constant 0 : i32
        %dma_wait3A_765 = tpu.memref_slice %arg16[%mul3A_758, %dma_wait3A_764] : memref<10240x128xbf16, #tpu.memory_space<vmem_shared>> -> memref<16x128xbf16, #tpu.memory_space<vmem_shared>>
        %dma_wait3A_766 = arith.constant 0 : i32
        %dma_wait3A_767 = tpu.memref_slice %arg16[%mul3A_758, %dma_wait3A_766] : memref<10240x128xbf16, #tpu.memory_space<vmem_shared>> -> memref<16x128xbf16, #tpu.memory_space<vmem_shared>>
        tpu.wait_dma2 semaphore(%run_scoped3A_759 : memref<!tpu.dma_semaphore, #tpu.memory_space<semaphore_mem>>) src(%arg12 : memref<16x128xbf16, #tpu.memory_space<vmem>>) dst(%dma_wait3A_767 : memref<16x128xbf16, #tpu.memory_space<vmem_shared>>)
        tpu.yield
      }) : () -> ()
    }
    %scan3A_9 = arith.constant 40 : i32
    %scan3A_10 = arith.constant 0 : i32
    %scan3A_11 = arith.constant 80 : i32
    %scan3A_12 = arith.addi %scan3A_10, %scan3A_11 : i32
    %scan3A_13 = arith.constant 1 : i32
    scf.for %scan3A_749 = %scan3A_10 to %scan3A_12 step %scan3A_13  : i32 {
      %mul3A_750 = arith.constant 1 : i32
      %mul3A_751 = arith.muli %scan3A_749, %mul3A_750 : i32
      %add3A_752 = arith.constant 0 : i32
      %add3A_753 = arith.addi %add3A_752, %mul3A_751 : i32
      %broadcast_in_dim3A = arith.constant 0.000000e+00 : f32
      %broadcast_in_dim3A_754 = vector.broadcast %broadcast_in_dim3A : f32 to vector<16xf32>
      %swap3A_755 = arith.index_cast %add3A_753 : i32 to index
      %swap3A_756 = arith.constant 0 : index
      %swap3A_757 = tpu.vector_load %arg13[%swap3A_755, %swap3A_756] {strides = array<i32>} : memref<80x128xf32, #tpu.memory_space<vmem>>, vector<16xf32>,
      tpu.vector_store %arg13[%swap3A_755, %swap3A_756], %broadcast_in_dim3A_754 {strides = array<i32>} : memref<80x128xf32, #tpu.memory_space<vmem>>, vector<16xf32>,
      %broadcast_in_dim3A_758 = arith.constant 0.000000e+00 : f32
      %broadcast_in_dim3A_759 = vector.broadcast %broadcast_in_dim3A_758 : f32 to vector<16xf32>
      %swap3A_760 = arith.index_cast %add3A_753 : i32 to index
      %swap3A_761 = arith.constant 16 : index
      %swap3A_762 = tpu.vector_load %arg13[%swap3A_760, %swap3A_761] {strides = array<i32>} : memref<80x128xf32, #tpu.memory_space<vmem>>, vector<16xf32>,
      tpu.vector_store %arg13[%swap3A_760, %swap3A_761], %broadcast_in_dim3A_759 {strides = array<i32>} : memref<80x128xf32, #tpu.memory_space<vmem>>, vector<16xf32>,
      %broadcast_in_dim3A_763 = arith.constant 0.000000e+00 : f32
      %broadcast_in_dim3A_764 = vector.broadcast %broadcast_in_dim3A_763 : f32 to vector<16xf32>
      %swap3A_765 = arith.index_cast %add3A_753 : i32 to index
      %swap3A_766 = arith.constant 32 : index
      %swap3A_767 = tpu.vector_load %arg13[%swap3A_765, %swap3A_766] {strides = array<i32>} : memref<80x128xf32, #tpu.memory_space<vmem>>, vector<16xf32>,
      tpu.vector_store %arg13[%swap3A_765, %swap3A_766], %broadcast_in_dim3A_764 {strides = array<i32>} : memref<80x128xf32, #tpu.memory_space<vmem>>, vector<16xf32>,
      %broadcast_in_dim3A_768 = arith.constant 0.000000e+00 : f32
      %broadcast_in_dim3A_769 = vector.broadcast %broadcast_in_dim3A_768 : f32 to vector<16xf32>
      %swap3A_770 = arith.index_cast %add3A_753 : i32 to index
      %swap3A_771 = arith.constant 48 : index
      %swap3A_772 = tpu.vector_load %arg13[%swap3A_770, %swap3A_771] {strides = array<i32>} : memref<80x128xf32, #tpu.memory_space<vmem>>, vector<16xf32>,
      tpu.vector_store %arg13[%swap3A_770, %swap3A_771], %broadcast_in_dim3A_769 {strides = array<i32>} : memref<80x128xf32, #tpu.memory_space<vmem>>, vector<16xf32>,
      %broadcast_in_dim3A_773 = arith.constant 0.000000e+00 : f32
      %broadcast_in_dim3A_774 = vector.broadcast %broadcast_in_dim3A_773 : f32 to vector<16xf32>
      %swap3A_775 = arith.index_cast %add3A_753 : i32 to index
      %swap3A_776 = arith.constant 64 : index
      %swap3A_777 = tpu.vector_load %arg13[%swap3A_775, %swap3A_776] {strides = array<i32>} : memref<80x128xf32, #tpu.memory_space<vmem>>, vector<16xf32>,
      tpu.vector_store %arg13[%swap3A_775, %swap3A_776], %broadcast_in_dim3A_774 {strides = array<i32>} : memref<80x128xf32, #tpu.memory_space<vmem>>, vector<16xf32>,
      %broadcast_in_dim3A_778 = arith.constant 0.000000e+00 : f32
      %broadcast_in_dim3A_779 = vector.broadcast %broadcast_in_dim3A_778 : f32 to vector<16xf32>
      %swap3A_780 = arith.index_cast %add3A_753 : i32 to index
      %swap3A_781 = arith.constant 80 : index
      %swap3A_782 = tpu.vector_load %arg13[%swap3A_780, %swap3A_781] {strides = array<i32>} : memref<80x128xf32, #tpu.memory_space<vmem>>, vector<16xf32>,
      tpu.vector_store %arg13[%swap3A_780, %swap3A_781], %broadcast_in_dim3A_779 {strides = array<i32>} : memref<80x128xf32, #tpu.memory_space<vmem>>, vector<16xf32>,
      %broadcast_in_dim3A_783 = arith.constant 0.000000e+00 : f32
      %broadcast_in_dim3A_784 = vector.broadcast %broadcast_in_dim3A_783 : f32 to vector<16xf32>
      %swap3A_785 = arith.index_cast %add3A_753 : i32 to index
      %swap3A_786 = arith.constant 96 : index
      %swap3A_787 = tpu.vector_load %arg13[%swap3A_785, %swap3A_786] {strides = array<i32>} : memref<80x128xf32, #tpu.memory_space<vmem>>, vector<16xf32>,
      tpu.vector_store %arg13[%swap3A_785, %swap3A_786], %broadcast_in_dim3A_784 {strides = array<i32>} : memref<80x128xf32, #tpu.memory_space<vmem>>, vector<16xf32>,
      %broadcast_in_dim3A_788 = arith.constant 0.000000e+00 : f32
      %broadcast_in_dim3A_789 = vector.broadcast %broadcast_in_dim3A_788 : f32 to vector<16xf32>
      %swap3A_790 = arith.index_cast %add3A_753 : i32 to index
      %swap3A_791 = arith.constant 112 : index
      %swap3A_792 = tpu.vector_load %arg13[%swap3A_790, %swap3A_791] {strides = array<i32>} : memref<80x128xf32, #tpu.memory_space<vmem>>, vector<16xf32>,
      tpu.vector_store %arg13[%swap3A_790, %swap3A_791], %broadcast_in_dim3A_789 {strides = array<i32>} : memref<80x128xf32, #tpu.memory_space<vmem>>, vector<16xf32>,
    }
    %scan3A_14 = arith.constant 80 : i32
    %iota3A = tpu.iota {dimensions = array<i32: 0>} : vector<16xi32>
    %add3A_15 = arith.constant 0 : i32
    %add3A_16 = vector.broadcast %add3A_15 : i32 to vector<16xi32>
    %add3A_17 = arith.addi %iota3A, %add3A_16 : vector<16xi32>
    %swap3A = arith.constant 0 : i32
    %swap3A_18 = arith.index_cast %swap3A : i32 to index
    %swap3A_19 = arith.constant 0 : index
    %swap3A_20 = tpu.vector_load %arg14[%swap3A_18, %swap3A_19] {strides = array<i32>} : memref<1x80xi32, #tpu.memory_space<vmem>>, vector<16xi32>,
    tpu.vector_store %arg14[%swap3A_18, %swap3A_19], %add3A_17 {strides = array<i32>} : memref<1x80xi32, #tpu.memory_space<vmem>>, vector<16xi32>,
    %iota3A_21 = tpu.iota {dimensions = array<i32: 0>} : vector<16xi32>
    %add3A_22 = arith.constant 16 : i32
    %add3A_23 = vector.broadcast %add3A_22 : i32 to vector<16xi32>
    %add3A_24 = arith.addi %iota3A_21, %add3A_23 : vector<16xi32>
    %swap3A_25 = arith.constant 0 : i32
    %swap3A_26 = arith.index_cast %swap3A_25 : i32 to index
    %swap3A_27 = arith.constant 16 : index
    %swap3A_28 = tpu.vector_load %arg14[%swap3A_26, %swap3A_27] {strides = array<i32>} : memref<1x80xi32, #tpu.memory_space<vmem>>, vector<16xi32>,
    tpu.vector_store %arg14[%swap3A_26, %swap3A_27], %add3A_24 {strides = array<i32>} : memref<1x80xi32, #tpu.memory_space<vmem>>, vector<16xi32>,
    %iota3A_29 = tpu.iota {dimensions = array<i32: 0>} : vector<16xi32>
    %add3A_30 = arith.constant 32 : i32
    %add3A_31 = vector.broadcast %add3A_30 : i32 to vector<16xi32>
    %add3A_32 = arith.addi %iota3A_29, %add3A_31 : vector<16xi32>
    %swap3A_33 = arith.constant 0 : i32
    %swap3A_34 = arith.index_cast %swap3A_33 : i32 to index
    %swap3A_35 = arith.constant 32 : index
    %swap3A_36 = tpu.vector_load %arg14[%swap3A_34, %swap3A_35] {strides = array<i32>} : memref<1x80xi32, #tpu.memory_space<vmem>>, vector<16xi32>,
    tpu.vector_store %arg14[%swap3A_34, %swap3A_35], %add3A_32 {strides = array<i32>} : memref<1x80xi32, #tpu.memory_space<vmem>>, vector<16xi32>,
    %iota3A_37 = tpu.iota {dimensions = array<i32: 0>} : vector<16xi32>
    %add3A_38 = arith.constant 48 : i32
    %add3A_39 = vector.broadcast %add3A_38 : i32 to vector<16xi32>
    %add3A_40 = arith.addi %iota3A_37, %add3A_39 : vector<16xi32>
    %swap3A_41 = arith.constant 0 : i32
    %swap3A_42 = arith.index_cast %swap3A_41 : i32 to index
    %swap3A_43 = arith.constant 48 : index
    %swap3A_44 = tpu.vector_load %arg14[%swap3A_42, %swap3A_43] {strides = array<i32>} : memref<1x80xi32, #tpu.memory_space<vmem>>, vector<16xi32>,
    tpu.vector_store %arg14[%swap3A_42, %swap3A_43], %add3A_40 {strides = array<i32>} : memref<1x80xi32, #tpu.memory_space<vmem>>, vector<16xi32>,
    %iota3A_45 = tpu.iota {dimensions = array<i32: 0>} : vector<16xi32>
    %add3A_46 = arith.constant 64 : i32
    %add3A_47 = vector.broadcast %add3A_46 : i32 to vector<16xi32>
    %add3A_48 = arith.addi %iota3A_45, %add3A_47 : vector<16xi32>
    %swap3A_49 = arith.constant 0 : i32
    %swap3A_50 = arith.index_cast %swap3A_49 : i32 to index
    %swap3A_51 = arith.constant 64 : index
    %swap3A_52 = tpu.vector_load %arg14[%swap3A_50, %swap3A_51] {strides = array<i32>} : memref<1x80xi32, #tpu.memory_space<vmem>>, vector<16xi32>,
    tpu.vector_store %arg14[%swap3A_50, %swap3A_51], %add3A_48 {strides = array<i32>} : memref<1x80xi32, #tpu.memory_space<vmem>>, vector<16xi32>,
    %scan3A_53 = arith.constant 0 : i32
    %scan3A_54 = arith.constant 16 : i32
    %scan3A_55 = arith.addi %scan3A_53, %scan3A_54 : i32
    %scan3A_56 = arith.constant 1 : i32
    scf.for %scan3A_749 = %scan3A_53 to %scan3A_55 step %scan3A_56  : i32 {
      %mul3A_750 = arith.constant 1 : i32
      %mul3A_751 = arith.muli %scan3A_749, %mul3A_750 : i32
      %add3A_752 = arith.constant 0 : i32
      %add3A_753 = arith.addi %add3A_752, %mul3A_751 : i32
      %broadcast_in_dim3A = arith.constant 0.000000e+00 : f32
      %broadcast_in_dim3A_754 = vector.broadcast %broadcast_in_dim3A : f32 to vector<16xf32>
      %swap3A_755 = arith.index_cast %add3A_753 : i32 to index
      %swap3A_756 = arith.constant 0 : index
      %swap3A_757 = tpu.vector_load %arg15[%swap3A_755, %swap3A_756] {strides = array<i32>} : memref<16x128xf32, #tpu.memory_space<vmem>>, vector<16xf32>,
      tpu.vector_store %arg15[%swap3A_755, %swap3A_756], %broadcast_in_dim3A_754 {strides = array<i32>} : memref<16x128xf32, #tpu.memory_space<vmem>>, vector<16xf32>,
      %broadcast_in_dim3A_758 = arith.constant 0.000000e+00 : f32
      %broadcast_in_dim3A_759 = vector.broadcast %broadcast_in_dim3A_758 : f32 to vector<16xf32>
      %swap3A_760 = arith.index_cast %add3A_753 : i32 to index
      %swap3A_761 = arith.constant 16 : index
      %swap3A_762 = tpu.vector_load %arg15[%swap3A_760, %swap3A_761] {strides = array<i32>} : memref<16x128xf32, #tpu.memory_space<vmem>>, vector<16xf32>,
      tpu.vector_store %arg15[%swap3A_760, %swap3A_761], %broadcast_in_dim3A_759 {strides = array<i32>} : memref<16x128xf32, #tpu.memory_space<vmem>>, vector<16xf32>,
      %broadcast_in_dim3A_763 = arith.constant 0.000000e+00 : f32
      %broadcast_in_dim3A_764 = vector.broadcast %broadcast_in_dim3A_763 : f32 to vector<16xf32>
      %swap3A_765 = arith.index_cast %add3A_753 : i32 to index
      %swap3A_766 = arith.constant 32 : index
      %swap3A_767 = tpu.vector_load %arg15[%swap3A_765, %swap3A_766] {strides = array<i32>} : memref<16x128xf32, #tpu.memory_space<vmem>>, vector<16xf32>,
      tpu.vector_store %arg15[%swap3A_765, %swap3A_766], %broadcast_in_dim3A_764 {strides = array<i32>} : memref<16x128xf32, #tpu.memory_space<vmem>>, vector<16xf32>,
      %broadcast_in_dim3A_768 = arith.constant 0.000000e+00 : f32
      %broadcast_in_dim3A_769 = vector.broadcast %broadcast_in_dim3A_768 : f32 to vector<16xf32>
      %swap3A_770 = arith.index_cast %add3A_753 : i32 to index
      %swap3A_771 = arith.constant 48 : index
      %swap3A_772 = tpu.vector_load %arg15[%swap3A_770, %swap3A_771] {strides = array<i32>} : memref<16x128xf32, #tpu.memory_space<vmem>>, vector<16xf32>,
      tpu.vector_store %arg15[%swap3A_770, %swap3A_771], %broadcast_in_dim3A_769 {strides = array<i32>} : memref<16x128xf32, #tpu.memory_space<vmem>>, vector<16xf32>,
      %broadcast_in_dim3A_773 = arith.constant 0.000000e+00 : f32
      %broadcast_in_dim3A_774 = vector.broadcast %broadcast_in_dim3A_773 : f32 to vector<16xf32>
      %swap3A_775 = arith.index_cast %add3A_753 : i32 to index
      %swap3A_776 = arith.constant 64 : index
      %swap3A_777 = tpu.vector_load %arg15[%swap3A_775, %swap3A_776] {strides = array<i32>} : memref<16x128xf32, #tpu.memory_space<vmem>>, vector<16xf32>,
      tpu.vector_store %arg15[%swap3A_775, %swap3A_776], %broadcast_in_dim3A_774 {strides = array<i32>} : memref<16x128xf32, #tpu.memory_space<vmem>>, vector<16xf32>,
      %broadcast_in_dim3A_778 = arith.constant 0.000000e+00 : f32
      %broadcast_in_dim3A_779 = vector.broadcast %broadcast_in_dim3A_778 : f32 to vector<16xf32>
      %swap3A_780 = arith.index_cast %add3A_753 : i32 to index
      %swap3A_781 = arith.constant 80 : index
      %swap3A_782 = tpu.vector_load %arg15[%swap3A_780, %swap3A_781] {strides = array<i32>} : memref<16x128xf32, #tpu.memory_space<vmem>>, vector<16xf32>,
      tpu.vector_store %arg15[%swap3A_780, %swap3A_781], %broadcast_in_dim3A_779 {strides = array<i32>} : memref<16x128xf32, #tpu.memory_space<vmem>>, vector<16xf32>,
      %broadcast_in_dim3A_783 = arith.constant 0.000000e+00 : f32
      %broadcast_in_dim3A_784 = vector.broadcast %broadcast_in_dim3A_783 : f32 to vector<16xf32>
      %swap3A_785 = arith.index_cast %add3A_753 : i32 to index
      %swap3A_786 = arith.constant 96 : index
      %swap3A_787 = tpu.vector_load %arg15[%swap3A_785, %swap3A_786] {strides = array<i32>} : memref<16x128xf32, #tpu.memory_space<vmem>>, vector<16xf32>,
      tpu.vector_store %arg15[%swap3A_785, %swap3A_786], %broadcast_in_dim3A_784 {strides = array<i32>} : memref<16x128xf32, #tpu.memory_space<vmem>>, vector<16xf32>,
      %broadcast_in_dim3A_788 = arith.constant 0.000000e+00 : f32
      %broadcast_in_dim3A_789 = vector.broadcast %broadcast_in_dim3A_788 : f32 to vector<16xf32>
      %swap3A_790 = arith.index_cast %add3A_753 : i32 to index
      %swap3A_791 = arith.constant 112 : index
      %swap3A_792 = tpu.vector_load %arg15[%swap3A_790, %swap3A_791] {strides = array<i32>} : memref<16x128xf32, #tpu.memory_space<vmem>>, vector<16xf32>,
      tpu.vector_store %arg15[%swap3A_790, %swap3A_791], %broadcast_in_dim3A_789 {strides = array<i32>} : memref<16x128xf32, #tpu.memory_space<vmem>>, vector<16xf32>,
    }
    %scan3A_57 = arith.constant 16 : i32
    %lt3A = arith.constant 5 : i32
    %lt3A_58 = arith.cmpi slt, %arg1, %lt3A : i32
    %convert_element_type3A = arith.extui %lt3A_58 : i1 to i32
    %cond3A = arith.constant 0 : i32
    %cond3A_59 = arith.cmpi ne, %convert_element_type3A, %cond3A : i32
    scf.if %cond3A_59 {
      %mul3A_749 = arith.constant 16 : i32
      %mul3A_750 = arith.muli %arg1, %mul3A_749 : i32
      "tpu.region"() ({
        %run_scoped3A_751 = tpu.sem_alloc : memref<!tpu.dma_semaphore, #tpu.memory_space<semaphore_mem>>
        %dma_start3A_752 = arith.constant 0 : i32
        %dma_start3A_753 = tpu.memref_slice %arg17[%mul3A_750, %dma_start3A_752] : memref<80x128xf32, #tpu.memory_space<vmem_shared>> -> memref<16x128xf32, #tpu.memory_space<vmem_shared>>
        %dma_start3A_754 = arith.constant 0 : i32
        %dma_start3A_755 = tpu.memref_slice %arg17[%mul3A_750, %dma_start3A_754] : memref<80x128xf32, #tpu.memory_space<vmem_shared>> -> memref<16x128xf32, #tpu.memory_space<vmem_shared>>
        tpu.enqueue_dma source(%arg15 : memref<16x128xf32, #tpu.memory_space<vmem>>) target(%dma_start3A_755 : memref<16x128xf32, #tpu.memory_space<vmem_shared>>) target_semaphore(%run_scoped3A_751 : memref<!tpu.dma_semaphore, #tpu.memory_space<semaphore_mem>>)
        %dma_wait3A_756 = arith.constant 0 : i32
        %dma_wait3A_757 = tpu.memref_slice %arg17[%mul3A_750, %dma_wait3A_756] : memref<80x128xf32, #tpu.memory_space<vmem_shared>> -> memref<16x128xf32, #tpu.memory_space<vmem_shared>>
        %dma_wait3A_758 = arith.constant 0 : i32
        %dma_wait3A_759 = tpu.memref_slice %arg17[%mul3A_750, %dma_wait3A_758] : memref<80x128xf32, #tpu.memory_space<vmem_shared>> -> memref<16x128xf32, #tpu.memory_space<vmem_shared>>
        tpu.wait_dma2 semaphore(%run_scoped3A_751 : memref<!tpu.dma_semaphore, #tpu.memory_space<semaphore_mem>>) src(%arg15 : memref<16x128xf32, #tpu.memory_space<vmem>>) dst(%dma_wait3A_759 : memref<16x128xf32, #tpu.memory_space<vmem_shared>>)
        tpu.yield
      }) : () -> ()
    } else {
    }
    %barrier3A = arith.constant 0 : index
    tpu.barrier barrier_id(%barrier3A)
    %mul3A_60 = arith.constant 80 : i32
    %mul3A_61 = arith.muli %add3A, %mul3A_60 : i32
    %add3A_62 = arith.constant 0 : i32
    %add3A_63 = arith.addi %mul3A_61, %add3A_62 : i32
    %dma_start3A = arith.constant 0 : i32
    %dma_start3A_64 = arith.constant 0 : i32
    %dma_start3A_65 = tpu.memref_slice %arg6[%dma_start3A, %dma_start3A_64] : memref<4x128xi32, #tpu.memory_space<vmem>> -> memref<1x128xi32, #tpu.memory_space<vmem>>
    %dma_start3A_66 = tpu.memref_squeeze %dma_start3A_65 : memref<1x128xi32, #tpu.memory_space<vmem>> -> memref<128xi32, #tpu.memory_space<vmem>>
    %dma_start3A_67 = arith.constant 0 : i32
    %dma_start3A_68 = tpu.memref_slice %arg3[%add3A_63, %dma_start3A_67] : memref<2560x128xi32, #tpu.memory_space<hbm>> -> memref<1x128xi32, #tpu.memory_space<hbm>>
    %dma_start3A_69 = tpu.memref_squeeze %dma_start3A_68 : memref<1x128xi32, #tpu.memory_space<hbm>> -> memref<128xi32, #tpu.memory_space<hbm>>
    %dma_start3A_70 = arith.constant 0 : i32
    %dma_start3A_71 = tpu.memref_slice %arg6[%dma_start3A, %dma_start3A_70] : memref<4x128xi32, #tpu.memory_space<vmem>> -> memref<1x128xi32, #tpu.memory_space<vmem>>
    %dma_start3A_72 = tpu.memref_squeeze %dma_start3A_71 : memref<1x128xi32, #tpu.memory_space<vmem>> -> memref<128xi32, #tpu.memory_space<vmem>>
    %dma_start3A_73 = arith.constant 0 : i32
    %dma_start3A_74 = tpu.memref_slice %arg3[%add3A_63, %dma_start3A_73] : memref<2560x128xi32, #tpu.memory_space<hbm>> -> memref<1x128xi32, #tpu.memory_space<hbm>>
    %dma_start3A_75 = tpu.memref_squeeze %dma_start3A_74 : memref<1x128xi32, #tpu.memory_space<hbm>> -> memref<128xi32, #tpu.memory_space<hbm>>
    tpu.enqueue_dma source(%dma_start3A_75 : memref<128xi32, #tpu.memory_space<hbm>>) target(%dma_start3A_72 : memref<128xi32, #tpu.memory_space<vmem>>) target_semaphore(%arg22 : memref<!tpu.dma_semaphore, #tpu.memory_space<semaphore_mem>>)
    %mul3A_76 = arith.constant 80 : i32
    %mul3A_77 = arith.muli %add3A, %mul3A_76 : i32
    %add3A_78 = arith.constant 1 : i32
    %add3A_79 = arith.addi %mul3A_77, %add3A_78 : i32
    %dma_start3A_80 = arith.constant 1 : i32
    %dma_start3A_81 = arith.constant 0 : i32
    %dma_start3A_82 = tpu.memref_slice %arg6[%dma_start3A_80, %dma_start3A_81] : memref<4x128xi32, #tpu.memory_space<vmem>> -> memref<1x128xi32, #tpu.memory_space<vmem>>
    %dma_start3A_83 = tpu.memref_squeeze %dma_start3A_82 : memref<1x128xi32, #tpu.memory_space<vmem>> -> memref<128xi32, #tpu.memory_space<vmem>>
    %dma_start3A_84 = arith.constant 0 : i32
    %dma_start3A_85 = tpu.memref_slice %arg3[%add3A_79, %dma_start3A_84] : memref<2560x128xi32, #tpu.memory_space<hbm>> -> memref<1x128xi32, #tpu.memory_space<hbm>>
    %dma_start3A_86 = tpu.memref_squeeze %dma_start3A_85 : memref<1x128xi32, #tpu.memory_space<hbm>> -> memref<128xi32, #tpu.memory_space<hbm>>
    %dma_start3A_87 = arith.constant 0 : i32
    %dma_start3A_88 = tpu.memref_slice %arg6[%dma_start3A_80, %dma_start3A_87] : memref<4x128xi32, #tpu.memory_space<vmem>> -> memref<1x128xi32, #tpu.memory_space<vmem>>
    %dma_start3A_89 = tpu.memref_squeeze %dma_start3A_88 : memref<1x128xi32, #tpu.memory_space<vmem>> -> memref<128xi32, #tpu.memory_space<vmem>>
    %dma_start3A_90 = arith.constant 0 : i32
    %dma_start3A_91 = tpu.memref_slice %arg3[%add3A_79, %dma_start3A_90] : memref<2560x128xi32, #tpu.memory_space<hbm>> -> memref<1x128xi32, #tpu.memory_space<hbm>>
    %dma_start3A_92 = tpu.memref_squeeze %dma_start3A_91 : memref<1x128xi32, #tpu.memory_space<hbm>> -> memref<128xi32, #tpu.memory_space<hbm>>
    tpu.enqueue_dma source(%dma_start3A_92 : memref<128xi32, #tpu.memory_space<hbm>>) target(%dma_start3A_89 : memref<128xi32, #tpu.memory_space<vmem>>) target_semaphore(%arg23 : memref<!tpu.dma_semaphore, #tpu.memory_space<semaphore_mem>>)
    %mul3A_93 = arith.constant 80 : i32
    %mul3A_94 = arith.muli %add3A, %mul3A_93 : i32
    %add3A_95 = arith.constant 2 : i32
    %add3A_96 = arith.addi %mul3A_94, %add3A_95 : i32
    %dma_start3A_97 = arith.constant 2 : i32
    %dma_start3A_98 = arith.constant 0 : i32
    %dma_start3A_99 = tpu.memref_slice %arg6[%dma_start3A_97, %dma_start3A_98] : memref<4x128xi32, #tpu.memory_space<vmem>> -> memref<1x128xi32, #tpu.memory_space<vmem>>
    %dma_start3A_100 = tpu.memref_squeeze %dma_start3A_99 : memref<1x128xi32, #tpu.memory_space<vmem>> -> memref<128xi32, #tpu.memory_space<vmem>>
    %dma_start3A_101 = arith.constant 0 : i32
    %dma_start3A_102 = tpu.memref_slice %arg3[%add3A_96, %dma_start3A_101] : memref<2560x128xi32, #tpu.memory_space<hbm>> -> memref<1x128xi32, #tpu.memory_space<hbm>>
    %dma_start3A_103 = tpu.memref_squeeze %dma_start3A_102 : memref<1x128xi32, #tpu.memory_space<hbm>> -> memref<128xi32, #tpu.memory_space<hbm>>
    %dma_start3A_104 = arith.constant 0 : i32
    %dma_start3A_105 = tpu.memref_slice %arg6[%dma_start3A_97, %dma_start3A_104] : memref<4x128xi32, #tpu.memory_space<vmem>> -> memref<1x128xi32, #tpu.memory_space<vmem>>
    %dma_start3A_106 = tpu.memref_squeeze %dma_start3A_105 : memref<1x128xi32, #tpu.memory_space<vmem>> -> memref<128xi32, #tpu.memory_space<vmem>>
    %dma_start3A_107 = arith.constant 0 : i32
    %dma_start3A_108 = tpu.memref_slice %arg3[%add3A_96, %dma_start3A_107] : memref<2560x128xi32, #tpu.memory_space<hbm>> -> memref<1x128xi32, #tpu.memory_space<hbm>>
    %dma_start3A_109 = tpu.memref_squeeze %dma_start3A_108 : memref<1x128xi32, #tpu.memory_space<hbm>> -> memref<128xi32, #tpu.memory_space<hbm>>
    tpu.enqueue_dma source(%dma_start3A_109 : memref<128xi32, #tpu.memory_space<hbm>>) target(%dma_start3A_106 : memref<128xi32, #tpu.memory_space<vmem>>) target_semaphore(%arg24 : memref<!tpu.dma_semaphore, #tpu.memory_space<semaphore_mem>>)
    %dma_wait3A = arith.constant 0 : i32
    %dma_wait3A_110 = arith.constant 0 : i32
    %dma_wait3A_111 = arith.constant 0 : i32
    %dma_wait3A_112 = tpu.memref_slice %arg6[%dma_wait3A_110, %dma_wait3A_111] : memref<4x128xi32, #tpu.memory_space<vmem>> -> memref<1x128xi32, #tpu.memory_space<vmem>>
    %dma_wait3A_113 = tpu.memref_squeeze %dma_wait3A_112 : memref<1x128xi32, #tpu.memory_space<vmem>> -> memref<128xi32, #tpu.memory_space<vmem>>
    %dma_wait3A_114 = arith.constant 0 : i32
    %dma_wait3A_115 = tpu.memref_slice %arg3[%dma_wait3A, %dma_wait3A_114] : memref<2560x128xi32, #tpu.memory_space<hbm>> -> memref<1x128xi32, #tpu.memory_space<hbm>>
    %dma_wait3A_116 = tpu.memref_squeeze %dma_wait3A_115 : memref<1x128xi32, #tpu.memory_space<hbm>> -> memref<128xi32, #tpu.memory_space<hbm>>
    %dma_wait3A_117 = arith.constant 0 : i32
    %dma_wait3A_118 = tpu.memref_slice %arg6[%dma_wait3A_110, %dma_wait3A_117] : memref<4x128xi32, #tpu.memory_space<vmem>> -> memref<1x128xi32, #tpu.memory_space<vmem>>
    %dma_wait3A_119 = tpu.memref_squeeze %dma_wait3A_118 : memref<1x128xi32, #tpu.memory_space<vmem>> -> memref<128xi32, #tpu.memory_space<vmem>>
    %dma_wait3A_120 = arith.constant 0 : i32
    %dma_wait3A_121 = tpu.memref_slice %arg3[%dma_wait3A, %dma_wait3A_120] : memref<2560x128xi32, #tpu.memory_space<hbm>> -> memref<1x128xi32, #tpu.memory_space<hbm>>
    %dma_wait3A_122 = tpu.memref_squeeze %dma_wait3A_121 : memref<1x128xi32, #tpu.memory_space<hbm>> -> memref<128xi32, #tpu.memory_space<hbm>>
    tpu.wait_dma2 semaphore(%arg22 : memref<!tpu.dma_semaphore, #tpu.memory_space<semaphore_mem>>) src(%dma_wait3A_122 : memref<128xi32, #tpu.memory_space<hbm>>) dst(%dma_wait3A_119 : memref<128xi32, #tpu.memory_space<vmem>>)
    %get3A = arith.constant 0 : i32
    %get3A_123 = arith.index_cast %get3A : i32 to index
    %get3A_124 = arith.constant 0 : index
    %get3A_125 = tpu.vector_load %arg6[%get3A_123, %get3A_124] {strides = array<i32>} : memref<4x128xi32, #tpu.memory_space<vmem>>, vector<16xi32>,
    %shift_right_arithmetic3A = arith.constant 14 : i32
    %shift_right_arithmetic3A_126 = vector.broadcast %shift_right_arithmetic3A : i32 to vector<16xi32>
    %shift_right_arithmetic3A_127 = arith.shrsi %get3A_125, %shift_right_arithmetic3A_126 : vector<16xi32>
    %swap3A_128 = arith.constant 0 : i32
    %swap3A_129 = arith.constant 0 : i32
    %swap3A_130 = arith.index_cast %swap3A_128 : i32 to index
    %swap3A_131 = arith.index_cast %swap3A_129 : i32 to index
    %swap3A_132 = arith.constant 0 : index
    %swap3A_133 = tpu.vector_load %arg7[%swap3A_130, %swap3A_131, %swap3A_132] {strides = array<i32>} : memref<4x2x128xi32, #tpu.memory_space<vmem>>, vector<16xi32>,
    tpu.vector_store %arg7[%swap3A_130, %swap3A_131, %swap3A_132], %shift_right_arithmetic3A_127 {strides = array<i32>} : memref<4x2x128xi32, #tpu.memory_space<vmem>>, vector<16xi32>,
    %and3A = arith.constant 16383 : i32
    %and3A_134 = vector.broadcast %and3A : i32 to vector<16xi32>
    %and3A_135 = arith.andi %get3A_125, %and3A_134 : vector<16xi32>
    %swap3A_136 = arith.constant 0 : i32
    %swap3A_137 = arith.constant 1 : i32
    %swap3A_138 = arith.index_cast %swap3A_136 : i32 to index
    %swap3A_139 = arith.index_cast %swap3A_137 : i32 to index
    %swap3A_140 = arith.constant 0 : index
    %swap3A_141 = tpu.vector_load %arg7[%swap3A_138, %swap3A_139, %swap3A_140] {strides = array<i32>} : memref<4x2x128xi32, #tpu.memory_space<vmem>>, vector<16xi32>,
    tpu.vector_store %arg7[%swap3A_138, %swap3A_139, %swap3A_140], %and3A_135 {strides = array<i32>} : memref<4x2x128xi32, #tpu.memory_space<vmem>>, vector<16xi32>,
    %get3A_142 = arith.constant 0 : i32
    %get3A_143 = arith.index_cast %get3A_142 : i32 to index
    %get3A_144 = arith.constant 16 : index
    %get3A_145 = tpu.vector_load %arg6[%get3A_143, %get3A_144] {strides = array<i32>} : memref<4x128xi32, #tpu.memory_space<vmem>>, vector<16xi32>,
    %shift_right_arithmetic3A_146 = arith.constant 14 : i32
    %shift_right_arithmetic3A_147 = vector.broadcast %shift_right_arithmetic3A_146 : i32 to vector<16xi32>
    %shift_right_arithmetic3A_148 = arith.shrsi %get3A_145, %shift_right_arithmetic3A_147 : vector<16xi32>
    %swap3A_149 = arith.constant 0 : i32
    %swap3A_150 = arith.constant 0 : i32
    %swap3A_151 = arith.index_cast %swap3A_149 : i32 to index
    %swap3A_152 = arith.index_cast %swap3A_150 : i32 to index
    %swap3A_153 = arith.constant 16 : index
    %swap3A_154 = tpu.vector_load %arg7[%swap3A_151, %swap3A_152, %swap3A_153] {strides = array<i32>} : memref<4x2x128xi32, #tpu.memory_space<vmem>>, vector<16xi32>,
    tpu.vector_store %arg7[%swap3A_151, %swap3A_152, %swap3A_153], %shift_right_arithmetic3A_148 {strides = array<i32>} : memref<4x2x128xi32, #tpu.memory_space<vmem>>, vector<16xi32>,
    %and3A_155 = arith.constant 16383 : i32
    %and3A_156 = vector.broadcast %and3A_155 : i32 to vector<16xi32>
    %and3A_157 = arith.andi %get3A_145, %and3A_156 : vector<16xi32>
    %swap3A_158 = arith.constant 0 : i32
    %swap3A_159 = arith.constant 1 : i32
    %swap3A_160 = arith.index_cast %swap3A_158 : i32 to index
    %swap3A_161 = arith.index_cast %swap3A_159 : i32 to index
    %swap3A_162 = arith.constant 16 : index
    %swap3A_163 = tpu.vector_load %arg7[%swap3A_160, %swap3A_161, %swap3A_162] {strides = array<i32>} : memref<4x2x128xi32, #tpu.memory_space<vmem>>, vector<16xi32>,
    tpu.vector_store %arg7[%swap3A_160, %swap3A_161, %swap3A_162], %and3A_157 {strides = array<i32>} : memref<4x2x128xi32, #tpu.memory_space<vmem>>, vector<16xi32>,
    %get3A_164 = arith.constant 0 : i32
    %get3A_165 = arith.index_cast %get3A_164 : i32 to index
    %get3A_166 = arith.constant 32 : index
    %get3A_167 = tpu.vector_load %arg6[%get3A_165, %get3A_166] {strides = array<i32>} : memref<4x128xi32, #tpu.memory_space<vmem>>, vector<16xi32>,
    %shift_right_arithmetic3A_168 = arith.constant 14 : i32
    %shift_right_arithmetic3A_169 = vector.broadcast %shift_right_arithmetic3A_168 : i32 to vector<16xi32>
    %shift_right_arithmetic3A_170 = arith.shrsi %get3A_167, %shift_right_arithmetic3A_169 : vector<16xi32>
    %swap3A_171 = arith.constant 0 : i32
    %swap3A_172 = arith.constant 0 : i32
    %swap3A_173 = arith.index_cast %swap3A_171 : i32 to index
    %swap3A_174 = arith.index_cast %swap3A_172 : i32 to index
    %swap3A_175 = arith.constant 32 : index
    %swap3A_176 = tpu.vector_load %arg7[%swap3A_173, %swap3A_174, %swap3A_175] {strides = array<i32>} : memref<4x2x128xi32, #tpu.memory_space<vmem>>, vector<16xi32>,
    tpu.vector_store %arg7[%swap3A_173, %swap3A_174, %swap3A_175], %shift_right_arithmetic3A_170 {strides = array<i32>} : memref<4x2x128xi32, #tpu.memory_space<vmem>>, vector<16xi32>,
    %and3A_177 = arith.constant 16383 : i32
    %and3A_178 = vector.broadcast %and3A_177 : i32 to vector<16xi32>
    %and3A_179 = arith.andi %get3A_167, %and3A_178 : vector<16xi32>
    %swap3A_180 = arith.constant 0 : i32
    %swap3A_181 = arith.constant 1 : i32
    %swap3A_182 = arith.index_cast %swap3A_180 : i32 to index
    %swap3A_183 = arith.index_cast %swap3A_181 : i32 to index
    %swap3A_184 = arith.constant 32 : index
    %swap3A_185 = tpu.vector_load %arg7[%swap3A_182, %swap3A_183, %swap3A_184] {strides = array<i32>} : memref<4x2x128xi32, #tpu.memory_space<vmem>>, vector<16xi32>,
    tpu.vector_store %arg7[%swap3A_182, %swap3A_183, %swap3A_184], %and3A_179 {strides = array<i32>} : memref<4x2x128xi32, #tpu.memory_space<vmem>>, vector<16xi32>,
    %get3A_186 = arith.constant 0 : i32
    %get3A_187 = arith.index_cast %get3A_186 : i32 to index
    %get3A_188 = arith.constant 48 : index
    %get3A_189 = tpu.vector_load %arg6[%get3A_187, %get3A_188] {strides = array<i32>} : memref<4x128xi32, #tpu.memory_space<vmem>>, vector<16xi32>,
    %shift_right_arithmetic3A_190 = arith.constant 14 : i32
    %shift_right_arithmetic3A_191 = vector.broadcast %shift_right_arithmetic3A_190 : i32 to vector<16xi32>
    %shift_right_arithmetic3A_192 = arith.shrsi %get3A_189, %shift_right_arithmetic3A_191 : vector<16xi32>
    %swap3A_193 = arith.constant 0 : i32
    %swap3A_194 = arith.constant 0 : i32
    %swap3A_195 = arith.index_cast %swap3A_193 : i32 to index
    %swap3A_196 = arith.index_cast %swap3A_194 : i32 to index
    %swap3A_197 = arith.constant 48 : index
    %swap3A_198 = tpu.vector_load %arg7[%swap3A_195, %swap3A_196, %swap3A_197] {strides = array<i32>} : memref<4x2x128xi32, #tpu.memory_space<vmem>>, vector<16xi32>,
    tpu.vector_store %arg7[%swap3A_195, %swap3A_196, %swap3A_197], %shift_right_arithmetic3A_192 {strides = array<i32>} : memref<4x2x128xi32, #tpu.memory_space<vmem>>, vector<16xi32>,
    %and3A_199 = arith.constant 16383 : i32
    %and3A_200 = vector.broadcast %and3A_199 : i32 to vector<16xi32>
    %and3A_201 = arith.andi %get3A_189, %and3A_200 : vector<16xi32>
    %swap3A_202 = arith.constant 0 : i32
    %swap3A_203 = arith.constant 1 : i32
    %swap3A_204 = arith.index_cast %swap3A_202 : i32 to index
    %swap3A_205 = arith.index_cast %swap3A_203 : i32 to index
    %swap3A_206 = arith.constant 48 : index
    %swap3A_207 = tpu.vector_load %arg7[%swap3A_204, %swap3A_205, %swap3A_206] {strides = array<i32>} : memref<4x2x128xi32, #tpu.memory_space<vmem>>, vector<16xi32>,
    tpu.vector_store %arg7[%swap3A_204, %swap3A_205, %swap3A_206], %and3A_201 {strides = array<i32>} : memref<4x2x128xi32, #tpu.memory_space<vmem>>, vector<16xi32>,
    %get3A_208 = arith.constant 0 : i32
    %get3A_209 = arith.index_cast %get3A_208 : i32 to index
    %get3A_210 = arith.constant 64 : index
    %get3A_211 = tpu.vector_load %arg6[%get3A_209, %get3A_210] {strides = array<i32>} : memref<4x128xi32, #tpu.memory_space<vmem>>, vector<16xi32>,
    %shift_right_arithmetic3A_212 = arith.constant 14 : i32
    %shift_right_arithmetic3A_213 = vector.broadcast %shift_right_arithmetic3A_212 : i32 to vector<16xi32>
    %shift_right_arithmetic3A_214 = arith.shrsi %get3A_211, %shift_right_arithmetic3A_213 : vector<16xi32>
    %swap3A_215 = arith.constant 0 : i32
    %swap3A_216 = arith.constant 0 : i32
    %swap3A_217 = arith.index_cast %swap3A_215 : i32 to index
    %swap3A_218 = arith.index_cast %swap3A_216 : i32 to index
    %swap3A_219 = arith.constant 64 : index
    %swap3A_220 = tpu.vector_load %arg7[%swap3A_217, %swap3A_218, %swap3A_219] {strides = array<i32>} : memref<4x2x128xi32, #tpu.memory_space<vmem>>, vector<16xi32>,
    tpu.vector_store %arg7[%swap3A_217, %swap3A_218, %swap3A_219], %shift_right_arithmetic3A_214 {strides = array<i32>} : memref<4x2x128xi32, #tpu.memory_space<vmem>>, vector<16xi32>,
    %and3A_221 = arith.constant 16383 : i32
    %and3A_222 = vector.broadcast %and3A_221 : i32 to vector<16xi32>
    %and3A_223 = arith.andi %get3A_211, %and3A_222 : vector<16xi32>
    %swap3A_224 = arith.constant 0 : i32
    %swap3A_225 = arith.constant 1 : i32
    %swap3A_226 = arith.index_cast %swap3A_224 : i32 to index
    %swap3A_227 = arith.index_cast %swap3A_225 : i32 to index
    %swap3A_228 = arith.constant 64 : index
    %swap3A_229 = tpu.vector_load %arg7[%swap3A_226, %swap3A_227, %swap3A_228] {strides = array<i32>} : memref<4x2x128xi32, #tpu.memory_space<vmem>>, vector<16xi32>,
    tpu.vector_store %arg7[%swap3A_226, %swap3A_227, %swap3A_228], %and3A_223 {strides = array<i32>} : memref<4x2x128xi32, #tpu.memory_space<vmem>>, vector<16xi32>,
    %get3A_230 = arith.constant 0 : i32
    %get3A_231 = arith.index_cast %get3A_230 : i32 to index
    %get3A_232 = arith.constant 80 : index
    %get3A_233 = tpu.vector_load %arg6[%get3A_231, %get3A_232] {strides = array<i32>} : memref<4x128xi32, #tpu.memory_space<vmem>>, vector<16xi32>,
    %shift_right_arithmetic3A_234 = arith.constant 14 : i32
    %shift_right_arithmetic3A_235 = vector.broadcast %shift_right_arithmetic3A_234 : i32 to vector<16xi32>
    %shift_right_arithmetic3A_236 = arith.shrsi %get3A_233, %shift_right_arithmetic3A_235 : vector<16xi32>
    %swap3A_237 = arith.constant 0 : i32
    %swap3A_238 = arith.constant 0 : i32
    %swap3A_239 = arith.index_cast %swap3A_237 : i32 to index
    %swap3A_240 = arith.index_cast %swap3A_238 : i32 to index
    %swap3A_241 = arith.constant 80 : index
    %swap3A_242 = tpu.vector_load %arg7[%swap3A_239, %swap3A_240, %swap3A_241] {strides = array<i32>} : memref<4x2x128xi32, #tpu.memory_space<vmem>>, vector<16xi32>,
    tpu.vector_store %arg7[%swap3A_239, %swap3A_240, %swap3A_241], %shift_right_arithmetic3A_236 {strides = array<i32>} : memref<4x2x128xi32, #tpu.memory_space<vmem>>, vector<16xi32>,
    %and3A_243 = arith.constant 16383 : i32
    %and3A_244 = vector.broadcast %and3A_243 : i32 to vector<16xi32>
    %and3A_245 = arith.andi %get3A_233, %and3A_244 : vector<16xi32>
    %swap3A_246 = arith.constant 0 : i32
    %swap3A_247 = arith.constant 1 : i32
    %swap3A_248 = arith.index_cast %swap3A_246 : i32 to index
    %swap3A_249 = arith.index_cast %swap3A_247 : i32 to index
    %swap3A_250 = arith.constant 80 : index
    %swap3A_251 = tpu.vector_load %arg7[%swap3A_248, %swap3A_249, %swap3A_250] {strides = array<i32>} : memref<4x2x128xi32, #tpu.memory_space<vmem>>, vector<16xi32>,
    tpu.vector_store %arg7[%swap3A_248, %swap3A_249, %swap3A_250], %and3A_245 {strides = array<i32>} : memref<4x2x128xi32, #tpu.memory_space<vmem>>, vector<16xi32>,
    %get3A_252 = arith.constant 0 : i32
    %get3A_253 = arith.index_cast %get3A_252 : i32 to index
    %get3A_254 = arith.constant 96 : index
    %get3A_255 = tpu.vector_load %arg6[%get3A_253, %get3A_254] {strides = array<i32>} : memref<4x128xi32, #tpu.memory_space<vmem>>, vector<16xi32>,
    %shift_right_arithmetic3A_256 = arith.constant 14 : i32
    %shift_right_arithmetic3A_257 = vector.broadcast %shift_right_arithmetic3A_256 : i32 to vector<16xi32>
    %shift_right_arithmetic3A_258 = arith.shrsi %get3A_255, %shift_right_arithmetic3A_257 : vector<16xi32>
    %swap3A_259 = arith.constant 0 : i32
    %swap3A_260 = arith.constant 0 : i32
    %swap3A_261 = arith.index_cast %swap3A_259 : i32 to index
    %swap3A_262 = arith.index_cast %swap3A_260 : i32 to index
    %swap3A_263 = arith.constant 96 : index
    %swap3A_264 = tpu.vector_load %arg7[%swap3A_261, %swap3A_262, %swap3A_263] {strides = array<i32>} : memref<4x2x128xi32, #tpu.memory_space<vmem>>, vector<16xi32>,
    tpu.vector_store %arg7[%swap3A_261, %swap3A_262, %swap3A_263], %shift_right_arithmetic3A_258 {strides = array<i32>} : memref<4x2x128xi32, #tpu.memory_space<vmem>>, vector<16xi32>,
    %and3A_265 = arith.constant 16383 : i32
    %and3A_266 = vector.broadcast %and3A_265 : i32 to vector<16xi32>
    %and3A_267 = arith.andi %get3A_255, %and3A_266 : vector<16xi32>
    %swap3A_268 = arith.constant 0 : i32
    %swap3A_269 = arith.constant 1 : i32
    %swap3A_270 = arith.index_cast %swap3A_268 : i32 to index
    %swap3A_271 = arith.index_cast %swap3A_269 : i32 to index
    %swap3A_272 = arith.constant 96 : index
    %swap3A_273 = tpu.vector_load %arg7[%swap3A_270, %swap3A_271, %swap3A_272] {strides = array<i32>} : memref<4x2x128xi32, #tpu.memory_space<vmem>>, vector<16xi32>,
    tpu.vector_store %arg7[%swap3A_270, %swap3A_271, %swap3A_272], %and3A_267 {strides = array<i32>} : memref<4x2x128xi32, #tpu.memory_space<vmem>>, vector<16xi32>,
    %get3A_274 = arith.constant 0 : i32
    %get3A_275 = arith.index_cast %get3A_274 : i32 to index
    %get3A_276 = arith.constant 112 : index
    %get3A_277 = tpu.vector_load %arg6[%get3A_275, %get3A_276] {strides = array<i32>} : memref<4x128xi32, #tpu.memory_space<vmem>>, vector<16xi32>,
    %shift_right_arithmetic3A_278 = arith.constant 14 : i32
    %shift_right_arithmetic3A_279 = vector.broadcast %shift_right_arithmetic3A_278 : i32 to vector<16xi32>
    %shift_right_arithmetic3A_280 = arith.shrsi %get3A_277, %shift_right_arithmetic3A_279 : vector<16xi32>
    %swap3A_281 = arith.constant 0 : i32
    %swap3A_282 = arith.constant 0 : i32
    %swap3A_283 = arith.index_cast %swap3A_281 : i32 to index
    %swap3A_284 = arith.index_cast %swap3A_282 : i32 to index
    %swap3A_285 = arith.constant 112 : index
    %swap3A_286 = tpu.vector_load %arg7[%swap3A_283, %swap3A_284, %swap3A_285] {strides = array<i32>} : memref<4x2x128xi32, #tpu.memory_space<vmem>>, vector<16xi32>,
    tpu.vector_store %arg7[%swap3A_283, %swap3A_284, %swap3A_285], %shift_right_arithmetic3A_280 {strides = array<i32>} : memref<4x2x128xi32, #tpu.memory_space<vmem>>, vector<16xi32>,
    %and3A_287 = arith.constant 16383 : i32
    %and3A_288 = vector.broadcast %and3A_287 : i32 to vector<16xi32>
    %and3A_289 = arith.andi %get3A_277, %and3A_288 : vector<16xi32>
    %swap3A_290 = arith.constant 0 : i32
    %swap3A_291 = arith.constant 1 : i32
    %swap3A_292 = arith.index_cast %swap3A_290 : i32 to index
    %swap3A_293 = arith.index_cast %swap3A_291 : i32 to index
    %swap3A_294 = arith.constant 112 : index
    %swap3A_295 = tpu.vector_load %arg7[%swap3A_292, %swap3A_293, %swap3A_294] {strides = array<i32>} : memref<4x2x128xi32, #tpu.memory_space<vmem>>, vector<16xi32>,
    tpu.vector_store %arg7[%swap3A_292, %swap3A_293, %swap3A_294], %and3A_289 {strides = array<i32>} : memref<4x2x128xi32, #tpu.memory_space<vmem>>, vector<16xi32>,
    %dma_start3A_296 = arith.constant 0 : i32
    %dma_start3A_297 = arith.constant 0 : i32
    %dma_start3A_298 = arith.constant 0 : i32
    %dma_start3A_299 = tpu.memref_slice %arg7[%dma_start3A_296, %dma_start3A_297, %dma_start3A_298] : memref<4x2x128xi32, #tpu.memory_space<vmem>> -> memref<1x1x128xi32, #tpu.memory_space<vmem>>
    %dma_start3A_300 = tpu.memref_squeeze %dma_start3A_299 : memref<1x1x128xi32, #tpu.memory_space<vmem>> -> memref<128xi32, #tpu.memory_space<vmem>>
    %dma_start3A_301 = arith.constant 0 : i32
    %dma_start3A_302 = arith.constant 0 : i32
    %dma_start3A_303 = tpu.memref_slice %arg2[%dma_start3A_301, %dma_start3A_302] : memref<10240x128xbf16, #tpu.memory_space<hbm>> -> memref<10240x128xbf16, #tpu.memory_space<hbm>>
    tpu.enqueue_indirect_dma source(%dma_start3A_303 : memref<10240x128xbf16, #tpu.memory_space<hbm>>) target(%arg8 : memref<128x128xbf16, #tpu.memory_space<vmem>>) offsets(%dma_start3A_300 : memref<128xi32, #tpu.memory_space<vmem>>) semaphore(%arg18 : memref<!tpu.dma_semaphore, #tpu.memory_space<semaphore_mem>>)
    %mul3A_304 = arith.constant 80 : i32
    %mul3A_305 = arith.muli %add3A, %mul3A_304 : i32
    %add3A_306 = arith.constant 3 : i32
    %add3A_307 = arith.addi %mul3A_305, %add3A_306 : i32
    %dma_start3A_308 = arith.constant 3 : i32
    %dma_start3A_309 = arith.constant 0 : i32
    %dma_start3A_310 = tpu.memref_slice %arg6[%dma_start3A_308, %dma_start3A_309] : memref<4x128xi32, #tpu.memory_space<vmem>> -> memref<1x128xi32, #tpu.memory_space<vmem>>
    %dma_start3A_311 = tpu.memref_squeeze %dma_start3A_310 : memref<1x128xi32, #tpu.memory_space<vmem>> -> memref<128xi32, #tpu.memory_space<vmem>>
    %dma_start3A_312 = arith.constant 0 : i32
    %dma_start3A_313 = tpu.memref_slice %arg3[%add3A_307, %dma_start3A_312] : memref<2560x128xi32, #tpu.memory_space<hbm>> -> memref<1x128xi32, #tpu.memory_space<hbm>>
    %dma_start3A_314 = tpu.memref_squeeze %dma_start3A_313 : memref<1x128xi32, #tpu.memory_space<hbm>> -> memref<128xi32, #tpu.memory_space<hbm>>
    %dma_start3A_315 = arith.constant 0 : i32
    %dma_start3A_316 = tpu.memref_slice %arg6[%dma_start3A_308, %dma_start3A_315] : memref<4x128xi32, #tpu.memory_space<vmem>> -> memref<1x128xi32, #tpu.memory_space<vmem>>
    %dma_start3A_317 = tpu.memref_squeeze %dma_start3A_316 : memref<1x128xi32, #tpu.memory_space<vmem>> -> memref<128xi32, #tpu.memory_space<vmem>>
    %dma_start3A_318 = arith.constant 0 : i32
    %dma_start3A_319 = tpu.memref_slice %arg3[%add3A_307, %dma_start3A_318] : memref<2560x128xi32, #tpu.memory_space<hbm>> -> memref<1x128xi32, #tpu.memory_space<hbm>>
    %dma_start3A_320 = tpu.memref_squeeze %dma_start3A_319 : memref<1x128xi32, #tpu.memory_space<hbm>> -> memref<128xi32, #tpu.memory_space<hbm>>
    tpu.enqueue_dma source(%dma_start3A_320 : memref<128xi32, #tpu.memory_space<hbm>>) target(%dma_start3A_317 : memref<128xi32, #tpu.memory_space<vmem>>) target_semaphore(%arg25 : memref<!tpu.dma_semaphore, #tpu.memory_space<semaphore_mem>>)
    %dma_wait3A_321 = arith.constant 0 : i32
    %dma_wait3A_322 = arith.constant 1 : i32
    %dma_wait3A_323 = arith.constant 0 : i32
    %dma_wait3A_324 = tpu.memref_slice %arg6[%dma_wait3A_322, %dma_wait3A_323] : memref<4x128xi32, #tpu.memory_space<vmem>> -> memref<1x128xi32, #tpu.memory_space<vmem>>
    %dma_wait3A_325 = tpu.memref_squeeze %dma_wait3A_324 : memref<1x128xi32, #tpu.memory_space<vmem>> -> memref<128xi32, #tpu.memory_space<vmem>>
    %dma_wait3A_326 = arith.constant 0 : i32
    %dma_wait3A_327 = tpu.memref_slice %arg3[%dma_wait3A_321, %dma_wait3A_326] : memref<2560x128xi32, #tpu.memory_space<hbm>> -> memref<1x128xi32, #tpu.memory_space<hbm>>
    %dma_wait3A_328 = tpu.memref_squeeze %dma_wait3A_327 : memref<1x128xi32, #tpu.memory_space<hbm>> -> memref<128xi32, #tpu.memory_space<hbm>>
    %dma_wait3A_329 = arith.constant 0 : i32
    %dma_wait3A_330 = tpu.memref_slice %arg6[%dma_wait3A_322, %dma_wait3A_329] : memref<4x128xi32, #tpu.memory_space<vmem>> -> memref<1x128xi32, #tpu.memory_space<vmem>>
    %dma_wait3A_331 = tpu.memref_squeeze %dma_wait3A_330 : memref<1x128xi32, #tpu.memory_space<vmem>> -> memref<128xi32, #tpu.memory_space<vmem>>
    %dma_wait3A_332 = arith.constant 0 : i32
    %dma_wait3A_333 = tpu.memref_slice %arg3[%dma_wait3A_321, %dma_wait3A_332] : memref<2560x128xi32, #tpu.memory_space<hbm>> -> memref<1x128xi32, #tpu.memory_space<hbm>>
    %dma_wait3A_334 = tpu.memref_squeeze %dma_wait3A_333 : memref<1x128xi32, #tpu.memory_space<hbm>> -> memref<128xi32, #tpu.memory_space<hbm>>
    tpu.wait_dma2 semaphore(%arg23 : memref<!tpu.dma_semaphore, #tpu.memory_space<semaphore_mem>>) src(%dma_wait3A_334 : memref<128xi32, #tpu.memory_space<hbm>>) dst(%dma_wait3A_331 : memref<128xi32, #tpu.memory_space<vmem>>)
    %get3A_335 = arith.constant 1 : i32
    %get3A_336 = arith.index_cast %get3A_335 : i32 to index
    %get3A_337 = arith.constant 0 : index
    %get3A_338 = tpu.vector_load %arg6[%get3A_336, %get3A_337] {strides = array<i32>} : memref<4x128xi32, #tpu.memory_space<vmem>>, vector<16xi32>,
    %shift_right_arithmetic3A_339 = arith.constant 14 : i32
    %shift_right_arithmetic3A_340 = vector.broadcast %shift_right_arithmetic3A_339 : i32 to vector<16xi32>
    %shift_right_arithmetic3A_341 = arith.shrsi %get3A_338, %shift_right_arithmetic3A_340 : vector<16xi32>
    %swap3A_342 = arith.constant 1 : i32
    %swap3A_343 = arith.constant 0 : i32
    %swap3A_344 = arith.index_cast %swap3A_342 : i32 to index
    %swap3A_345 = arith.index_cast %swap3A_343 : i32 to index
    %swap3A_346 = arith.constant 0 : index
    %swap3A_347 = tpu.vector_load %arg7[%swap3A_344, %swap3A_345, %swap3A_346] {strides = array<i32>} : memref<4x2x128xi32, #tpu.memory_space<vmem>>, vector<16xi32>,
    tpu.vector_store %arg7[%swap3A_344, %swap3A_345, %swap3A_346], %shift_right_arithmetic3A_341 {strides = array<i32>} : memref<4x2x128xi32, #tpu.memory_space<vmem>>, vector<16xi32>,
    %and3A_348 = arith.constant 16383 : i32
    %and3A_349 = vector.broadcast %and3A_348 : i32 to vector<16xi32>
    %and3A_350 = arith.andi %get3A_338, %and3A_349 : vector<16xi32>
    %swap3A_351 = arith.constant 1 : i32
    %swap3A_352 = arith.constant 1 : i32
    %swap3A_353 = arith.index_cast %swap3A_351 : i32 to index
    %swap3A_354 = arith.index_cast %swap3A_352 : i32 to index
    %swap3A_355 = arith.constant 0 : index
    %swap3A_356 = tpu.vector_load %arg7[%swap3A_353, %swap3A_354, %swap3A_355] {strides = array<i32>} : memref<4x2x128xi32, #tpu.memory_space<vmem>>, vector<16xi32>,
    tpu.vector_store %arg7[%swap3A_353, %swap3A_354, %swap3A_355], %and3A_350 {strides = array<i32>} : memref<4x2x128xi32, #tpu.memory_space<vmem>>, vector<16xi32>,
    %get3A_357 = arith.constant 1 : i32
    %get3A_358 = arith.index_cast %get3A_357 : i32 to index
    %get3A_359 = arith.constant 16 : index
    %get3A_360 = tpu.vector_load %arg6[%get3A_358, %get3A_359] {strides = array<i32>} : memref<4x128xi32, #tpu.memory_space<vmem>>, vector<16xi32>,
    %shift_right_arithmetic3A_361 = arith.constant 14 : i32
    %shift_right_arithmetic3A_362 = vector.broadcast %shift_right_arithmetic3A_361 : i32 to vector<16xi32>
    %shift_right_arithmetic3A_363 = arith.shrsi %get3A_360, %shift_right_arithmetic3A_362 : vector<16xi32>
    %swap3A_364 = arith.constant 1 : i32
    %swap3A_365 = arith.constant 0 : i32
    %swap3A_366 = arith.index_cast %swap3A_364 : i32 to index
    %swap3A_367 = arith.index_cast %swap3A_365 : i32 to index
    %swap3A_368 = arith.constant 16 : index
    %swap3A_369 = tpu.vector_load %arg7[%swap3A_366, %swap3A_367, %swap3A_368] {strides = array<i32>} : memref<4x2x128xi32, #tpu.memory_space<vmem>>, vector<16xi32>,
    tpu.vector_store %arg7[%swap3A_366, %swap3A_367, %swap3A_368], %shift_right_arithmetic3A_363 {strides = array<i32>} : memref<4x2x128xi32, #tpu.memory_space<vmem>>, vector<16xi32>,
    %and3A_370 = arith.constant 16383 : i32
    %and3A_371 = vector.broadcast %and3A_370 : i32 to vector<16xi32>
    %and3A_372 = arith.andi %get3A_360, %and3A_371 : vector<16xi32>
    %swap3A_373 = arith.constant 1 : i32
    %swap3A_374 = arith.constant 1 : i32
    %swap3A_375 = arith.index_cast %swap3A_373 : i32 to index
    %swap3A_376 = arith.index_cast %swap3A_374 : i32 to index
    %swap3A_377 = arith.constant 16 : index
    %swap3A_378 = tpu.vector_load %arg7[%swap3A_375, %swap3A_376, %swap3A_377] {strides = array<i32>} : memref<4x2x128xi32, #tpu.memory_space<vmem>>, vector<16xi32>,
    tpu.vector_store %arg7[%swap3A_375, %swap3A_376, %swap3A_377], %and3A_372 {strides = array<i32>} : memref<4x2x128xi32, #tpu.memory_space<vmem>>, vector<16xi32>,
    %get3A_379 = arith.constant 1 : i32
    %get3A_380 = arith.index_cast %get3A_379 : i32 to index
    %get3A_381 = arith.constant 32 : index
    %get3A_382 = tpu.vector_load %arg6[%get3A_380, %get3A_381] {strides = array<i32>} : memref<4x128xi32, #tpu.memory_space<vmem>>, vector<16xi32>,
    %shift_right_arithmetic3A_383 = arith.constant 14 : i32
    %shift_right_arithmetic3A_384 = vector.broadcast %shift_right_arithmetic3A_383 : i32 to vector<16xi32>
    %shift_right_arithmetic3A_385 = arith.shrsi %get3A_382, %shift_right_arithmetic3A_384 : vector<16xi32>
    %swap3A_386 = arith.constant 1 : i32
    %swap3A_387 = arith.constant 0 : i32
    %swap3A_388 = arith.index_cast %swap3A_386 : i32 to index
    %swap3A_389 = arith.index_cast %swap3A_387 : i32 to index
    %swap3A_390 = arith.constant 32 : index
    %swap3A_391 = tpu.vector_load %arg7[%swap3A_388, %swap3A_389, %swap3A_390] {strides = array<i32>} : memref<4x2x128xi32, #tpu.memory_space<vmem>>, vector<16xi32>,
    tpu.vector_store %arg7[%swap3A_388, %swap3A_389, %swap3A_390], %shift_right_arithmetic3A_385 {strides = array<i32>} : memref<4x2x128xi32, #tpu.memory_space<vmem>>, vector<16xi32>,
    %and3A_392 = arith.constant 16383 : i32
    %and3A_393 = vector.broadcast %and3A_392 : i32 to vector<16xi32>
    %and3A_394 = arith.andi %get3A_382, %and3A_393 : vector<16xi32>
    %swap3A_395 = arith.constant 1 : i32
    %swap3A_396 = arith.constant 1 : i32
    %swap3A_397 = arith.index_cast %swap3A_395 : i32 to index
    %swap3A_398 = arith.index_cast %swap3A_396 : i32 to index
    %swap3A_399 = arith.constant 32 : index
    %swap3A_400 = tpu.vector_load %arg7[%swap3A_397, %swap3A_398, %swap3A_399] {strides = array<i32>} : memref<4x2x128xi32, #tpu.memory_space<vmem>>, vector<16xi32>,
    tpu.vector_store %arg7[%swap3A_397, %swap3A_398, %swap3A_399], %and3A_394 {strides = array<i32>} : memref<4x2x128xi32, #tpu.memory_space<vmem>>, vector<16xi32>,
    %get3A_401 = arith.constant 1 : i32
    %get3A_402 = arith.index_cast %get3A_401 : i32 to index
    %get3A_403 = arith.constant 48 : index
    %get3A_404 = tpu.vector_load %arg6[%get3A_402, %get3A_403] {strides = array<i32>} : memref<4x128xi32, #tpu.memory_space<vmem>>, vector<16xi32>,
    %shift_right_arithmetic3A_405 = arith.constant 14 : i32
    %shift_right_arithmetic3A_406 = vector.broadcast %shift_right_arithmetic3A_405 : i32 to vector<16xi32>
    %shift_right_arithmetic3A_407 = arith.shrsi %get3A_404, %shift_right_arithmetic3A_406 : vector<16xi32>
    %swap3A_408 = arith.constant 1 : i32
    %swap3A_409 = arith.constant 0 : i32
    %swap3A_410 = arith.index_cast %swap3A_408 : i32 to index
    %swap3A_411 = arith.index_cast %swap3A_409 : i32 to index
    %swap3A_412 = arith.constant 48 : index
    %swap3A_413 = tpu.vector_load %arg7[%swap3A_410, %swap3A_411, %swap3A_412] {strides = array<i32>} : memref<4x2x128xi32, #tpu.memory_space<vmem>>, vector<16xi32>,
    tpu.vector_store %arg7[%swap3A_410, %swap3A_411, %swap3A_412], %shift_right_arithmetic3A_407 {strides = array<i32>} : memref<4x2x128xi32, #tpu.memory_space<vmem>>, vector<16xi32>,
    %and3A_414 = arith.constant 16383 : i32
    %and3A_415 = vector.broadcast %and3A_414 : i32 to vector<16xi32>
    %and3A_416 = arith.andi %get3A_404, %and3A_415 : vector<16xi32>
    %swap3A_417 = arith.constant 1 : i32
    %swap3A_418 = arith.constant 1 : i32
    %swap3A_419 = arith.index_cast %swap3A_417 : i32 to index
    %swap3A_420 = arith.index_cast %swap3A_418 : i32 to index
    %swap3A_421 = arith.constant 48 : index
    %swap3A_422 = tpu.vector_load %arg7[%swap3A_419, %swap3A_420, %swap3A_421] {strides = array<i32>} : memref<4x2x128xi32, #tpu.memory_space<vmem>>, vector<16xi32>,
    tpu.vector_store %arg7[%swap3A_419, %swap3A_420, %swap3A_421], %and3A_416 {strides = array<i32>} : memref<4x2x128xi32, #tpu.memory_space<vmem>>, vector<16xi32>,
    %get3A_423 = arith.constant 1 : i32
    %get3A_424 = arith.index_cast %get3A_423 : i32 to index
    %get3A_425 = arith.constant 64 : index
    %get3A_426 = tpu.vector_load %arg6[%get3A_424, %get3A_425] {strides = array<i32>} : memref<4x128xi32, #tpu.memory_space<vmem>>, vector<16xi32>,
    %shift_right_arithmetic3A_427 = arith.constant 14 : i32
    %shift_right_arithmetic3A_428 = vector.broadcast %shift_right_arithmetic3A_427 : i32 to vector<16xi32>
    %shift_right_arithmetic3A_429 = arith.shrsi %get3A_426, %shift_right_arithmetic3A_428 : vector<16xi32>
    %swap3A_430 = arith.constant 1 : i32
    %swap3A_431 = arith.constant 0 : i32
    %swap3A_432 = arith.index_cast %swap3A_430 : i32 to index
    %swap3A_433 = arith.index_cast %swap3A_431 : i32 to index
    %swap3A_434 = arith.constant 64 : index
    %swap3A_435 = tpu.vector_load %arg7[%swap3A_432, %swap3A_433, %swap3A_434] {strides = array<i32>} : memref<4x2x128xi32, #tpu.memory_space<vmem>>, vector<16xi32>,
    tpu.vector_store %arg7[%swap3A_432, %swap3A_433, %swap3A_434], %shift_right_arithmetic3A_429 {strides = array<i32>} : memref<4x2x128xi32, #tpu.memory_space<vmem>>, vector<16xi32>,
    %and3A_436 = arith.constant 16383 : i32
    %and3A_437 = vector.broadcast %and3A_436 : i32 to vector<16xi32>
    %and3A_438 = arith.andi %get3A_426, %and3A_437 : vector<16xi32>
    %swap3A_439 = arith.constant 1 : i32
    %swap3A_440 = arith.constant 1 : i32
    %swap3A_441 = arith.index_cast %swap3A_439 : i32 to index
    %swap3A_442 = arith.index_cast %swap3A_440 : i32 to index
    %swap3A_443 = arith.constant 64 : index
    %swap3A_444 = tpu.vector_load %arg7[%swap3A_441, %swap3A_442, %swap3A_443] {strides = array<i32>} : memref<4x2x128xi32, #tpu.memory_space<vmem>>, vector<16xi32>,
    tpu.vector_store %arg7[%swap3A_441, %swap3A_442, %swap3A_443], %and3A_438 {strides = array<i32>} : memref<4x2x128xi32, #tpu.memory_space<vmem>>, vector<16xi32>,
    %get3A_445 = arith.constant 1 : i32
    %get3A_446 = arith.index_cast %get3A_445 : i32 to index
    %get3A_447 = arith.constant 80 : index
    %get3A_448 = tpu.vector_load %arg6[%get3A_446, %get3A_447] {strides = array<i32>} : memref<4x128xi32, #tpu.memory_space<vmem>>, vector<16xi32>,
    %shift_right_arithmetic3A_449 = arith.constant 14 : i32
    %shift_right_arithmetic3A_450 = vector.broadcast %shift_right_arithmetic3A_449 : i32 to vector<16xi32>
    %shift_right_arithmetic3A_451 = arith.shrsi %get3A_448, %shift_right_arithmetic3A_450 : vector<16xi32>
    %swap3A_452 = arith.constant 1 : i32
    %swap3A_453 = arith.constant 0 : i32
    %swap3A_454 = arith.index_cast %swap3A_452 : i32 to index
    %swap3A_455 = arith.index_cast %swap3A_453 : i32 to index
    %swap3A_456 = arith.constant 80 : index
    %swap3A_457 = tpu.vector_load %arg7[%swap3A_454, %swap3A_455, %swap3A_456] {strides = array<i32>} : memref<4x2x128xi32, #tpu.memory_space<vmem>>, vector<16xi32>,
    tpu.vector_store %arg7[%swap3A_454, %swap3A_455, %swap3A_456], %shift_right_arithmetic3A_451 {strides = array<i32>} : memref<4x2x128xi32, #tpu.memory_space<vmem>>, vector<16xi32>,
    %and3A_458 = arith.constant 16383 : i32
    %and3A_459 = vector.broadcast %and3A_458 : i32 to vector<16xi32>
    %and3A_460 = arith.andi %get3A_448, %and3A_459 : vector<16xi32>
    %swap3A_461 = arith.constant 1 : i32
    %swap3A_462 = arith.constant 1 : i32
    %swap3A_463 = arith.index_cast %swap3A_461 : i32 to index
    %swap3A_464 = arith.index_cast %swap3A_462 : i32 to index
    %swap3A_465 = arith.constant 80 : index
    %swap3A_466 = tpu.vector_load %arg7[%swap3A_463, %swap3A_464, %swap3A_465] {strides = array<i32>} : memref<4x2x128xi32, #tpu.memory_space<vmem>>, vector<16xi32>,
    tpu.vector_store %arg7[%swap3A_463, %swap3A_464, %swap3A_465], %and3A_460 {strides = array<i32>} : memref<4x2x128xi32, #tpu.memory_space<vmem>>, vector<16xi32>,
    %get3A_467 = arith.constant 1 : i32
    %get3A_468 = arith.index_cast %get3A_467 : i32 to index
    %get3A_469 = arith.constant 96 : index
    %get3A_470 = tpu.vector_load %arg6[%get3A_468, %get3A_469] {strides = array<i32>} : memref<4x128xi32, #tpu.memory_space<vmem>>, vector<16xi32>,
    %shift_right_arithmetic3A_471 = arith.constant 14 : i32
    %shift_right_arithmetic3A_472 = vector.broadcast %shift_right_arithmetic3A_471 : i32 to vector<16xi32>
    %shift_right_arithmetic3A_473 = arith.shrsi %get3A_470, %shift_right_arithmetic3A_472 : vector<16xi32>
    %swap3A_474 = arith.constant 1 : i32
    %swap3A_475 = arith.constant 0 : i32
    %swap3A_476 = arith.index_cast %swap3A_474 : i32 to index
    %swap3A_477 = arith.index_cast %swap3A_475 : i32 to index
    %swap3A_478 = arith.constant 96 : index
    %swap3A_479 = tpu.vector_load %arg7[%swap3A_476, %swap3A_477, %swap3A_478] {strides = array<i32>} : memref<4x2x128xi32, #tpu.memory_space<vmem>>, vector<16xi32>,
    tpu.vector_store %arg7[%swap3A_476, %swap3A_477, %swap3A_478], %shift_right_arithmetic3A_473 {strides = array<i32>} : memref<4x2x128xi32, #tpu.memory_space<vmem>>, vector<16xi32>,
    %and3A_480 = arith.constant 16383 : i32
    %and3A_481 = vector.broadcast %and3A_480 : i32 to vector<16xi32>
    %and3A_482 = arith.andi %get3A_470, %and3A_481 : vector<16xi32>
    %swap3A_483 = arith.constant 1 : i32
    %swap3A_484 = arith.constant 1 : i32
    %swap3A_485 = arith.index_cast %swap3A_483 : i32 to index
    %swap3A_486 = arith.index_cast %swap3A_484 : i32 to index
    %swap3A_487 = arith.constant 96 : index
    %swap3A_488 = tpu.vector_load %arg7[%swap3A_485, %swap3A_486, %swap3A_487] {strides = array<i32>} : memref<4x2x128xi32, #tpu.memory_space<vmem>>, vector<16xi32>,
    tpu.vector_store %arg7[%swap3A_485, %swap3A_486, %swap3A_487], %and3A_482 {strides = array<i32>} : memref<4x2x128xi32, #tpu.memory_space<vmem>>, vector<16xi32>,
    %get3A_489 = arith.constant 1 : i32
    %get3A_490 = arith.index_cast %get3A_489 : i32 to index
    %get3A_491 = arith.constant 112 : index
    %get3A_492 = tpu.vector_load %arg6[%get3A_490, %get3A_491] {strides = array<i32>} : memref<4x128xi32, #tpu.memory_space<vmem>>, vector<16xi32>,
    %shift_right_arithmetic3A_493 = arith.constant 14 : i32
    %shift_right_arithmetic3A_494 = vector.broadcast %shift_right_arithmetic3A_493 : i32 to vector<16xi32>
    %shift_right_arithmetic3A_495 = arith.shrsi %get3A_492, %shift_right_arithmetic3A_494 : vector<16xi32>
    %swap3A_496 = arith.constant 1 : i32
    %swap3A_497 = arith.constant 0 : i32
    %swap3A_498 = arith.index_cast %swap3A_496 : i32 to index
    %swap3A_499 = arith.index_cast %swap3A_497 : i32 to index
    %swap3A_500 = arith.constant 112 : index
    %swap3A_501 = tpu.vector_load %arg7[%swap3A_498, %swap3A_499, %swap3A_500] {strides = array<i32>} : memref<4x2x128xi32, #tpu.memory_space<vmem>>, vector<16xi32>,
    tpu.vector_store %arg7[%swap3A_498, %swap3A_499, %swap3A_500], %shift_right_arithmetic3A_495 {strides = array<i32>} : memref<4x2x128xi32, #tpu.memory_space<vmem>>, vector<16xi32>,
    %and3A_502 = arith.constant 16383 : i32
    %and3A_503 = vector.broadcast %and3A_502 : i32 to vector<16xi32>
    %and3A_504 = arith.andi %get3A_492, %and3A_503 : vector<16xi32>
    %swap3A_505 = arith.constant 1 : i32
    %swap3A_506 = arith.constant 1 : i32
    %swap3A_507 = arith.index_cast %swap3A_505 : i32 to index
    %swap3A_508 = arith.index_cast %swap3A_506 : i32 to index
    %swap3A_509 = arith.constant 112 : index
    %swap3A_510 = tpu.vector_load %arg7[%swap3A_507, %swap3A_508, %swap3A_509] {strides = array<i32>} : memref<4x2x128xi32, #tpu.memory_space<vmem>>, vector<16xi32>,
    tpu.vector_store %arg7[%swap3A_507, %swap3A_508, %swap3A_509], %and3A_504 {strides = array<i32>} : memref<4x2x128xi32, #tpu.memory_space<vmem>>, vector<16xi32>,
    %dma_start3A_511 = arith.constant 1 : i32
    %dma_start3A_512 = arith.constant 0 : i32
    %dma_start3A_513 = arith.constant 0 : i32
    %dma_start3A_514 = tpu.memref_slice %arg7[%dma_start3A_511, %dma_start3A_512, %dma_start3A_513] : memref<4x2x128xi32, #tpu.memory_space<vmem>> -> memref<1x1x128xi32, #tpu.memory_space<vmem>>
    %dma_start3A_515 = tpu.memref_squeeze %dma_start3A_514 : memref<1x1x128xi32, #tpu.memory_space<vmem>> -> memref<128xi32, #tpu.memory_space<vmem>>
    %dma_start3A_516 = arith.constant 0 : i32
    %dma_start3A_517 = arith.constant 0 : i32
    %dma_start3A_518 = tpu.memref_slice %arg2[%dma_start3A_516, %dma_start3A_517] : memref<10240x128xbf16, #tpu.memory_space<hbm>> -> memref<10240x128xbf16, #tpu.memory_space<hbm>>
    tpu.enqueue_indirect_dma source(%dma_start3A_518 : memref<10240x128xbf16, #tpu.memory_space<hbm>>) target(%arg9 : memref<128x128xbf16, #tpu.memory_space<vmem>>) offsets(%dma_start3A_515 : memref<128xi32, #tpu.memory_space<vmem>>) semaphore(%arg19 : memref<!tpu.dma_semaphore, #tpu.memory_space<semaphore_mem>>)
    %mul3A_519 = arith.constant 80 : i32
    %mul3A_520 = arith.muli %add3A, %mul3A_519 : i32
    %add3A_521 = arith.constant 4 : i32
    %add3A_522 = arith.addi %mul3A_520, %add3A_521 : i32
    %dma_start3A_523 = arith.constant 0 : i32
    %dma_start3A_524 = arith.constant 0 : i32
    %dma_start3A_525 = tpu.memref_slice %arg6[%dma_start3A_523, %dma_start3A_524] : memref<4x128xi32, #tpu.memory_space<vmem>> -> memref<1x128xi32, #tpu.memory_space<vmem>>
    %dma_start3A_526 = tpu.memref_squeeze %dma_start3A_525 : memref<1x128xi32, #tpu.memory_space<vmem>> -> memref<128xi32, #tpu.memory_space<vmem>>
    %dma_start3A_527 = arith.constant 0 : i32
    %dma_start3A_528 = tpu.memref_slice %arg3[%add3A_522, %dma_start3A_527] : memref<2560x128xi32, #tpu.memory_space<hbm>> -> memref<1x128xi32, #tpu.memory_space<hbm>>
    %dma_start3A_529 = tpu.memref_squeeze %dma_start3A_528 : memref<1x128xi32, #tpu.memory_space<hbm>> -> memref<128xi32, #tpu.memory_space<hbm>>
    %dma_start3A_530 = arith.constant 0 : i32
    %dma_start3A_531 = tpu.memref_slice %arg6[%dma_start3A_523, %dma_start3A_530] : memref<4x128xi32, #tpu.memory_space<vmem>> -> memref<1x128xi32, #tpu.memory_space<vmem>>
    %dma_start3A_532 = tpu.memref_squeeze %dma_start3A_531 : memref<1x128xi32, #tpu.memory_space<vmem>> -> memref<128xi32, #tpu.memory_space<vmem>>
    %dma_start3A_533 = arith.constant 0 : i32
    %dma_start3A_534 = tpu.memref_slice %arg3[%add3A_522, %dma_start3A_533] : memref<2560x128xi32, #tpu.memory_space<hbm>> -> memref<1x128xi32, #tpu.memory_space<hbm>>
    %dma_start3A_535 = tpu.memref_squeeze %dma_start3A_534 : memref<1x128xi32, #tpu.memory_space<hbm>> -> memref<128xi32, #tpu.memory_space<hbm>>
    tpu.enqueue_dma source(%dma_start3A_535 : memref<128xi32, #tpu.memory_space<hbm>>) target(%dma_start3A_532 : memref<128xi32, #tpu.memory_space<vmem>>) target_semaphore(%arg22 : memref<!tpu.dma_semaphore, #tpu.memory_space<semaphore_mem>>)
    %dma_wait3A_536 = arith.constant 0 : i32
    %dma_wait3A_537 = arith.constant 2 : i32
    %dma_wait3A_538 = arith.constant 0 : i32
    %dma_wait3A_539 = tpu.memref_slice %arg6[%dma_wait3A_537, %dma_wait3A_538] : memref<4x128xi32, #tpu.memory_space<vmem>> -> memref<1x128xi32, #tpu.memory_space<vmem>>
    %dma_wait3A_540 = tpu.memref_squeeze %dma_wait3A_539 : memref<1x128xi32, #tpu.memory_space<vmem>> -> memref<128xi32, #tpu.memory_space<vmem>>
    %dma_wait3A_541 = arith.constant 0 : i32
    %dma_wait3A_542 = tpu.memref_slice %arg3[%dma_wait3A_536, %dma_wait3A_541] : memref<2560x128xi32, #tpu.memory_space<hbm>> -> memref<1x128xi32, #tpu.memory_space<hbm>>
    %dma_wait3A_543 = tpu.memref_squeeze %dma_wait3A_542 : memref<1x128xi32, #tpu.memory_space<hbm>> -> memref<128xi32, #tpu.memory_space<hbm>>
    %dma_wait3A_544 = arith.constant 0 : i32
    %dma_wait3A_545 = tpu.memref_slice %arg6[%dma_wait3A_537, %dma_wait3A_544] : memref<4x128xi32, #tpu.memory_space<vmem>> -> memref<1x128xi32, #tpu.memory_space<vmem>>
    %dma_wait3A_546 = tpu.memref_squeeze %dma_wait3A_545 : memref<1x128xi32, #tpu.memory_space<vmem>> -> memref<128xi32, #tpu.memory_space<vmem>>
    %dma_wait3A_547 = arith.constant 0 : i32
    %dma_wait3A_548 = tpu.memref_slice %arg3[%dma_wait3A_536, %dma_wait3A_547] : memref<2560x128xi32, #tpu.memory_space<hbm>> -> memref<1x128xi32, #tpu.memory_space<hbm>>
    %dma_wait3A_549 = tpu.memref_squeeze %dma_wait3A_548 : memref<1x128xi32, #tpu.memory_space<hbm>> -> memref<128xi32, #tpu.memory_space<hbm>>
    tpu.wait_dma2 semaphore(%arg24 : memref<!tpu.dma_semaphore, #tpu.memory_space<semaphore_mem>>) src(%dma_wait3A_549 : memref<128xi32, #tpu.memory_space<hbm>>) dst(%dma_wait3A_546 : memref<128xi32, #tpu.memory_space<vmem>>)
    %get3A_550 = arith.constant 2 : i32
    %get3A_551 = arith.index_cast %get3A_550 : i32 to index
    %get3A_552 = arith.constant 0 : index
    %get3A_553 = tpu.vector_load %arg6[%get3A_551, %get3A_552] {strides = array<i32>} : memref<4x128xi32, #tpu.memory_space<vmem>>, vector<16xi32>,
    %shift_right_arithmetic3A_554 = arith.constant 14 : i32
    %shift_right_arithmetic3A_555 = vector.broadcast %shift_right_arithmetic3A_554 : i32 to vector<16xi32>
    %shift_right_arithmetic3A_556 = arith.shrsi %get3A_553, %shift_right_arithmetic3A_555 : vector<16xi32>
    %swap3A_557 = arith.constant 2 : i32
    %swap3A_558 = arith.constant 0 : i32
    %swap3A_559 = arith.index_cast %swap3A_557 : i32 to index
    %swap3A_560 = arith.index_cast %swap3A_558 : i32 to index
    %swap3A_561 = arith.constant 0 : index
    %swap3A_562 = tpu.vector_load %arg7[%swap3A_559, %swap3A_560, %swap3A_561] {strides = array<i32>} : memref<4x2x128xi32, #tpu.memory_space<vmem>>, vector<16xi32>,
    tpu.vector_store %arg7[%swap3A_559, %swap3A_560, %swap3A_561], %shift_right_arithmetic3A_556 {strides = array<i32>} : memref<4x2x128xi32, #tpu.memory_space<vmem>>, vector<16xi32>,
    %and3A_563 = arith.constant 16383 : i32
    %and3A_564 = vector.broadcast %and3A_563 : i32 to vector<16xi32>
    %and3A_565 = arith.andi %get3A_553, %and3A_564 : vector<16xi32>
    %swap3A_566 = arith.constant 2 : i32
    %swap3A_567 = arith.constant 1 : i32
    %swap3A_568 = arith.index_cast %swap3A_566 : i32 to index
    %swap3A_569 = arith.index_cast %swap3A_567 : i32 to index
    %swap3A_570 = arith.constant 0 : index
    %swap3A_571 = tpu.vector_load %arg7[%swap3A_568, %swap3A_569, %swap3A_570] {strides = array<i32>} : memref<4x2x128xi32, #tpu.memory_space<vmem>>, vector<16xi32>,
    tpu.vector_store %arg7[%swap3A_568, %swap3A_569, %swap3A_570], %and3A_565 {strides = array<i32>} : memref<4x2x128xi32, #tpu.memory_space<vmem>>, vector<16xi32>,
    %get3A_572 = arith.constant 2 : i32
    %get3A_573 = arith.index_cast %get3A_572 : i32 to index
    %get3A_574 = arith.constant 16 : index
    %get3A_575 = tpu.vector_load %arg6[%get3A_573, %get3A_574] {strides = array<i32>} : memref<4x128xi32, #tpu.memory_space<vmem>>, vector<16xi32>,
    %shift_right_arithmetic3A_576 = arith.constant 14 : i32
    %shift_right_arithmetic3A_577 = vector.broadcast %shift_right_arithmetic3A_576 : i32 to vector<16xi32>
    %shift_right_arithmetic3A_578 = arith.shrsi %get3A_575, %shift_right_arithmetic3A_577 : vector<16xi32>
    %swap3A_579 = arith.constant 2 : i32
    %swap3A_580 = arith.constant 0 : i32
    %swap3A_581 = arith.index_cast %swap3A_579 : i32 to index
    %swap3A_582 = arith.index_cast %swap3A_580 : i32 to index
    %swap3A_583 = arith.constant 16 : index
    %swap3A_584 = tpu.vector_load %arg7[%swap3A_581, %swap3A_582, %swap3A_583] {strides = array<i32>} : memref<4x2x128xi32, #tpu.memory_space<vmem>>, vector<16xi32>,
    tpu.vector_store %arg7[%swap3A_581, %swap3A_582, %swap3A_583], %shift_right_arithmetic3A_578 {strides = array<i32>} : memref<4x2x128xi32, #tpu.memory_space<vmem>>, vector<16xi32>,
    %and3A_585 = arith.constant 16383 : i32
    %and3A_586 = vector.broadcast %and3A_585 : i32 to vector<16xi32>
    %and3A_587 = arith.andi %get3A_575, %and3A_586 : vector<16xi32>
    %swap3A_588 = arith.constant 2 : i32
    %swap3A_589 = arith.constant 1 : i32
    %swap3A_590 = arith.index_cast %swap3A_588 : i32 to index
    %swap3A_591 = arith.index_cast %swap3A_589 : i32 to index
    %swap3A_592 = arith.constant 16 : index
    %swap3A_593 = tpu.vector_load %arg7[%swap3A_590, %swap3A_591, %swap3A_592] {strides = array<i32>} : memref<4x2x128xi32, #tpu.memory_space<vmem>>, vector<16xi32>,
    tpu.vector_store %arg7[%swap3A_590, %swap3A_591, %swap3A_592], %and3A_587 {strides = array<i32>} : memref<4x2x128xi32, #tpu.memory_space<vmem>>, vector<16xi32>,
    %get3A_594 = arith.constant 2 : i32
    %get3A_595 = arith.index_cast %get3A_594 : i32 to index
    %get3A_596 = arith.constant 32 : index
    %get3A_597 = tpu.vector_load %arg6[%get3A_595, %get3A_596] {strides = array<i32>} : memref<4x128xi32, #tpu.memory_space<vmem>>, vector<16xi32>,
    %shift_right_arithmetic3A_598 = arith.constant 14 : i32
    %shift_right_arithmetic3A_599 = vector.broadcast %shift_right_arithmetic3A_598 : i32 to vector<16xi32>
    %shift_right_arithmetic3A_600 = arith.shrsi %get3A_597, %shift_right_arithmetic3A_599 : vector<16xi32>
    %swap3A_601 = arith.constant 2 : i32
    %swap3A_602 = arith.constant 0 : i32
    %swap3A_603 = arith.index_cast %swap3A_601 : i32 to index
    %swap3A_604 = arith.index_cast %swap3A_602 : i32 to index
    %swap3A_605 = arith.constant 32 : index
    %swap3A_606 = tpu.vector_load %arg7[%swap3A_603, %swap3A_604, %swap3A_605] {strides = array<i32>} : memref<4x2x128xi32, #tpu.memory_space<vmem>>, vector<16xi32>,
    tpu.vector_store %arg7[%swap3A_603, %swap3A_604, %swap3A_605], %shift_right_arithmetic3A_600 {strides = array<i32>} : memref<4x2x128xi32, #tpu.memory_space<vmem>>, vector<16xi32>,
    %and3A_607 = arith.constant 16383 : i32
    %and3A_608 = vector.broadcast %and3A_607 : i32 to vector<16xi32>
    %and3A_609 = arith.andi %get3A_597, %and3A_608 : vector<16xi32>
    %swap3A_610 = arith.constant 2 : i32
    %swap3A_611 = arith.constant 1 : i32
    %swap3A_612 = arith.index_cast %swap3A_610 : i32 to index
    %swap3A_613 = arith.index_cast %swap3A_611 : i32 to index
    %swap3A_614 = arith.constant 32 : index
    %swap3A_615 = tpu.vector_load %arg7[%swap3A_612, %swap3A_613, %swap3A_614] {strides = array<i32>} : memref<4x2x128xi32, #tpu.memory_space<vmem>>, vector<16xi32>,
    tpu.vector_store %arg7[%swap3A_612, %swap3A_613, %swap3A_614], %and3A_609 {strides = array<i32>} : memref<4x2x128xi32, #tpu.memory_space<vmem>>, vector<16xi32>,
    %get3A_616 = arith.constant 2 : i32
    %get3A_617 = arith.index_cast %get3A_616 : i32 to index
    %get3A_618 = arith.constant 48 : index
    %get3A_619 = tpu.vector_load %arg6[%get3A_617, %get3A_618] {strides = array<i32>} : memref<4x128xi32, #tpu.memory_space<vmem>>, vector<16xi32>,
    %shift_right_arithmetic3A_620 = arith.constant 14 : i32
    %shift_right_arithmetic3A_621 = vector.broadcast %shift_right_arithmetic3A_620 : i32 to vector<16xi32>
    %shift_right_arithmetic3A_622 = arith.shrsi %get3A_619, %shift_right_arithmetic3A_621 : vector<16xi32>
    %swap3A_623 = arith.constant 2 : i32
    %swap3A_624 = arith.constant 0 : i32
    %swap3A_625 = arith.index_cast %swap3A_623 : i32 to index
    %swap3A_626 = arith.index_cast %swap3A_624 : i32 to index
    %swap3A_627 = arith.constant 48 : index
    %swap3A_628 = tpu.vector_load %arg7[%swap3A_625, %swap3A_626, %swap3A_627] {strides = array<i32>} : memref<4x2x128xi32, #tpu.memory_space<vmem>>, vector<16xi32>,
    tpu.vector_store %arg7[%swap3A_625, %swap3A_626, %swap3A_627], %shift_right_arithmetic3A_622 {strides = array<i32>} : memref<4x2x128xi32, #tpu.memory_space<vmem>>, vector<16xi32>,
    %and3A_629 = arith.constant 16383 : i32
    %and3A_630 = vector.broadcast %and3A_629 : i32 to vector<16xi32>
    %and3A_631 = arith.andi %get3A_619, %and3A_630 : vector<16xi32>
    %swap3A_632 = arith.constant 2 : i32
    %swap3A_633 = arith.constant 1 : i32
    %swap3A_634 = arith.index_cast %swap3A_632 : i32 to index
    %swap3A_635 = arith.index_cast %swap3A_633 : i32 to index
    %swap3A_636 = arith.constant 48 : index
    %swap3A_637 = tpu.vector_load %arg7[%swap3A_634, %swap3A_635, %swap3A_636] {strides = array<i32>} : memref<4x2x128xi32, #tpu.memory_space<vmem>>, vector<16xi32>,
    tpu.vector_store %arg7[%swap3A_634, %swap3A_635, %swap3A_636], %and3A_631 {strides = array<i32>} : memref<4x2x128xi32, #tpu.memory_space<vmem>>, vector<16xi32>,
    %get3A_638 = arith.constant 2 : i32
    %get3A_639 = arith.index_cast %get3A_638 : i32 to index
    %get3A_640 = arith.constant 64 : index
    %get3A_641 = tpu.vector_load %arg6[%get3A_639, %get3A_640] {strides = array<i32>} : memref<4x128xi32, #tpu.memory_space<vmem>>, vector<16xi32>,
    %shift_right_arithmetic3A_642 = arith.constant 14 : i32
    %shift_right_arithmetic3A_643 = vector.broadcast %shift_right_arithmetic3A_642 : i32 to vector<16xi32>
    %shift_right_arithmetic3A_644 = arith.shrsi %get3A_641, %shift_right_arithmetic3A_643 : vector<16xi32>
    %swap3A_645 = arith.constant 2 : i32
    %swap3A_646 = arith.constant 0 : i32
    %swap3A_647 = arith.index_cast %swap3A_645 : i32 to index
    %swap3A_648 = arith.index_cast %swap3A_646 : i32 to index
    %swap3A_649 = arith.constant 64 : index
    %swap3A_650 = tpu.vector_load %arg7[%swap3A_647, %swap3A_648, %swap3A_649] {strides = array<i32>} : memref<4x2x128xi32, #tpu.memory_space<vmem>>, vector<16xi32>,
    tpu.vector_store %arg7[%swap3A_647, %swap3A_648, %swap3A_649], %shift_right_arithmetic3A_644 {strides = array<i32>} : memref<4x2x128xi32, #tpu.memory_space<vmem>>, vector<16xi32>,
    %and3A_651 = arith.constant 16383 : i32
    %and3A_652 = vector.broadcast %and3A_651 : i32 to vector<16xi32>
    %and3A_653 = arith.andi %get3A_641, %and3A_652 : vector<16xi32>
    %swap3A_654 = arith.constant 2 : i32
    %swap3A_655 = arith.constant 1 : i32
    %swap3A_656 = arith.index_cast %swap3A_654 : i32 to index
    %swap3A_657 = arith.index_cast %swap3A_655 : i32 to index
    %swap3A_658 = arith.constant 64 : index
    %swap3A_659 = tpu.vector_load %arg7[%swap3A_656, %swap3A_657, %swap3A_658] {strides = array<i32>} : memref<4x2x128xi32, #tpu.memory_space<vmem>>, vector<16xi32>,
    tpu.vector_store %arg7[%swap3A_656, %swap3A_657, %swap3A_658], %and3A_653 {strides = array<i32>} : memref<4x2x128xi32, #tpu.memory_space<vmem>>, vector<16xi32>,
    %get3A_660 = arith.constant 2 : i32
    %get3A_661 = arith.index_cast %get3A_660 : i32 to index
    %get3A_662 = arith.constant 80 : index
    %get3A_663 = tpu.vector_load %arg6[%get3A_661, %get3A_662] {strides = array<i32>} : memref<4x128xi32, #tpu.memory_space<vmem>>, vector<16xi32>,
    %shift_right_arithmetic3A_664 = arith.constant 14 : i32
    %shift_right_arithmetic3A_665 = vector.broadcast %shift_right_arithmetic3A_664 : i32 to vector<16xi32>
    %shift_right_arithmetic3A_666 = arith.shrsi %get3A_663, %shift_right_arithmetic3A_665 : vector<16xi32>
    %swap3A_667 = arith.constant 2 : i32
    %swap3A_668 = arith.constant 0 : i32
    %swap3A_669 = arith.index_cast %swap3A_667 : i32 to index
    %swap3A_670 = arith.index_cast %swap3A_668 : i32 to index
    %swap3A_671 = arith.constant 80 : index
    %swap3A_672 = tpu.vector_load %arg7[%swap3A_669, %swap3A_670, %swap3A_671] {strides = array<i32>} : memref<4x2x128xi32, #tpu.memory_space<vmem>>, vector<16xi32>,
    tpu.vector_store %arg7[%swap3A_669, %swap3A_670, %swap3A_671], %shift_right_arithmetic3A_666 {strides = array<i32>} : memref<4x2x128xi32, #tpu.memory_space<vmem>>, vector<16xi32>,
    %and3A_673 = arith.constant 16383 : i32
    %and3A_674 = vector.broadcast %and3A_673 : i32 to vector<16xi32>
    %and3A_675 = arith.andi %get3A_663, %and3A_674 : vector<16xi32>
    %swap3A_676 = arith.constant 2 : i32
    %swap3A_677 = arith.constant 1 : i32
    %swap3A_678 = arith.index_cast %swap3A_676 : i32 to index
    %swap3A_679 = arith.index_cast %swap3A_677 : i32 to index
    %swap3A_680 = arith.constant 80 : index
    %swap3A_681 = tpu.vector_load %arg7[%swap3A_678, %swap3A_679, %swap3A_680] {strides = array<i32>} : memref<4x2x128xi32, #tpu.memory_space<vmem>>, vector<16xi32>,
    tpu.vector_store %arg7[%swap3A_678, %swap3A_679, %swap3A_680], %and3A_675 {strides = array<i32>} : memref<4x2x128xi32, #tpu.memory_space<vmem>>, vector<16xi32>,
    %get3A_682 = arith.constant 2 : i32
    %get3A_683 = arith.index_cast %get3A_682 : i32 to index
    %get3A_684 = arith.constant 96 : index
    %get3A_685 = tpu.vector_load %arg6[%get3A_683, %get3A_684] {strides = array<i32>} : memref<4x128xi32, #tpu.memory_space<vmem>>, vector<16xi32>,
    %shift_right_arithmetic3A_686 = arith.constant 14 : i32
    %shift_right_arithmetic3A_687 = vector.broadcast %shift_right_arithmetic3A_686 : i32 to vector<16xi32>
    %shift_right_arithmetic3A_688 = arith.shrsi %get3A_685, %shift_right_arithmetic3A_687 : vector<16xi32>
    %swap3A_689 = arith.constant 2 : i32
    %swap3A_690 = arith.constant 0 : i32
    %swap3A_691 = arith.index_cast %swap3A_689 : i32 to index
    %swap3A_692 = arith.index_cast %swap3A_690 : i32 to index
    %swap3A_693 = arith.constant 96 : index
    %swap3A_694 = tpu.vector_load %arg7[%swap3A_691, %swap3A_692, %swap3A_693] {strides = array<i32>} : memref<4x2x128xi32, #tpu.memory_space<vmem>>, vector<16xi32>,
    tpu.vector_store %arg7[%swap3A_691, %swap3A_692, %swap3A_693], %shift_right_arithmetic3A_688 {strides = array<i32>} : memref<4x2x128xi32, #tpu.memory_space<vmem>>, vector<16xi32>,
    %and3A_695 = arith.constant 16383 : i32
    %and3A_696 = vector.broadcast %and3A_695 : i32 to vector<16xi32>
    %and3A_697 = arith.andi %get3A_685, %and3A_696 : vector<16xi32>
    %swap3A_698 = arith.constant 2 : i32
    %swap3A_699 = arith.constant 1 : i32
    %swap3A_700 = arith.index_cast %swap3A_698 : i32 to index
    %swap3A_701 = arith.index_cast %swap3A_699 : i32 to index
    %swap3A_702 = arith.constant 96 : index
    %swap3A_703 = tpu.vector_load %arg7[%swap3A_700, %swap3A_701, %swap3A_702] {strides = array<i32>} : memref<4x2x128xi32, #tpu.memory_space<vmem>>, vector<16xi32>,
    tpu.vector_store %arg7[%swap3A_700, %swap3A_701, %swap3A_702], %and3A_697 {strides = array<i32>} : memref<4x2x128xi32, #tpu.memory_space<vmem>>, vector<16xi32>,
    %get3A_704 = arith.constant 2 : i32
    %get3A_705 = arith.index_cast %get3A_704 : i32 to index
    %get3A_706 = arith.constant 112 : index
    %get3A_707 = tpu.vector_load %arg6[%get3A_705, %get3A_706] {strides = array<i32>} : memref<4x128xi32, #tpu.memory_space<vmem>>, vector<16xi32>,
    %shift_right_arithmetic3A_708 = arith.constant 14 : i32
    %shift_right_arithmetic3A_709 = vector.broadcast %shift_right_arithmetic3A_708 : i32 to vector<16xi32>
    %shift_right_arithmetic3A_710 = arith.shrsi %get3A_707, %shift_right_arithmetic3A_709 : vector<16xi32>
    %swap3A_711 = arith.constant 2 : i32
    %swap3A_712 = arith.constant 0 : i32
    %swap3A_713 = arith.index_cast %swap3A_711 : i32 to index
    %swap3A_714 = arith.index_cast %swap3A_712 : i32 to index
    %swap3A_715 = arith.constant 112 : index
    %swap3A_716 = tpu.vector_load %arg7[%swap3A_713, %swap3A_714, %swap3A_715] {strides = array<i32>} : memref<4x2x128xi32, #tpu.memory_space<vmem>>, vector<16xi32>,
    tpu.vector_store %arg7[%swap3A_713, %swap3A_714, %swap3A_715], %shift_right_arithmetic3A_710 {strides = array<i32>} : memref<4x2x128xi32, #tpu.memory_space<vmem>>, vector<16xi32>,
    %and3A_717 = arith.constant 16383 : i32
    %and3A_718 = vector.broadcast %and3A_717 : i32 to vector<16xi32>
    %and3A_719 = arith.andi %get3A_707, %and3A_718 : vector<16xi32>
    %swap3A_720 = arith.constant 2 : i32
    %swap3A_721 = arith.constant 1 : i32
    %swap3A_722 = arith.index_cast %swap3A_720 : i32 to index
    %swap3A_723 = arith.index_cast %swap3A_721 : i32 to index
    %swap3A_724 = arith.constant 112 : index
    %swap3A_725 = tpu.vector_load %arg7[%swap3A_722, %swap3A_723, %swap3A_724] {strides = array<i32>} : memref<4x2x128xi32, #tpu.memory_space<vmem>>, vector<16xi32>,
    tpu.vector_store %arg7[%swap3A_722, %swap3A_723, %swap3A_724], %and3A_719 {strides = array<i32>} : memref<4x2x128xi32, #tpu.memory_space<vmem>>, vector<16xi32>,
    %dma_start3A_726 = arith.constant 2 : i32
    %dma_start3A_727 = arith.constant 0 : i32
    %dma_start3A_728 = arith.constant 0 : i32
    %dma_start3A_729 = tpu.memref_slice %arg7[%dma_start3A_726, %dma_start3A_727, %dma_start3A_728] : memref<4x2x128xi32, #tpu.memory_space<vmem>> -> memref<1x1x128xi32, #tpu.memory_space<vmem>>
    %dma_start3A_730 = tpu.memref_squeeze %dma_start3A_729 : memref<1x1x128xi32, #tpu.memory_space<vmem>> -> memref<128xi32, #tpu.memory_space<vmem>>
    %dma_start3A_731 = arith.constant 0 : i32
    %dma_start3A_732 = arith.constant 0 : i32
    %dma_start3A_733 = tpu.memref_slice %arg2[%dma_start3A_731, %dma_start3A_732] : memref<10240x128xbf16, #tpu.memory_space<hbm>> -> memref<10240x128xbf16, #tpu.memory_space<hbm>>
    tpu.enqueue_indirect_dma source(%dma_start3A_733 : memref<10240x128xbf16, #tpu.memory_space<hbm>>) target(%arg10 : memref<128x128xbf16, #tpu.memory_space<vmem>>) offsets(%dma_start3A_730 : memref<128xi32, #tpu.memory_space<vmem>>) semaphore(%arg20 : memref<!tpu.dma_semaphore, #tpu.memory_space<semaphore_mem>>)
    %scan3A_734 = arith.constant 0 : i32
    %scan3A_735 = arith.constant 20 : i32
    %scan3A_736 = arith.addi %scan3A_734, %scan3A_735 : i32
    %scan3A_737 = arith.constant 1 : i32
    scf.for %scan3A_749 = %scan3A_734 to %scan3A_736 step %scan3A_737  : i32 {
      %mul3A_750 = arith.constant 1 : i32
      %mul3A_751 = arith.muli %scan3A_749, %mul3A_750 : i32
      %add3A_752 = arith.constant 0 : i32
      %add3A_753 = arith.addi %add3A_752, %mul3A_751 : i32
      %mul3A_754 = arith.constant 4 : i32
      %mul3A_755 = arith.muli %mul3A_754, %add3A_753 : i32
      %dma_wait3A_756 = arith.constant 0 : i32
      %dma_wait3A_757 = arith.constant 0 : i32
      %dma_wait3A_758 = arith.constant 0 : i32
      %dma_wait3A_759 = tpu.memref_slice %arg7[%dma_wait3A_756, %dma_wait3A_757, %dma_wait3A_758] : memref<4x2x128xi32, #tpu.memory_space<vmem>> -> memref<1x1x128xi32, #tpu.memory_space<vmem>>
      %dma_wait3A_760 = tpu.memref_squeeze %dma_wait3A_759 : memref<1x1x128xi32, #tpu.memory_space<vmem>> -> memref<128xi32, #tpu.memory_space<vmem>>
      %dma_wait3A_761 = arith.constant 0 : i32
      %dma_wait3A_762 = arith.constant 0 : i32
      %dma_wait3A_763 = tpu.memref_slice %arg2[%dma_wait3A_761, %dma_wait3A_762] : memref<10240x128xbf16, #tpu.memory_space<hbm>> -> memref<10240x128xbf16, #tpu.memory_space<hbm>>
      tpu.wait_indirect_dma semaphore(%arg18 : memref<!tpu.dma_semaphore, #tpu.memory_space<semaphore_mem>>) src(%dma_wait3A_763 : memref<10240x128xbf16, #tpu.memory_space<hbm>>) dst(%arg8 : memref<128x128xbf16, #tpu.memory_space<vmem>>)
      %run_scoped3A_764 = arith.constant 0 : i32
      %run_scoped3A_765 = arith.constant 1 : i32
      "tpu.region"() ({
        %run_scoped3A_1315 = tpu.sem_alloc : memref<!tpu.dma_semaphore, #tpu.memory_space<semaphore_mem>>
        %dma_start3A_1316 = arith.constant 0 : i32
        %dma_start3A_1317 = tpu.memref_slice %arg7[%run_scoped3A_764, %run_scoped3A_765, %dma_start3A_1316] : memref<4x2x128xi32, #tpu.memory_space<vmem>> -> memref<1x1x128xi32, #tpu.memory_space<vmem>>
        %dma_start3A_1318 = tpu.memref_squeeze %dma_start3A_1317 : memref<1x1x128xi32, #tpu.memory_space<vmem>> -> memref<128xi32, #tpu.memory_space<vmem>>
        %dma_start3A_1319 = arith.constant 0 : i32
        %dma_start3A_1320 = arith.constant 0 : i32
        %dma_start3A_1321 = tpu.memref_slice %arg16[%dma_start3A_1319, %dma_start3A_1320] : memref<10240x128xbf16, #tpu.memory_space<vmem_shared>> -> memref<10240x128xbf16, #tpu.memory_space<vmem_shared>>
        tpu.enqueue_indirect_dma source(%arg8 : memref<128x128xbf16, #tpu.memory_space<vmem>>) target(%dma_start3A_1321 : memref<10240x128xbf16, #tpu.memory_space<vmem_shared>>) offsets(%dma_start3A_1318 : memref<128xi32, #tpu.memory_space<vmem>>) semaphore(%run_scoped3A_1315 : memref<!tpu.dma_semaphore, #tpu.memory_space<semaphore_mem>>) {add = true}
        %dma_wait3A_1322 = arith.constant 0 : i32
        %dma_wait3A_1323 = tpu.memref_slice %arg7[%run_scoped3A_764, %run_scoped3A_765, %dma_wait3A_1322] : memref<4x2x128xi32, #tpu.memory_space<vmem>> -> memref<1x1x128xi32, #tpu.memory_space<vmem>>
        %dma_wait3A_1324 = tpu.memref_squeeze %dma_wait3A_1323 : memref<1x1x128xi32, #tpu.memory_space<vmem>> -> memref<128xi32, #tpu.memory_space<vmem>>
        %dma_wait3A_1325 = arith.constant 0 : i32
        %dma_wait3A_1326 = arith.constant 0 : i32
        %dma_wait3A_1327 = tpu.memref_slice %arg16[%dma_wait3A_1325, %dma_wait3A_1326] : memref<10240x128xbf16, #tpu.memory_space<vmem_shared>> -> memref<10240x128xbf16, #tpu.memory_space<vmem_shared>>
        tpu.wait_indirect_dma semaphore(%run_scoped3A_1315 : memref<!tpu.dma_semaphore, #tpu.memory_space<semaphore_mem>>) src(%arg8 : memref<128x128xbf16, #tpu.memory_space<vmem>>) dst(%dma_wait3A_1327 : memref<10240x128xbf16, #tpu.memory_space<vmem_shared>>)
        tpu.yield
      }) : () -> ()
      %get3A_766 = arith.constant 0 : i32
      %get3A_767 = arith.constant 1 : i32
      %get3A_768 = arith.index_cast %get3A_766 : i32 to index
      %get3A_769 = arith.index_cast %get3A_767 : i32 to index
      %get3A_770 = arith.constant 0 : index
      %get3A_771 = tpu.vector_load %arg7[%get3A_768, %get3A_769, %get3A_770] {strides = array<i32>} : memref<4x2x128xi32, #tpu.memory_space<vmem>>, vector<16xi32>,
      %shift_right_arithmetic3A_772 = arith.constant 7 : i32
      %shift_right_arithmetic3A_773 = vector.broadcast %shift_right_arithmetic3A_772 : i32 to vector<16xi32>
      %shift_right_arithmetic3A_774 = arith.shrsi %get3A_771, %shift_right_arithmetic3A_773 : vector<16xi32>
      %and3A_775 = arith.constant 127 : i32
      %and3A_776 = vector.broadcast %and3A_775 : i32 to vector<16xi32>
      %and3A_777 = arith.andi %get3A_771, %and3A_776 : vector<16xi32>
      %broadcast_in_dim3A = arith.constant 1.000000e+00 : f32
      %broadcast_in_dim3A_778 = vector.broadcast %broadcast_in_dim3A : f32 to vector<16xf32>
      tpu.vector_store_idx %arg13[%shift_right_arithmetic3A_774, %and3A_777], %broadcast_in_dim3A_778 {add = true} : memref<80x128xf32, #tpu.memory_space<vmem>>[vector<16xi32>, vector<16xi32>], vector<16xf32>,
      %get3A_779 = arith.constant 0 : i32
      %get3A_780 = arith.constant 1 : i32
      %get3A_781 = arith.index_cast %get3A_779 : i32 to index
      %get3A_782 = arith.index_cast %get3A_780 : i32 to index
      %get3A_783 = arith.constant 16 : index
      %get3A_784 = tpu.vector_load %arg7[%get3A_781, %get3A_782, %get3A_783] {strides = array<i32>} : memref<4x2x128xi32, #tpu.memory_space<vmem>>, vector<16xi32>,
      %shift_right_arithmetic3A_785 = arith.constant 7 : i32
      %shift_right_arithmetic3A_786 = vector.broadcast %shift_right_arithmetic3A_785 : i32 to vector<16xi32>
      %shift_right_arithmetic3A_787 = arith.shrsi %get3A_784, %shift_right_arithmetic3A_786 : vector<16xi32>
      %and3A_788 = arith.constant 127 : i32
      %and3A_789 = vector.broadcast %and3A_788 : i32 to vector<16xi32>
      %and3A_790 = arith.andi %get3A_784, %and3A_789 : vector<16xi32>
      %broadcast_in_dim3A_791 = arith.constant 1.000000e+00 : f32
      %broadcast_in_dim3A_792 = vector.broadcast %broadcast_in_dim3A_791 : f32 to vector<16xf32>
      tpu.vector_store_idx %arg13[%shift_right_arithmetic3A_787, %and3A_790], %broadcast_in_dim3A_792 {add = true} : memref<80x128xf32, #tpu.memory_space<vmem>>[vector<16xi32>, vector<16xi32>], vector<16xf32>,
      %get3A_793 = arith.constant 0 : i32
      %get3A_794 = arith.constant 1 : i32
      %get3A_795 = arith.index_cast %get3A_793 : i32 to index
      %get3A_796 = arith.index_cast %get3A_794 : i32 to index
      %get3A_797 = arith.constant 32 : index
      %get3A_798 = tpu.vector_load %arg7[%get3A_795, %get3A_796, %get3A_797] {strides = array<i32>} : memref<4x2x128xi32, #tpu.memory_space<vmem>>, vector<16xi32>,
      %shift_right_arithmetic3A_799 = arith.constant 7 : i32
      %shift_right_arithmetic3A_800 = vector.broadcast %shift_right_arithmetic3A_799 : i32 to vector<16xi32>
      %shift_right_arithmetic3A_801 = arith.shrsi %get3A_798, %shift_right_arithmetic3A_800 : vector<16xi32>
      %and3A_802 = arith.constant 127 : i32
      %and3A_803 = vector.broadcast %and3A_802 : i32 to vector<16xi32>
      %and3A_804 = arith.andi %get3A_798, %and3A_803 : vector<16xi32>
      %broadcast_in_dim3A_805 = arith.constant 1.000000e+00 : f32
      %broadcast_in_dim3A_806 = vector.broadcast %broadcast_in_dim3A_805 : f32 to vector<16xf32>
      tpu.vector_store_idx %arg13[%shift_right_arithmetic3A_801, %and3A_804], %broadcast_in_dim3A_806 {add = true} : memref<80x128xf32, #tpu.memory_space<vmem>>[vector<16xi32>, vector<16xi32>], vector<16xf32>,
      %get3A_807 = arith.constant 0 : i32
      %get3A_808 = arith.constant 1 : i32
      %get3A_809 = arith.index_cast %get3A_807 : i32 to index
      %get3A_810 = arith.index_cast %get3A_808 : i32 to index
      %get3A_811 = arith.constant 48 : index
      %get3A_812 = tpu.vector_load %arg7[%get3A_809, %get3A_810, %get3A_811] {strides = array<i32>} : memref<4x2x128xi32, #tpu.memory_space<vmem>>, vector<16xi32>,
      %shift_right_arithmetic3A_813 = arith.constant 7 : i32
      %shift_right_arithmetic3A_814 = vector.broadcast %shift_right_arithmetic3A_813 : i32 to vector<16xi32>
      %shift_right_arithmetic3A_815 = arith.shrsi %get3A_812, %shift_right_arithmetic3A_814 : vector<16xi32>
      %and3A_816 = arith.constant 127 : i32
      %and3A_817 = vector.broadcast %and3A_816 : i32 to vector<16xi32>
      %and3A_818 = arith.andi %get3A_812, %and3A_817 : vector<16xi32>
      %broadcast_in_dim3A_819 = arith.constant 1.000000e+00 : f32
      %broadcast_in_dim3A_820 = vector.broadcast %broadcast_in_dim3A_819 : f32 to vector<16xf32>
      tpu.vector_store_idx %arg13[%shift_right_arithmetic3A_815, %and3A_818], %broadcast_in_dim3A_820 {add = true} : memref<80x128xf32, #tpu.memory_space<vmem>>[vector<16xi32>, vector<16xi32>], vector<16xf32>,
      %get3A_821 = arith.constant 0 : i32
      %get3A_822 = arith.constant 1 : i32
      %get3A_823 = arith.index_cast %get3A_821 : i32 to index
      %get3A_824 = arith.index_cast %get3A_822 : i32 to index
      %get3A_825 = arith.constant 64 : index
      %get3A_826 = tpu.vector_load %arg7[%get3A_823, %get3A_824, %get3A_825] {strides = array<i32>} : memref<4x2x128xi32, #tpu.memory_space<vmem>>, vector<16xi32>,
      %shift_right_arithmetic3A_827 = arith.constant 7 : i32
      %shift_right_arithmetic3A_828 = vector.broadcast %shift_right_arithmetic3A_827 : i32 to vector<16xi32>
      %shift_right_arithmetic3A_829 = arith.shrsi %get3A_826, %shift_right_arithmetic3A_828 : vector<16xi32>
      %and3A_830 = arith.constant 127 : i32
      %and3A_831 = vector.broadcast %and3A_830 : i32 to vector<16xi32>
      %and3A_832 = arith.andi %get3A_826, %and3A_831 : vector<16xi32>
      %broadcast_in_dim3A_833 = arith.constant 1.000000e+00 : f32
      %broadcast_in_dim3A_834 = vector.broadcast %broadcast_in_dim3A_833 : f32 to vector<16xf32>
      tpu.vector_store_idx %arg13[%shift_right_arithmetic3A_829, %and3A_832], %broadcast_in_dim3A_834 {add = true} : memref<80x128xf32, #tpu.memory_space<vmem>>[vector<16xi32>, vector<16xi32>], vector<16xf32>,
      %get3A_835 = arith.constant 0 : i32
      %get3A_836 = arith.constant 1 : i32
      %get3A_837 = arith.index_cast %get3A_835 : i32 to index
      %get3A_838 = arith.index_cast %get3A_836 : i32 to index
      %get3A_839 = arith.constant 80 : index
      %get3A_840 = tpu.vector_load %arg7[%get3A_837, %get3A_838, %get3A_839] {strides = array<i32>} : memref<4x2x128xi32, #tpu.memory_space<vmem>>, vector<16xi32>,
      %shift_right_arithmetic3A_841 = arith.constant 7 : i32
      %shift_right_arithmetic3A_842 = vector.broadcast %shift_right_arithmetic3A_841 : i32 to vector<16xi32>
      %shift_right_arithmetic3A_843 = arith.shrsi %get3A_840, %shift_right_arithmetic3A_842 : vector<16xi32>
      %and3A_844 = arith.constant 127 : i32
      %and3A_845 = vector.broadcast %and3A_844 : i32 to vector<16xi32>
      %and3A_846 = arith.andi %get3A_840, %and3A_845 : vector<16xi32>
      %broadcast_in_dim3A_847 = arith.constant 1.000000e+00 : f32
      %broadcast_in_dim3A_848 = vector.broadcast %broadcast_in_dim3A_847 : f32 to vector<16xf32>
      tpu.vector_store_idx %arg13[%shift_right_arithmetic3A_843, %and3A_846], %broadcast_in_dim3A_848 {add = true} : memref<80x128xf32, #tpu.memory_space<vmem>>[vector<16xi32>, vector<16xi32>], vector<16xf32>,
      %get3A_849 = arith.constant 0 : i32
      %get3A_850 = arith.constant 1 : i32
      %get3A_851 = arith.index_cast %get3A_849 : i32 to index
      %get3A_852 = arith.index_cast %get3A_850 : i32 to index
      %get3A_853 = arith.constant 96 : index
      %get3A_854 = tpu.vector_load %arg7[%get3A_851, %get3A_852, %get3A_853] {strides = array<i32>} : memref<4x2x128xi32, #tpu.memory_space<vmem>>, vector<16xi32>,
      %shift_right_arithmetic3A_855 = arith.constant 7 : i32
      %shift_right_arithmetic3A_856 = vector.broadcast %shift_right_arithmetic3A_855 : i32 to vector<16xi32>
      %shift_right_arithmetic3A_857 = arith.shrsi %get3A_854, %shift_right_arithmetic3A_856 : vector<16xi32>
      %and3A_858 = arith.constant 127 : i32
      %and3A_859 = vector.broadcast %and3A_858 : i32 to vector<16xi32>
      %and3A_860 = arith.andi %get3A_854, %and3A_859 : vector<16xi32>
      %broadcast_in_dim3A_861 = arith.constant 1.000000e+00 : f32
      %broadcast_in_dim3A_862 = vector.broadcast %broadcast_in_dim3A_861 : f32 to vector<16xf32>
      tpu.vector_store_idx %arg13[%shift_right_arithmetic3A_857, %and3A_860], %broadcast_in_dim3A_862 {add = true} : memref<80x128xf32, #tpu.memory_space<vmem>>[vector<16xi32>, vector<16xi32>], vector<16xf32>,
      %get3A_863 = arith.constant 0 : i32
      %get3A_864 = arith.constant 1 : i32
      %get3A_865 = arith.index_cast %get3A_863 : i32 to index
      %get3A_866 = arith.index_cast %get3A_864 : i32 to index
      %get3A_867 = arith.constant 112 : index
      %get3A_868 = tpu.vector_load %arg7[%get3A_865, %get3A_866, %get3A_867] {strides = array<i32>} : memref<4x2x128xi32, #tpu.memory_space<vmem>>, vector<16xi32>,
      %shift_right_arithmetic3A_869 = arith.constant 7 : i32
      %shift_right_arithmetic3A_870 = vector.broadcast %shift_right_arithmetic3A_869 : i32 to vector<16xi32>
      %shift_right_arithmetic3A_871 = arith.shrsi %get3A_868, %shift_right_arithmetic3A_870 : vector<16xi32>
      %and3A_872 = arith.constant 127 : i32
      %and3A_873 = vector.broadcast %and3A_872 : i32 to vector<16xi32>
      %and3A_874 = arith.andi %get3A_868, %and3A_873 : vector<16xi32>
      %broadcast_in_dim3A_875 = arith.constant 1.000000e+00 : f32
      %broadcast_in_dim3A_876 = vector.broadcast %broadcast_in_dim3A_875 : f32 to vector<16xf32>
      tpu.vector_store_idx %arg13[%shift_right_arithmetic3A_871, %and3A_874], %broadcast_in_dim3A_876 {add = true} : memref<80x128xf32, #tpu.memory_space<vmem>>[vector<16xi32>, vector<16xi32>], vector<16xf32>,
      %add3A_877 = arith.constant 0 : i32
      %add3A_878 = arith.addi %mul3A_755, %add3A_877 : i32
      %add3A_879 = arith.constant 3 : i32
      %add3A_880 = arith.addi %add3A_878, %add3A_879 : i32
      %lt3A_881 = arith.constant 80 : i32
      %lt3A_882 = arith.cmpi slt, %add3A_880, %lt3A_881 : i32
      %convert_element_type3A_883 = arith.extui %lt3A_882 : i1 to i32
      %cond3A_884 = arith.constant 0 : i32
      %cond3A_885 = arith.cmpi ne, %convert_element_type3A_883, %cond3A_884 : i32
      scf.if %cond3A_885 {
        %dma_wait3A_1315 = arith.constant 0 : i32
        %dma_wait3A_1316 = arith.constant 3 : i32
        %dma_wait3A_1317 = arith.constant 0 : i32
        %dma_wait3A_1318 = tpu.memref_slice %arg6[%dma_wait3A_1316, %dma_wait3A_1317] : memref<4x128xi32, #tpu.memory_space<vmem>> -> memref<1x128xi32, #tpu.memory_space<vmem>>
        %dma_wait3A_1319 = tpu.memref_squeeze %dma_wait3A_1318 : memref<1x128xi32, #tpu.memory_space<vmem>> -> memref<128xi32, #tpu.memory_space<vmem>>
        %dma_wait3A_1320 = arith.constant 0 : i32
        %dma_wait3A_1321 = tpu.memref_slice %arg3[%dma_wait3A_1315, %dma_wait3A_1320] : memref<2560x128xi32, #tpu.memory_space<hbm>> -> memref<1x128xi32, #tpu.memory_space<hbm>>
        %dma_wait3A_1322 = tpu.memref_squeeze %dma_wait3A_1321 : memref<1x128xi32, #tpu.memory_space<hbm>> -> memref<128xi32, #tpu.memory_space<hbm>>
        %dma_wait3A_1323 = arith.constant 0 : i32
        %dma_wait3A_1324 = tpu.memref_slice %arg6[%dma_wait3A_1316, %dma_wait3A_1323] : memref<4x128xi32, #tpu.memory_space<vmem>> -> memref<1x128xi32, #tpu.memory_space<vmem>>
        %dma_wait3A_1325 = tpu.memref_squeeze %dma_wait3A_1324 : memref<1x128xi32, #tpu.memory_space<vmem>> -> memref<128xi32, #tpu.memory_space<vmem>>
        %dma_wait3A_1326 = arith.constant 0 : i32
        %dma_wait3A_1327 = tpu.memref_slice %arg3[%dma_wait3A_1315, %dma_wait3A_1326] : memref<2560x128xi32, #tpu.memory_space<hbm>> -> memref<1x128xi32, #tpu.memory_space<hbm>>
        %dma_wait3A_1328 = tpu.memref_squeeze %dma_wait3A_1327 : memref<1x128xi32, #tpu.memory_space<hbm>> -> memref<128xi32, #tpu.memory_space<hbm>>
        tpu.wait_dma2 semaphore(%arg25 : memref<!tpu.dma_semaphore, #tpu.memory_space<semaphore_mem>>) src(%dma_wait3A_1328 : memref<128xi32, #tpu.memory_space<hbm>>) dst(%dma_wait3A_1325 : memref<128xi32, #tpu.memory_space<vmem>>)
        %get3A_1329 = arith.constant 3 : i32
        %get3A_1330 = arith.index_cast %get3A_1329 : i32 to index
        %get3A_1331 = arith.constant 0 : index
        %get3A_1332 = tpu.vector_load %arg6[%get3A_1330, %get3A_1331] {strides = array<i32>} : memref<4x128xi32, #tpu.memory_space<vmem>>, vector<16xi32>,
        %shift_right_arithmetic3A_1333 = arith.constant 14 : i32
        %shift_right_arithmetic3A_1334 = vector.broadcast %shift_right_arithmetic3A_1333 : i32 to vector<16xi32>
        %shift_right_arithmetic3A_1335 = arith.shrsi %get3A_1332, %shift_right_arithmetic3A_1334 : vector<16xi32>
        %swap3A_1336 = arith.constant 3 : i32
        %swap3A_1337 = arith.constant 0 : i32
        %swap3A_1338 = arith.index_cast %swap3A_1336 : i32 to index
        %swap3A_1339 = arith.index_cast %swap3A_1337 : i32 to index
        %swap3A_1340 = arith.constant 0 : index
        %swap3A_1341 = tpu.vector_load %arg7[%swap3A_1338, %swap3A_1339, %swap3A_1340] {strides = array<i32>} : memref<4x2x128xi32, #tpu.memory_space<vmem>>, vector<16xi32>,
        tpu.vector_store %arg7[%swap3A_1338, %swap3A_1339, %swap3A_1340], %shift_right_arithmetic3A_1335 {strides = array<i32>} : memref<4x2x128xi32, #tpu.memory_space<vmem>>, vector<16xi32>,
        %and3A_1342 = arith.constant 16383 : i32
        %and3A_1343 = vector.broadcast %and3A_1342 : i32 to vector<16xi32>
        %and3A_1344 = arith.andi %get3A_1332, %and3A_1343 : vector<16xi32>
        %swap3A_1345 = arith.constant 3 : i32
        %swap3A_1346 = arith.constant 1 : i32
        %swap3A_1347 = arith.index_cast %swap3A_1345 : i32 to index
        %swap3A_1348 = arith.index_cast %swap3A_1346 : i32 to index
        %swap3A_1349 = arith.constant 0 : index
        %swap3A_1350 = tpu.vector_load %arg7[%swap3A_1347, %swap3A_1348, %swap3A_1349] {strides = array<i32>} : memref<4x2x128xi32, #tpu.memory_space<vmem>>, vector<16xi32>,
        tpu.vector_store %arg7[%swap3A_1347, %swap3A_1348, %swap3A_1349], %and3A_1344 {strides = array<i32>} : memref<4x2x128xi32, #tpu.memory_space<vmem>>, vector<16xi32>,
        %get3A_1351 = arith.constant 3 : i32
        %get3A_1352 = arith.index_cast %get3A_1351 : i32 to index
        %get3A_1353 = arith.constant 16 : index
        %get3A_1354 = tpu.vector_load %arg6[%get3A_1352, %get3A_1353] {strides = array<i32>} : memref<4x128xi32, #tpu.memory_space<vmem>>, vector<16xi32>,
        %shift_right_arithmetic3A_1355 = arith.constant 14 : i32
        %shift_right_arithmetic3A_1356 = vector.broadcast %shift_right_arithmetic3A_1355 : i32 to vector<16xi32>
        %shift_right_arithmetic3A_1357 = arith.shrsi %get3A_1354, %shift_right_arithmetic3A_1356 : vector<16xi32>
        %swap3A_1358 = arith.constant 3 : i32
        %swap3A_1359 = arith.constant 0 : i32
        %swap3A_1360 = arith.index_cast %swap3A_1358 : i32 to index
        %swap3A_1361 = arith.index_cast %swap3A_1359 : i32 to index
        %swap3A_1362 = arith.constant 16 : index
        %swap3A_1363 = tpu.vector_load %arg7[%swap3A_1360, %swap3A_1361, %swap3A_1362] {strides = array<i32>} : memref<4x2x128xi32, #tpu.memory_space<vmem>>, vector<16xi32>,
        tpu.vector_store %arg7[%swap3A_1360, %swap3A_1361, %swap3A_1362], %shift_right_arithmetic3A_1357 {strides = array<i32>} : memref<4x2x128xi32, #tpu.memory_space<vmem>>, vector<16xi32>,
        %and3A_1364 = arith.constant 16383 : i32
        %and3A_1365 = vector.broadcast %and3A_1364 : i32 to vector<16xi32>
        %and3A_1366 = arith.andi %get3A_1354, %and3A_1365 : vector<16xi32>
        %swap3A_1367 = arith.constant 3 : i32
        %swap3A_1368 = arith.constant 1 : i32
        %swap3A_1369 = arith.index_cast %swap3A_1367 : i32 to index
        %swap3A_1370 = arith.index_cast %swap3A_1368 : i32 to index
        %swap3A_1371 = arith.constant 16 : index
        %swap3A_1372 = tpu.vector_load %arg7[%swap3A_1369, %swap3A_1370, %swap3A_1371] {strides = array<i32>} : memref<4x2x128xi32, #tpu.memory_space<vmem>>, vector<16xi32>,
        tpu.vector_store %arg7[%swap3A_1369, %swap3A_1370, %swap3A_1371], %and3A_1366 {strides = array<i32>} : memref<4x2x128xi32, #tpu.memory_space<vmem>>, vector<16xi32>,
        %get3A_1373 = arith.constant 3 : i32
        %get3A_1374 = arith.index_cast %get3A_1373 : i32 to index
        %get3A_1375 = arith.constant 32 : index
        %get3A_1376 = tpu.vector_load %arg6[%get3A_1374, %get3A_1375] {strides = array<i32>} : memref<4x128xi32, #tpu.memory_space<vmem>>, vector<16xi32>,
        %shift_right_arithmetic3A_1377 = arith.constant 14 : i32
        %shift_right_arithmetic3A_1378 = vector.broadcast %shift_right_arithmetic3A_1377 : i32 to vector<16xi32>
        %shift_right_arithmetic3A_1379 = arith.shrsi %get3A_1376, %shift_right_arithmetic3A_1378 : vector<16xi32>
        %swap3A_1380 = arith.constant 3 : i32
        %swap3A_1381 = arith.constant 0 : i32
        %swap3A_1382 = arith.index_cast %swap3A_1380 : i32 to index
        %swap3A_1383 = arith.index_cast %swap3A_1381 : i32 to index
        %swap3A_1384 = arith.constant 32 : index
        %swap3A_1385 = tpu.vector_load %arg7[%swap3A_1382, %swap3A_1383, %swap3A_1384] {strides = array<i32>} : memref<4x2x128xi32, #tpu.memory_space<vmem>>, vector<16xi32>,
        tpu.vector_store %arg7[%swap3A_1382, %swap3A_1383, %swap3A_1384], %shift_right_arithmetic3A_1379 {strides = array<i32>} : memref<4x2x128xi32, #tpu.memory_space<vmem>>, vector<16xi32>,
        %and3A_1386 = arith.constant 16383 : i32
        %and3A_1387 = vector.broadcast %and3A_1386 : i32 to vector<16xi32>
        %and3A_1388 = arith.andi %get3A_1376, %and3A_1387 : vector<16xi32>
        %swap3A_1389 = arith.constant 3 : i32
        %swap3A_1390 = arith.constant 1 : i32
        %swap3A_1391 = arith.index_cast %swap3A_1389 : i32 to index
        %swap3A_1392 = arith.index_cast %swap3A_1390 : i32 to index
        %swap3A_1393 = arith.constant 32 : index
        %swap3A_1394 = tpu.vector_load %arg7[%swap3A_1391, %swap3A_1392, %swap3A_1393] {strides = array<i32>} : memref<4x2x128xi32, #tpu.memory_space<vmem>>, vector<16xi32>,
        tpu.vector_store %arg7[%swap3A_1391, %swap3A_1392, %swap3A_1393], %and3A_1388 {strides = array<i32>} : memref<4x2x128xi32, #tpu.memory_space<vmem>>, vector<16xi32>,
        %get3A_1395 = arith.constant 3 : i32
        %get3A_1396 = arith.index_cast %get3A_1395 : i32 to index
        %get3A_1397 = arith.constant 48 : index
        %get3A_1398 = tpu.vector_load %arg6[%get3A_1396, %get3A_1397] {strides = array<i32>} : memref<4x128xi32, #tpu.memory_space<vmem>>, vector<16xi32>,
        %shift_right_arithmetic3A_1399 = arith.constant 14 : i32
        %shift_right_arithmetic3A_1400 = vector.broadcast %shift_right_arithmetic3A_1399 : i32 to vector<16xi32>
        %shift_right_arithmetic3A_1401 = arith.shrsi %get3A_1398, %shift_right_arithmetic3A_1400 : vector<16xi32>
        %swap3A_1402 = arith.constant 3 : i32
        %swap3A_1403 = arith.constant 0 : i32
        %swap3A_1404 = arith.index_cast %swap3A_1402 : i32 to index
        %swap3A_1405 = arith.index_cast %swap3A_1403 : i32 to index
        %swap3A_1406 = arith.constant 48 : index
        %swap3A_1407 = tpu.vector_load %arg7[%swap3A_1404, %swap3A_1405, %swap3A_1406] {strides = array<i32>} : memref<4x2x128xi32, #tpu.memory_space<vmem>>, vector<16xi32>,
        tpu.vector_store %arg7[%swap3A_1404, %swap3A_1405, %swap3A_1406], %shift_right_arithmetic3A_1401 {strides = array<i32>} : memref<4x2x128xi32, #tpu.memory_space<vmem>>, vector<16xi32>,
        %and3A_1408 = arith.constant 16383 : i32
        %and3A_1409 = vector.broadcast %and3A_1408 : i32 to vector<16xi32>
        %and3A_1410 = arith.andi %get3A_1398, %and3A_1409 : vector<16xi32>
        %swap3A_1411 = arith.constant 3 : i32
        %swap3A_1412 = arith.constant 1 : i32
        %swap3A_1413 = arith.index_cast %swap3A_1411 : i32 to index
        %swap3A_1414 = arith.index_cast %swap3A_1412 : i32 to index
        %swap3A_1415 = arith.constant 48 : index
        %swap3A_1416 = tpu.vector_load %arg7[%swap3A_1413, %swap3A_1414, %swap3A_1415] {strides = array<i32>} : memref<4x2x128xi32, #tpu.memory_space<vmem>>, vector<16xi32>,
        tpu.vector_store %arg7[%swap3A_1413, %swap3A_1414, %swap3A_1415], %and3A_1410 {strides = array<i32>} : memref<4x2x128xi32, #tpu.memory_space<vmem>>, vector<16xi32>,
        %get3A_1417 = arith.constant 3 : i32
        %get3A_1418 = arith.index_cast %get3A_1417 : i32 to index
        %get3A_1419 = arith.constant 64 : index
        %get3A_1420 = tpu.vector_load %arg6[%get3A_1418, %get3A_1419] {strides = array<i32>} : memref<4x128xi32, #tpu.memory_space<vmem>>, vector<16xi32>,
        %shift_right_arithmetic3A_1421 = arith.constant 14 : i32
        %shift_right_arithmetic3A_1422 = vector.broadcast %shift_right_arithmetic3A_1421 : i32 to vector<16xi32>
        %shift_right_arithmetic3A_1423 = arith.shrsi %get3A_1420, %shift_right_arithmetic3A_1422 : vector<16xi32>
        %swap3A_1424 = arith.constant 3 : i32
        %swap3A_1425 = arith.constant 0 : i32
        %swap3A_1426 = arith.index_cast %swap3A_1424 : i32 to index
        %swap3A_1427 = arith.index_cast %swap3A_1425 : i32 to index
        %swap3A_1428 = arith.constant 64 : index
        %swap3A_1429 = tpu.vector_load %arg7[%swap3A_1426, %swap3A_1427, %swap3A_1428] {strides = array<i32>} : memref<4x2x128xi32, #tpu.memory_space<vmem>>, vector<16xi32>,
        tpu.vector_store %arg7[%swap3A_1426, %swap3A_1427, %swap3A_1428], %shift_right_arithmetic3A_1423 {strides = array<i32>} : memref<4x2x128xi32, #tpu.memory_space<vmem>>, vector<16xi32>,
        %and3A_1430 = arith.constant 16383 : i32
        %and3A_1431 = vector.broadcast %and3A_1430 : i32 to vector<16xi32>
        %and3A_1432 = arith.andi %get3A_1420, %and3A_1431 : vector<16xi32>
        %swap3A_1433 = arith.constant 3 : i32
        %swap3A_1434 = arith.constant 1 : i32
        %swap3A_1435 = arith.index_cast %swap3A_1433 : i32 to index
        %swap3A_1436 = arith.index_cast %swap3A_1434 : i32 to index
        %swap3A_1437 = arith.constant 64 : index
        %swap3A_1438 = tpu.vector_load %arg7[%swap3A_1435, %swap3A_1436, %swap3A_1437] {strides = array<i32>} : memref<4x2x128xi32, #tpu.memory_space<vmem>>, vector<16xi32>,
        tpu.vector_store %arg7[%swap3A_1435, %swap3A_1436, %swap3A_1437], %and3A_1432 {strides = array<i32>} : memref<4x2x128xi32, #tpu.memory_space<vmem>>, vector<16xi32>,
        %get3A_1439 = arith.constant 3 : i32
        %get3A_1440 = arith.index_cast %get3A_1439 : i32 to index
        %get3A_1441 = arith.constant 80 : index
        %get3A_1442 = tpu.vector_load %arg6[%get3A_1440, %get3A_1441] {strides = array<i32>} : memref<4x128xi32, #tpu.memory_space<vmem>>, vector<16xi32>,
        %shift_right_arithmetic3A_1443 = arith.constant 14 : i32
        %shift_right_arithmetic3A_1444 = vector.broadcast %shift_right_arithmetic3A_1443 : i32 to vector<16xi32>
        %shift_right_arithmetic3A_1445 = arith.shrsi %get3A_1442, %shift_right_arithmetic3A_1444 : vector<16xi32>
        %swap3A_1446 = arith.constant 3 : i32
        %swap3A_1447 = arith.constant 0 : i32
        %swap3A_1448 = arith.index_cast %swap3A_1446 : i32 to index
        %swap3A_1449 = arith.index_cast %swap3A_1447 : i32 to index
        %swap3A_1450 = arith.constant 80 : index
        %swap3A_1451 = tpu.vector_load %arg7[%swap3A_1448, %swap3A_1449, %swap3A_1450] {strides = array<i32>} : memref<4x2x128xi32, #tpu.memory_space<vmem>>, vector<16xi32>,
        tpu.vector_store %arg7[%swap3A_1448, %swap3A_1449, %swap3A_1450], %shift_right_arithmetic3A_1445 {strides = array<i32>} : memref<4x2x128xi32, #tpu.memory_space<vmem>>, vector<16xi32>,
        %and3A_1452 = arith.constant 16383 : i32
        %and3A_1453 = vector.broadcast %and3A_1452 : i32 to vector<16xi32>
        %and3A_1454 = arith.andi %get3A_1442, %and3A_1453 : vector<16xi32>
        %swap3A_1455 = arith.constant 3 : i32
        %swap3A_1456 = arith.constant 1 : i32
        %swap3A_1457 = arith.index_cast %swap3A_1455 : i32 to index
        %swap3A_1458 = arith.index_cast %swap3A_1456 : i32 to index
        %swap3A_1459 = arith.constant 80 : index
        %swap3A_1460 = tpu.vector_load %arg7[%swap3A_1457, %swap3A_1458, %swap3A_1459] {strides = array<i32>} : memref<4x2x128xi32, #tpu.memory_space<vmem>>, vector<16xi32>,
        tpu.vector_store %arg7[%swap3A_1457, %swap3A_1458, %swap3A_1459], %and3A_1454 {strides = array<i32>} : memref<4x2x128xi32, #tpu.memory_space<vmem>>, vector<16xi32>,
        %get3A_1461 = arith.constant 3 : i32
        %get3A_1462 = arith.index_cast %get3A_1461 : i32 to index
        %get3A_1463 = arith.constant 96 : index
        %get3A_1464 = tpu.vector_load %arg6[%get3A_1462, %get3A_1463] {strides = array<i32>} : memref<4x128xi32, #tpu.memory_space<vmem>>, vector<16xi32>,
        %shift_right_arithmetic3A_1465 = arith.constant 14 : i32
        %shift_right_arithmetic3A_1466 = vector.broadcast %shift_right_arithmetic3A_1465 : i32 to vector<16xi32>
        %shift_right_arithmetic3A_1467 = arith.shrsi %get3A_1464, %shift_right_arithmetic3A_1466 : vector<16xi32>
        %swap3A_1468 = arith.constant 3 : i32
        %swap3A_1469 = arith.constant 0 : i32
        %swap3A_1470 = arith.index_cast %swap3A_1468 : i32 to index
        %swap3A_1471 = arith.index_cast %swap3A_1469 : i32 to index
        %swap3A_1472 = arith.constant 96 : index
        %swap3A_1473 = tpu.vector_load %arg7[%swap3A_1470, %swap3A_1471, %swap3A_1472] {strides = array<i32>} : memref<4x2x128xi32, #tpu.memory_space<vmem>>, vector<16xi32>,
        tpu.vector_store %arg7[%swap3A_1470, %swap3A_1471, %swap3A_1472], %shift_right_arithmetic3A_1467 {strides = array<i32>} : memref<4x2x128xi32, #tpu.memory_space<vmem>>, vector<16xi32>,
        %and3A_1474 = arith.constant 16383 : i32
        %and3A_1475 = vector.broadcast %and3A_1474 : i32 to vector<16xi32>
        %and3A_1476 = arith.andi %get3A_1464, %and3A_1475 : vector<16xi32>
        %swap3A_1477 = arith.constant 3 : i32
        %swap3A_1478 = arith.constant 1 : i32
        %swap3A_1479 = arith.index_cast %swap3A_1477 : i32 to index
        %swap3A_1480 = arith.index_cast %swap3A_1478 : i32 to index
        %swap3A_1481 = arith.constant 96 : index
        %swap3A_1482 = tpu.vector_load %arg7[%swap3A_1479, %swap3A_1480, %swap3A_1481] {strides = array<i32>} : memref<4x2x128xi32, #tpu.memory_space<vmem>>, vector<16xi32>,
        tpu.vector_store %arg7[%swap3A_1479, %swap3A_1480, %swap3A_1481], %and3A_1476 {strides = array<i32>} : memref<4x2x128xi32, #tpu.memory_space<vmem>>, vector<16xi32>,
        %get3A_1483 = arith.constant 3 : i32
        %get3A_1484 = arith.index_cast %get3A_1483 : i32 to index
        %get3A_1485 = arith.constant 112 : index
        %get3A_1486 = tpu.vector_load %arg6[%get3A_1484, %get3A_1485] {strides = array<i32>} : memref<4x128xi32, #tpu.memory_space<vmem>>, vector<16xi32>,
        %shift_right_arithmetic3A_1487 = arith.constant 14 : i32
        %shift_right_arithmetic3A_1488 = vector.broadcast %shift_right_arithmetic3A_1487 : i32 to vector<16xi32>
        %shift_right_arithmetic3A_1489 = arith.shrsi %get3A_1486, %shift_right_arithmetic3A_1488 : vector<16xi32>
        %swap3A_1490 = arith.constant 3 : i32
        %swap3A_1491 = arith.constant 0 : i32
        %swap3A_1492 = arith.index_cast %swap3A_1490 : i32 to index
        %swap3A_1493 = arith.index_cast %swap3A_1491 : i32 to index
        %swap3A_1494 = arith.constant 112 : index
        %swap3A_1495 = tpu.vector_load %arg7[%swap3A_1492, %swap3A_1493, %swap3A_1494] {strides = array<i32>} : memref<4x2x128xi32, #tpu.memory_space<vmem>>, vector<16xi32>,
        tpu.vector_store %arg7[%swap3A_1492, %swap3A_1493, %swap3A_1494], %shift_right_arithmetic3A_1489 {strides = array<i32>} : memref<4x2x128xi32, #tpu.memory_space<vmem>>, vector<16xi32>,
        %and3A_1496 = arith.constant 16383 : i32
        %and3A_1497 = vector.broadcast %and3A_1496 : i32 to vector<16xi32>
        %and3A_1498 = arith.andi %get3A_1486, %and3A_1497 : vector<16xi32>
        %swap3A_1499 = arith.constant 3 : i32
        %swap3A_1500 = arith.constant 1 : i32
        %swap3A_1501 = arith.index_cast %swap3A_1499 : i32 to index
        %swap3A_1502 = arith.index_cast %swap3A_1500 : i32 to index
        %swap3A_1503 = arith.constant 112 : index
        %swap3A_1504 = tpu.vector_load %arg7[%swap3A_1501, %swap3A_1502, %swap3A_1503] {strides = array<i32>} : memref<4x2x128xi32, #tpu.memory_space<vmem>>, vector<16xi32>,
        tpu.vector_store %arg7[%swap3A_1501, %swap3A_1502, %swap3A_1503], %and3A_1498 {strides = array<i32>} : memref<4x2x128xi32, #tpu.memory_space<vmem>>, vector<16xi32>,
        %dma_start3A_1505 = arith.constant 3 : i32
        %dma_start3A_1506 = arith.constant 0 : i32
        %dma_start3A_1507 = arith.constant 0 : i32
        %dma_start3A_1508 = tpu.memref_slice %arg7[%dma_start3A_1505, %dma_start3A_1506, %dma_start3A_1507] : memref<4x2x128xi32, #tpu.memory_space<vmem>> -> memref<1x1x128xi32, #tpu.memory_space<vmem>>
        %dma_start3A_1509 = tpu.memref_squeeze %dma_start3A_1508 : memref<1x1x128xi32, #tpu.memory_space<vmem>> -> memref<128xi32, #tpu.memory_space<vmem>>
        %dma_start3A_1510 = arith.constant 0 : i32
        %dma_start3A_1511 = arith.constant 0 : i32
        %dma_start3A_1512 = tpu.memref_slice %arg2[%dma_start3A_1510, %dma_start3A_1511] : memref<10240x128xbf16, #tpu.memory_space<hbm>> -> memref<10240x128xbf16, #tpu.memory_space<hbm>>
        tpu.enqueue_indirect_dma source(%dma_start3A_1512 : memref<10240x128xbf16, #tpu.memory_space<hbm>>) target(%arg11 : memref<128x128xbf16, #tpu.memory_space<vmem>>) offsets(%dma_start3A_1509 : memref<128xi32, #tpu.memory_space<vmem>>) semaphore(%arg21 : memref<!tpu.dma_semaphore, #tpu.memory_space<semaphore_mem>>)
      } else {
      }
      %add3A_886 = arith.constant 0 : i32
      %add3A_887 = arith.addi %mul3A_755, %add3A_886 : i32
      %add3A_888 = arith.constant 5 : i32
      %add3A_889 = arith.addi %add3A_887, %add3A_888 : i32
      %lt3A_890 = arith.constant 80 : i32
      %lt3A_891 = arith.cmpi slt, %add3A_889, %lt3A_890 : i32
      %convert_element_type3A_892 = arith.extui %lt3A_891 : i1 to i32
      %cond3A_893 = arith.constant 0 : i32
      %cond3A_894 = arith.cmpi ne, %convert_element_type3A_892, %cond3A_893 : i32
      scf.if %cond3A_894 {
        %mul3A_1315 = arith.constant 80 : i32
        %mul3A_1316 = arith.muli %add3A, %mul3A_1315 : i32
        %add3A_1317 = arith.addi %mul3A_1316, %add3A_889 : i32
        %dma_start3A_1318 = arith.constant 1 : i32
        %dma_start3A_1319 = arith.constant 0 : i32
        %dma_start3A_1320 = tpu.memref_slice %arg6[%dma_start3A_1318, %dma_start3A_1319] : memref<4x128xi32, #tpu.memory_space<vmem>> -> memref<1x128xi32, #tpu.memory_space<vmem>>
        %dma_start3A_1321 = tpu.memref_squeeze %dma_start3A_1320 : memref<1x128xi32, #tpu.memory_space<vmem>> -> memref<128xi32, #tpu.memory_space<vmem>>
        %dma_start3A_1322 = arith.constant 0 : i32
        %dma_start3A_1323 = tpu.memref_slice %arg3[%add3A_1317, %dma_start3A_1322] : memref<2560x128xi32, #tpu.memory_space<hbm>> -> memref<1x128xi32, #tpu.memory_space<hbm>>
        %dma_start3A_1324 = tpu.memref_squeeze %dma_start3A_1323 : memref<1x128xi32, #tpu.memory_space<hbm>> -> memref<128xi32, #tpu.memory_space<hbm>>
        %dma_start3A_1325 = arith.constant 0 : i32
        %dma_start3A_1326 = tpu.memref_slice %arg6[%dma_start3A_1318, %dma_start3A_1325] : memref<4x128xi32, #tpu.memory_space<vmem>> -> memref<1x128xi32, #tpu.memory_space<vmem>>
        %dma_start3A_1327 = tpu.memref_squeeze %dma_start3A_1326 : memref<1x128xi32, #tpu.memory_space<vmem>> -> memref<128xi32, #tpu.memory_space<vmem>>
        %dma_start3A_1328 = arith.constant 0 : i32
        %dma_start3A_1329 = tpu.memref_slice %arg3[%add3A_1317, %dma_start3A_1328] : memref<2560x128xi32, #tpu.memory_space<hbm>> -> memref<1x128xi32, #tpu.memory_space<hbm>>
        %dma_start3A_1330 = tpu.memref_squeeze %dma_start3A_1329 : memref<1x128xi32, #tpu.memory_space<hbm>> -> memref<128xi32, #tpu.memory_space<hbm>>
        tpu.enqueue_dma source(%dma_start3A_1330 : memref<128xi32, #tpu.memory_space<hbm>>) target(%dma_start3A_1327 : memref<128xi32, #tpu.memory_space<vmem>>) target_semaphore(%arg23 : memref<!tpu.dma_semaphore, #tpu.memory_space<semaphore_mem>>)
      } else {
      }
      %dma_wait3A_895 = arith.constant 1 : i32
      %dma_wait3A_896 = arith.constant 0 : i32
      %dma_wait3A_897 = arith.constant 0 : i32
      %dma_wait3A_898 = tpu.memref_slice %arg7[%dma_wait3A_895, %dma_wait3A_896, %dma_wait3A_897] : memref<4x2x128xi32, #tpu.memory_space<vmem>> -> memref<1x1x128xi32, #tpu.memory_space<vmem>>
      %dma_wait3A_899 = tpu.memref_squeeze %dma_wait3A_898 : memref<1x1x128xi32, #tpu.memory_space<vmem>> -> memref<128xi32, #tpu.memory_space<vmem>>
      %dma_wait3A_900 = arith.constant 0 : i32
      %dma_wait3A_901 = arith.constant 0 : i32
      %dma_wait3A_902 = tpu.memref_slice %arg2[%dma_wait3A_900, %dma_wait3A_901] : memref<10240x128xbf16, #tpu.memory_space<hbm>> -> memref<10240x128xbf16, #tpu.memory_space<hbm>>
      tpu.wait_indirect_dma semaphore(%arg19 : memref<!tpu.dma_semaphore, #tpu.memory_space<semaphore_mem>>) src(%dma_wait3A_902 : memref<10240x128xbf16, #tpu.memory_space<hbm>>) dst(%arg9 : memref<128x128xbf16, #tpu.memory_space<vmem>>)
      %run_scoped3A_903 = arith.constant 1 : i32
      %run_scoped3A_904 = arith.constant 1 : i32
      "tpu.region"() ({
        %run_scoped3A_1315 = tpu.sem_alloc : memref<!tpu.dma_semaphore, #tpu.memory_space<semaphore_mem>>
        %dma_start3A_1316 = arith.constant 0 : i32
        %dma_start3A_1317 = tpu.memref_slice %arg7[%run_scoped3A_903, %run_scoped3A_904, %dma_start3A_1316] : memref<4x2x128xi32, #tpu.memory_space<vmem>> -> memref<1x1x128xi32, #tpu.memory_space<vmem>>
        %dma_start3A_1318 = tpu.memref_squeeze %dma_start3A_1317 : memref<1x1x128xi32, #tpu.memory_space<vmem>> -> memref<128xi32, #tpu.memory_space<vmem>>
        %dma_start3A_1319 = arith.constant 0 : i32
        %dma_start3A_1320 = arith.constant 0 : i32
        %dma_start3A_1321 = tpu.memref_slice %arg16[%dma_start3A_1319, %dma_start3A_1320] : memref<10240x128xbf16, #tpu.memory_space<vmem_shared>> -> memref<10240x128xbf16, #tpu.memory_space<vmem_shared>>
        tpu.enqueue_indirect_dma source(%arg9 : memref<128x128xbf16, #tpu.memory_space<vmem>>) target(%dma_start3A_1321 : memref<10240x128xbf16, #tpu.memory_space<vmem_shared>>) offsets(%dma_start3A_1318 : memref<128xi32, #tpu.memory_space<vmem>>) semaphore(%run_scoped3A_1315 : memref<!tpu.dma_semaphore, #tpu.memory_space<semaphore_mem>>) {add = true}
        %dma_wait3A_1322 = arith.constant 0 : i32
        %dma_wait3A_1323 = tpu.memref_slice %arg7[%run_scoped3A_903, %run_scoped3A_904, %dma_wait3A_1322] : memref<4x2x128xi32, #tpu.memory_space<vmem>> -> memref<1x1x128xi32, #tpu.memory_space<vmem>>
        %dma_wait3A_1324 = tpu.memref_squeeze %dma_wait3A_1323 : memref<1x1x128xi32, #tpu.memory_space<vmem>> -> memref<128xi32, #tpu.memory_space<vmem>>
        %dma_wait3A_1325 = arith.constant 0 : i32
        %dma_wait3A_1326 = arith.constant 0 : i32
        %dma_wait3A_1327 = tpu.memref_slice %arg16[%dma_wait3A_1325, %dma_wait3A_1326] : memref<10240x128xbf16, #tpu.memory_space<vmem_shared>> -> memref<10240x128xbf16, #tpu.memory_space<vmem_shared>>
        tpu.wait_indirect_dma semaphore(%run_scoped3A_1315 : memref<!tpu.dma_semaphore, #tpu.memory_space<semaphore_mem>>) src(%arg9 : memref<128x128xbf16, #tpu.memory_space<vmem>>) dst(%dma_wait3A_1327 : memref<10240x128xbf16, #tpu.memory_space<vmem_shared>>)
        tpu.yield
      }) : () -> ()
      %get3A_905 = arith.constant 1 : i32
      %get3A_906 = arith.constant 1 : i32
      %get3A_907 = arith.index_cast %get3A_905 : i32 to index
      %get3A_908 = arith.index_cast %get3A_906 : i32 to index
      %get3A_909 = arith.constant 0 : index
      %get3A_910 = tpu.vector_load %arg7[%get3A_907, %get3A_908, %get3A_909] {strides = array<i32>} : memref<4x2x128xi32, #tpu.memory_space<vmem>>, vector<16xi32>,
      %shift_right_arithmetic3A_911 = arith.constant 7 : i32
      %shift_right_arithmetic3A_912 = vector.broadcast %shift_right_arithmetic3A_911 : i32 to vector<16xi32>
      %shift_right_arithmetic3A_913 = arith.shrsi %get3A_910, %shift_right_arithmetic3A_912 : vector<16xi32>
      %and3A_914 = arith.constant 127 : i32
      %and3A_915 = vector.broadcast %and3A_914 : i32 to vector<16xi32>
      %and3A_916 = arith.andi %get3A_910, %and3A_915 : vector<16xi32>
      %broadcast_in_dim3A_917 = arith.constant 1.000000e+00 : f32
      %broadcast_in_dim3A_918 = vector.broadcast %broadcast_in_dim3A_917 : f32 to vector<16xf32>
      tpu.vector_store_idx %arg13[%shift_right_arithmetic3A_913, %and3A_916], %broadcast_in_dim3A_918 {add = true} : memref<80x128xf32, #tpu.memory_space<vmem>>[vector<16xi32>, vector<16xi32>], vector<16xf32>,
      %get3A_919 = arith.constant 1 : i32
      %get3A_920 = arith.constant 1 : i32
      %get3A_921 = arith.index_cast %get3A_919 : i32 to index
      %get3A_922 = arith.index_cast %get3A_920 : i32 to index
      %get3A_923 = arith.constant 16 : index
      %get3A_924 = tpu.vector_load %arg7[%get3A_921, %get3A_922, %get3A_923] {strides = array<i32>} : memref<4x2x128xi32, #tpu.memory_space<vmem>>, vector<16xi32>,
      %shift_right_arithmetic3A_925 = arith.constant 7 : i32
      %shift_right_arithmetic3A_926 = vector.broadcast %shift_right_arithmetic3A_925 : i32 to vector<16xi32>
      %shift_right_arithmetic3A_927 = arith.shrsi %get3A_924, %shift_right_arithmetic3A_926 : vector<16xi32>
      %and3A_928 = arith.constant 127 : i32
      %and3A_929 = vector.broadcast %and3A_928 : i32 to vector<16xi32>
      %and3A_930 = arith.andi %get3A_924, %and3A_929 : vector<16xi32>
      %broadcast_in_dim3A_931 = arith.constant 1.000000e+00 : f32
      %broadcast_in_dim3A_932 = vector.broadcast %broadcast_in_dim3A_931 : f32 to vector<16xf32>
      tpu.vector_store_idx %arg13[%shift_right_arithmetic3A_927, %and3A_930], %broadcast_in_dim3A_932 {add = true} : memref<80x128xf32, #tpu.memory_space<vmem>>[vector<16xi32>, vector<16xi32>], vector<16xf32>,
      %get3A_933 = arith.constant 1 : i32
      %get3A_934 = arith.constant 1 : i32
      %get3A_935 = arith.index_cast %get3A_933 : i32 to index
      %get3A_936 = arith.index_cast %get3A_934 : i32 to index
      %get3A_937 = arith.constant 32 : index
      %get3A_938 = tpu.vector_load %arg7[%get3A_935, %get3A_936, %get3A_937] {strides = array<i32>} : memref<4x2x128xi32, #tpu.memory_space<vmem>>, vector<16xi32>,
      %shift_right_arithmetic3A_939 = arith.constant 7 : i32
      %shift_right_arithmetic3A_940 = vector.broadcast %shift_right_arithmetic3A_939 : i32 to vector<16xi32>
      %shift_right_arithmetic3A_941 = arith.shrsi %get3A_938, %shift_right_arithmetic3A_940 : vector<16xi32>
      %and3A_942 = arith.constant 127 : i32
      %and3A_943 = vector.broadcast %and3A_942 : i32 to vector<16xi32>
      %and3A_944 = arith.andi %get3A_938, %and3A_943 : vector<16xi32>
      %broadcast_in_dim3A_945 = arith.constant 1.000000e+00 : f32
      %broadcast_in_dim3A_946 = vector.broadcast %broadcast_in_dim3A_945 : f32 to vector<16xf32>
      tpu.vector_store_idx %arg13[%shift_right_arithmetic3A_941, %and3A_944], %broadcast_in_dim3A_946 {add = true} : memref<80x128xf32, #tpu.memory_space<vmem>>[vector<16xi32>, vector<16xi32>], vector<16xf32>,
      %get3A_947 = arith.constant 1 : i32
      %get3A_948 = arith.constant 1 : i32
      %get3A_949 = arith.index_cast %get3A_947 : i32 to index
      %get3A_950 = arith.index_cast %get3A_948 : i32 to index
      %get3A_951 = arith.constant 48 : index
      %get3A_952 = tpu.vector_load %arg7[%get3A_949, %get3A_950, %get3A_951] {strides = array<i32>} : memref<4x2x128xi32, #tpu.memory_space<vmem>>, vector<16xi32>,
      %shift_right_arithmetic3A_953 = arith.constant 7 : i32
      %shift_right_arithmetic3A_954 = vector.broadcast %shift_right_arithmetic3A_953 : i32 to vector<16xi32>
      %shift_right_arithmetic3A_955 = arith.shrsi %get3A_952, %shift_right_arithmetic3A_954 : vector<16xi32>
      %and3A_956 = arith.constant 127 : i32
      %and3A_957 = vector.broadcast %and3A_956 : i32 to vector<16xi32>
      %and3A_958 = arith.andi %get3A_952, %and3A_957 : vector<16xi32>
      %broadcast_in_dim3A_959 = arith.constant 1.000000e+00 : f32
      %broadcast_in_dim3A_960 = vector.broadcast %broadcast_in_dim3A_959 : f32 to vector<16xf32>
      tpu.vector_store_idx %arg13[%shift_right_arithmetic3A_955, %and3A_958], %broadcast_in_dim3A_960 {add = true} : memref<80x128xf32, #tpu.memory_space<vmem>>[vector<16xi32>, vector<16xi32>], vector<16xf32>,
      %get3A_961 = arith.constant 1 : i32
      %get3A_962 = arith.constant 1 : i32
      %get3A_963 = arith.index_cast %get3A_961 : i32 to index
      %get3A_964 = arith.index_cast %get3A_962 : i32 to index
      %get3A_965 = arith.constant 64 : index
      %get3A_966 = tpu.vector_load %arg7[%get3A_963, %get3A_964, %get3A_965] {strides = array<i32>} : memref<4x2x128xi32, #tpu.memory_space<vmem>>, vector<16xi32>,
      %shift_right_arithmetic3A_967 = arith.constant 7 : i32
      %shift_right_arithmetic3A_968 = vector.broadcast %shift_right_arithmetic3A_967 : i32 to vector<16xi32>
      %shift_right_arithmetic3A_969 = arith.shrsi %get3A_966, %shift_right_arithmetic3A_968 : vector<16xi32>
      %and3A_970 = arith.constant 127 : i32
      %and3A_971 = vector.broadcast %and3A_970 : i32 to vector<16xi32>
      %and3A_972 = arith.andi %get3A_966, %and3A_971 : vector<16xi32>
      %broadcast_in_dim3A_973 = arith.constant 1.000000e+00 : f32
      %broadcast_in_dim3A_974 = vector.broadcast %broadcast_in_dim3A_973 : f32 to vector<16xf32>
      tpu.vector_store_idx %arg13[%shift_right_arithmetic3A_969, %and3A_972], %broadcast_in_dim3A_974 {add = true} : memref<80x128xf32, #tpu.memory_space<vmem>>[vector<16xi32>, vector<16xi32>], vector<16xf32>,
      %get3A_975 = arith.constant 1 : i32
      %get3A_976 = arith.constant 1 : i32
      %get3A_977 = arith.index_cast %get3A_975 : i32 to index
      %get3A_978 = arith.index_cast %get3A_976 : i32 to index
      %get3A_979 = arith.constant 80 : index
      %get3A_980 = tpu.vector_load %arg7[%get3A_977, %get3A_978, %get3A_979] {strides = array<i32>} : memref<4x2x128xi32, #tpu.memory_space<vmem>>, vector<16xi32>,
      %shift_right_arithmetic3A_981 = arith.constant 7 : i32
      %shift_right_arithmetic3A_982 = vector.broadcast %shift_right_arithmetic3A_981 : i32 to vector<16xi32>
      %shift_right_arithmetic3A_983 = arith.shrsi %get3A_980, %shift_right_arithmetic3A_982 : vector<16xi32>
      %and3A_984 = arith.constant 127 : i32
      %and3A_985 = vector.broadcast %and3A_984 : i32 to vector<16xi32>
      %and3A_986 = arith.andi %get3A_980, %and3A_985 : vector<16xi32>
      %broadcast_in_dim3A_987 = arith.constant 1.000000e+00 : f32
      %broadcast_in_dim3A_988 = vector.broadcast %broadcast_in_dim3A_987 : f32 to vector<16xf32>
      tpu.vector_store_idx %arg13[%shift_right_arithmetic3A_983, %and3A_986], %broadcast_in_dim3A_988 {add = true} : memref<80x128xf32, #tpu.memory_space<vmem>>[vector<16xi32>, vector<16xi32>], vector<16xf32>,
      %get3A_989 = arith.constant 1 : i32
      %get3A_990 = arith.constant 1 : i32
      %get3A_991 = arith.index_cast %get3A_989 : i32 to index
      %get3A_992 = arith.index_cast %get3A_990 : i32 to index
      %get3A_993 = arith.constant 96 : index
      %get3A_994 = tpu.vector_load %arg7[%get3A_991, %get3A_992, %get3A_993] {strides = array<i32>} : memref<4x2x128xi32, #tpu.memory_space<vmem>>, vector<16xi32>,
      %shift_right_arithmetic3A_995 = arith.constant 7 : i32
      %shift_right_arithmetic3A_996 = vector.broadcast %shift_right_arithmetic3A_995 : i32 to vector<16xi32>
      %shift_right_arithmetic3A_997 = arith.shrsi %get3A_994, %shift_right_arithmetic3A_996 : vector<16xi32>
      %and3A_998 = arith.constant 127 : i32
      %and3A_999 = vector.broadcast %and3A_998 : i32 to vector<16xi32>
      %and3A_1000 = arith.andi %get3A_994, %and3A_999 : vector<16xi32>
      %broadcast_in_dim3A_1001 = arith.constant 1.000000e+00 : f32
      %broadcast_in_dim3A_1002 = vector.broadcast %broadcast_in_dim3A_1001 : f32 to vector<16xf32>
      tpu.vector_store_idx %arg13[%shift_right_arithmetic3A_997, %and3A_1000], %broadcast_in_dim3A_1002 {add = true} : memref<80x128xf32, #tpu.memory_space<vmem>>[vector<16xi32>, vector<16xi32>], vector<16xf32>,
      %get3A_1003 = arith.constant 1 : i32
      %get3A_1004 = arith.constant 1 : i32
      %get3A_1005 = arith.index_cast %get3A_1003 : i32 to index
      %get3A_1006 = arith.index_cast %get3A_1004 : i32 to index
      %get3A_1007 = arith.constant 112 : index
      %get3A_1008 = tpu.vector_load %arg7[%get3A_1005, %get3A_1006, %get3A_1007] {strides = array<i32>} : memref<4x2x128xi32, #tpu.memory_space<vmem>>, vector<16xi32>,
      %shift_right_arithmetic3A_1009 = arith.constant 7 : i32
      %shift_right_arithmetic3A_1010 = vector.broadcast %shift_right_arithmetic3A_1009 : i32 to vector<16xi32>
      %shift_right_arithmetic3A_1011 = arith.shrsi %get3A_1008, %shift_right_arithmetic3A_1010 : vector<16xi32>
      %and3A_1012 = arith.constant 127 : i32
      %and3A_1013 = vector.broadcast %and3A_1012 : i32 to vector<16xi32>
      %and3A_1014 = arith.andi %get3A_1008, %and3A_1013 : vector<16xi32>
      %broadcast_in_dim3A_1015 = arith.constant 1.000000e+00 : f32
      %broadcast_in_dim3A_1016 = vector.broadcast %broadcast_in_dim3A_1015 : f32 to vector<16xf32>
      tpu.vector_store_idx %arg13[%shift_right_arithmetic3A_1011, %and3A_1014], %broadcast_in_dim3A_1016 {add = true} : memref<80x128xf32, #tpu.memory_space<vmem>>[vector<16xi32>, vector<16xi32>], vector<16xf32>,
      %add3A_1017 = arith.constant 1 : i32
      %add3A_1018 = arith.addi %mul3A_755, %add3A_1017 : i32
      %add3A_1019 = arith.constant 3 : i32
      %add3A_1020 = arith.addi %add3A_1018, %add3A_1019 : i32
      %lt3A_1021 = arith.constant 80 : i32
      %lt3A_1022 = arith.cmpi slt, %add3A_1020, %lt3A_1021 : i32
      %convert_element_type3A_1023 = arith.extui %lt3A_1022 : i1 to i32
      %cond3A_1024 = arith.constant 0 : i32
      %cond3A_1025 = arith.cmpi ne, %convert_element_type3A_1023, %cond3A_1024 : i32
      scf.if %cond3A_1025 {
        %dma_wait3A_1315 = arith.constant 0 : i32
        %dma_wait3A_1316 = arith.constant 0 : i32
        %dma_wait3A_1317 = arith.constant 0 : i32
        %dma_wait3A_1318 = tpu.memref_slice %arg6[%dma_wait3A_1316, %dma_wait3A_1317] : memref<4x128xi32, #tpu.memory_space<vmem>> -> memref<1x128xi32, #tpu.memory_space<vmem>>
        %dma_wait3A_1319 = tpu.memref_squeeze %dma_wait3A_1318 : memref<1x128xi32, #tpu.memory_space<vmem>> -> memref<128xi32, #tpu.memory_space<vmem>>
        %dma_wait3A_1320 = arith.constant 0 : i32
        %dma_wait3A_1321 = tpu.memref_slice %arg3[%dma_wait3A_1315, %dma_wait3A_1320] : memref<2560x128xi32, #tpu.memory_space<hbm>> -> memref<1x128xi32, #tpu.memory_space<hbm>>
        %dma_wait3A_1322 = tpu.memref_squeeze %dma_wait3A_1321 : memref<1x128xi32, #tpu.memory_space<hbm>> -> memref<128xi32, #tpu.memory_space<hbm>>
        %dma_wait3A_1323 = arith.constant 0 : i32
        %dma_wait3A_1324 = tpu.memref_slice %arg6[%dma_wait3A_1316, %dma_wait3A_1323] : memref<4x128xi32, #tpu.memory_space<vmem>> -> memref<1x128xi32, #tpu.memory_space<vmem>>
        %dma_wait3A_1325 = tpu.memref_squeeze %dma_wait3A_1324 : memref<1x128xi32, #tpu.memory_space<vmem>> -> memref<128xi32, #tpu.memory_space<vmem>>
        %dma_wait3A_1326 = arith.constant 0 : i32
        %dma_wait3A_1327 = tpu.memref_slice %arg3[%dma_wait3A_1315, %dma_wait3A_1326] : memref<2560x128xi32, #tpu.memory_space<hbm>> -> memref<1x128xi32, #tpu.memory_space<hbm>>
        %dma_wait3A_1328 = tpu.memref_squeeze %dma_wait3A_1327 : memref<1x128xi32, #tpu.memory_space<hbm>> -> memref<128xi32, #tpu.memory_space<hbm>>
        tpu.wait_dma2 semaphore(%arg22 : memref<!tpu.dma_semaphore, #tpu.memory_space<semaphore_mem>>) src(%dma_wait3A_1328 : memref<128xi32, #tpu.memory_space<hbm>>) dst(%dma_wait3A_1325 : memref<128xi32, #tpu.memory_space<vmem>>)
        %get3A_1329 = arith.constant 0 : i32
        %get3A_1330 = arith.index_cast %get3A_1329 : i32 to index
        %get3A_1331 = arith.constant 0 : index
        %get3A_1332 = tpu.vector_load %arg6[%get3A_1330, %get3A_1331] {strides = array<i32>} : memref<4x128xi32, #tpu.memory_space<vmem>>, vector<16xi32>,
        %shift_right_arithmetic3A_1333 = arith.constant 14 : i32
        %shift_right_arithmetic3A_1334 = vector.broadcast %shift_right_arithmetic3A_1333 : i32 to vector<16xi32>
        %shift_right_arithmetic3A_1335 = arith.shrsi %get3A_1332, %shift_right_arithmetic3A_1334 : vector<16xi32>
        %swap3A_1336 = arith.constant 0 : i32
        %swap3A_1337 = arith.constant 0 : i32
        %swap3A_1338 = arith.index_cast %swap3A_1336 : i32 to index
        %swap3A_1339 = arith.index_cast %swap3A_1337 : i32 to index
        %swap3A_1340 = arith.constant 0 : index
        %swap3A_1341 = tpu.vector_load %arg7[%swap3A_1338, %swap3A_1339, %swap3A_1340] {strides = array<i32>} : memref<4x2x128xi32, #tpu.memory_space<vmem>>, vector<16xi32>,
        tpu.vector_store %arg7[%swap3A_1338, %swap3A_1339, %swap3A_1340], %shift_right_arithmetic3A_1335 {strides = array<i32>} : memref<4x2x128xi32, #tpu.memory_space<vmem>>, vector<16xi32>,
        %and3A_1342 = arith.constant 16383 : i32
        %and3A_1343 = vector.broadcast %and3A_1342 : i32 to vector<16xi32>
        %and3A_1344 = arith.andi %get3A_1332, %and3A_1343 : vector<16xi32>
        %swap3A_1345 = arith.constant 0 : i32
        %swap3A_1346 = arith.constant 1 : i32
        %swap3A_1347 = arith.index_cast %swap3A_1345 : i32 to index
        %swap3A_1348 = arith.index_cast %swap3A_1346 : i32 to index
        %swap3A_1349 = arith.constant 0 : index
        %swap3A_1350 = tpu.vector_load %arg7[%swap3A_1347, %swap3A_1348, %swap3A_1349] {strides = array<i32>} : memref<4x2x128xi32, #tpu.memory_space<vmem>>, vector<16xi32>,
        tpu.vector_store %arg7[%swap3A_1347, %swap3A_1348, %swap3A_1349], %and3A_1344 {strides = array<i32>} : memref<4x2x128xi32, #tpu.memory_space<vmem>>, vector<16xi32>,
        %get3A_1351 = arith.constant 0 : i32
        %get3A_1352 = arith.index_cast %get3A_1351 : i32 to index
        %get3A_1353 = arith.constant 16 : index
        %get3A_1354 = tpu.vector_load %arg6[%get3A_1352, %get3A_1353] {strides = array<i32>} : memref<4x128xi32, #tpu.memory_space<vmem>>, vector<16xi32>,
        %shift_right_arithmetic3A_1355 = arith.constant 14 : i32
        %shift_right_arithmetic3A_1356 = vector.broadcast %shift_right_arithmetic3A_1355 : i32 to vector<16xi32>
        %shift_right_arithmetic3A_1357 = arith.shrsi %get3A_1354, %shift_right_arithmetic3A_1356 : vector<16xi32>
        %swap3A_1358 = arith.constant 0 : i32
        %swap3A_1359 = arith.constant 0 : i32
        %swap3A_1360 = arith.index_cast %swap3A_1358 : i32 to index
        %swap3A_1361 = arith.index_cast %swap3A_1359 : i32 to index
        %swap3A_1362 = arith.constant 16 : index
        %swap3A_1363 = tpu.vector_load %arg7[%swap3A_1360, %swap3A_1361, %swap3A_1362] {strides = array<i32>} : memref<4x2x128xi32, #tpu.memory_space<vmem>>, vector<16xi32>,
        tpu.vector_store %arg7[%swap3A_1360, %swap3A_1361, %swap3A_1362], %shift_right_arithmetic3A_1357 {strides = array<i32>} : memref<4x2x128xi32, #tpu.memory_space<vmem>>, vector<16xi32>,
        %and3A_1364 = arith.constant 16383 : i32
        %and3A_1365 = vector.broadcast %and3A_1364 : i32 to vector<16xi32>
        %and3A_1366 = arith.andi %get3A_1354, %and3A_1365 : vector<16xi32>
        %swap3A_1367 = arith.constant 0 : i32
        %swap3A_1368 = arith.constant 1 : i32
        %swap3A_1369 = arith.index_cast %swap3A_1367 : i32 to index
        %swap3A_1370 = arith.index_cast %swap3A_1368 : i32 to index
        %swap3A_1371 = arith.constant 16 : index
        %swap3A_1372 = tpu.vector_load %arg7[%swap3A_1369, %swap3A_1370, %swap3A_1371] {strides = array<i32>} : memref<4x2x128xi32, #tpu.memory_space<vmem>>, vector<16xi32>,
        tpu.vector_store %arg7[%swap3A_1369, %swap3A_1370, %swap3A_1371], %and3A_1366 {strides = array<i32>} : memref<4x2x128xi32, #tpu.memory_space<vmem>>, vector<16xi32>,
        %get3A_1373 = arith.constant 0 : i32
        %get3A_1374 = arith.index_cast %get3A_1373 : i32 to index
        %get3A_1375 = arith.constant 32 : index
        %get3A_1376 = tpu.vector_load %arg6[%get3A_1374, %get3A_1375] {strides = array<i32>} : memref<4x128xi32, #tpu.memory_space<vmem>>, vector<16xi32>,
        %shift_right_arithmetic3A_1377 = arith.constant 14 : i32
        %shift_right_arithmetic3A_1378 = vector.broadcast %shift_right_arithmetic3A_1377 : i32 to vector<16xi32>
        %shift_right_arithmetic3A_1379 = arith.shrsi %get3A_1376, %shift_right_arithmetic3A_1378 : vector<16xi32>
        %swap3A_1380 = arith.constant 0 : i32
        %swap3A_1381 = arith.constant 0 : i32
        %swap3A_1382 = arith.index_cast %swap3A_1380 : i32 to index
        %swap3A_1383 = arith.index_cast %swap3A_1381 : i32 to index
        %swap3A_1384 = arith.constant 32 : index
        %swap3A_1385 = tpu.vector_load %arg7[%swap3A_1382, %swap3A_1383, %swap3A_1384] {strides = array<i32>} : memref<4x2x128xi32, #tpu.memory_space<vmem>>, vector<16xi32>,
        tpu.vector_store %arg7[%swap3A_1382, %swap3A_1383, %swap3A_1384], %shift_right_arithmetic3A_1379 {strides = array<i32>} : memref<4x2x128xi32, #tpu.memory_space<vmem>>, vector<16xi32>,
        %and3A_1386 = arith.constant 16383 : i32
        %and3A_1387 = vector.broadcast %and3A_1386 : i32 to vector<16xi32>
        %and3A_1388 = arith.andi %get3A_1376, %and3A_1387 : vector<16xi32>
        %swap3A_1389 = arith.constant 0 : i32
        %swap3A_1390 = arith.constant 1 : i32
        %swap3A_1391 = arith.index_cast %swap3A_1389 : i32 to index
        %swap3A_1392 = arith.index_cast %swap3A_1390 : i32 to index
        %swap3A_1393 = arith.constant 32 : index
        %swap3A_1394 = tpu.vector_load %arg7[%swap3A_1391, %swap3A_1392, %swap3A_1393] {strides = array<i32>} : memref<4x2x128xi32, #tpu.memory_space<vmem>>, vector<16xi32>,
        tpu.vector_store %arg7[%swap3A_1391, %swap3A_1392, %swap3A_1393], %and3A_1388 {strides = array<i32>} : memref<4x2x128xi32, #tpu.memory_space<vmem>>, vector<16xi32>,
        %get3A_1395 = arith.constant 0 : i32
        %get3A_1396 = arith.index_cast %get3A_1395 : i32 to index
        %get3A_1397 = arith.constant 48 : index
        %get3A_1398 = tpu.vector_load %arg6[%get3A_1396, %get3A_1397] {strides = array<i32>} : memref<4x128xi32, #tpu.memory_space<vmem>>, vector<16xi32>,
        %shift_right_arithmetic3A_1399 = arith.constant 14 : i32
        %shift_right_arithmetic3A_1400 = vector.broadcast %shift_right_arithmetic3A_1399 : i32 to vector<16xi32>
        %shift_right_arithmetic3A_1401 = arith.shrsi %get3A_1398, %shift_right_arithmetic3A_1400 : vector<16xi32>
        %swap3A_1402 = arith.constant 0 : i32
        %swap3A_1403 = arith.constant 0 : i32
        %swap3A_1404 = arith.index_cast %swap3A_1402 : i32 to index
        %swap3A_1405 = arith.index_cast %swap3A_1403 : i32 to index
        %swap3A_1406 = arith.constant 48 : index
        %swap3A_1407 = tpu.vector_load %arg7[%swap3A_1404, %swap3A_1405, %swap3A_1406] {strides = array<i32>} : memref<4x2x128xi32, #tpu.memory_space<vmem>>, vector<16xi32>,
        tpu.vector_store %arg7[%swap3A_1404, %swap3A_1405, %swap3A_1406], %shift_right_arithmetic3A_1401 {strides = array<i32>} : memref<4x2x128xi32, #tpu.memory_space<vmem>>, vector<16xi32>,
        %and3A_1408 = arith.constant 16383 : i32
        %and3A_1409 = vector.broadcast %and3A_1408 : i32 to vector<16xi32>
        %and3A_1410 = arith.andi %get3A_1398, %and3A_1409 : vector<16xi32>
        %swap3A_1411 = arith.constant 0 : i32
        %swap3A_1412 = arith.constant 1 : i32
        %swap3A_1413 = arith.index_cast %swap3A_1411 : i32 to index
        %swap3A_1414 = arith.index_cast %swap3A_1412 : i32 to index
        %swap3A_1415 = arith.constant 48 : index
        %swap3A_1416 = tpu.vector_load %arg7[%swap3A_1413, %swap3A_1414, %swap3A_1415] {strides = array<i32>} : memref<4x2x128xi32, #tpu.memory_space<vmem>>, vector<16xi32>,
        tpu.vector_store %arg7[%swap3A_1413, %swap3A_1414, %swap3A_1415], %and3A_1410 {strides = array<i32>} : memref<4x2x128xi32, #tpu.memory_space<vmem>>, vector<16xi32>,
        %get3A_1417 = arith.constant 0 : i32
        %get3A_1418 = arith.index_cast %get3A_1417 : i32 to index
        %get3A_1419 = arith.constant 64 : index
        %get3A_1420 = tpu.vector_load %arg6[%get3A_1418, %get3A_1419] {strides = array<i32>} : memref<4x128xi32, #tpu.memory_space<vmem>>, vector<16xi32>,
        %shift_right_arithmetic3A_1421 = arith.constant 14 : i32
        %shift_right_arithmetic3A_1422 = vector.broadcast %shift_right_arithmetic3A_1421 : i32 to vector<16xi32>
        %shift_right_arithmetic3A_1423 = arith.shrsi %get3A_1420, %shift_right_arithmetic3A_1422 : vector<16xi32>
        %swap3A_1424 = arith.constant 0 : i32
        %swap3A_1425 = arith.constant 0 : i32
        %swap3A_1426 = arith.index_cast %swap3A_1424 : i32 to index
        %swap3A_1427 = arith.index_cast %swap3A_1425 : i32 to index
        %swap3A_1428 = arith.constant 64 : index
        %swap3A_1429 = tpu.vector_load %arg7[%swap3A_1426, %swap3A_1427, %swap3A_1428] {strides = array<i32>} : memref<4x2x128xi32, #tpu.memory_space<vmem>>, vector<16xi32>,
        tpu.vector_store %arg7[%swap3A_1426, %swap3A_1427, %swap3A_1428], %shift_right_arithmetic3A_1423 {strides = array<i32>} : memref<4x2x128xi32, #tpu.memory_space<vmem>>, vector<16xi32>,
        %and3A_1430 = arith.constant 16383 : i32
        %and3A_1431 = vector.broadcast %and3A_1430 : i32 to vector<16xi32>
        %and3A_1432 = arith.andi %get3A_1420, %and3A_1431 : vector<16xi32>
        %swap3A_1433 = arith.constant 0 : i32
        %swap3A_1434 = arith.constant 1 : i32
        %swap3A_1435 = arith.index_cast %swap3A_1433 : i32 to index
        %swap3A_1436 = arith.index_cast %swap3A_1434 : i32 to index
        %swap3A_1437 = arith.constant 64 : index
        %swap3A_1438 = tpu.vector_load %arg7[%swap3A_1435, %swap3A_1436, %swap3A_1437] {strides = array<i32>} : memref<4x2x128xi32, #tpu.memory_space<vmem>>, vector<16xi32>,
        tpu.vector_store %arg7[%swap3A_1435, %swap3A_1436, %swap3A_1437], %and3A_1432 {strides = array<i32>} : memref<4x2x128xi32, #tpu.memory_space<vmem>>, vector<16xi32>,
        %get3A_1439 = arith.constant 0 : i32
        %get3A_1440 = arith.index_cast %get3A_1439 : i32 to index
        %get3A_1441 = arith.constant 80 : index
        %get3A_1442 = tpu.vector_load %arg6[%get3A_1440, %get3A_1441] {strides = array<i32>} : memref<4x128xi32, #tpu.memory_space<vmem>>, vector<16xi32>,
        %shift_right_arithmetic3A_1443 = arith.constant 14 : i32
        %shift_right_arithmetic3A_1444 = vector.broadcast %shift_right_arithmetic3A_1443 : i32 to vector<16xi32>
        %shift_right_arithmetic3A_1445 = arith.shrsi %get3A_1442, %shift_right_arithmetic3A_1444 : vector<16xi32>
        %swap3A_1446 = arith.constant 0 : i32
        %swap3A_1447 = arith.constant 0 : i32
        %swap3A_1448 = arith.index_cast %swap3A_1446 : i32 to index
        %swap3A_1449 = arith.index_cast %swap3A_1447 : i32 to index
        %swap3A_1450 = arith.constant 80 : index
        %swap3A_1451 = tpu.vector_load %arg7[%swap3A_1448, %swap3A_1449, %swap3A_1450] {strides = array<i32>} : memref<4x2x128xi32, #tpu.memory_space<vmem>>, vector<16xi32>,
        tpu.vector_store %arg7[%swap3A_1448, %swap3A_1449, %swap3A_1450], %shift_right_arithmetic3A_1445 {strides = array<i32>} : memref<4x2x128xi32, #tpu.memory_space<vmem>>, vector<16xi32>,
        %and3A_1452 = arith.constant 16383 : i32
        %and3A_1453 = vector.broadcast %and3A_1452 : i32 to vector<16xi32>
        %and3A_1454 = arith.andi %get3A_1442, %and3A_1453 : vector<16xi32>
        %swap3A_1455 = arith.constant 0 : i32
        %swap3A_1456 = arith.constant 1 : i32
        %swap3A_1457 = arith.index_cast %swap3A_1455 : i32 to index
        %swap3A_1458 = arith.index_cast %swap3A_1456 : i32 to index
        %swap3A_1459 = arith.constant 80 : index
        %swap3A_1460 = tpu.vector_load %arg7[%swap3A_1457, %swap3A_1458, %swap3A_1459] {strides = array<i32>} : memref<4x2x128xi32, #tpu.memory_space<vmem>>, vector<16xi32>,
        tpu.vector_store %arg7[%swap3A_1457, %swap3A_1458, %swap3A_1459], %and3A_1454 {strides = array<i32>} : memref<4x2x128xi32, #tpu.memory_space<vmem>>, vector<16xi32>,
        %get3A_1461 = arith.constant 0 : i32
        %get3A_1462 = arith.index_cast %get3A_1461 : i32 to index
        %get3A_1463 = arith.constant 96 : index
        %get3A_1464 = tpu.vector_load %arg6[%get3A_1462, %get3A_1463] {strides = array<i32>} : memref<4x128xi32, #tpu.memory_space<vmem>>, vector<16xi32>,
        %shift_right_arithmetic3A_1465 = arith.constant 14 : i32
        %shift_right_arithmetic3A_1466 = vector.broadcast %shift_right_arithmetic3A_1465 : i32 to vector<16xi32>
        %shift_right_arithmetic3A_1467 = arith.shrsi %get3A_1464, %shift_right_arithmetic3A_1466 : vector<16xi32>
        %swap3A_1468 = arith.constant 0 : i32
        %swap3A_1469 = arith.constant 0 : i32
        %swap3A_1470 = arith.index_cast %swap3A_1468 : i32 to index
        %swap3A_1471 = arith.index_cast %swap3A_1469 : i32 to index
        %swap3A_1472 = arith.constant 96 : index
        %swap3A_1473 = tpu.vector_load %arg7[%swap3A_1470, %swap3A_1471, %swap3A_1472] {strides = array<i32>} : memref<4x2x128xi32, #tpu.memory_space<vmem>>, vector<16xi32>,
        tpu.vector_store %arg7[%swap3A_1470, %swap3A_1471, %swap3A_1472], %shift_right_arithmetic3A_1467 {strides = array<i32>} : memref<4x2x128xi32, #tpu.memory_space<vmem>>, vector<16xi32>,
        %and3A_1474 = arith.constant 16383 : i32
        %and3A_1475 = vector.broadcast %and3A_1474 : i32 to vector<16xi32>
        %and3A_1476 = arith.andi %get3A_1464, %and3A_1475 : vector<16xi32>
        %swap3A_1477 = arith.constant 0 : i32
        %swap3A_1478 = arith.constant 1 : i32
        %swap3A_1479 = arith.index_cast %swap3A_1477 : i32 to index
        %swap3A_1480 = arith.index_cast %swap3A_1478 : i32 to index
        %swap3A_1481 = arith.constant 96 : index
        %swap3A_1482 = tpu.vector_load %arg7[%swap3A_1479, %swap3A_1480, %swap3A_1481] {strides = array<i32>} : memref<4x2x128xi32, #tpu.memory_space<vmem>>, vector<16xi32>,
        tpu.vector_store %arg7[%swap3A_1479, %swap3A_1480, %swap3A_1481], %and3A_1476 {strides = array<i32>} : memref<4x2x128xi32, #tpu.memory_space<vmem>>, vector<16xi32>,
        %get3A_1483 = arith.constant 0 : i32
        %get3A_1484 = arith.index_cast %get3A_1483 : i32 to index
        %get3A_1485 = arith.constant 112 : index
        %get3A_1486 = tpu.vector_load %arg6[%get3A_1484, %get3A_1485] {strides = array<i32>} : memref<4x128xi32, #tpu.memory_space<vmem>>, vector<16xi32>,
        %shift_right_arithmetic3A_1487 = arith.constant 14 : i32
        %shift_right_arithmetic3A_1488 = vector.broadcast %shift_right_arithmetic3A_1487 : i32 to vector<16xi32>
        %shift_right_arithmetic3A_1489 = arith.shrsi %get3A_1486, %shift_right_arithmetic3A_1488 : vector<16xi32>
        %swap3A_1490 = arith.constant 0 : i32
        %swap3A_1491 = arith.constant 0 : i32
        %swap3A_1492 = arith.index_cast %swap3A_1490 : i32 to index
        %swap3A_1493 = arith.index_cast %swap3A_1491 : i32 to index
        %swap3A_1494 = arith.constant 112 : index
        %swap3A_1495 = tpu.vector_load %arg7[%swap3A_1492, %swap3A_1493, %swap3A_1494] {strides = array<i32>} : memref<4x2x128xi32, #tpu.memory_space<vmem>>, vector<16xi32>,
        tpu.vector_store %arg7[%swap3A_1492, %swap3A_1493, %swap3A_1494], %shift_right_arithmetic3A_1489 {strides = array<i32>} : memref<4x2x128xi32, #tpu.memory_space<vmem>>, vector<16xi32>,
        %and3A_1496 = arith.constant 16383 : i32
        %and3A_1497 = vector.broadcast %and3A_1496 : i32 to vector<16xi32>
        %and3A_1498 = arith.andi %get3A_1486, %and3A_1497 : vector<16xi32>
        %swap3A_1499 = arith.constant 0 : i32
        %swap3A_1500 = arith.constant 1 : i32
        %swap3A_1501 = arith.index_cast %swap3A_1499 : i32 to index
        %swap3A_1502 = arith.index_cast %swap3A_1500 : i32 to index
        %swap3A_1503 = arith.constant 112 : index
        %swap3A_1504 = tpu.vector_load %arg7[%swap3A_1501, %swap3A_1502, %swap3A_1503] {strides = array<i32>} : memref<4x2x128xi32, #tpu.memory_space<vmem>>, vector<16xi32>,
        tpu.vector_store %arg7[%swap3A_1501, %swap3A_1502, %swap3A_1503], %and3A_1498 {strides = array<i32>} : memref<4x2x128xi32, #tpu.memory_space<vmem>>, vector<16xi32>,
        %dma_start3A_1505 = arith.constant 0 : i32
        %dma_start3A_1506 = arith.constant 0 : i32
        %dma_start3A_1507 = arith.constant 0 : i32
        %dma_start3A_1508 = tpu.memref_slice %arg7[%dma_start3A_1505, %dma_start3A_1506, %dma_start3A_1507] : memref<4x2x128xi32, #tpu.memory_space<vmem>> -> memref<1x1x128xi32, #tpu.memory_space<vmem>>
        %dma_start3A_1509 = tpu.memref_squeeze %dma_start3A_1508 : memref<1x1x128xi32, #tpu.memory_space<vmem>> -> memref<128xi32, #tpu.memory_space<vmem>>
        %dma_start3A_1510 = arith.constant 0 : i32
        %dma_start3A_1511 = arith.constant 0 : i32
        %dma_start3A_1512 = tpu.memref_slice %arg2[%dma_start3A_1510, %dma_start3A_1511] : memref<10240x128xbf16, #tpu.memory_space<hbm>> -> memref<10240x128xbf16, #tpu.memory_space<hbm>>
        tpu.enqueue_indirect_dma source(%dma_start3A_1512 : memref<10240x128xbf16, #tpu.memory_space<hbm>>) target(%arg8 : memref<128x128xbf16, #tpu.memory_space<vmem>>) offsets(%dma_start3A_1509 : memref<128xi32, #tpu.memory_space<vmem>>) semaphore(%arg18 : memref<!tpu.dma_semaphore, #tpu.memory_space<semaphore_mem>>)
      } else {
      }
      %add3A_1026 = arith.constant 1 : i32
      %add3A_1027 = arith.addi %mul3A_755, %add3A_1026 : i32
      %add3A_1028 = arith.constant 5 : i32
      %add3A_1029 = arith.addi %add3A_1027, %add3A_1028 : i32
      %lt3A_1030 = arith.constant 80 : i32
      %lt3A_1031 = arith.cmpi slt, %add3A_1029, %lt3A_1030 : i32
      %convert_element_type3A_1032 = arith.extui %lt3A_1031 : i1 to i32
      %cond3A_1033 = arith.constant 0 : i32
      %cond3A_1034 = arith.cmpi ne, %convert_element_type3A_1032, %cond3A_1033 : i32
      scf.if %cond3A_1034 {
        %mul3A_1315 = arith.constant 80 : i32
        %mul3A_1316 = arith.muli %add3A, %mul3A_1315 : i32
        %add3A_1317 = arith.addi %mul3A_1316, %add3A_1029 : i32
        %dma_start3A_1318 = arith.constant 2 : i32
        %dma_start3A_1319 = arith.constant 0 : i32
        %dma_start3A_1320 = tpu.memref_slice %arg6[%dma_start3A_1318, %dma_start3A_1319] : memref<4x128xi32, #tpu.memory_space<vmem>> -> memref<1x128xi32, #tpu.memory_space<vmem>>
        %dma_start3A_1321 = tpu.memref_squeeze %dma_start3A_1320 : memref<1x128xi32, #tpu.memory_space<vmem>> -> memref<128xi32, #tpu.memory_space<vmem>>
        %dma_start3A_1322 = arith.constant 0 : i32
        %dma_start3A_1323 = tpu.memref_slice %arg3[%add3A_1317, %dma_start3A_1322] : memref<2560x128xi32, #tpu.memory_space<hbm>> -> memref<1x128xi32, #tpu.memory_space<hbm>>
        %dma_start3A_1324 = tpu.memref_squeeze %dma_start3A_1323 : memref<1x128xi32, #tpu.memory_space<hbm>> -> memref<128xi32, #tpu.memory_space<hbm>>
        %dma_start3A_1325 = arith.constant 0 : i32
        %dma_start3A_1326 = tpu.memref_slice %arg6[%dma_start3A_1318, %dma_start3A_1325] : memref<4x128xi32, #tpu.memory_space<vmem>> -> memref<1x128xi32, #tpu.memory_space<vmem>>
        %dma_start3A_1327 = tpu.memref_squeeze %dma_start3A_1326 : memref<1x128xi32, #tpu.memory_space<vmem>> -> memref<128xi32, #tpu.memory_space<vmem>>
        %dma_start3A_1328 = arith.constant 0 : i32
        %dma_start3A_1329 = tpu.memref_slice %arg3[%add3A_1317, %dma_start3A_1328] : memref<2560x128xi32, #tpu.memory_space<hbm>> -> memref<1x128xi32, #tpu.memory_space<hbm>>
        %dma_start3A_1330 = tpu.memref_squeeze %dma_start3A_1329 : memref<1x128xi32, #tpu.memory_space<hbm>> -> memref<128xi32, #tpu.memory_space<hbm>>
        tpu.enqueue_dma source(%dma_start3A_1330 : memref<128xi32, #tpu.memory_space<hbm>>) target(%dma_start3A_1327 : memref<128xi32, #tpu.memory_space<vmem>>) target_semaphore(%arg24 : memref<!tpu.dma_semaphore, #tpu.memory_space<semaphore_mem>>)
      } else {
      }
      %dma_wait3A_1035 = arith.constant 2 : i32
      %dma_wait3A_1036 = arith.constant 0 : i32
      %dma_wait3A_1037 = arith.constant 0 : i32
      %dma_wait3A_1038 = tpu.memref_slice %arg7[%dma_wait3A_1035, %dma_wait3A_1036, %dma_wait3A_1037] : memref<4x2x128xi32, #tpu.memory_space<vmem>> -> memref<1x1x128xi32, #tpu.memory_space<vmem>>
      %dma_wait3A_1039 = tpu.memref_squeeze %dma_wait3A_1038 : memref<1x1x128xi32, #tpu.memory_space<vmem>> -> memref<128xi32, #tpu.memory_space<vmem>>
      %dma_wait3A_1040 = arith.constant 0 : i32
      %dma_wait3A_1041 = arith.constant 0 : i32
      %dma_wait3A_1042 = tpu.memref_slice %arg2[%dma_wait3A_1040, %dma_wait3A_1041] : memref<10240x128xbf16, #tpu.memory_space<hbm>> -> memref<10240x128xbf16, #tpu.memory_space<hbm>>
      tpu.wait_indirect_dma semaphore(%arg20 : memref<!tpu.dma_semaphore, #tpu.memory_space<semaphore_mem>>) src(%dma_wait3A_1042 : memref<10240x128xbf16, #tpu.memory_space<hbm>>) dst(%arg10 : memref<128x128xbf16, #tpu.memory_space<vmem>>)
      %run_scoped3A_1043 = arith.constant 2 : i32
      %run_scoped3A_1044 = arith.constant 1 : i32
      "tpu.region"() ({
        %run_scoped3A_1315 = tpu.sem_alloc : memref<!tpu.dma_semaphore, #tpu.memory_space<semaphore_mem>>
        %dma_start3A_1316 = arith.constant 0 : i32
        %dma_start3A_1317 = tpu.memref_slice %arg7[%run_scoped3A_1043, %run_scoped3A_1044, %dma_start3A_1316] : memref<4x2x128xi32, #tpu.memory_space<vmem>> -> memref<1x1x128xi32, #tpu.memory_space<vmem>>
        %dma_start3A_1318 = tpu.memref_squeeze %dma_start3A_1317 : memref<1x1x128xi32, #tpu.memory_space<vmem>> -> memref<128xi32, #tpu.memory_space<vmem>>
        %dma_start3A_1319 = arith.constant 0 : i32
        %dma_start3A_1320 = arith.constant 0 : i32
        %dma_start3A_1321 = tpu.memref_slice %arg16[%dma_start3A_1319, %dma_start3A_1320] : memref<10240x128xbf16, #tpu.memory_space<vmem_shared>> -> memref<10240x128xbf16, #tpu.memory_space<vmem_shared>>
        tpu.enqueue_indirect_dma source(%arg10 : memref<128x128xbf16, #tpu.memory_space<vmem>>) target(%dma_start3A_1321 : memref<10240x128xbf16, #tpu.memory_space<vmem_shared>>) offsets(%dma_start3A_1318 : memref<128xi32, #tpu.memory_space<vmem>>) semaphore(%run_scoped3A_1315 : memref<!tpu.dma_semaphore, #tpu.memory_space<semaphore_mem>>) {add = true}
        %dma_wait3A_1322 = arith.constant 0 : i32
        %dma_wait3A_1323 = tpu.memref_slice %arg7[%run_scoped3A_1043, %run_scoped3A_1044, %dma_wait3A_1322] : memref<4x2x128xi32, #tpu.memory_space<vmem>> -> memref<1x1x128xi32, #tpu.memory_space<vmem>>
        %dma_wait3A_1324 = tpu.memref_squeeze %dma_wait3A_1323 : memref<1x1x128xi32, #tpu.memory_space<vmem>> -> memref<128xi32, #tpu.memory_space<vmem>>
        %dma_wait3A_1325 = arith.constant 0 : i32
        %dma_wait3A_1326 = arith.constant 0 : i32
        %dma_wait3A_1327 = tpu.memref_slice %arg16[%dma_wait3A_1325, %dma_wait3A_1326] : memref<10240x128xbf16, #tpu.memory_space<vmem_shared>> -> memref<10240x128xbf16, #tpu.memory_space<vmem_shared>>
        tpu.wait_indirect_dma semaphore(%run_scoped3A_1315 : memref<!tpu.dma_semaphore, #tpu.memory_space<semaphore_mem>>) src(%arg10 : memref<128x128xbf16, #tpu.memory_space<vmem>>) dst(%dma_wait3A_1327 : memref<10240x128xbf16, #tpu.memory_space<vmem_shared>>)
        tpu.yield
      }) : () -> ()
      %get3A_1045 = arith.constant 2 : i32
      %get3A_1046 = arith.constant 1 : i32
      %get3A_1047 = arith.index_cast %get3A_1045 : i32 to index
      %get3A_1048 = arith.index_cast %get3A_1046 : i32 to index
      %get3A_1049 = arith.constant 0 : index
      %get3A_1050 = tpu.vector_load %arg7[%get3A_1047, %get3A_1048, %get3A_1049] {strides = array<i32>} : memref<4x2x128xi32, #tpu.memory_space<vmem>>, vector<16xi32>,
      %shift_right_arithmetic3A_1051 = arith.constant 7 : i32
      %shift_right_arithmetic3A_1052 = vector.broadcast %shift_right_arithmetic3A_1051 : i32 to vector<16xi32>
      %shift_right_arithmetic3A_1053 = arith.shrsi %get3A_1050, %shift_right_arithmetic3A_1052 : vector<16xi32>
      %and3A_1054 = arith.constant 127 : i32
      %and3A_1055 = vector.broadcast %and3A_1054 : i32 to vector<16xi32>
      %and3A_1056 = arith.andi %get3A_1050, %and3A_1055 : vector<16xi32>
      %broadcast_in_dim3A_1057 = arith.constant 1.000000e+00 : f32
      %broadcast_in_dim3A_1058 = vector.broadcast %broadcast_in_dim3A_1057 : f32 to vector<16xf32>
      tpu.vector_store_idx %arg13[%shift_right_arithmetic3A_1053, %and3A_1056], %broadcast_in_dim3A_1058 {add = true} : memref<80x128xf32, #tpu.memory_space<vmem>>[vector<16xi32>, vector<16xi32>], vector<16xf32>,
      %get3A_1059 = arith.constant 2 : i32
      %get3A_1060 = arith.constant 1 : i32
      %get3A_1061 = arith.index_cast %get3A_1059 : i32 to index
      %get3A_1062 = arith.index_cast %get3A_1060 : i32 to index
      %get3A_1063 = arith.constant 16 : index
      %get3A_1064 = tpu.vector_load %arg7[%get3A_1061, %get3A_1062, %get3A_1063] {strides = array<i32>} : memref<4x2x128xi32, #tpu.memory_space<vmem>>, vector<16xi32>,
      %shift_right_arithmetic3A_1065 = arith.constant 7 : i32
      %shift_right_arithmetic3A_1066 = vector.broadcast %shift_right_arithmetic3A_1065 : i32 to vector<16xi32>
      %shift_right_arithmetic3A_1067 = arith.shrsi %get3A_1064, %shift_right_arithmetic3A_1066 : vector<16xi32>
      %and3A_1068 = arith.constant 127 : i32
      %and3A_1069 = vector.broadcast %and3A_1068 : i32 to vector<16xi32>
      %and3A_1070 = arith.andi %get3A_1064, %and3A_1069 : vector<16xi32>
      %broadcast_in_dim3A_1071 = arith.constant 1.000000e+00 : f32
      %broadcast_in_dim3A_1072 = vector.broadcast %broadcast_in_dim3A_1071 : f32 to vector<16xf32>
      tpu.vector_store_idx %arg13[%shift_right_arithmetic3A_1067, %and3A_1070], %broadcast_in_dim3A_1072 {add = true} : memref<80x128xf32, #tpu.memory_space<vmem>>[vector<16xi32>, vector<16xi32>], vector<16xf32>,
      %get3A_1073 = arith.constant 2 : i32
      %get3A_1074 = arith.constant 1 : i32
      %get3A_1075 = arith.index_cast %get3A_1073 : i32 to index
      %get3A_1076 = arith.index_cast %get3A_1074 : i32 to index
      %get3A_1077 = arith.constant 32 : index
      %get3A_1078 = tpu.vector_load %arg7[%get3A_1075, %get3A_1076, %get3A_1077] {strides = array<i32>} : memref<4x2x128xi32, #tpu.memory_space<vmem>>, vector<16xi32>,
      %shift_right_arithmetic3A_1079 = arith.constant 7 : i32
      %shift_right_arithmetic3A_1080 = vector.broadcast %shift_right_arithmetic3A_1079 : i32 to vector<16xi32>
      %shift_right_arithmetic3A_1081 = arith.shrsi %get3A_1078, %shift_right_arithmetic3A_1080 : vector<16xi32>
      %and3A_1082 = arith.constant 127 : i32
      %and3A_1083 = vector.broadcast %and3A_1082 : i32 to vector<16xi32>
      %and3A_1084 = arith.andi %get3A_1078, %and3A_1083 : vector<16xi32>
      %broadcast_in_dim3A_1085 = arith.constant 1.000000e+00 : f32
      %broadcast_in_dim3A_1086 = vector.broadcast %broadcast_in_dim3A_1085 : f32 to vector<16xf32>
      tpu.vector_store_idx %arg13[%shift_right_arithmetic3A_1081, %and3A_1084], %broadcast_in_dim3A_1086 {add = true} : memref<80x128xf32, #tpu.memory_space<vmem>>[vector<16xi32>, vector<16xi32>], vector<16xf32>,
      %get3A_1087 = arith.constant 2 : i32
      %get3A_1088 = arith.constant 1 : i32
      %get3A_1089 = arith.index_cast %get3A_1087 : i32 to index
      %get3A_1090 = arith.index_cast %get3A_1088 : i32 to index
      %get3A_1091 = arith.constant 48 : index
      %get3A_1092 = tpu.vector_load %arg7[%get3A_1089, %get3A_1090, %get3A_1091] {strides = array<i32>} : memref<4x2x128xi32, #tpu.memory_space<vmem>>, vector<16xi32>,
      %shift_right_arithmetic3A_1093 = arith.constant 7 : i32
      %shift_right_arithmetic3A_1094 = vector.broadcast %shift_right_arithmetic3A_1093 : i32 to vector<16xi32>
      %shift_right_arithmetic3A_1095 = arith.shrsi %get3A_1092, %shift_right_arithmetic3A_1094 : vector<16xi32>
      %and3A_1096 = arith.constant 127 : i32
      %and3A_1097 = vector.broadcast %and3A_1096 : i32 to vector<16xi32>
      %and3A_1098 = arith.andi %get3A_1092, %and3A_1097 : vector<16xi32>
      %broadcast_in_dim3A_1099 = arith.constant 1.000000e+00 : f32
      %broadcast_in_dim3A_1100 = vector.broadcast %broadcast_in_dim3A_1099 : f32 to vector<16xf32>
      tpu.vector_store_idx %arg13[%shift_right_arithmetic3A_1095, %and3A_1098], %broadcast_in_dim3A_1100 {add = true} : memref<80x128xf32, #tpu.memory_space<vmem>>[vector<16xi32>, vector<16xi32>], vector<16xf32>,
      %get3A_1101 = arith.constant 2 : i32
      %get3A_1102 = arith.constant 1 : i32
      %get3A_1103 = arith.index_cast %get3A_1101 : i32 to index
      %get3A_1104 = arith.index_cast %get3A_1102 : i32 to index
      %get3A_1105 = arith.constant 64 : index
      %get3A_1106 = tpu.vector_load %arg7[%get3A_1103, %get3A_1104, %get3A_1105] {strides = array<i32>} : memref<4x2x128xi32, #tpu.memory_space<vmem>>, vector<16xi32>,
      %shift_right_arithmetic3A_1107 = arith.constant 7 : i32
      %shift_right_arithmetic3A_1108 = vector.broadcast %shift_right_arithmetic3A_1107 : i32 to vector<16xi32>
      %shift_right_arithmetic3A_1109 = arith.shrsi %get3A_1106, %shift_right_arithmetic3A_1108 : vector<16xi32>
      %and3A_1110 = arith.constant 127 : i32
      %and3A_1111 = vector.broadcast %and3A_1110 : i32 to vector<16xi32>
      %and3A_1112 = arith.andi %get3A_1106, %and3A_1111 : vector<16xi32>
      %broadcast_in_dim3A_1113 = arith.constant 1.000000e+00 : f32
      %broadcast_in_dim3A_1114 = vector.broadcast %broadcast_in_dim3A_1113 : f32 to vector<16xf32>
      tpu.vector_store_idx %arg13[%shift_right_arithmetic3A_1109, %and3A_1112], %broadcast_in_dim3A_1114 {add = true} : memref<80x128xf32, #tpu.memory_space<vmem>>[vector<16xi32>, vector<16xi32>], vector<16xf32>,
      %get3A_1115 = arith.constant 2 : i32
      %get3A_1116 = arith.constant 1 : i32
      %get3A_1117 = arith.index_cast %get3A_1115 : i32 to index
      %get3A_1118 = arith.index_cast %get3A_1116 : i32 to index
      %get3A_1119 = arith.constant 80 : index
      %get3A_1120 = tpu.vector_load %arg7[%get3A_1117, %get3A_1118, %get3A_1119] {strides = array<i32>} : memref<4x2x128xi32, #tpu.memory_space<vmem>>, vector<16xi32>,
      %shift_right_arithmetic3A_1121 = arith.constant 7 : i32
      %shift_right_arithmetic3A_1122 = vector.broadcast %shift_right_arithmetic3A_1121 : i32 to vector<16xi32>
      %shift_right_arithmetic3A_1123 = arith.shrsi %get3A_1120, %shift_right_arithmetic3A_1122 : vector<16xi32>
      %and3A_1124 = arith.constant 127 : i32
      %and3A_1125 = vector.broadcast %and3A_1124 : i32 to vector<16xi32>
      %and3A_1126 = arith.andi %get3A_1120, %and3A_1125 : vector<16xi32>
      %broadcast_in_dim3A_1127 = arith.constant 1.000000e+00 : f32
      %broadcast_in_dim3A_1128 = vector.broadcast %broadcast_in_dim3A_1127 : f32 to vector<16xf32>
      tpu.vector_store_idx %arg13[%shift_right_arithmetic3A_1123, %and3A_1126], %broadcast_in_dim3A_1128 {add = true} : memref<80x128xf32, #tpu.memory_space<vmem>>[vector<16xi32>, vector<16xi32>], vector<16xf32>,
      %get3A_1129 = arith.constant 2 : i32
      %get3A_1130 = arith.constant 1 : i32
      %get3A_1131 = arith.index_cast %get3A_1129 : i32 to index
      %get3A_1132 = arith.index_cast %get3A_1130 : i32 to index
      %get3A_1133 = arith.constant 96 : index
      %get3A_1134 = tpu.vector_load %arg7[%get3A_1131, %get3A_1132, %get3A_1133] {strides = array<i32>} : memref<4x2x128xi32, #tpu.memory_space<vmem>>, vector<16xi32>,
      %shift_right_arithmetic3A_1135 = arith.constant 7 : i32
      %shift_right_arithmetic3A_1136 = vector.broadcast %shift_right_arithmetic3A_1135 : i32 to vector<16xi32>
      %shift_right_arithmetic3A_1137 = arith.shrsi %get3A_1134, %shift_right_arithmetic3A_1136 : vector<16xi32>
      %and3A_1138 = arith.constant 127 : i32
      %and3A_1139 = vector.broadcast %and3A_1138 : i32 to vector<16xi32>
      %and3A_1140 = arith.andi %get3A_1134, %and3A_1139 : vector<16xi32>
      %broadcast_in_dim3A_1141 = arith.constant 1.000000e+00 : f32
      %broadcast_in_dim3A_1142 = vector.broadcast %broadcast_in_dim3A_1141 : f32 to vector<16xf32>
      tpu.vector_store_idx %arg13[%shift_right_arithmetic3A_1137, %and3A_1140], %broadcast_in_dim3A_1142 {add = true} : memref<80x128xf32, #tpu.memory_space<vmem>>[vector<16xi32>, vector<16xi32>], vector<16xf32>,
      %get3A_1143 = arith.constant 2 : i32
      %get3A_1144 = arith.constant 1 : i32
      %get3A_1145 = arith.index_cast %get3A_1143 : i32 to index
      %get3A_1146 = arith.index_cast %get3A_1144 : i32 to index
      %get3A_1147 = arith.constant 112 : index
      %get3A_1148 = tpu.vector_load %arg7[%get3A_1145, %get3A_1146, %get3A_1147] {strides = array<i32>} : memref<4x2x128xi32, #tpu.memory_space<vmem>>, vector<16xi32>,
      %shift_right_arithmetic3A_1149 = arith.constant 7 : i32
      %shift_right_arithmetic3A_1150 = vector.broadcast %shift_right_arithmetic3A_1149 : i32 to vector<16xi32>
      %shift_right_arithmetic3A_1151 = arith.shrsi %get3A_1148, %shift_right_arithmetic3A_1150 : vector<16xi32>
      %and3A_1152 = arith.constant 127 : i32
      %and3A_1153 = vector.broadcast %and3A_1152 : i32 to vector<16xi32>
      %and3A_1154 = arith.andi %get3A_1148, %and3A_1153 : vector<16xi32>
      %broadcast_in_dim3A_1155 = arith.constant 1.000000e+00 : f32
      %broadcast_in_dim3A_1156 = vector.broadcast %broadcast_in_dim3A_1155 : f32 to vector<16xf32>
      tpu.vector_store_idx %arg13[%shift_right_arithmetic3A_1151, %and3A_1154], %broadcast_in_dim3A_1156 {add = true} : memref<80x128xf32, #tpu.memory_space<vmem>>[vector<16xi32>, vector<16xi32>], vector<16xf32>,
      %add3A_1157 = arith.constant 2 : i32
      %add3A_1158 = arith.addi %mul3A_755, %add3A_1157 : i32
      %add3A_1159 = arith.constant 3 : i32
      %add3A_1160 = arith.addi %add3A_1158, %add3A_1159 : i32
      %lt3A_1161 = arith.constant 80 : i32
      %lt3A_1162 = arith.cmpi slt, %add3A_1160, %lt3A_1161 : i32
      %convert_element_type3A_1163 = arith.extui %lt3A_1162 : i1 to i32
      %cond3A_1164 = arith.constant 0 : i32
      %cond3A_1165 = arith.cmpi ne, %convert_element_type3A_1163, %cond3A_1164 : i32
      scf.if %cond3A_1165 {
        %dma_wait3A_1315 = arith.constant 0 : i32
        %dma_wait3A_1316 = arith.constant 1 : i32
        %dma_wait3A_1317 = arith.constant 0 : i32
        %dma_wait3A_1318 = tpu.memref_slice %arg6[%dma_wait3A_1316, %dma_wait3A_1317] : memref<4x128xi32, #tpu.memory_space<vmem>> -> memref<1x128xi32, #tpu.memory_space<vmem>>
        %dma_wait3A_1319 = tpu.memref_squeeze %dma_wait3A_1318 : memref<1x128xi32, #tpu.memory_space<vmem>> -> memref<128xi32, #tpu.memory_space<vmem>>
        %dma_wait3A_1320 = arith.constant 0 : i32
        %dma_wait3A_1321 = tpu.memref_slice %arg3[%dma_wait3A_1315, %dma_wait3A_1320] : memref<2560x128xi32, #tpu.memory_space<hbm>> -> memref<1x128xi32, #tpu.memory_space<hbm>>
        %dma_wait3A_1322 = tpu.memref_squeeze %dma_wait3A_1321 : memref<1x128xi32, #tpu.memory_space<hbm>> -> memref<128xi32, #tpu.memory_space<hbm>>
        %dma_wait3A_1323 = arith.constant 0 : i32
        %dma_wait3A_1324 = tpu.memref_slice %arg6[%dma_wait3A_1316, %dma_wait3A_1323] : memref<4x128xi32, #tpu.memory_space<vmem>> -> memref<1x128xi32, #tpu.memory_space<vmem>>
        %dma_wait3A_1325 = tpu.memref_squeeze %dma_wait3A_1324 : memref<1x128xi32, #tpu.memory_space<vmem>> -> memref<128xi32, #tpu.memory_space<vmem>>
        %dma_wait3A_1326 = arith.constant 0 : i32
        %dma_wait3A_1327 = tpu.memref_slice %arg3[%dma_wait3A_1315, %dma_wait3A_1326] : memref<2560x128xi32, #tpu.memory_space<hbm>> -> memref<1x128xi32, #tpu.memory_space<hbm>>
        %dma_wait3A_1328 = tpu.memref_squeeze %dma_wait3A_1327 : memref<1x128xi32, #tpu.memory_space<hbm>> -> memref<128xi32, #tpu.memory_space<hbm>>
        tpu.wait_dma2 semaphore(%arg23 : memref<!tpu.dma_semaphore, #tpu.memory_space<semaphore_mem>>) src(%dma_wait3A_1328 : memref<128xi32, #tpu.memory_space<hbm>>) dst(%dma_wait3A_1325 : memref<128xi32, #tpu.memory_space<vmem>>)
        %get3A_1329 = arith.constant 1 : i32
        %get3A_1330 = arith.index_cast %get3A_1329 : i32 to index
        %get3A_1331 = arith.constant 0 : index
        %get3A_1332 = tpu.vector_load %arg6[%get3A_1330, %get3A_1331] {strides = array<i32>} : memref<4x128xi32, #tpu.memory_space<vmem>>, vector<16xi32>,
        %shift_right_arithmetic3A_1333 = arith.constant 14 : i32
        %shift_right_arithmetic3A_1334 = vector.broadcast %shift_right_arithmetic3A_1333 : i32 to vector<16xi32>
        %shift_right_arithmetic3A_1335 = arith.shrsi %get3A_1332, %shift_right_arithmetic3A_1334 : vector<16xi32>
        %swap3A_1336 = arith.constant 1 : i32
        %swap3A_1337 = arith.constant 0 : i32
        %swap3A_1338 = arith.index_cast %swap3A_1336 : i32 to index
        %swap3A_1339 = arith.index_cast %swap3A_1337 : i32 to index
        %swap3A_1340 = arith.constant 0 : index
        %swap3A_1341 = tpu.vector_load %arg7[%swap3A_1338, %swap3A_1339, %swap3A_1340] {strides = array<i32>} : memref<4x2x128xi32, #tpu.memory_space<vmem>>, vector<16xi32>,
        tpu.vector_store %arg7[%swap3A_1338, %swap3A_1339, %swap3A_1340], %shift_right_arithmetic3A_1335 {strides = array<i32>} : memref<4x2x128xi32, #tpu.memory_space<vmem>>, vector<16xi32>,
        %and3A_1342 = arith.constant 16383 : i32
        %and3A_1343 = vector.broadcast %and3A_1342 : i32 to vector<16xi32>
        %and3A_1344 = arith.andi %get3A_1332, %and3A_1343 : vector<16xi32>
        %swap3A_1345 = arith.constant 1 : i32
        %swap3A_1346 = arith.constant 1 : i32
        %swap3A_1347 = arith.index_cast %swap3A_1345 : i32 to index
        %swap3A_1348 = arith.index_cast %swap3A_1346 : i32 to index
        %swap3A_1349 = arith.constant 0 : index
        %swap3A_1350 = tpu.vector_load %arg7[%swap3A_1347, %swap3A_1348, %swap3A_1349] {strides = array<i32>} : memref<4x2x128xi32, #tpu.memory_space<vmem>>, vector<16xi32>,
        tpu.vector_store %arg7[%swap3A_1347, %swap3A_1348, %swap3A_1349], %and3A_1344 {strides = array<i32>} : memref<4x2x128xi32, #tpu.memory_space<vmem>>, vector<16xi32>,
        %get3A_1351 = arith.constant 1 : i32
        %get3A_1352 = arith.index_cast %get3A_1351 : i32 to index
        %get3A_1353 = arith.constant 16 : index
        %get3A_1354 = tpu.vector_load %arg6[%get3A_1352, %get3A_1353] {strides = array<i32>} : memref<4x128xi32, #tpu.memory_space<vmem>>, vector<16xi32>,
        %shift_right_arithmetic3A_1355 = arith.constant 14 : i32
        %shift_right_arithmetic3A_1356 = vector.broadcast %shift_right_arithmetic3A_1355 : i32 to vector<16xi32>
        %shift_right_arithmetic3A_1357 = arith.shrsi %get3A_1354, %shift_right_arithmetic3A_1356 : vector<16xi32>
        %swap3A_1358 = arith.constant 1 : i32
        %swap3A_1359 = arith.constant 0 : i32
        %swap3A_1360 = arith.index_cast %swap3A_1358 : i32 to index
        %swap3A_1361 = arith.index_cast %swap3A_1359 : i32 to index
        %swap3A_1362 = arith.constant 16 : index
        %swap3A_1363 = tpu.vector_load %arg7[%swap3A_1360, %swap3A_1361, %swap3A_1362] {strides = array<i32>} : memref<4x2x128xi32, #tpu.memory_space<vmem>>, vector<16xi32>,
        tpu.vector_store %arg7[%swap3A_1360, %swap3A_1361, %swap3A_1362], %shift_right_arithmetic3A_1357 {strides = array<i32>} : memref<4x2x128xi32, #tpu.memory_space<vmem>>, vector<16xi32>,
        %and3A_1364 = arith.constant 16383 : i32
        %and3A_1365 = vector.broadcast %and3A_1364 : i32 to vector<16xi32>
        %and3A_1366 = arith.andi %get3A_1354, %and3A_1365 : vector<16xi32>
        %swap3A_1367 = arith.constant 1 : i32
        %swap3A_1368 = arith.constant 1 : i32
        %swap3A_1369 = arith.index_cast %swap3A_1367 : i32 to index
        %swap3A_1370 = arith.index_cast %swap3A_1368 : i32 to index
        %swap3A_1371 = arith.constant 16 : index
        %swap3A_1372 = tpu.vector_load %arg7[%swap3A_1369, %swap3A_1370, %swap3A_1371] {strides = array<i32>} : memref<4x2x128xi32, #tpu.memory_space<vmem>>, vector<16xi32>,
        tpu.vector_store %arg7[%swap3A_1369, %swap3A_1370, %swap3A_1371], %and3A_1366 {strides = array<i32>} : memref<4x2x128xi32, #tpu.memory_space<vmem>>, vector<16xi32>,
        %get3A_1373 = arith.constant 1 : i32
        %get3A_1374 = arith.index_cast %get3A_1373 : i32 to index
        %get3A_1375 = arith.constant 32 : index
        %get3A_1376 = tpu.vector_load %arg6[%get3A_1374, %get3A_1375] {strides = array<i32>} : memref<4x128xi32, #tpu.memory_space<vmem>>, vector<16xi32>,
        %shift_right_arithmetic3A_1377 = arith.constant 14 : i32
        %shift_right_arithmetic3A_1378 = vector.broadcast %shift_right_arithmetic3A_1377 : i32 to vector<16xi32>
        %shift_right_arithmetic3A_1379 = arith.shrsi %get3A_1376, %shift_right_arithmetic3A_1378 : vector<16xi32>
        %swap3A_1380 = arith.constant 1 : i32
        %swap3A_1381 = arith.constant 0 : i32
        %swap3A_1382 = arith.index_cast %swap3A_1380 : i32 to index
        %swap3A_1383 = arith.index_cast %swap3A_1381 : i32 to index
        %swap3A_1384 = arith.constant 32 : index
        %swap3A_1385 = tpu.vector_load %arg7[%swap3A_1382, %swap3A_1383, %swap3A_1384] {strides = array<i32>} : memref<4x2x128xi32, #tpu.memory_space<vmem>>, vector<16xi32>,
        tpu.vector_store %arg7[%swap3A_1382, %swap3A_1383, %swap3A_1384], %shift_right_arithmetic3A_1379 {strides = array<i32>} : memref<4x2x128xi32, #tpu.memory_space<vmem>>, vector<16xi32>,
        %and3A_1386 = arith.constant 16383 : i32
        %and3A_1387 = vector.broadcast %and3A_1386 : i32 to vector<16xi32>
        %and3A_1388 = arith.andi %get3A_1376, %and3A_1387 : vector<16xi32>
        %swap3A_1389 = arith.constant 1 : i32
        %swap3A_1390 = arith.constant 1 : i32
        %swap3A_1391 = arith.index_cast %swap3A_1389 : i32 to index
        %swap3A_1392 = arith.index_cast %swap3A_1390 : i32 to index
        %swap3A_1393 = arith.constant 32 : index
        %swap3A_1394 = tpu.vector_load %arg7[%swap3A_1391, %swap3A_1392, %swap3A_1393] {strides = array<i32>} : memref<4x2x128xi32, #tpu.memory_space<vmem>>, vector<16xi32>,
        tpu.vector_store %arg7[%swap3A_1391, %swap3A_1392, %swap3A_1393], %and3A_1388 {strides = array<i32>} : memref<4x2x128xi32, #tpu.memory_space<vmem>>, vector<16xi32>,
        %get3A_1395 = arith.constant 1 : i32
        %get3A_1396 = arith.index_cast %get3A_1395 : i32 to index
        %get3A_1397 = arith.constant 48 : index
        %get3A_1398 = tpu.vector_load %arg6[%get3A_1396, %get3A_1397] {strides = array<i32>} : memref<4x128xi32, #tpu.memory_space<vmem>>, vector<16xi32>,
        %shift_right_arithmetic3A_1399 = arith.constant 14 : i32
        %shift_right_arithmetic3A_1400 = vector.broadcast %shift_right_arithmetic3A_1399 : i32 to vector<16xi32>
        %shift_right_arithmetic3A_1401 = arith.shrsi %get3A_1398, %shift_right_arithmetic3A_1400 : vector<16xi32>
        %swap3A_1402 = arith.constant 1 : i32
        %swap3A_1403 = arith.constant 0 : i32
        %swap3A_1404 = arith.index_cast %swap3A_1402 : i32 to index
        %swap3A_1405 = arith.index_cast %swap3A_1403 : i32 to index
        %swap3A_1406 = arith.constant 48 : index
        %swap3A_1407 = tpu.vector_load %arg7[%swap3A_1404, %swap3A_1405, %swap3A_1406] {strides = array<i32>} : memref<4x2x128xi32, #tpu.memory_space<vmem>>, vector<16xi32>,
        tpu.vector_store %arg7[%swap3A_1404, %swap3A_1405, %swap3A_1406], %shift_right_arithmetic3A_1401 {strides = array<i32>} : memref<4x2x128xi32, #tpu.memory_space<vmem>>, vector<16xi32>,
        %and3A_1408 = arith.constant 16383 : i32
        %and3A_1409 = vector.broadcast %and3A_1408 : i32 to vector<16xi32>
        %and3A_1410 = arith.andi %get3A_1398, %and3A_1409 : vector<16xi32>
        %swap3A_1411 = arith.constant 1 : i32
        %swap3A_1412 = arith.constant 1 : i32
        %swap3A_1413 = arith.index_cast %swap3A_1411 : i32 to index
        %swap3A_1414 = arith.index_cast %swap3A_1412 : i32 to index
        %swap3A_1415 = arith.constant 48 : index
        %swap3A_1416 = tpu.vector_load %arg7[%swap3A_1413, %swap3A_1414, %swap3A_1415] {strides = array<i32>} : memref<4x2x128xi32, #tpu.memory_space<vmem>>, vector<16xi32>,
        tpu.vector_store %arg7[%swap3A_1413, %swap3A_1414, %swap3A_1415], %and3A_1410 {strides = array<i32>} : memref<4x2x128xi32, #tpu.memory_space<vmem>>, vector<16xi32>,
        %get3A_1417 = arith.constant 1 : i32
        %get3A_1418 = arith.index_cast %get3A_1417 : i32 to index
        %get3A_1419 = arith.constant 64 : index
        %get3A_1420 = tpu.vector_load %arg6[%get3A_1418, %get3A_1419] {strides = array<i32>} : memref<4x128xi32, #tpu.memory_space<vmem>>, vector<16xi32>,
        %shift_right_arithmetic3A_1421 = arith.constant 14 : i32
        %shift_right_arithmetic3A_1422 = vector.broadcast %shift_right_arithmetic3A_1421 : i32 to vector<16xi32>
        %shift_right_arithmetic3A_1423 = arith.shrsi %get3A_1420, %shift_right_arithmetic3A_1422 : vector<16xi32>
        %swap3A_1424 = arith.constant 1 : i32
        %swap3A_1425 = arith.constant 0 : i32
        %swap3A_1426 = arith.index_cast %swap3A_1424 : i32 to index
        %swap3A_1427 = arith.index_cast %swap3A_1425 : i32 to index
        %swap3A_1428 = arith.constant 64 : index
        %swap3A_1429 = tpu.vector_load %arg7[%swap3A_1426, %swap3A_1427, %swap3A_1428] {strides = array<i32>} : memref<4x2x128xi32, #tpu.memory_space<vmem>>, vector<16xi32>,
        tpu.vector_store %arg7[%swap3A_1426, %swap3A_1427, %swap3A_1428], %shift_right_arithmetic3A_1423 {strides = array<i32>} : memref<4x2x128xi32, #tpu.memory_space<vmem>>, vector<16xi32>,
        %and3A_1430 = arith.constant 16383 : i32
        %and3A_1431 = vector.broadcast %and3A_1430 : i32 to vector<16xi32>
        %and3A_1432 = arith.andi %get3A_1420, %and3A_1431 : vector<16xi32>
        %swap3A_1433 = arith.constant 1 : i32
        %swap3A_1434 = arith.constant 1 : i32
        %swap3A_1435 = arith.index_cast %swap3A_1433 : i32 to index
        %swap3A_1436 = arith.index_cast %swap3A_1434 : i32 to index
        %swap3A_1437 = arith.constant 64 : index
        %swap3A_1438 = tpu.vector_load %arg7[%swap3A_1435, %swap3A_1436, %swap3A_1437] {strides = array<i32>} : memref<4x2x128xi32, #tpu.memory_space<vmem>>, vector<16xi32>,
        tpu.vector_store %arg7[%swap3A_1435, %swap3A_1436, %swap3A_1437], %and3A_1432 {strides = array<i32>} : memref<4x2x128xi32, #tpu.memory_space<vmem>>, vector<16xi32>,
        %get3A_1439 = arith.constant 1 : i32
        %get3A_1440 = arith.index_cast %get3A_1439 : i32 to index
        %get3A_1441 = arith.constant 80 : index
        %get3A_1442 = tpu.vector_load %arg6[%get3A_1440, %get3A_1441] {strides = array<i32>} : memref<4x128xi32, #tpu.memory_space<vmem>>, vector<16xi32>,
        %shift_right_arithmetic3A_1443 = arith.constant 14 : i32
        %shift_right_arithmetic3A_1444 = vector.broadcast %shift_right_arithmetic3A_1443 : i32 to vector<16xi32>
        %shift_right_arithmetic3A_1445 = arith.shrsi %get3A_1442, %shift_right_arithmetic3A_1444 : vector<16xi32>
        %swap3A_1446 = arith.constant 1 : i32
        %swap3A_1447 = arith.constant 0 : i32
        %swap3A_1448 = arith.index_cast %swap3A_1446 : i32 to index
        %swap3A_1449 = arith.index_cast %swap3A_1447 : i32 to index
        %swap3A_1450 = arith.constant 80 : index
        %swap3A_1451 = tpu.vector_load %arg7[%swap3A_1448, %swap3A_1449, %swap3A_1450] {strides = array<i32>} : memref<4x2x128xi32, #tpu.memory_space<vmem>>, vector<16xi32>,
        tpu.vector_store %arg7[%swap3A_1448, %swap3A_1449, %swap3A_1450], %shift_right_arithmetic3A_1445 {strides = array<i32>} : memref<4x2x128xi32, #tpu.memory_space<vmem>>, vector<16xi32>,
        %and3A_1452 = arith.constant 16383 : i32
        %and3A_1453 = vector.broadcast %and3A_1452 : i32 to vector<16xi32>
        %and3A_1454 = arith.andi %get3A_1442, %and3A_1453 : vector<16xi32>
        %swap3A_1455 = arith.constant 1 : i32
        %swap3A_1456 = arith.constant 1 : i32
        %swap3A_1457 = arith.index_cast %swap3A_1455 : i32 to index
        %swap3A_1458 = arith.index_cast %swap3A_1456 : i32 to index
        %swap3A_1459 = arith.constant 80 : index
        %swap3A_1460 = tpu.vector_load %arg7[%swap3A_1457, %swap3A_1458, %swap3A_1459] {strides = array<i32>} : memref<4x2x128xi32, #tpu.memory_space<vmem>>, vector<16xi32>,
        tpu.vector_store %arg7[%swap3A_1457, %swap3A_1458, %swap3A_1459], %and3A_1454 {strides = array<i32>} : memref<4x2x128xi32, #tpu.memory_space<vmem>>, vector<16xi32>,
        %get3A_1461 = arith.constant 1 : i32
        %get3A_1462 = arith.index_cast %get3A_1461 : i32 to index
        %get3A_1463 = arith.constant 96 : index
        %get3A_1464 = tpu.vector_load %arg6[%get3A_1462, %get3A_1463] {strides = array<i32>} : memref<4x128xi32, #tpu.memory_space<vmem>>, vector<16xi32>,
        %shift_right_arithmetic3A_1465 = arith.constant 14 : i32
        %shift_right_arithmetic3A_1466 = vector.broadcast %shift_right_arithmetic3A_1465 : i32 to vector<16xi32>
        %shift_right_arithmetic3A_1467 = arith.shrsi %get3A_1464, %shift_right_arithmetic3A_1466 : vector<16xi32>
        %swap3A_1468 = arith.constant 1 : i32
        %swap3A_1469 = arith.constant 0 : i32
        %swap3A_1470 = arith.index_cast %swap3A_1468 : i32 to index
        %swap3A_1471 = arith.index_cast %swap3A_1469 : i32 to index
        %swap3A_1472 = arith.constant 96 : index
        %swap3A_1473 = tpu.vector_load %arg7[%swap3A_1470, %swap3A_1471, %swap3A_1472] {strides = array<i32>} : memref<4x2x128xi32, #tpu.memory_space<vmem>>, vector<16xi32>,
        tpu.vector_store %arg7[%swap3A_1470, %swap3A_1471, %swap3A_1472], %shift_right_arithmetic3A_1467 {strides = array<i32>} : memref<4x2x128xi32, #tpu.memory_space<vmem>>, vector<16xi32>,
        %and3A_1474 = arith.constant 16383 : i32
        %and3A_1475 = vector.broadcast %and3A_1474 : i32 to vector<16xi32>
        %and3A_1476 = arith.andi %get3A_1464, %and3A_1475 : vector<16xi32>
        %swap3A_1477 = arith.constant 1 : i32
        %swap3A_1478 = arith.constant 1 : i32
        %swap3A_1479 = arith.index_cast %swap3A_1477 : i32 to index
        %swap3A_1480 = arith.index_cast %swap3A_1478 : i32 to index
        %swap3A_1481 = arith.constant 96 : index
        %swap3A_1482 = tpu.vector_load %arg7[%swap3A_1479, %swap3A_1480, %swap3A_1481] {strides = array<i32>} : memref<4x2x128xi32, #tpu.memory_space<vmem>>, vector<16xi32>,
        tpu.vector_store %arg7[%swap3A_1479, %swap3A_1480, %swap3A_1481], %and3A_1476 {strides = array<i32>} : memref<4x2x128xi32, #tpu.memory_space<vmem>>, vector<16xi32>,
        %get3A_1483 = arith.constant 1 : i32
        %get3A_1484 = arith.index_cast %get3A_1483 : i32 to index
        %get3A_1485 = arith.constant 112 : index
        %get3A_1486 = tpu.vector_load %arg6[%get3A_1484, %get3A_1485] {strides = array<i32>} : memref<4x128xi32, #tpu.memory_space<vmem>>, vector<16xi32>,
        %shift_right_arithmetic3A_1487 = arith.constant 14 : i32
        %shift_right_arithmetic3A_1488 = vector.broadcast %shift_right_arithmetic3A_1487 : i32 to vector<16xi32>
        %shift_right_arithmetic3A_1489 = arith.shrsi %get3A_1486, %shift_right_arithmetic3A_1488 : vector<16xi32>
        %swap3A_1490 = arith.constant 1 : i32
        %swap3A_1491 = arith.constant 0 : i32
        %swap3A_1492 = arith.index_cast %swap3A_1490 : i32 to index
        %swap3A_1493 = arith.index_cast %swap3A_1491 : i32 to index
        %swap3A_1494 = arith.constant 112 : index
        %swap3A_1495 = tpu.vector_load %arg7[%swap3A_1492, %swap3A_1493, %swap3A_1494] {strides = array<i32>} : memref<4x2x128xi32, #tpu.memory_space<vmem>>, vector<16xi32>,
        tpu.vector_store %arg7[%swap3A_1492, %swap3A_1493, %swap3A_1494], %shift_right_arithmetic3A_1489 {strides = array<i32>} : memref<4x2x128xi32, #tpu.memory_space<vmem>>, vector<16xi32>,
        %and3A_1496 = arith.constant 16383 : i32
        %and3A_1497 = vector.broadcast %and3A_1496 : i32 to vector<16xi32>
        %and3A_1498 = arith.andi %get3A_1486, %and3A_1497 : vector<16xi32>
        %swap3A_1499 = arith.constant 1 : i32
        %swap3A_1500 = arith.constant 1 : i32
        %swap3A_1501 = arith.index_cast %swap3A_1499 : i32 to index
        %swap3A_1502 = arith.index_cast %swap3A_1500 : i32 to index
        %swap3A_1503 = arith.constant 112 : index
        %swap3A_1504 = tpu.vector_load %arg7[%swap3A_1501, %swap3A_1502, %swap3A_1503] {strides = array<i32>} : memref<4x2x128xi32, #tpu.memory_space<vmem>>, vector<16xi32>,
        tpu.vector_store %arg7[%swap3A_1501, %swap3A_1502, %swap3A_1503], %and3A_1498 {strides = array<i32>} : memref<4x2x128xi32, #tpu.memory_space<vmem>>, vector<16xi32>,
        %dma_start3A_1505 = arith.constant 1 : i32
        %dma_start3A_1506 = arith.constant 0 : i32
        %dma_start3A_1507 = arith.constant 0 : i32
        %dma_start3A_1508 = tpu.memref_slice %arg7[%dma_start3A_1505, %dma_start3A_1506, %dma_start3A_1507] : memref<4x2x128xi32, #tpu.memory_space<vmem>> -> memref<1x1x128xi32, #tpu.memory_space<vmem>>
        %dma_start3A_1509 = tpu.memref_squeeze %dma_start3A_1508 : memref<1x1x128xi32, #tpu.memory_space<vmem>> -> memref<128xi32, #tpu.memory_space<vmem>>
        %dma_start3A_1510 = arith.constant 0 : i32
        %dma_start3A_1511 = arith.constant 0 : i32
        %dma_start3A_1512 = tpu.memref_slice %arg2[%dma_start3A_1510, %dma_start3A_1511] : memref<10240x128xbf16, #tpu.memory_space<hbm>> -> memref<10240x128xbf16, #tpu.memory_space<hbm>>
        tpu.enqueue_indirect_dma source(%dma_start3A_1512 : memref<10240x128xbf16, #tpu.memory_space<hbm>>) target(%arg9 : memref<128x128xbf16, #tpu.memory_space<vmem>>) offsets(%dma_start3A_1509 : memref<128xi32, #tpu.memory_space<vmem>>) semaphore(%arg19 : memref<!tpu.dma_semaphore, #tpu.memory_space<semaphore_mem>>)
      } else {
      }
      %add3A_1166 = arith.constant 2 : i32
      %add3A_1167 = arith.addi %mul3A_755, %add3A_1166 : i32
      %add3A_1168 = arith.constant 5 : i32
      %add3A_1169 = arith.addi %add3A_1167, %add3A_1168 : i32
      %lt3A_1170 = arith.constant 80 : i32
      %lt3A_1171 = arith.cmpi slt, %add3A_1169, %lt3A_1170 : i32
      %convert_element_type3A_1172 = arith.extui %lt3A_1171 : i1 to i32
      %cond3A_1173 = arith.constant 0 : i32
      %cond3A_1174 = arith.cmpi ne, %convert_element_type3A_1172, %cond3A_1173 : i32
      scf.if %cond3A_1174 {
        %mul3A_1315 = arith.constant 80 : i32
        %mul3A_1316 = arith.muli %add3A, %mul3A_1315 : i32
        %add3A_1317 = arith.addi %mul3A_1316, %add3A_1169 : i32
        %dma_start3A_1318 = arith.constant 3 : i32
        %dma_start3A_1319 = arith.constant 0 : i32
        %dma_start3A_1320 = tpu.memref_slice %arg6[%dma_start3A_1318, %dma_start3A_1319] : memref<4x128xi32, #tpu.memory_space<vmem>> -> memref<1x128xi32, #tpu.memory_space<vmem>>
        %dma_start3A_1321 = tpu.memref_squeeze %dma_start3A_1320 : memref<1x128xi32, #tpu.memory_space<vmem>> -> memref<128xi32, #tpu.memory_space<vmem>>
        %dma_start3A_1322 = arith.constant 0 : i32
        %dma_start3A_1323 = tpu.memref_slice %arg3[%add3A_1317, %dma_start3A_1322] : memref<2560x128xi32, #tpu.memory_space<hbm>> -> memref<1x128xi32, #tpu.memory_space<hbm>>
        %dma_start3A_1324 = tpu.memref_squeeze %dma_start3A_1323 : memref<1x128xi32, #tpu.memory_space<hbm>> -> memref<128xi32, #tpu.memory_space<hbm>>
        %dma_start3A_1325 = arith.constant 0 : i32
        %dma_start3A_1326 = tpu.memref_slice %arg6[%dma_start3A_1318, %dma_start3A_1325] : memref<4x128xi32, #tpu.memory_space<vmem>> -> memref<1x128xi32, #tpu.memory_space<vmem>>
        %dma_start3A_1327 = tpu.memref_squeeze %dma_start3A_1326 : memref<1x128xi32, #tpu.memory_space<vmem>> -> memref<128xi32, #tpu.memory_space<vmem>>
        %dma_start3A_1328 = arith.constant 0 : i32
        %dma_start3A_1329 = tpu.memref_slice %arg3[%add3A_1317, %dma_start3A_1328] : memref<2560x128xi32, #tpu.memory_space<hbm>> -> memref<1x128xi32, #tpu.memory_space<hbm>>
        %dma_start3A_1330 = tpu.memref_squeeze %dma_start3A_1329 : memref<1x128xi32, #tpu.memory_space<hbm>> -> memref<128xi32, #tpu.memory_space<hbm>>
        tpu.enqueue_dma source(%dma_start3A_1330 : memref<128xi32, #tpu.memory_space<hbm>>) target(%dma_start3A_1327 : memref<128xi32, #tpu.memory_space<vmem>>) target_semaphore(%arg25 : memref<!tpu.dma_semaphore, #tpu.memory_space<semaphore_mem>>)
      } else {
      }
      %dma_wait3A_1175 = arith.constant 3 : i32
      %dma_wait3A_1176 = arith.constant 0 : i32
      %dma_wait3A_1177 = arith.constant 0 : i32
      %dma_wait3A_1178 = tpu.memref_slice %arg7[%dma_wait3A_1175, %dma_wait3A_1176, %dma_wait3A_1177] : memref<4x2x128xi32, #tpu.memory_space<vmem>> -> memref<1x1x128xi32, #tpu.memory_space<vmem>>
      %dma_wait3A_1179 = tpu.memref_squeeze %dma_wait3A_1178 : memref<1x1x128xi32, #tpu.memory_space<vmem>> -> memref<128xi32, #tpu.memory_space<vmem>>
      %dma_wait3A_1180 = arith.constant 0 : i32
      %dma_wait3A_1181 = arith.constant 0 : i32
      %dma_wait3A_1182 = tpu.memref_slice %arg2[%dma_wait3A_1180, %dma_wait3A_1181] : memref<10240x128xbf16, #tpu.memory_space<hbm>> -> memref<10240x128xbf16, #tpu.memory_space<hbm>>
      tpu.wait_indirect_dma semaphore(%arg21 : memref<!tpu.dma_semaphore, #tpu.memory_space<semaphore_mem>>) src(%dma_wait3A_1182 : memref<10240x128xbf16, #tpu.memory_space<hbm>>) dst(%arg11 : memref<128x128xbf16, #tpu.memory_space<vmem>>)
      %run_scoped3A_1183 = arith.constant 3 : i32
      %run_scoped3A_1184 = arith.constant 1 : i32
      "tpu.region"() ({
        %run_scoped3A_1315 = tpu.sem_alloc : memref<!tpu.dma_semaphore, #tpu.memory_space<semaphore_mem>>
        %dma_start3A_1316 = arith.constant 0 : i32
        %dma_start3A_1317 = tpu.memref_slice %arg7[%run_scoped3A_1183, %run_scoped3A_1184, %dma_start3A_1316] : memref<4x2x128xi32, #tpu.memory_space<vmem>> -> memref<1x1x128xi32, #tpu.memory_space<vmem>>
        %dma_start3A_1318 = tpu.memref_squeeze %dma_start3A_1317 : memref<1x1x128xi32, #tpu.memory_space<vmem>> -> memref<128xi32, #tpu.memory_space<vmem>>
        %dma_start3A_1319 = arith.constant 0 : i32
        %dma_start3A_1320 = arith.constant 0 : i32
        %dma_start3A_1321 = tpu.memref_slice %arg16[%dma_start3A_1319, %dma_start3A_1320] : memref<10240x128xbf16, #tpu.memory_space<vmem_shared>> -> memref<10240x128xbf16, #tpu.memory_space<vmem_shared>>
        tpu.enqueue_indirect_dma source(%arg11 : memref<128x128xbf16, #tpu.memory_space<vmem>>) target(%dma_start3A_1321 : memref<10240x128xbf16, #tpu.memory_space<vmem_shared>>) offsets(%dma_start3A_1318 : memref<128xi32, #tpu.memory_space<vmem>>) semaphore(%run_scoped3A_1315 : memref<!tpu.dma_semaphore, #tpu.memory_space<semaphore_mem>>) {add = true}
        %dma_wait3A_1322 = arith.constant 0 : i32
        %dma_wait3A_1323 = tpu.memref_slice %arg7[%run_scoped3A_1183, %run_scoped3A_1184, %dma_wait3A_1322] : memref<4x2x128xi32, #tpu.memory_space<vmem>> -> memref<1x1x128xi32, #tpu.memory_space<vmem>>
        %dma_wait3A_1324 = tpu.memref_squeeze %dma_wait3A_1323 : memref<1x1x128xi32, #tpu.memory_space<vmem>> -> memref<128xi32, #tpu.memory_space<vmem>>
        %dma_wait3A_1325 = arith.constant 0 : i32
        %dma_wait3A_1326 = arith.constant 0 : i32
        %dma_wait3A_1327 = tpu.memref_slice %arg16[%dma_wait3A_1325, %dma_wait3A_1326] : memref<10240x128xbf16, #tpu.memory_space<vmem_shared>> -> memref<10240x128xbf16, #tpu.memory_space<vmem_shared>>
        tpu.wait_indirect_dma semaphore(%run_scoped3A_1315 : memref<!tpu.dma_semaphore, #tpu.memory_space<semaphore_mem>>) src(%arg11 : memref<128x128xbf16, #tpu.memory_space<vmem>>) dst(%dma_wait3A_1327 : memref<10240x128xbf16, #tpu.memory_space<vmem_shared>>)
        tpu.yield
      }) : () -> ()
      %get3A_1185 = arith.constant 3 : i32
      %get3A_1186 = arith.constant 1 : i32
      %get3A_1187 = arith.index_cast %get3A_1185 : i32 to index
      %get3A_1188 = arith.index_cast %get3A_1186 : i32 to index
      %get3A_1189 = arith.constant 0 : index
      %get3A_1190 = tpu.vector_load %arg7[%get3A_1187, %get3A_1188, %get3A_1189] {strides = array<i32>} : memref<4x2x128xi32, #tpu.memory_space<vmem>>, vector<16xi32>,
      %shift_right_arithmetic3A_1191 = arith.constant 7 : i32
      %shift_right_arithmetic3A_1192 = vector.broadcast %shift_right_arithmetic3A_1191 : i32 to vector<16xi32>
      %shift_right_arithmetic3A_1193 = arith.shrsi %get3A_1190, %shift_right_arithmetic3A_1192 : vector<16xi32>
      %and3A_1194 = arith.constant 127 : i32
      %and3A_1195 = vector.broadcast %and3A_1194 : i32 to vector<16xi32>
      %and3A_1196 = arith.andi %get3A_1190, %and3A_1195 : vector<16xi32>
      %broadcast_in_dim3A_1197 = arith.constant 1.000000e+00 : f32
      %broadcast_in_dim3A_1198 = vector.broadcast %broadcast_in_dim3A_1197 : f32 to vector<16xf32>
      tpu.vector_store_idx %arg13[%shift_right_arithmetic3A_1193, %and3A_1196], %broadcast_in_dim3A_1198 {add = true} : memref<80x128xf32, #tpu.memory_space<vmem>>[vector<16xi32>, vector<16xi32>], vector<16xf32>,
      %get3A_1199 = arith.constant 3 : i32
      %get3A_1200 = arith.constant 1 : i32
      %get3A_1201 = arith.index_cast %get3A_1199 : i32 to index
      %get3A_1202 = arith.index_cast %get3A_1200 : i32 to index
      %get3A_1203 = arith.constant 16 : index
      %get3A_1204 = tpu.vector_load %arg7[%get3A_1201, %get3A_1202, %get3A_1203] {strides = array<i32>} : memref<4x2x128xi32, #tpu.memory_space<vmem>>, vector<16xi32>,
      %shift_right_arithmetic3A_1205 = arith.constant 7 : i32
      %shift_right_arithmetic3A_1206 = vector.broadcast %shift_right_arithmetic3A_1205 : i32 to vector<16xi32>
      %shift_right_arithmetic3A_1207 = arith.shrsi %get3A_1204, %shift_right_arithmetic3A_1206 : vector<16xi32>
      %and3A_1208 = arith.constant 127 : i32
      %and3A_1209 = vector.broadcast %and3A_1208 : i32 to vector<16xi32>
      %and3A_1210 = arith.andi %get3A_1204, %and3A_1209 : vector<16xi32>
      %broadcast_in_dim3A_1211 = arith.constant 1.000000e+00 : f32
      %broadcast_in_dim3A_1212 = vector.broadcast %broadcast_in_dim3A_1211 : f32 to vector<16xf32>
      tpu.vector_store_idx %arg13[%shift_right_arithmetic3A_1207, %and3A_1210], %broadcast_in_dim3A_1212 {add = true} : memref<80x128xf32, #tpu.memory_space<vmem>>[vector<16xi32>, vector<16xi32>], vector<16xf32>,
      %get3A_1213 = arith.constant 3 : i32
      %get3A_1214 = arith.constant 1 : i32
      %get3A_1215 = arith.index_cast %get3A_1213 : i32 to index
      %get3A_1216 = arith.index_cast %get3A_1214 : i32 to index
      %get3A_1217 = arith.constant 32 : index
      %get3A_1218 = tpu.vector_load %arg7[%get3A_1215, %get3A_1216, %get3A_1217] {strides = array<i32>} : memref<4x2x128xi32, #tpu.memory_space<vmem>>, vector<16xi32>,
      %shift_right_arithmetic3A_1219 = arith.constant 7 : i32
      %shift_right_arithmetic3A_1220 = vector.broadcast %shift_right_arithmetic3A_1219 : i32 to vector<16xi32>
      %shift_right_arithmetic3A_1221 = arith.shrsi %get3A_1218, %shift_right_arithmetic3A_1220 : vector<16xi32>
      %and3A_1222 = arith.constant 127 : i32
      %and3A_1223 = vector.broadcast %and3A_1222 : i32 to vector<16xi32>
      %and3A_1224 = arith.andi %get3A_1218, %and3A_1223 : vector<16xi32>
      %broadcast_in_dim3A_1225 = arith.constant 1.000000e+00 : f32
      %broadcast_in_dim3A_1226 = vector.broadcast %broadcast_in_dim3A_1225 : f32 to vector<16xf32>
      tpu.vector_store_idx %arg13[%shift_right_arithmetic3A_1221, %and3A_1224], %broadcast_in_dim3A_1226 {add = true} : memref<80x128xf32, #tpu.memory_space<vmem>>[vector<16xi32>, vector<16xi32>], vector<16xf32>,
      %get3A_1227 = arith.constant 3 : i32
      %get3A_1228 = arith.constant 1 : i32
      %get3A_1229 = arith.index_cast %get3A_1227 : i32 to index
      %get3A_1230 = arith.index_cast %get3A_1228 : i32 to index
      %get3A_1231 = arith.constant 48 : index
      %get3A_1232 = tpu.vector_load %arg7[%get3A_1229, %get3A_1230, %get3A_1231] {strides = array<i32>} : memref<4x2x128xi32, #tpu.memory_space<vmem>>, vector<16xi32>,
      %shift_right_arithmetic3A_1233 = arith.constant 7 : i32
      %shift_right_arithmetic3A_1234 = vector.broadcast %shift_right_arithmetic3A_1233 : i32 to vector<16xi32>
      %shift_right_arithmetic3A_1235 = arith.shrsi %get3A_1232, %shift_right_arithmetic3A_1234 : vector<16xi32>
      %and3A_1236 = arith.constant 127 : i32
      %and3A_1237 = vector.broadcast %and3A_1236 : i32 to vector<16xi32>
      %and3A_1238 = arith.andi %get3A_1232, %and3A_1237 : vector<16xi32>
      %broadcast_in_dim3A_1239 = arith.constant 1.000000e+00 : f32
      %broadcast_in_dim3A_1240 = vector.broadcast %broadcast_in_dim3A_1239 : f32 to vector<16xf32>
      tpu.vector_store_idx %arg13[%shift_right_arithmetic3A_1235, %and3A_1238], %broadcast_in_dim3A_1240 {add = true} : memref<80x128xf32, #tpu.memory_space<vmem>>[vector<16xi32>, vector<16xi32>], vector<16xf32>,
      %get3A_1241 = arith.constant 3 : i32
      %get3A_1242 = arith.constant 1 : i32
      %get3A_1243 = arith.index_cast %get3A_1241 : i32 to index
      %get3A_1244 = arith.index_cast %get3A_1242 : i32 to index
      %get3A_1245 = arith.constant 64 : index
      %get3A_1246 = tpu.vector_load %arg7[%get3A_1243, %get3A_1244, %get3A_1245] {strides = array<i32>} : memref<4x2x128xi32, #tpu.memory_space<vmem>>, vector<16xi32>,
      %shift_right_arithmetic3A_1247 = arith.constant 7 : i32
      %shift_right_arithmetic3A_1248 = vector.broadcast %shift_right_arithmetic3A_1247 : i32 to vector<16xi32>
      %shift_right_arithmetic3A_1249 = arith.shrsi %get3A_1246, %shift_right_arithmetic3A_1248 : vector<16xi32>
      %and3A_1250 = arith.constant 127 : i32
      %and3A_1251 = vector.broadcast %and3A_1250 : i32 to vector<16xi32>
      %and3A_1252 = arith.andi %get3A_1246, %and3A_1251 : vector<16xi32>
      %broadcast_in_dim3A_1253 = arith.constant 1.000000e+00 : f32
      %broadcast_in_dim3A_1254 = vector.broadcast %broadcast_in_dim3A_1253 : f32 to vector<16xf32>
      tpu.vector_store_idx %arg13[%shift_right_arithmetic3A_1249, %and3A_1252], %broadcast_in_dim3A_1254 {add = true} : memref<80x128xf32, #tpu.memory_space<vmem>>[vector<16xi32>, vector<16xi32>], vector<16xf32>,
      %get3A_1255 = arith.constant 3 : i32
      %get3A_1256 = arith.constant 1 : i32
      %get3A_1257 = arith.index_cast %get3A_1255 : i32 to index
      %get3A_1258 = arith.index_cast %get3A_1256 : i32 to index
      %get3A_1259 = arith.constant 80 : index
      %get3A_1260 = tpu.vector_load %arg7[%get3A_1257, %get3A_1258, %get3A_1259] {strides = array<i32>} : memref<4x2x128xi32, #tpu.memory_space<vmem>>, vector<16xi32>,
      %shift_right_arithmetic3A_1261 = arith.constant 7 : i32
      %shift_right_arithmetic3A_1262 = vector.broadcast %shift_right_arithmetic3A_1261 : i32 to vector<16xi32>
      %shift_right_arithmetic3A_1263 = arith.shrsi %get3A_1260, %shift_right_arithmetic3A_1262 : vector<16xi32>
      %and3A_1264 = arith.constant 127 : i32
      %and3A_1265 = vector.broadcast %and3A_1264 : i32 to vector<16xi32>
      %and3A_1266 = arith.andi %get3A_1260, %and3A_1265 : vector<16xi32>
      %broadcast_in_dim3A_1267 = arith.constant 1.000000e+00 : f32
      %broadcast_in_dim3A_1268 = vector.broadcast %broadcast_in_dim3A_1267 : f32 to vector<16xf32>
      tpu.vector_store_idx %arg13[%shift_right_arithmetic3A_1263, %and3A_1266], %broadcast_in_dim3A_1268 {add = true} : memref<80x128xf32, #tpu.memory_space<vmem>>[vector<16xi32>, vector<16xi32>], vector<16xf32>,
      %get3A_1269 = arith.constant 3 : i32
      %get3A_1270 = arith.constant 1 : i32
      %get3A_1271 = arith.index_cast %get3A_1269 : i32 to index
      %get3A_1272 = arith.index_cast %get3A_1270 : i32 to index
      %get3A_1273 = arith.constant 96 : index
      %get3A_1274 = tpu.vector_load %arg7[%get3A_1271, %get3A_1272, %get3A_1273] {strides = array<i32>} : memref<4x2x128xi32, #tpu.memory_space<vmem>>, vector<16xi32>,
      %shift_right_arithmetic3A_1275 = arith.constant 7 : i32
      %shift_right_arithmetic3A_1276 = vector.broadcast %shift_right_arithmetic3A_1275 : i32 to vector<16xi32>
      %shift_right_arithmetic3A_1277 = arith.shrsi %get3A_1274, %shift_right_arithmetic3A_1276 : vector<16xi32>
      %and3A_1278 = arith.constant 127 : i32
      %and3A_1279 = vector.broadcast %and3A_1278 : i32 to vector<16xi32>
      %and3A_1280 = arith.andi %get3A_1274, %and3A_1279 : vector<16xi32>
      %broadcast_in_dim3A_1281 = arith.constant 1.000000e+00 : f32
      %broadcast_in_dim3A_1282 = vector.broadcast %broadcast_in_dim3A_1281 : f32 to vector<16xf32>
      tpu.vector_store_idx %arg13[%shift_right_arithmetic3A_1277, %and3A_1280], %broadcast_in_dim3A_1282 {add = true} : memref<80x128xf32, #tpu.memory_space<vmem>>[vector<16xi32>, vector<16xi32>], vector<16xf32>,
      %get3A_1283 = arith.constant 3 : i32
      %get3A_1284 = arith.constant 1 : i32
      %get3A_1285 = arith.index_cast %get3A_1283 : i32 to index
      %get3A_1286 = arith.index_cast %get3A_1284 : i32 to index
      %get3A_1287 = arith.constant 112 : index
      %get3A_1288 = tpu.vector_load %arg7[%get3A_1285, %get3A_1286, %get3A_1287] {strides = array<i32>} : memref<4x2x128xi32, #tpu.memory_space<vmem>>, vector<16xi32>,
      %shift_right_arithmetic3A_1289 = arith.constant 7 : i32
      %shift_right_arithmetic3A_1290 = vector.broadcast %shift_right_arithmetic3A_1289 : i32 to vector<16xi32>
      %shift_right_arithmetic3A_1291 = arith.shrsi %get3A_1288, %shift_right_arithmetic3A_1290 : vector<16xi32>
      %and3A_1292 = arith.constant 127 : i32
      %and3A_1293 = vector.broadcast %and3A_1292 : i32 to vector<16xi32>
      %and3A_1294 = arith.andi %get3A_1288, %and3A_1293 : vector<16xi32>
      %broadcast_in_dim3A_1295 = arith.constant 1.000000e+00 : f32
      %broadcast_in_dim3A_1296 = vector.broadcast %broadcast_in_dim3A_1295 : f32 to vector<16xf32>
      tpu.vector_store_idx %arg13[%shift_right_arithmetic3A_1291, %and3A_1294], %broadcast_in_dim3A_1296 {add = true} : memref<80x128xf32, #tpu.memory_space<vmem>>[vector<16xi32>, vector<16xi32>], vector<16xf32>,
      %add3A_1297 = arith.constant 3 : i32
      %add3A_1298 = arith.addi %mul3A_755, %add3A_1297 : i32
      %add3A_1299 = arith.constant 3 : i32
      %add3A_1300 = arith.addi %add3A_1298, %add3A_1299 : i32
      %lt3A_1301 = arith.constant 80 : i32
      %lt3A_1302 = arith.cmpi slt, %add3A_1300, %lt3A_1301 : i32
      %convert_element_type3A_1303 = arith.extui %lt3A_1302 : i1 to i32
      %cond3A_1304 = arith.constant 0 : i32
      %cond3A_1305 = arith.cmpi ne, %convert_element_type3A_1303, %cond3A_1304 : i32
      scf.if %cond3A_1305 {
        %dma_wait3A_1315 = arith.constant 0 : i32
        %dma_wait3A_1316 = arith.constant 2 : i32
        %dma_wait3A_1317 = arith.constant 0 : i32
        %dma_wait3A_1318 = tpu.memref_slice %arg6[%dma_wait3A_1316, %dma_wait3A_1317] : memref<4x128xi32, #tpu.memory_space<vmem>> -> memref<1x128xi32, #tpu.memory_space<vmem>>
        %dma_wait3A_1319 = tpu.memref_squeeze %dma_wait3A_1318 : memref<1x128xi32, #tpu.memory_space<vmem>> -> memref<128xi32, #tpu.memory_space<vmem>>
        %dma_wait3A_1320 = arith.constant 0 : i32
        %dma_wait3A_1321 = tpu.memref_slice %arg3[%dma_wait3A_1315, %dma_wait3A_1320] : memref<2560x128xi32, #tpu.memory_space<hbm>> -> memref<1x128xi32, #tpu.memory_space<hbm>>
        %dma_wait3A_1322 = tpu.memref_squeeze %dma_wait3A_1321 : memref<1x128xi32, #tpu.memory_space<hbm>> -> memref<128xi32, #tpu.memory_space<hbm>>
        %dma_wait3A_1323 = arith.constant 0 : i32
        %dma_wait3A_1324 = tpu.memref_slice %arg6[%dma_wait3A_1316, %dma_wait3A_1323] : memref<4x128xi32, #tpu.memory_space<vmem>> -> memref<1x128xi32, #tpu.memory_space<vmem>>
        %dma_wait3A_1325 = tpu.memref_squeeze %dma_wait3A_1324 : memref<1x128xi32, #tpu.memory_space<vmem>> -> memref<128xi32, #tpu.memory_space<vmem>>
        %dma_wait3A_1326 = arith.constant 0 : i32
        %dma_wait3A_1327 = tpu.memref_slice %arg3[%dma_wait3A_1315, %dma_wait3A_1326] : memref<2560x128xi32, #tpu.memory_space<hbm>> -> memref<1x128xi32, #tpu.memory_space<hbm>>
        %dma_wait3A_1328 = tpu.memref_squeeze %dma_wait3A_1327 : memref<1x128xi32, #tpu.memory_space<hbm>> -> memref<128xi32, #tpu.memory_space<hbm>>
        tpu.wait_dma2 semaphore(%arg24 : memref<!tpu.dma_semaphore, #tpu.memory_space<semaphore_mem>>) src(%dma_wait3A_1328 : memref<128xi32, #tpu.memory_space<hbm>>) dst(%dma_wait3A_1325 : memref<128xi32, #tpu.memory_space<vmem>>)
        %get3A_1329 = arith.constant 2 : i32
        %get3A_1330 = arith.index_cast %get3A_1329 : i32 to index
        %get3A_1331 = arith.constant 0 : index
        %get3A_1332 = tpu.vector_load %arg6[%get3A_1330, %get3A_1331] {strides = array<i32>} : memref<4x128xi32, #tpu.memory_space<vmem>>, vector<16xi32>,
        %shift_right_arithmetic3A_1333 = arith.constant 14 : i32
        %shift_right_arithmetic3A_1334 = vector.broadcast %shift_right_arithmetic3A_1333 : i32 to vector<16xi32>
        %shift_right_arithmetic3A_1335 = arith.shrsi %get3A_1332, %shift_right_arithmetic3A_1334 : vector<16xi32>
        %swap3A_1336 = arith.constant 2 : i32
        %swap3A_1337 = arith.constant 0 : i32
        %swap3A_1338 = arith.index_cast %swap3A_1336 : i32 to index
        %swap3A_1339 = arith.index_cast %swap3A_1337 : i32 to index
        %swap3A_1340 = arith.constant 0 : index
        %swap3A_1341 = tpu.vector_load %arg7[%swap3A_1338, %swap3A_1339, %swap3A_1340] {strides = array<i32>} : memref<4x2x128xi32, #tpu.memory_space<vmem>>, vector<16xi32>,
        tpu.vector_store %arg7[%swap3A_1338, %swap3A_1339, %swap3A_1340], %shift_right_arithmetic3A_1335 {strides = array<i32>} : memref<4x2x128xi32, #tpu.memory_space<vmem>>, vector<16xi32>,
        %and3A_1342 = arith.constant 16383 : i32
        %and3A_1343 = vector.broadcast %and3A_1342 : i32 to vector<16xi32>
        %and3A_1344 = arith.andi %get3A_1332, %and3A_1343 : vector<16xi32>
        %swap3A_1345 = arith.constant 2 : i32
        %swap3A_1346 = arith.constant 1 : i32
        %swap3A_1347 = arith.index_cast %swap3A_1345 : i32 to index
        %swap3A_1348 = arith.index_cast %swap3A_1346 : i32 to index
        %swap3A_1349 = arith.constant 0 : index
        %swap3A_1350 = tpu.vector_load %arg7[%swap3A_1347, %swap3A_1348, %swap3A_1349] {strides = array<i32>} : memref<4x2x128xi32, #tpu.memory_space<vmem>>, vector<16xi32>,
        tpu.vector_store %arg7[%swap3A_1347, %swap3A_1348, %swap3A_1349], %and3A_1344 {strides = array<i32>} : memref<4x2x128xi32, #tpu.memory_space<vmem>>, vector<16xi32>,
        %get3A_1351 = arith.constant 2 : i32
        %get3A_1352 = arith.index_cast %get3A_1351 : i32 to index
        %get3A_1353 = arith.constant 16 : index
        %get3A_1354 = tpu.vector_load %arg6[%get3A_1352, %get3A_1353] {strides = array<i32>} : memref<4x128xi32, #tpu.memory_space<vmem>>, vector<16xi32>,
        %shift_right_arithmetic3A_1355 = arith.constant 14 : i32
        %shift_right_arithmetic3A_1356 = vector.broadcast %shift_right_arithmetic3A_1355 : i32 to vector<16xi32>
        %shift_right_arithmetic3A_1357 = arith.shrsi %get3A_1354, %shift_right_arithmetic3A_1356 : vector<16xi32>
        %swap3A_1358 = arith.constant 2 : i32
        %swap3A_1359 = arith.constant 0 : i32
        %swap3A_1360 = arith.index_cast %swap3A_1358 : i32 to index
        %swap3A_1361 = arith.index_cast %swap3A_1359 : i32 to index
        %swap3A_1362 = arith.constant 16 : index
        %swap3A_1363 = tpu.vector_load %arg7[%swap3A_1360, %swap3A_1361, %swap3A_1362] {strides = array<i32>} : memref<4x2x128xi32, #tpu.memory_space<vmem>>, vector<16xi32>,
        tpu.vector_store %arg7[%swap3A_1360, %swap3A_1361, %swap3A_1362], %shift_right_arithmetic3A_1357 {strides = array<i32>} : memref<4x2x128xi32, #tpu.memory_space<vmem>>, vector<16xi32>,
        %and3A_1364 = arith.constant 16383 : i32
        %and3A_1365 = vector.broadcast %and3A_1364 : i32 to vector<16xi32>
        %and3A_1366 = arith.andi %get3A_1354, %and3A_1365 : vector<16xi32>
        %swap3A_1367 = arith.constant 2 : i32
        %swap3A_1368 = arith.constant 1 : i32
        %swap3A_1369 = arith.index_cast %swap3A_1367 : i32 to index
        %swap3A_1370 = arith.index_cast %swap3A_1368 : i32 to index
        %swap3A_1371 = arith.constant 16 : index
        %swap3A_1372 = tpu.vector_load %arg7[%swap3A_1369, %swap3A_1370, %swap3A_1371] {strides = array<i32>} : memref<4x2x128xi32, #tpu.memory_space<vmem>>, vector<16xi32>,
        tpu.vector_store %arg7[%swap3A_1369, %swap3A_1370, %swap3A_1371], %and3A_1366 {strides = array<i32>} : memref<4x2x128xi32, #tpu.memory_space<vmem>>, vector<16xi32>,
        %get3A_1373 = arith.constant 2 : i32
        %get3A_1374 = arith.index_cast %get3A_1373 : i32 to index
        %get3A_1375 = arith.constant 32 : index
        %get3A_1376 = tpu.vector_load %arg6[%get3A_1374, %get3A_1375] {strides = array<i32>} : memref<4x128xi32, #tpu.memory_space<vmem>>, vector<16xi32>,
        %shift_right_arithmetic3A_1377 = arith.constant 14 : i32
        %shift_right_arithmetic3A_1378 = vector.broadcast %shift_right_arithmetic3A_1377 : i32 to vector<16xi32>
        %shift_right_arithmetic3A_1379 = arith.shrsi %get3A_1376, %shift_right_arithmetic3A_1378 : vector<16xi32>
        %swap3A_1380 = arith.constant 2 : i32
        %swap3A_1381 = arith.constant 0 : i32
        %swap3A_1382 = arith.index_cast %swap3A_1380 : i32 to index
        %swap3A_1383 = arith.index_cast %swap3A_1381 : i32 to index
        %swap3A_1384 = arith.constant 32 : index
        %swap3A_1385 = tpu.vector_load %arg7[%swap3A_1382, %swap3A_1383, %swap3A_1384] {strides = array<i32>} : memref<4x2x128xi32, #tpu.memory_space<vmem>>, vector<16xi32>,
        tpu.vector_store %arg7[%swap3A_1382, %swap3A_1383, %swap3A_1384], %shift_right_arithmetic3A_1379 {strides = array<i32>} : memref<4x2x128xi32, #tpu.memory_space<vmem>>, vector<16xi32>,
        %and3A_1386 = arith.constant 16383 : i32
        %and3A_1387 = vector.broadcast %and3A_1386 : i32 to vector<16xi32>
        %and3A_1388 = arith.andi %get3A_1376, %and3A_1387 : vector<16xi32>
        %swap3A_1389 = arith.constant 2 : i32
        %swap3A_1390 = arith.constant 1 : i32
        %swap3A_1391 = arith.index_cast %swap3A_1389 : i32 to index
        %swap3A_1392 = arith.index_cast %swap3A_1390 : i32 to index
        %swap3A_1393 = arith.constant 32 : index
        %swap3A_1394 = tpu.vector_load %arg7[%swap3A_1391, %swap3A_1392, %swap3A_1393] {strides = array<i32>} : memref<4x2x128xi32, #tpu.memory_space<vmem>>, vector<16xi32>,
        tpu.vector_store %arg7[%swap3A_1391, %swap3A_1392, %swap3A_1393], %and3A_1388 {strides = array<i32>} : memref<4x2x128xi32, #tpu.memory_space<vmem>>, vector<16xi32>,
        %get3A_1395 = arith.constant 2 : i32
        %get3A_1396 = arith.index_cast %get3A_1395 : i32 to index
        %get3A_1397 = arith.constant 48 : index
        %get3A_1398 = tpu.vector_load %arg6[%get3A_1396, %get3A_1397] {strides = array<i32>} : memref<4x128xi32, #tpu.memory_space<vmem>>, vector<16xi32>,
        %shift_right_arithmetic3A_1399 = arith.constant 14 : i32
        %shift_right_arithmetic3A_1400 = vector.broadcast %shift_right_arithmetic3A_1399 : i32 to vector<16xi32>
        %shift_right_arithmetic3A_1401 = arith.shrsi %get3A_1398, %shift_right_arithmetic3A_1400 : vector<16xi32>
        %swap3A_1402 = arith.constant 2 : i32
        %swap3A_1403 = arith.constant 0 : i32
        %swap3A_1404 = arith.index_cast %swap3A_1402 : i32 to index
        %swap3A_1405 = arith.index_cast %swap3A_1403 : i32 to index
        %swap3A_1406 = arith.constant 48 : index
        %swap3A_1407 = tpu.vector_load %arg7[%swap3A_1404, %swap3A_1405, %swap3A_1406] {strides = array<i32>} : memref<4x2x128xi32, #tpu.memory_space<vmem>>, vector<16xi32>,
        tpu.vector_store %arg7[%swap3A_1404, %swap3A_1405, %swap3A_1406], %shift_right_arithmetic3A_1401 {strides = array<i32>} : memref<4x2x128xi32, #tpu.memory_space<vmem>>, vector<16xi32>,
        %and3A_1408 = arith.constant 16383 : i32
        %and3A_1409 = vector.broadcast %and3A_1408 : i32 to vector<16xi32>
        %and3A_1410 = arith.andi %get3A_1398, %and3A_1409 : vector<16xi32>
        %swap3A_1411 = arith.constant 2 : i32
        %swap3A_1412 = arith.constant 1 : i32
        %swap3A_1413 = arith.index_cast %swap3A_1411 : i32 to index
        %swap3A_1414 = arith.index_cast %swap3A_1412 : i32 to index
        %swap3A_1415 = arith.constant 48 : index
        %swap3A_1416 = tpu.vector_load %arg7[%swap3A_1413, %swap3A_1414, %swap3A_1415] {strides = array<i32>} : memref<4x2x128xi32, #tpu.memory_space<vmem>>, vector<16xi32>,
        tpu.vector_store %arg7[%swap3A_1413, %swap3A_1414, %swap3A_1415], %and3A_1410 {strides = array<i32>} : memref<4x2x128xi32, #tpu.memory_space<vmem>>, vector<16xi32>,
        %get3A_1417 = arith.constant 2 : i32
        %get3A_1418 = arith.index_cast %get3A_1417 : i32 to index
        %get3A_1419 = arith.constant 64 : index
        %get3A_1420 = tpu.vector_load %arg6[%get3A_1418, %get3A_1419] {strides = array<i32>} : memref<4x128xi32, #tpu.memory_space<vmem>>, vector<16xi32>,
        %shift_right_arithmetic3A_1421 = arith.constant 14 : i32
        %shift_right_arithmetic3A_1422 = vector.broadcast %shift_right_arithmetic3A_1421 : i32 to vector<16xi32>
        %shift_right_arithmetic3A_1423 = arith.shrsi %get3A_1420, %shift_right_arithmetic3A_1422 : vector<16xi32>
        %swap3A_1424 = arith.constant 2 : i32
        %swap3A_1425 = arith.constant 0 : i32
        %swap3A_1426 = arith.index_cast %swap3A_1424 : i32 to index
        %swap3A_1427 = arith.index_cast %swap3A_1425 : i32 to index
        %swap3A_1428 = arith.constant 64 : index
        %swap3A_1429 = tpu.vector_load %arg7[%swap3A_1426, %swap3A_1427, %swap3A_1428] {strides = array<i32>} : memref<4x2x128xi32, #tpu.memory_space<vmem>>, vector<16xi32>,
        tpu.vector_store %arg7[%swap3A_1426, %swap3A_1427, %swap3A_1428], %shift_right_arithmetic3A_1423 {strides = array<i32>} : memref<4x2x128xi32, #tpu.memory_space<vmem>>, vector<16xi32>,
        %and3A_1430 = arith.constant 16383 : i32
        %and3A_1431 = vector.broadcast %and3A_1430 : i32 to vector<16xi32>
        %and3A_1432 = arith.andi %get3A_1420, %and3A_1431 : vector<16xi32>
        %swap3A_1433 = arith.constant 2 : i32
        %swap3A_1434 = arith.constant 1 : i32
        %swap3A_1435 = arith.index_cast %swap3A_1433 : i32 to index
        %swap3A_1436 = arith.index_cast %swap3A_1434 : i32 to index
        %swap3A_1437 = arith.constant 64 : index
        %swap3A_1438 = tpu.vector_load %arg7[%swap3A_1435, %swap3A_1436, %swap3A_1437] {strides = array<i32>} : memref<4x2x128xi32, #tpu.memory_space<vmem>>, vector<16xi32>,
        tpu.vector_store %arg7[%swap3A_1435, %swap3A_1436, %swap3A_1437], %and3A_1432 {strides = array<i32>} : memref<4x2x128xi32, #tpu.memory_space<vmem>>, vector<16xi32>,
        %get3A_1439 = arith.constant 2 : i32
        %get3A_1440 = arith.index_cast %get3A_1439 : i32 to index
        %get3A_1441 = arith.constant 80 : index
        %get3A_1442 = tpu.vector_load %arg6[%get3A_1440, %get3A_1441] {strides = array<i32>} : memref<4x128xi32, #tpu.memory_space<vmem>>, vector<16xi32>,
        %shift_right_arithmetic3A_1443 = arith.constant 14 : i32
        %shift_right_arithmetic3A_1444 = vector.broadcast %shift_right_arithmetic3A_1443 : i32 to vector<16xi32>
        %shift_right_arithmetic3A_1445 = arith.shrsi %get3A_1442, %shift_right_arithmetic3A_1444 : vector<16xi32>
        %swap3A_1446 = arith.constant 2 : i32
        %swap3A_1447 = arith.constant 0 : i32
        %swap3A_1448 = arith.index_cast %swap3A_1446 : i32 to index
        %swap3A_1449 = arith.index_cast %swap3A_1447 : i32 to index
        %swap3A_1450 = arith.constant 80 : index
        %swap3A_1451 = tpu.vector_load %arg7[%swap3A_1448, %swap3A_1449, %swap3A_1450] {strides = array<i32>} : memref<4x2x128xi32, #tpu.memory_space<vmem>>, vector<16xi32>,
        tpu.vector_store %arg7[%swap3A_1448, %swap3A_1449, %swap3A_1450], %shift_right_arithmetic3A_1445 {strides = array<i32>} : memref<4x2x128xi32, #tpu.memory_space<vmem>>, vector<16xi32>,
        %and3A_1452 = arith.constant 16383 : i32
        %and3A_1453 = vector.broadcast %and3A_1452 : i32 to vector<16xi32>
        %and3A_1454 = arith.andi %get3A_1442, %and3A_1453 : vector<16xi32>
        %swap3A_1455 = arith.constant 2 : i32
        %swap3A_1456 = arith.constant 1 : i32
        %swap3A_1457 = arith.index_cast %swap3A_1455 : i32 to index
        %swap3A_1458 = arith.index_cast %swap3A_1456 : i32 to index
        %swap3A_1459 = arith.constant 80 : index
        %swap3A_1460 = tpu.vector_load %arg7[%swap3A_1457, %swap3A_1458, %swap3A_1459] {strides = array<i32>} : memref<4x2x128xi32, #tpu.memory_space<vmem>>, vector<16xi32>,
        tpu.vector_store %arg7[%swap3A_1457, %swap3A_1458, %swap3A_1459], %and3A_1454 {strides = array<i32>} : memref<4x2x128xi32, #tpu.memory_space<vmem>>, vector<16xi32>,
        %get3A_1461 = arith.constant 2 : i32
        %get3A_1462 = arith.index_cast %get3A_1461 : i32 to index
        %get3A_1463 = arith.constant 96 : index
        %get3A_1464 = tpu.vector_load %arg6[%get3A_1462, %get3A_1463] {strides = array<i32>} : memref<4x128xi32, #tpu.memory_space<vmem>>, vector<16xi32>,
        %shift_right_arithmetic3A_1465 = arith.constant 14 : i32
        %shift_right_arithmetic3A_1466 = vector.broadcast %shift_right_arithmetic3A_1465 : i32 to vector<16xi32>
        %shift_right_arithmetic3A_1467 = arith.shrsi %get3A_1464, %shift_right_arithmetic3A_1466 : vector<16xi32>
        %swap3A_1468 = arith.constant 2 : i32
        %swap3A_1469 = arith.constant 0 : i32
        %swap3A_1470 = arith.index_cast %swap3A_1468 : i32 to index
        %swap3A_1471 = arith.index_cast %swap3A_1469 : i32 to index
        %swap3A_1472 = arith.constant 96 : index
        %swap3A_1473 = tpu.vector_load %arg7[%swap3A_1470, %swap3A_1471, %swap3A_1472] {strides = array<i32>} : memref<4x2x128xi32, #tpu.memory_space<vmem>>, vector<16xi32>,
        tpu.vector_store %arg7[%swap3A_1470, %swap3A_1471, %swap3A_1472], %shift_right_arithmetic3A_1467 {strides = array<i32>} : memref<4x2x128xi32, #tpu.memory_space<vmem>>, vector<16xi32>,
        %and3A_1474 = arith.constant 16383 : i32
        %and3A_1475 = vector.broadcast %and3A_1474 : i32 to vector<16xi32>
        %and3A_1476 = arith.andi %get3A_1464, %and3A_1475 : vector<16xi32>
        %swap3A_1477 = arith.constant 2 : i32
        %swap3A_1478 = arith.constant 1 : i32
        %swap3A_1479 = arith.index_cast %swap3A_1477 : i32 to index
        %swap3A_1480 = arith.index_cast %swap3A_1478 : i32 to index
        %swap3A_1481 = arith.constant 96 : index
        %swap3A_1482 = tpu.vector_load %arg7[%swap3A_1479, %swap3A_1480, %swap3A_1481] {strides = array<i32>} : memref<4x2x128xi32, #tpu.memory_space<vmem>>, vector<16xi32>,
        tpu.vector_store %arg7[%swap3A_1479, %swap3A_1480, %swap3A_1481], %and3A_1476 {strides = array<i32>} : memref<4x2x128xi32, #tpu.memory_space<vmem>>, vector<16xi32>,
        %get3A_1483 = arith.constant 2 : i32
        %get3A_1484 = arith.index_cast %get3A_1483 : i32 to index
        %get3A_1485 = arith.constant 112 : index
        %get3A_1486 = tpu.vector_load %arg6[%get3A_1484, %get3A_1485] {strides = array<i32>} : memref<4x128xi32, #tpu.memory_space<vmem>>, vector<16xi32>,
        %shift_right_arithmetic3A_1487 = arith.constant 14 : i32
        %shift_right_arithmetic3A_1488 = vector.broadcast %shift_right_arithmetic3A_1487 : i32 to vector<16xi32>
        %shift_right_arithmetic3A_1489 = arith.shrsi %get3A_1486, %shift_right_arithmetic3A_1488 : vector<16xi32>
        %swap3A_1490 = arith.constant 2 : i32
        %swap3A_1491 = arith.constant 0 : i32
        %swap3A_1492 = arith.index_cast %swap3A_1490 : i32 to index
        %swap3A_1493 = arith.index_cast %swap3A_1491 : i32 to index
        %swap3A_1494 = arith.constant 112 : index
        %swap3A_1495 = tpu.vector_load %arg7[%swap3A_1492, %swap3A_1493, %swap3A_1494] {strides = array<i32>} : memref<4x2x128xi32, #tpu.memory_space<vmem>>, vector<16xi32>,
        tpu.vector_store %arg7[%swap3A_1492, %swap3A_1493, %swap3A_1494], %shift_right_arithmetic3A_1489 {strides = array<i32>} : memref<4x2x128xi32, #tpu.memory_space<vmem>>, vector<16xi32>,
        %and3A_1496 = arith.constant 16383 : i32
        %and3A_1497 = vector.broadcast %and3A_1496 : i32 to vector<16xi32>
        %and3A_1498 = arith.andi %get3A_1486, %and3A_1497 : vector<16xi32>
        %swap3A_1499 = arith.constant 2 : i32
        %swap3A_1500 = arith.constant 1 : i32
        %swap3A_1501 = arith.index_cast %swap3A_1499 : i32 to index
        %swap3A_1502 = arith.index_cast %swap3A_1500 : i32 to index
        %swap3A_1503 = arith.constant 112 : index
        %swap3A_1504 = tpu.vector_load %arg7[%swap3A_1501, %swap3A_1502, %swap3A_1503] {strides = array<i32>} : memref<4x2x128xi32, #tpu.memory_space<vmem>>, vector<16xi32>,
        tpu.vector_store %arg7[%swap3A_1501, %swap3A_1502, %swap3A_1503], %and3A_1498 {strides = array<i32>} : memref<4x2x128xi32, #tpu.memory_space<vmem>>, vector<16xi32>,
        %dma_start3A_1505 = arith.constant 2 : i32
        %dma_start3A_1506 = arith.constant 0 : i32
        %dma_start3A_1507 = arith.constant 0 : i32
        %dma_start3A_1508 = tpu.memref_slice %arg7[%dma_start3A_1505, %dma_start3A_1506, %dma_start3A_1507] : memref<4x2x128xi32, #tpu.memory_space<vmem>> -> memref<1x1x128xi32, #tpu.memory_space<vmem>>
        %dma_start3A_1509 = tpu.memref_squeeze %dma_start3A_1508 : memref<1x1x128xi32, #tpu.memory_space<vmem>> -> memref<128xi32, #tpu.memory_space<vmem>>
        %dma_start3A_1510 = arith.constant 0 : i32
        %dma_start3A_1511 = arith.constant 0 : i32
        %dma_start3A_1512 = tpu.memref_slice %arg2[%dma_start3A_1510, %dma_start3A_1511] : memref<10240x128xbf16, #tpu.memory_space<hbm>> -> memref<10240x128xbf16, #tpu.memory_space<hbm>>
        tpu.enqueue_indirect_dma source(%dma_start3A_1512 : memref<10240x128xbf16, #tpu.memory_space<hbm>>) target(%arg10 : memref<128x128xbf16, #tpu.memory_space<vmem>>) offsets(%dma_start3A_1509 : memref<128xi32, #tpu.memory_space<vmem>>) semaphore(%arg20 : memref<!tpu.dma_semaphore, #tpu.memory_space<semaphore_mem>>)
      } else {
      }
      %add3A_1306 = arith.constant 3 : i32
      %add3A_1307 = arith.addi %mul3A_755, %add3A_1306 : i32
      %add3A_1308 = arith.constant 5 : i32
      %add3A_1309 = arith.addi %add3A_1307, %add3A_1308 : i32
      %lt3A_1310 = arith.constant 80 : i32
      %lt3A_1311 = arith.cmpi slt, %add3A_1309, %lt3A_1310 : i32
      %convert_element_type3A_1312 = arith.extui %lt3A_1311 : i1 to i32
      %cond3A_1313 = arith.constant 0 : i32
      %cond3A_1314 = arith.cmpi ne, %convert_element_type3A_1312, %cond3A_1313 : i32
      scf.if %cond3A_1314 {
        %mul3A_1315 = arith.constant 80 : i32
        %mul3A_1316 = arith.muli %add3A, %mul3A_1315 : i32
        %add3A_1317 = arith.addi %mul3A_1316, %add3A_1309 : i32
        %dma_start3A_1318 = arith.constant 0 : i32
        %dma_start3A_1319 = arith.constant 0 : i32
        %dma_start3A_1320 = tpu.memref_slice %arg6[%dma_start3A_1318, %dma_start3A_1319] : memref<4x128xi32, #tpu.memory_space<vmem>> -> memref<1x128xi32, #tpu.memory_space<vmem>>
        %dma_start3A_1321 = tpu.memref_squeeze %dma_start3A_1320 : memref<1x128xi32, #tpu.memory_space<vmem>> -> memref<128xi32, #tpu.memory_space<vmem>>
        %dma_start3A_1322 = arith.constant 0 : i32
        %dma_start3A_1323 = tpu.memref_slice %arg3[%add3A_1317, %dma_start3A_1322] : memref<2560x128xi32, #tpu.memory_space<hbm>> -> memref<1x128xi32, #tpu.memory_space<hbm>>
        %dma_start3A_1324 = tpu.memref_squeeze %dma_start3A_1323 : memref<1x128xi32, #tpu.memory_space<hbm>> -> memref<128xi32, #tpu.memory_space<hbm>>
        %dma_start3A_1325 = arith.constant 0 : i32
        %dma_start3A_1326 = tpu.memref_slice %arg6[%dma_start3A_1318, %dma_start3A_1325] : memref<4x128xi32, #tpu.memory_space<vmem>> -> memref<1x128xi32, #tpu.memory_space<vmem>>
        %dma_start3A_1327 = tpu.memref_squeeze %dma_start3A_1326 : memref<1x128xi32, #tpu.memory_space<vmem>> -> memref<128xi32, #tpu.memory_space<vmem>>
        %dma_start3A_1328 = arith.constant 0 : i32
        %dma_start3A_1329 = tpu.memref_slice %arg3[%add3A_1317, %dma_start3A_1328] : memref<2560x128xi32, #tpu.memory_space<hbm>> -> memref<1x128xi32, #tpu.memory_space<hbm>>
        %dma_start3A_1330 = tpu.memref_squeeze %dma_start3A_1329 : memref<1x128xi32, #tpu.memory_space<hbm>> -> memref<128xi32, #tpu.memory_space<hbm>>
        tpu.enqueue_dma source(%dma_start3A_1330 : memref<128xi32, #tpu.memory_space<hbm>>) target(%dma_start3A_1327 : memref<128xi32, #tpu.memory_space<vmem>>) target_semaphore(%arg22 : memref<!tpu.dma_semaphore, #tpu.memory_space<semaphore_mem>>)
      } else {
      }
    }
    %scan3A_738 = arith.constant 20 : i32
    %run_scoped3A = arith.constant 0 : i32
    "tpu.region"() ({
      %run_scoped3A_749 = tpu.sem_alloc : memref<!tpu.dma_semaphore, #tpu.memory_space<semaphore_mem>>
      %dma_start3A_750 = arith.constant 0 : i32
      %dma_start3A_751 = tpu.memref_slice %arg14[%run_scoped3A, %dma_start3A_750] : memref<1x80xi32, #tpu.memory_space<vmem>> -> memref<1x80xi32, #tpu.memory_space<vmem>>
      %dma_start3A_752 = tpu.memref_squeeze %dma_start3A_751 : memref<1x80xi32, #tpu.memory_space<vmem>> -> memref<80xi32, #tpu.memory_space<vmem>>
      %dma_start3A_753 = arith.constant 0 : i32
      %dma_start3A_754 = arith.constant 0 : i32
      %dma_start3A_755 = tpu.memref_slice %arg17[%dma_start3A_753, %dma_start3A_754] : memref<80x128xf32, #tpu.memory_space<vmem_shared>> -> memref<80x128xf32, #tpu.memory_space<vmem_shared>>
      tpu.enqueue_indirect_dma source(%arg13 : memref<80x128xf32, #tpu.memory_space<vmem>>) target(%dma_start3A_755 : memref<80x128xf32, #tpu.memory_space<vmem_shared>>) offsets(%dma_start3A_752 : memref<80xi32, #tpu.memory_space<vmem>>) semaphore(%run_scoped3A_749 : memref<!tpu.dma_semaphore, #tpu.memory_space<semaphore_mem>>) {add = true}
      %dma_wait3A_756 = arith.constant 0 : i32
      %dma_wait3A_757 = tpu.memref_slice %arg14[%run_scoped3A, %dma_wait3A_756] : memref<1x80xi32, #tpu.memory_space<vmem>> -> memref<1x80xi32, #tpu.memory_space<vmem>>
      %dma_wait3A_758 = tpu.memref_squeeze %dma_wait3A_757 : memref<1x80xi32, #tpu.memory_space<vmem>> -> memref<80xi32, #tpu.memory_space<vmem>>
      %dma_wait3A_759 = arith.constant 0 : i32
      %dma_wait3A_760 = arith.constant 0 : i32
      %dma_wait3A_761 = tpu.memref_slice %arg17[%dma_wait3A_759, %dma_wait3A_760] : memref<80x128xf32, #tpu.memory_space<vmem_shared>> -> memref<80x128xf32, #tpu.memory_space<vmem_shared>>
      tpu.wait_indirect_dma semaphore(%run_scoped3A_749 : memref<!tpu.dma_semaphore, #tpu.memory_space<semaphore_mem>>) src(%arg13 : memref<80x128xf32, #tpu.memory_space<vmem>>) dst(%dma_wait3A_761 : memref<80x128xf32, #tpu.memory_space<vmem_shared>>)
      tpu.yield
    }) : () -> ()
    %barrier3A_739 = arith.constant 0 : index
    tpu.barrier barrier_id(%barrier3A_739)
    %scan3A_740 = arith.constant 0 : i32
    %scan3A_741 = arith.constant 40 : i32
    %scan3A_742 = arith.addi %scan3A_740, %scan3A_741 : i32
    %scan3A_743 = arith.constant 1 : i32
    scf.for %scan3A_749 = %scan3A_740 to %scan3A_742 step %scan3A_743  : i32 {
      %mul3A_750 = arith.constant 1 : i32
      %mul3A_751 = arith.muli %scan3A_749, %mul3A_750 : i32
      %add3A_752 = arith.constant 0 : i32
      %add3A_753 = arith.addi %add3A_752, %mul3A_751 : i32
      %mul3A_754 = arith.constant 40 : i32
      %mul3A_755 = arith.muli %arg1, %mul3A_754 : i32
      %add3A_756 = arith.addi %mul3A_755, %add3A_753 : i32
      %mul3A_757 = arith.constant 16 : i32
      %mul3A_758 = arith.muli %add3A_756, %mul3A_757 : i32
      "tpu.region"() ({
        %run_scoped3A_759 = tpu.sem_alloc : memref<!tpu.dma_semaphore, #tpu.memory_space<semaphore_mem>>
        %dma_start3A_760 = arith.constant 0 : i32
        %dma_start3A_761 = arith.constant 0 : i32
        %dma_start3A_762 = tpu.memref_slice %arg4[%arg0, %dma_start3A_760, %dma_start3A_761] : memref<2x10240x128xbf16, #tpu.memory_space<hbm>> -> memref<1x10240x128xbf16, #tpu.memory_space<hbm>>
        %dma_start3A_763 = tpu.memref_squeeze %dma_start3A_762 : memref<1x10240x128xbf16, #tpu.memory_space<hbm>> -> memref<10240x128xbf16, #tpu.memory_space<hbm>>
        %dma_start3A_764 = arith.constant 0 : i32
        %dma_start3A_765 = tpu.memref_slice %dma_start3A_763[%mul3A_758, %dma_start3A_764] : memref<10240x128xbf16, #tpu.memory_space<hbm>> -> memref<16x128xbf16, #tpu.memory_space<hbm>>
        %dma_start3A_766 = arith.constant 0 : i32
        %dma_start3A_767 = tpu.memref_slice %arg16[%mul3A_758, %dma_start3A_766] : memref<10240x128xbf16, #tpu.memory_space<vmem_shared>> -> memref<16x128xbf16, #tpu.memory_space<vmem_shared>>
        tpu.enqueue_dma source(%dma_start3A_767 : memref<16x128xbf16, #tpu.memory_space<vmem_shared>>) target(%dma_start3A_765 : memref<16x128xbf16, #tpu.memory_space<hbm>>) target_semaphore(%run_scoped3A_759 : memref<!tpu.dma_semaphore, #tpu.memory_space<semaphore_mem>>)
        %dma_wait3A_768 = arith.constant 0 : i32
        %dma_wait3A_769 = arith.constant 0 : i32
        %dma_wait3A_770 = tpu.memref_slice %arg4[%arg0, %dma_wait3A_768, %dma_wait3A_769] : memref<2x10240x128xbf16, #tpu.memory_space<hbm>> -> memref<1x10240x128xbf16, #tpu.memory_space<hbm>>
        %dma_wait3A_771 = tpu.memref_squeeze %dma_wait3A_770 : memref<1x10240x128xbf16, #tpu.memory_space<hbm>> -> memref<10240x128xbf16, #tpu.memory_space<hbm>>
        %dma_wait3A_772 = arith.constant 0 : i32
        %dma_wait3A_773 = tpu.memref_slice %dma_wait3A_771[%mul3A_758, %dma_wait3A_772] : memref<10240x128xbf16, #tpu.memory_space<hbm>> -> memref<16x128xbf16, #tpu.memory_space<hbm>>
        %dma_wait3A_774 = arith.constant 0 : i32
        %dma_wait3A_775 = tpu.memref_slice %arg16[%mul3A_758, %dma_wait3A_774] : memref<10240x128xbf16, #tpu.memory_space<vmem_shared>> -> memref<16x128xbf16, #tpu.memory_space<vmem_shared>>
        tpu.wait_dma2 semaphore(%run_scoped3A_759 : memref<!tpu.dma_semaphore, #tpu.memory_space<semaphore_mem>>) src(%dma_wait3A_775 : memref<16x128xbf16, #tpu.memory_space<vmem_shared>>) dst(%dma_wait3A_773 : memref<16x128xbf16, #tpu.memory_space<hbm>>)
        tpu.yield
      }) : () -> ()
    }
    %scan3A_744 = arith.constant 40 : i32
    %eq3A = arith.constant 0 : i32
    %eq3A_745 = arith.cmpi eq, %arg1, %eq3A : i32
    %convert_element_type3A_746 = arith.extui %eq3A_745 : i1 to i32
    %cond3A_747 = arith.constant 0 : i32
    %cond3A_748 = arith.cmpi ne, %convert_element_type3A_746, %cond3A_747 : i32
    scf.if %cond3A_748 {
      "tpu.region"() ({
        %run_scoped3A_749 = tpu.sem_alloc : memref<!tpu.dma_semaphore, #tpu.memory_space<semaphore_mem>>
        %dma_start3A_750 = arith.constant 0 : i32
        %dma_start3A_751 = arith.constant 0 : i32
        %dma_start3A_752 = tpu.memref_slice %arg5[%arg0, %dma_start3A_750, %dma_start3A_751] : memref<2x80x128xf32, #tpu.memory_space<hbm>> -> memref<1x80x128xf32, #tpu.memory_space<hbm>>
        %dma_start3A_753 = tpu.memref_squeeze %dma_start3A_752 : memref<1x80x128xf32, #tpu.memory_space<hbm>> -> memref<80x128xf32, #tpu.memory_space<hbm>>
        tpu.enqueue_dma source(%arg17 : memref<80x128xf32, #tpu.memory_space<vmem_shared>>) target(%dma_start3A_753 : memref<80x128xf32, #tpu.memory_space<hbm>>) target_semaphore(%run_scoped3A_749 : memref<!tpu.dma_semaphore, #tpu.memory_space<semaphore_mem>>)
        %dma_wait3A_754 = arith.constant 0 : i32
        %dma_wait3A_755 = arith.constant 0 : i32
        %dma_wait3A_756 = tpu.memref_slice %arg5[%arg0, %dma_wait3A_754, %dma_wait3A_755] : memref<2x80x128xf32, #tpu.memory_space<hbm>> -> memref<1x80x128xf32, #tpu.memory_space<hbm>>
        %dma_wait3A_757 = tpu.memref_squeeze %dma_wait3A_756 : memref<1x80x128xf32, #tpu.memory_space<hbm>> -> memref<80x128xf32, #tpu.memory_space<hbm>>
        tpu.wait_dma2 semaphore(%run_scoped3A_749 : memref<!tpu.dma_semaphore, #tpu.memory_space<semaphore_mem>>) src(%arg17 : memref<80x128xf32, #tpu.memory_space<vmem_shared>>) dst(%dma_wait3A_757 : memref<80x128xf32, #tpu.memory_space<hbm>>)
        tpu.yield
      }) : () -> ()
    } else {
    }
    return
  }
}

#map = affine_map<(d0, d1) -> (0, 0)>
#map1 = affine_map<(d0, d1) -> (0, 0, 0)>
module attributes {stable_mosaic.version = 14 : i64} {
  func.func @_sc_agg_body(%arg0: i32, %arg1: i32, %arg2: memref<10240x128xbf16, #tpu.memory_space<hbm>>, %arg3: memref<2560x128xi32, #tpu.memory_space<hbm>>, %arg4: memref<2x10240x128xbf16, #tpu.memory_space<hbm>>, %arg5: memref<4x128xi32, #tpu.memory_space<vmem>>, %arg6: memref<4x2x128xi32, #tpu.memory_space<vmem>>, %arg7: memref<128x128xbf16, #tpu.memory_space<vmem>>, %arg8: memref<128x128xbf16, #tpu.memory_space<vmem>>, %arg9: memref<128x128xbf16, #tpu.memory_space<vmem>>, %arg10: memref<128x128xbf16, #tpu.memory_space<vmem>>, %arg11: memref<16x128xbf16, #tpu.memory_space<vmem>>, %arg12: memref<10240x128xbf16, #tpu.memory_space<vmem_shared>>, %arg13: memref<!tpu.dma_semaphore, #tpu.memory_space<semaphore_mem>>, %arg14: memref<!tpu.dma_semaphore, #tpu.memory_space<semaphore_mem>>, %arg15: memref<!tpu.dma_semaphore, #tpu.memory_space<semaphore_mem>>, %arg16: memref<!tpu.dma_semaphore, #tpu.memory_space<semaphore_mem>>, %arg17: memref<!tpu.dma_semaphore, #tpu.memory_space<semaphore_mem>>, %arg18: memref<!tpu.dma_semaphore, #tpu.memory_space<semaphore_mem>>, %arg19: memref<!tpu.dma_semaphore, #tpu.memory_space<semaphore_mem>>, %arg20: memref<!tpu.dma_semaphore, #tpu.memory_space<semaphore_mem>>) attributes {dimension_semantics = [#tpu.dimension_semantics<core_parallel>, #tpu.dimension_semantics<subcore_parallel>], iteration_bounds = array<i64: 2, 16>, scalar_prefetch = 0 : i64, scratch_operands = 16 : i64, tpu.core_type = #tpu.core_type<sc_vector_subcore>, window_params = [{transform_indices = #map}, {transform_indices = #map}, {transform_indices = #map1}]} {
    %mul3A = arith.constant 2 : i32
    %mul3A_0 = arith.muli %arg1, %mul3A : i32
    %add3A = arith.addi %mul3A_0, %arg0 : i32
    %scan3A = arith.constant 0 : i32
    %scan3A_1 = arith.constant 16 : i32
    %scan3A_2 = arith.addi %scan3A, %scan3A_1 : i32
    %scan3A_3 = arith.constant 1 : i32
    scf.for %scan3A_694 = %scan3A to %scan3A_2 step %scan3A_3  : i32 {
      %mul3A_695 = arith.constant 1 : i32
      %mul3A_696 = arith.muli %scan3A_694, %mul3A_695 : i32
      %add3A_697 = arith.constant 0 : i32
      %add3A_698 = arith.addi %add3A_697, %mul3A_696 : i32
      %broadcast_in_dim3A = arith.constant 0.000000e+00 : bf16
      %broadcast_in_dim3A_699 = vector.broadcast %broadcast_in_dim3A : bf16 to vector<32xbf16>
      %swap3A_700 = arith.index_cast %add3A_698 : i32 to index
      %swap3A_701 = arith.constant 0 : index
      %swap3A_702 = tpu.vector_load %arg11[%swap3A_700, %swap3A_701] {strides = array<i32>} : memref<16x128xbf16, #tpu.memory_space<vmem>>, vector<32xbf16>,
      tpu.vector_store %arg11[%swap3A_700, %swap3A_701], %broadcast_in_dim3A_699 {strides = array<i32>} : memref<16x128xbf16, #tpu.memory_space<vmem>>, vector<32xbf16>,
      %broadcast_in_dim3A_703 = arith.constant 0.000000e+00 : bf16
      %broadcast_in_dim3A_704 = vector.broadcast %broadcast_in_dim3A_703 : bf16 to vector<32xbf16>
      %swap3A_705 = arith.index_cast %add3A_698 : i32 to index
      %swap3A_706 = arith.constant 32 : index
      %swap3A_707 = tpu.vector_load %arg11[%swap3A_705, %swap3A_706] {strides = array<i32>} : memref<16x128xbf16, #tpu.memory_space<vmem>>, vector<32xbf16>,
      tpu.vector_store %arg11[%swap3A_705, %swap3A_706], %broadcast_in_dim3A_704 {strides = array<i32>} : memref<16x128xbf16, #tpu.memory_space<vmem>>, vector<32xbf16>,
      %broadcast_in_dim3A_708 = arith.constant 0.000000e+00 : bf16
      %broadcast_in_dim3A_709 = vector.broadcast %broadcast_in_dim3A_708 : bf16 to vector<32xbf16>
      %swap3A_710 = arith.index_cast %add3A_698 : i32 to index
      %swap3A_711 = arith.constant 64 : index
      %swap3A_712 = tpu.vector_load %arg11[%swap3A_710, %swap3A_711] {strides = array<i32>} : memref<16x128xbf16, #tpu.memory_space<vmem>>, vector<32xbf16>,
      tpu.vector_store %arg11[%swap3A_710, %swap3A_711], %broadcast_in_dim3A_709 {strides = array<i32>} : memref<16x128xbf16, #tpu.memory_space<vmem>>, vector<32xbf16>,
      %broadcast_in_dim3A_713 = arith.constant 0.000000e+00 : bf16
      %broadcast_in_dim3A_714 = vector.broadcast %broadcast_in_dim3A_713 : bf16 to vector<32xbf16>
      %swap3A_715 = arith.index_cast %add3A_698 : i32 to index
      %swap3A_716 = arith.constant 96 : index
      %swap3A_717 = tpu.vector_load %arg11[%swap3A_715, %swap3A_716] {strides = array<i32>} : memref<16x128xbf16, #tpu.memory_space<vmem>>, vector<32xbf16>,
      tpu.vector_store %arg11[%swap3A_715, %swap3A_716], %broadcast_in_dim3A_714 {strides = array<i32>} : memref<16x128xbf16, #tpu.memory_space<vmem>>, vector<32xbf16>,
    }
    %scan3A_4 = arith.constant 16 : i32
    %scan3A_5 = arith.constant 0 : i32
    %scan3A_6 = arith.constant 40 : i32
    %scan3A_7 = arith.addi %scan3A_5, %scan3A_6 : i32
    %scan3A_8 = arith.constant 1 : i32
    scf.for %scan3A_694 = %scan3A_5 to %scan3A_7 step %scan3A_8  : i32 {
      %mul3A_695 = arith.constant 1 : i32
      %mul3A_696 = arith.muli %scan3A_694, %mul3A_695 : i32
      %add3A_697 = arith.constant 0 : i32
      %add3A_698 = arith.addi %add3A_697, %mul3A_696 : i32
      %mul3A_699 = arith.constant 40 : i32
      %mul3A_700 = arith.muli %arg1, %mul3A_699 : i32
      %add3A_701 = arith.addi %mul3A_700, %add3A_698 : i32
      %mul3A_702 = arith.constant 16 : i32
      %mul3A_703 = arith.muli %add3A_701, %mul3A_702 : i32
      "tpu.region"() ({
        %run_scoped3A = tpu.sem_alloc : memref<!tpu.dma_semaphore, #tpu.memory_space<semaphore_mem>>
        %dma_start3A_704 = arith.constant 0 : i32
        %dma_start3A_705 = tpu.memref_slice %arg12[%mul3A_703, %dma_start3A_704] : memref<10240x128xbf16, #tpu.memory_space<vmem_shared>> -> memref<16x128xbf16, #tpu.memory_space<vmem_shared>>
        %dma_start3A_706 = arith.constant 0 : i32
        %dma_start3A_707 = tpu.memref_slice %arg12[%mul3A_703, %dma_start3A_706] : memref<10240x128xbf16, #tpu.memory_space<vmem_shared>> -> memref<16x128xbf16, #tpu.memory_space<vmem_shared>>
        tpu.enqueue_dma source(%arg11 : memref<16x128xbf16, #tpu.memory_space<vmem>>) target(%dma_start3A_707 : memref<16x128xbf16, #tpu.memory_space<vmem_shared>>) target_semaphore(%run_scoped3A : memref<!tpu.dma_semaphore, #tpu.memory_space<semaphore_mem>>)
        %dma_wait3A_708 = arith.constant 0 : i32
        %dma_wait3A_709 = tpu.memref_slice %arg12[%mul3A_703, %dma_wait3A_708] : memref<10240x128xbf16, #tpu.memory_space<vmem_shared>> -> memref<16x128xbf16, #tpu.memory_space<vmem_shared>>
        %dma_wait3A_710 = arith.constant 0 : i32
        %dma_wait3A_711 = tpu.memref_slice %arg12[%mul3A_703, %dma_wait3A_710] : memref<10240x128xbf16, #tpu.memory_space<vmem_shared>> -> memref<16x128xbf16, #tpu.memory_space<vmem_shared>>
        tpu.wait_dma2 semaphore(%run_scoped3A : memref<!tpu.dma_semaphore, #tpu.memory_space<semaphore_mem>>) src(%arg11 : memref<16x128xbf16, #tpu.memory_space<vmem>>) dst(%dma_wait3A_711 : memref<16x128xbf16, #tpu.memory_space<vmem_shared>>)
        tpu.yield
      }) : () -> ()
    }
    %scan3A_9 = arith.constant 40 : i32
    %barrier3A = arith.constant 0 : index
    tpu.barrier barrier_id(%barrier3A)
    %mul3A_10 = arith.constant 80 : i32
    %mul3A_11 = arith.muli %add3A, %mul3A_10 : i32
    %add3A_12 = arith.constant 0 : i32
    %add3A_13 = arith.addi %mul3A_11, %add3A_12 : i32
    %dma_start3A = arith.constant 0 : i32
    %dma_start3A_14 = arith.constant 0 : i32
    %dma_start3A_15 = tpu.memref_slice %arg5[%dma_start3A, %dma_start3A_14] : memref<4x128xi32, #tpu.memory_space<vmem>> -> memref<1x128xi32, #tpu.memory_space<vmem>>
    %dma_start3A_16 = tpu.memref_squeeze %dma_start3A_15 : memref<1x128xi32, #tpu.memory_space<vmem>> -> memref<128xi32, #tpu.memory_space<vmem>>
    %dma_start3A_17 = arith.constant 0 : i32
    %dma_start3A_18 = tpu.memref_slice %arg3[%add3A_13, %dma_start3A_17] : memref<2560x128xi32, #tpu.memory_space<hbm>> -> memref<1x128xi32, #tpu.memory_space<hbm>>
    %dma_start3A_19 = tpu.memref_squeeze %dma_start3A_18 : memref<1x128xi32, #tpu.memory_space<hbm>> -> memref<128xi32, #tpu.memory_space<hbm>>
    %dma_start3A_20 = arith.constant 0 : i32
    %dma_start3A_21 = tpu.memref_slice %arg5[%dma_start3A, %dma_start3A_20] : memref<4x128xi32, #tpu.memory_space<vmem>> -> memref<1x128xi32, #tpu.memory_space<vmem>>
    %dma_start3A_22 = tpu.memref_squeeze %dma_start3A_21 : memref<1x128xi32, #tpu.memory_space<vmem>> -> memref<128xi32, #tpu.memory_space<vmem>>
    %dma_start3A_23 = arith.constant 0 : i32
    %dma_start3A_24 = tpu.memref_slice %arg3[%add3A_13, %dma_start3A_23] : memref<2560x128xi32, #tpu.memory_space<hbm>> -> memref<1x128xi32, #tpu.memory_space<hbm>>
    %dma_start3A_25 = tpu.memref_squeeze %dma_start3A_24 : memref<1x128xi32, #tpu.memory_space<hbm>> -> memref<128xi32, #tpu.memory_space<hbm>>
    tpu.enqueue_dma source(%dma_start3A_25 : memref<128xi32, #tpu.memory_space<hbm>>) target(%dma_start3A_22 : memref<128xi32, #tpu.memory_space<vmem>>) target_semaphore(%arg17 : memref<!tpu.dma_semaphore, #tpu.memory_space<semaphore_mem>>)
    %mul3A_26 = arith.constant 80 : i32
    %mul3A_27 = arith.muli %add3A, %mul3A_26 : i32
    %add3A_28 = arith.constant 1 : i32
    %add3A_29 = arith.addi %mul3A_27, %add3A_28 : i32
    %dma_start3A_30 = arith.constant 1 : i32
    %dma_start3A_31 = arith.constant 0 : i32
    %dma_start3A_32 = tpu.memref_slice %arg5[%dma_start3A_30, %dma_start3A_31] : memref<4x128xi32, #tpu.memory_space<vmem>> -> memref<1x128xi32, #tpu.memory_space<vmem>>
    %dma_start3A_33 = tpu.memref_squeeze %dma_start3A_32 : memref<1x128xi32, #tpu.memory_space<vmem>> -> memref<128xi32, #tpu.memory_space<vmem>>
    %dma_start3A_34 = arith.constant 0 : i32
    %dma_start3A_35 = tpu.memref_slice %arg3[%add3A_29, %dma_start3A_34] : memref<2560x128xi32, #tpu.memory_space<hbm>> -> memref<1x128xi32, #tpu.memory_space<hbm>>
    %dma_start3A_36 = tpu.memref_squeeze %dma_start3A_35 : memref<1x128xi32, #tpu.memory_space<hbm>> -> memref<128xi32, #tpu.memory_space<hbm>>
    %dma_start3A_37 = arith.constant 0 : i32
    %dma_start3A_38 = tpu.memref_slice %arg5[%dma_start3A_30, %dma_start3A_37] : memref<4x128xi32, #tpu.memory_space<vmem>> -> memref<1x128xi32, #tpu.memory_space<vmem>>
    %dma_start3A_39 = tpu.memref_squeeze %dma_start3A_38 : memref<1x128xi32, #tpu.memory_space<vmem>> -> memref<128xi32, #tpu.memory_space<vmem>>
    %dma_start3A_40 = arith.constant 0 : i32
    %dma_start3A_41 = tpu.memref_slice %arg3[%add3A_29, %dma_start3A_40] : memref<2560x128xi32, #tpu.memory_space<hbm>> -> memref<1x128xi32, #tpu.memory_space<hbm>>
    %dma_start3A_42 = tpu.memref_squeeze %dma_start3A_41 : memref<1x128xi32, #tpu.memory_space<hbm>> -> memref<128xi32, #tpu.memory_space<hbm>>
    tpu.enqueue_dma source(%dma_start3A_42 : memref<128xi32, #tpu.memory_space<hbm>>) target(%dma_start3A_39 : memref<128xi32, #tpu.memory_space<vmem>>) target_semaphore(%arg18 : memref<!tpu.dma_semaphore, #tpu.memory_space<semaphore_mem>>)
    %mul3A_43 = arith.constant 80 : i32
    %mul3A_44 = arith.muli %add3A, %mul3A_43 : i32
    %add3A_45 = arith.constant 2 : i32
    %add3A_46 = arith.addi %mul3A_44, %add3A_45 : i32
    %dma_start3A_47 = arith.constant 2 : i32
    %dma_start3A_48 = arith.constant 0 : i32
    %dma_start3A_49 = tpu.memref_slice %arg5[%dma_start3A_47, %dma_start3A_48] : memref<4x128xi32, #tpu.memory_space<vmem>> -> memref<1x128xi32, #tpu.memory_space<vmem>>
    %dma_start3A_50 = tpu.memref_squeeze %dma_start3A_49 : memref<1x128xi32, #tpu.memory_space<vmem>> -> memref<128xi32, #tpu.memory_space<vmem>>
    %dma_start3A_51 = arith.constant 0 : i32
    %dma_start3A_52 = tpu.memref_slice %arg3[%add3A_46, %dma_start3A_51] : memref<2560x128xi32, #tpu.memory_space<hbm>> -> memref<1x128xi32, #tpu.memory_space<hbm>>
    %dma_start3A_53 = tpu.memref_squeeze %dma_start3A_52 : memref<1x128xi32, #tpu.memory_space<hbm>> -> memref<128xi32, #tpu.memory_space<hbm>>
    %dma_start3A_54 = arith.constant 0 : i32
    %dma_start3A_55 = tpu.memref_slice %arg5[%dma_start3A_47, %dma_start3A_54] : memref<4x128xi32, #tpu.memory_space<vmem>> -> memref<1x128xi32, #tpu.memory_space<vmem>>
    %dma_start3A_56 = tpu.memref_squeeze %dma_start3A_55 : memref<1x128xi32, #tpu.memory_space<vmem>> -> memref<128xi32, #tpu.memory_space<vmem>>
    %dma_start3A_57 = arith.constant 0 : i32
    %dma_start3A_58 = tpu.memref_slice %arg3[%add3A_46, %dma_start3A_57] : memref<2560x128xi32, #tpu.memory_space<hbm>> -> memref<1x128xi32, #tpu.memory_space<hbm>>
    %dma_start3A_59 = tpu.memref_squeeze %dma_start3A_58 : memref<1x128xi32, #tpu.memory_space<hbm>> -> memref<128xi32, #tpu.memory_space<hbm>>
    tpu.enqueue_dma source(%dma_start3A_59 : memref<128xi32, #tpu.memory_space<hbm>>) target(%dma_start3A_56 : memref<128xi32, #tpu.memory_space<vmem>>) target_semaphore(%arg19 : memref<!tpu.dma_semaphore, #tpu.memory_space<semaphore_mem>>)
    %dma_wait3A = arith.constant 0 : i32
    %dma_wait3A_60 = arith.constant 0 : i32
    %dma_wait3A_61 = arith.constant 0 : i32
    %dma_wait3A_62 = tpu.memref_slice %arg5[%dma_wait3A_60, %dma_wait3A_61] : memref<4x128xi32, #tpu.memory_space<vmem>> -> memref<1x128xi32, #tpu.memory_space<vmem>>
    %dma_wait3A_63 = tpu.memref_squeeze %dma_wait3A_62 : memref<1x128xi32, #tpu.memory_space<vmem>> -> memref<128xi32, #tpu.memory_space<vmem>>
    %dma_wait3A_64 = arith.constant 0 : i32
    %dma_wait3A_65 = tpu.memref_slice %arg3[%dma_wait3A, %dma_wait3A_64] : memref<2560x128xi32, #tpu.memory_space<hbm>> -> memref<1x128xi32, #tpu.memory_space<hbm>>
    %dma_wait3A_66 = tpu.memref_squeeze %dma_wait3A_65 : memref<1x128xi32, #tpu.memory_space<hbm>> -> memref<128xi32, #tpu.memory_space<hbm>>
    %dma_wait3A_67 = arith.constant 0 : i32
    %dma_wait3A_68 = tpu.memref_slice %arg5[%dma_wait3A_60, %dma_wait3A_67] : memref<4x128xi32, #tpu.memory_space<vmem>> -> memref<1x128xi32, #tpu.memory_space<vmem>>
    %dma_wait3A_69 = tpu.memref_squeeze %dma_wait3A_68 : memref<1x128xi32, #tpu.memory_space<vmem>> -> memref<128xi32, #tpu.memory_space<vmem>>
    %dma_wait3A_70 = arith.constant 0 : i32
    %dma_wait3A_71 = tpu.memref_slice %arg3[%dma_wait3A, %dma_wait3A_70] : memref<2560x128xi32, #tpu.memory_space<hbm>> -> memref<1x128xi32, #tpu.memory_space<hbm>>
    %dma_wait3A_72 = tpu.memref_squeeze %dma_wait3A_71 : memref<1x128xi32, #tpu.memory_space<hbm>> -> memref<128xi32, #tpu.memory_space<hbm>>
    tpu.wait_dma2 semaphore(%arg17 : memref<!tpu.dma_semaphore, #tpu.memory_space<semaphore_mem>>) src(%dma_wait3A_72 : memref<128xi32, #tpu.memory_space<hbm>>) dst(%dma_wait3A_69 : memref<128xi32, #tpu.memory_space<vmem>>)
    %get3A = arith.constant 0 : i32
    %get3A_73 = arith.index_cast %get3A : i32 to index
    %get3A_74 = arith.constant 0 : index
    %get3A_75 = tpu.vector_load %arg5[%get3A_73, %get3A_74] {strides = array<i32>} : memref<4x128xi32, #tpu.memory_space<vmem>>, vector<16xi32>,
    %shift_right_arithmetic3A = arith.constant 14 : i32
    %shift_right_arithmetic3A_76 = vector.broadcast %shift_right_arithmetic3A : i32 to vector<16xi32>
    %shift_right_arithmetic3A_77 = arith.shrsi %get3A_75, %shift_right_arithmetic3A_76 : vector<16xi32>
    %swap3A = arith.constant 0 : i32
    %swap3A_78 = arith.constant 0 : i32
    %swap3A_79 = arith.index_cast %swap3A : i32 to index
    %swap3A_80 = arith.index_cast %swap3A_78 : i32 to index
    %swap3A_81 = arith.constant 0 : index
    %swap3A_82 = tpu.vector_load %arg6[%swap3A_79, %swap3A_80, %swap3A_81] {strides = array<i32>} : memref<4x2x128xi32, #tpu.memory_space<vmem>>, vector<16xi32>,
    tpu.vector_store %arg6[%swap3A_79, %swap3A_80, %swap3A_81], %shift_right_arithmetic3A_77 {strides = array<i32>} : memref<4x2x128xi32, #tpu.memory_space<vmem>>, vector<16xi32>,
    %and3A = arith.constant 16383 : i32
    %and3A_83 = vector.broadcast %and3A : i32 to vector<16xi32>
    %and3A_84 = arith.andi %get3A_75, %and3A_83 : vector<16xi32>
    %swap3A_85 = arith.constant 0 : i32
    %swap3A_86 = arith.constant 1 : i32
    %swap3A_87 = arith.index_cast %swap3A_85 : i32 to index
    %swap3A_88 = arith.index_cast %swap3A_86 : i32 to index
    %swap3A_89 = arith.constant 0 : index
    %swap3A_90 = tpu.vector_load %arg6[%swap3A_87, %swap3A_88, %swap3A_89] {strides = array<i32>} : memref<4x2x128xi32, #tpu.memory_space<vmem>>, vector<16xi32>,
    tpu.vector_store %arg6[%swap3A_87, %swap3A_88, %swap3A_89], %and3A_84 {strides = array<i32>} : memref<4x2x128xi32, #tpu.memory_space<vmem>>, vector<16xi32>,
    %get3A_91 = arith.constant 0 : i32
    %get3A_92 = arith.index_cast %get3A_91 : i32 to index
    %get3A_93 = arith.constant 16 : index
    %get3A_94 = tpu.vector_load %arg5[%get3A_92, %get3A_93] {strides = array<i32>} : memref<4x128xi32, #tpu.memory_space<vmem>>, vector<16xi32>,
    %shift_right_arithmetic3A_95 = arith.constant 14 : i32
    %shift_right_arithmetic3A_96 = vector.broadcast %shift_right_arithmetic3A_95 : i32 to vector<16xi32>
    %shift_right_arithmetic3A_97 = arith.shrsi %get3A_94, %shift_right_arithmetic3A_96 : vector<16xi32>
    %swap3A_98 = arith.constant 0 : i32
    %swap3A_99 = arith.constant 0 : i32
    %swap3A_100 = arith.index_cast %swap3A_98 : i32 to index
    %swap3A_101 = arith.index_cast %swap3A_99 : i32 to index
    %swap3A_102 = arith.constant 16 : index
    %swap3A_103 = tpu.vector_load %arg6[%swap3A_100, %swap3A_101, %swap3A_102] {strides = array<i32>} : memref<4x2x128xi32, #tpu.memory_space<vmem>>, vector<16xi32>,
    tpu.vector_store %arg6[%swap3A_100, %swap3A_101, %swap3A_102], %shift_right_arithmetic3A_97 {strides = array<i32>} : memref<4x2x128xi32, #tpu.memory_space<vmem>>, vector<16xi32>,
    %and3A_104 = arith.constant 16383 : i32
    %and3A_105 = vector.broadcast %and3A_104 : i32 to vector<16xi32>
    %and3A_106 = arith.andi %get3A_94, %and3A_105 : vector<16xi32>
    %swap3A_107 = arith.constant 0 : i32
    %swap3A_108 = arith.constant 1 : i32
    %swap3A_109 = arith.index_cast %swap3A_107 : i32 to index
    %swap3A_110 = arith.index_cast %swap3A_108 : i32 to index
    %swap3A_111 = arith.constant 16 : index
    %swap3A_112 = tpu.vector_load %arg6[%swap3A_109, %swap3A_110, %swap3A_111] {strides = array<i32>} : memref<4x2x128xi32, #tpu.memory_space<vmem>>, vector<16xi32>,
    tpu.vector_store %arg6[%swap3A_109, %swap3A_110, %swap3A_111], %and3A_106 {strides = array<i32>} : memref<4x2x128xi32, #tpu.memory_space<vmem>>, vector<16xi32>,
    %get3A_113 = arith.constant 0 : i32
    %get3A_114 = arith.index_cast %get3A_113 : i32 to index
    %get3A_115 = arith.constant 32 : index
    %get3A_116 = tpu.vector_load %arg5[%get3A_114, %get3A_115] {strides = array<i32>} : memref<4x128xi32, #tpu.memory_space<vmem>>, vector<16xi32>,
    %shift_right_arithmetic3A_117 = arith.constant 14 : i32
    %shift_right_arithmetic3A_118 = vector.broadcast %shift_right_arithmetic3A_117 : i32 to vector<16xi32>
    %shift_right_arithmetic3A_119 = arith.shrsi %get3A_116, %shift_right_arithmetic3A_118 : vector<16xi32>
    %swap3A_120 = arith.constant 0 : i32
    %swap3A_121 = arith.constant 0 : i32
    %swap3A_122 = arith.index_cast %swap3A_120 : i32 to index
    %swap3A_123 = arith.index_cast %swap3A_121 : i32 to index
    %swap3A_124 = arith.constant 32 : index
    %swap3A_125 = tpu.vector_load %arg6[%swap3A_122, %swap3A_123, %swap3A_124] {strides = array<i32>} : memref<4x2x128xi32, #tpu.memory_space<vmem>>, vector<16xi32>,
    tpu.vector_store %arg6[%swap3A_122, %swap3A_123, %swap3A_124], %shift_right_arithmetic3A_119 {strides = array<i32>} : memref<4x2x128xi32, #tpu.memory_space<vmem>>, vector<16xi32>,
    %and3A_126 = arith.constant 16383 : i32
    %and3A_127 = vector.broadcast %and3A_126 : i32 to vector<16xi32>
    %and3A_128 = arith.andi %get3A_116, %and3A_127 : vector<16xi32>
    %swap3A_129 = arith.constant 0 : i32
    %swap3A_130 = arith.constant 1 : i32
    %swap3A_131 = arith.index_cast %swap3A_129 : i32 to index
    %swap3A_132 = arith.index_cast %swap3A_130 : i32 to index
    %swap3A_133 = arith.constant 32 : index
    %swap3A_134 = tpu.vector_load %arg6[%swap3A_131, %swap3A_132, %swap3A_133] {strides = array<i32>} : memref<4x2x128xi32, #tpu.memory_space<vmem>>, vector<16xi32>,
    tpu.vector_store %arg6[%swap3A_131, %swap3A_132, %swap3A_133], %and3A_128 {strides = array<i32>} : memref<4x2x128xi32, #tpu.memory_space<vmem>>, vector<16xi32>,
    %get3A_135 = arith.constant 0 : i32
    %get3A_136 = arith.index_cast %get3A_135 : i32 to index
    %get3A_137 = arith.constant 48 : index
    %get3A_138 = tpu.vector_load %arg5[%get3A_136, %get3A_137] {strides = array<i32>} : memref<4x128xi32, #tpu.memory_space<vmem>>, vector<16xi32>,
    %shift_right_arithmetic3A_139 = arith.constant 14 : i32
    %shift_right_arithmetic3A_140 = vector.broadcast %shift_right_arithmetic3A_139 : i32 to vector<16xi32>
    %shift_right_arithmetic3A_141 = arith.shrsi %get3A_138, %shift_right_arithmetic3A_140 : vector<16xi32>
    %swap3A_142 = arith.constant 0 : i32
    %swap3A_143 = arith.constant 0 : i32
    %swap3A_144 = arith.index_cast %swap3A_142 : i32 to index
    %swap3A_145 = arith.index_cast %swap3A_143 : i32 to index
    %swap3A_146 = arith.constant 48 : index
    %swap3A_147 = tpu.vector_load %arg6[%swap3A_144, %swap3A_145, %swap3A_146] {strides = array<i32>} : memref<4x2x128xi32, #tpu.memory_space<vmem>>, vector<16xi32>,
    tpu.vector_store %arg6[%swap3A_144, %swap3A_145, %swap3A_146], %shift_right_arithmetic3A_141 {strides = array<i32>} : memref<4x2x128xi32, #tpu.memory_space<vmem>>, vector<16xi32>,
    %and3A_148 = arith.constant 16383 : i32
    %and3A_149 = vector.broadcast %and3A_148 : i32 to vector<16xi32>
    %and3A_150 = arith.andi %get3A_138, %and3A_149 : vector<16xi32>
    %swap3A_151 = arith.constant 0 : i32
    %swap3A_152 = arith.constant 1 : i32
    %swap3A_153 = arith.index_cast %swap3A_151 : i32 to index
    %swap3A_154 = arith.index_cast %swap3A_152 : i32 to index
    %swap3A_155 = arith.constant 48 : index
    %swap3A_156 = tpu.vector_load %arg6[%swap3A_153, %swap3A_154, %swap3A_155] {strides = array<i32>} : memref<4x2x128xi32, #tpu.memory_space<vmem>>, vector<16xi32>,
    tpu.vector_store %arg6[%swap3A_153, %swap3A_154, %swap3A_155], %and3A_150 {strides = array<i32>} : memref<4x2x128xi32, #tpu.memory_space<vmem>>, vector<16xi32>,
    %get3A_157 = arith.constant 0 : i32
    %get3A_158 = arith.index_cast %get3A_157 : i32 to index
    %get3A_159 = arith.constant 64 : index
    %get3A_160 = tpu.vector_load %arg5[%get3A_158, %get3A_159] {strides = array<i32>} : memref<4x128xi32, #tpu.memory_space<vmem>>, vector<16xi32>,
    %shift_right_arithmetic3A_161 = arith.constant 14 : i32
    %shift_right_arithmetic3A_162 = vector.broadcast %shift_right_arithmetic3A_161 : i32 to vector<16xi32>
    %shift_right_arithmetic3A_163 = arith.shrsi %get3A_160, %shift_right_arithmetic3A_162 : vector<16xi32>
    %swap3A_164 = arith.constant 0 : i32
    %swap3A_165 = arith.constant 0 : i32
    %swap3A_166 = arith.index_cast %swap3A_164 : i32 to index
    %swap3A_167 = arith.index_cast %swap3A_165 : i32 to index
    %swap3A_168 = arith.constant 64 : index
    %swap3A_169 = tpu.vector_load %arg6[%swap3A_166, %swap3A_167, %swap3A_168] {strides = array<i32>} : memref<4x2x128xi32, #tpu.memory_space<vmem>>, vector<16xi32>,
    tpu.vector_store %arg6[%swap3A_166, %swap3A_167, %swap3A_168], %shift_right_arithmetic3A_163 {strides = array<i32>} : memref<4x2x128xi32, #tpu.memory_space<vmem>>, vector<16xi32>,
    %and3A_170 = arith.constant 16383 : i32
    %and3A_171 = vector.broadcast %and3A_170 : i32 to vector<16xi32>
    %and3A_172 = arith.andi %get3A_160, %and3A_171 : vector<16xi32>
    %swap3A_173 = arith.constant 0 : i32
    %swap3A_174 = arith.constant 1 : i32
    %swap3A_175 = arith.index_cast %swap3A_173 : i32 to index
    %swap3A_176 = arith.index_cast %swap3A_174 : i32 to index
    %swap3A_177 = arith.constant 64 : index
    %swap3A_178 = tpu.vector_load %arg6[%swap3A_175, %swap3A_176, %swap3A_177] {strides = array<i32>} : memref<4x2x128xi32, #tpu.memory_space<vmem>>, vector<16xi32>,
    tpu.vector_store %arg6[%swap3A_175, %swap3A_176, %swap3A_177], %and3A_172 {strides = array<i32>} : memref<4x2x128xi32, #tpu.memory_space<vmem>>, vector<16xi32>,
    %get3A_179 = arith.constant 0 : i32
    %get3A_180 = arith.index_cast %get3A_179 : i32 to index
    %get3A_181 = arith.constant 80 : index
    %get3A_182 = tpu.vector_load %arg5[%get3A_180, %get3A_181] {strides = array<i32>} : memref<4x128xi32, #tpu.memory_space<vmem>>, vector<16xi32>,
    %shift_right_arithmetic3A_183 = arith.constant 14 : i32
    %shift_right_arithmetic3A_184 = vector.broadcast %shift_right_arithmetic3A_183 : i32 to vector<16xi32>
    %shift_right_arithmetic3A_185 = arith.shrsi %get3A_182, %shift_right_arithmetic3A_184 : vector<16xi32>
    %swap3A_186 = arith.constant 0 : i32
    %swap3A_187 = arith.constant 0 : i32
    %swap3A_188 = arith.index_cast %swap3A_186 : i32 to index
    %swap3A_189 = arith.index_cast %swap3A_187 : i32 to index
    %swap3A_190 = arith.constant 80 : index
    %swap3A_191 = tpu.vector_load %arg6[%swap3A_188, %swap3A_189, %swap3A_190] {strides = array<i32>} : memref<4x2x128xi32, #tpu.memory_space<vmem>>, vector<16xi32>,
    tpu.vector_store %arg6[%swap3A_188, %swap3A_189, %swap3A_190], %shift_right_arithmetic3A_185 {strides = array<i32>} : memref<4x2x128xi32, #tpu.memory_space<vmem>>, vector<16xi32>,
    %and3A_192 = arith.constant 16383 : i32
    %and3A_193 = vector.broadcast %and3A_192 : i32 to vector<16xi32>
    %and3A_194 = arith.andi %get3A_182, %and3A_193 : vector<16xi32>
    %swap3A_195 = arith.constant 0 : i32
    %swap3A_196 = arith.constant 1 : i32
    %swap3A_197 = arith.index_cast %swap3A_195 : i32 to index
    %swap3A_198 = arith.index_cast %swap3A_196 : i32 to index
    %swap3A_199 = arith.constant 80 : index
    %swap3A_200 = tpu.vector_load %arg6[%swap3A_197, %swap3A_198, %swap3A_199] {strides = array<i32>} : memref<4x2x128xi32, #tpu.memory_space<vmem>>, vector<16xi32>,
    tpu.vector_store %arg6[%swap3A_197, %swap3A_198, %swap3A_199], %and3A_194 {strides = array<i32>} : memref<4x2x128xi32, #tpu.memory_space<vmem>>, vector<16xi32>,
    %get3A_201 = arith.constant 0 : i32
    %get3A_202 = arith.index_cast %get3A_201 : i32 to index
    %get3A_203 = arith.constant 96 : index
    %get3A_204 = tpu.vector_load %arg5[%get3A_202, %get3A_203] {strides = array<i32>} : memref<4x128xi32, #tpu.memory_space<vmem>>, vector<16xi32>,
    %shift_right_arithmetic3A_205 = arith.constant 14 : i32
    %shift_right_arithmetic3A_206 = vector.broadcast %shift_right_arithmetic3A_205 : i32 to vector<16xi32>
    %shift_right_arithmetic3A_207 = arith.shrsi %get3A_204, %shift_right_arithmetic3A_206 : vector<16xi32>
    %swap3A_208 = arith.constant 0 : i32
    %swap3A_209 = arith.constant 0 : i32
    %swap3A_210 = arith.index_cast %swap3A_208 : i32 to index
    %swap3A_211 = arith.index_cast %swap3A_209 : i32 to index
    %swap3A_212 = arith.constant 96 : index
    %swap3A_213 = tpu.vector_load %arg6[%swap3A_210, %swap3A_211, %swap3A_212] {strides = array<i32>} : memref<4x2x128xi32, #tpu.memory_space<vmem>>, vector<16xi32>,
    tpu.vector_store %arg6[%swap3A_210, %swap3A_211, %swap3A_212], %shift_right_arithmetic3A_207 {strides = array<i32>} : memref<4x2x128xi32, #tpu.memory_space<vmem>>, vector<16xi32>,
    %and3A_214 = arith.constant 16383 : i32
    %and3A_215 = vector.broadcast %and3A_214 : i32 to vector<16xi32>
    %and3A_216 = arith.andi %get3A_204, %and3A_215 : vector<16xi32>
    %swap3A_217 = arith.constant 0 : i32
    %swap3A_218 = arith.constant 1 : i32
    %swap3A_219 = arith.index_cast %swap3A_217 : i32 to index
    %swap3A_220 = arith.index_cast %swap3A_218 : i32 to index
    %swap3A_221 = arith.constant 96 : index
    %swap3A_222 = tpu.vector_load %arg6[%swap3A_219, %swap3A_220, %swap3A_221] {strides = array<i32>} : memref<4x2x128xi32, #tpu.memory_space<vmem>>, vector<16xi32>,
    tpu.vector_store %arg6[%swap3A_219, %swap3A_220, %swap3A_221], %and3A_216 {strides = array<i32>} : memref<4x2x128xi32, #tpu.memory_space<vmem>>, vector<16xi32>,
    %get3A_223 = arith.constant 0 : i32
    %get3A_224 = arith.index_cast %get3A_223 : i32 to index
    %get3A_225 = arith.constant 112 : index
    %get3A_226 = tpu.vector_load %arg5[%get3A_224, %get3A_225] {strides = array<i32>} : memref<4x128xi32, #tpu.memory_space<vmem>>, vector<16xi32>,
    %shift_right_arithmetic3A_227 = arith.constant 14 : i32
    %shift_right_arithmetic3A_228 = vector.broadcast %shift_right_arithmetic3A_227 : i32 to vector<16xi32>
    %shift_right_arithmetic3A_229 = arith.shrsi %get3A_226, %shift_right_arithmetic3A_228 : vector<16xi32>
    %swap3A_230 = arith.constant 0 : i32
    %swap3A_231 = arith.constant 0 : i32
    %swap3A_232 = arith.index_cast %swap3A_230 : i32 to index
    %swap3A_233 = arith.index_cast %swap3A_231 : i32 to index
    %swap3A_234 = arith.constant 112 : index
    %swap3A_235 = tpu.vector_load %arg6[%swap3A_232, %swap3A_233, %swap3A_234] {strides = array<i32>} : memref<4x2x128xi32, #tpu.memory_space<vmem>>, vector<16xi32>,
    tpu.vector_store %arg6[%swap3A_232, %swap3A_233, %swap3A_234], %shift_right_arithmetic3A_229 {strides = array<i32>} : memref<4x2x128xi32, #tpu.memory_space<vmem>>, vector<16xi32>,
    %and3A_236 = arith.constant 16383 : i32
    %and3A_237 = vector.broadcast %and3A_236 : i32 to vector<16xi32>
    %and3A_238 = arith.andi %get3A_226, %and3A_237 : vector<16xi32>
    %swap3A_239 = arith.constant 0 : i32
    %swap3A_240 = arith.constant 1 : i32
    %swap3A_241 = arith.index_cast %swap3A_239 : i32 to index
    %swap3A_242 = arith.index_cast %swap3A_240 : i32 to index
    %swap3A_243 = arith.constant 112 : index
    %swap3A_244 = tpu.vector_load %arg6[%swap3A_241, %swap3A_242, %swap3A_243] {strides = array<i32>} : memref<4x2x128xi32, #tpu.memory_space<vmem>>, vector<16xi32>,
    tpu.vector_store %arg6[%swap3A_241, %swap3A_242, %swap3A_243], %and3A_238 {strides = array<i32>} : memref<4x2x128xi32, #tpu.memory_space<vmem>>, vector<16xi32>,
    %dma_start3A_245 = arith.constant 0 : i32
    %dma_start3A_246 = arith.constant 0 : i32
    %dma_start3A_247 = arith.constant 0 : i32
    %dma_start3A_248 = tpu.memref_slice %arg6[%dma_start3A_245, %dma_start3A_246, %dma_start3A_247] : memref<4x2x128xi32, #tpu.memory_space<vmem>> -> memref<1x1x128xi32, #tpu.memory_space<vmem>>
    %dma_start3A_249 = tpu.memref_squeeze %dma_start3A_248 : memref<1x1x128xi32, #tpu.memory_space<vmem>> -> memref<128xi32, #tpu.memory_space<vmem>>
    %dma_start3A_250 = arith.constant 0 : i32
    %dma_start3A_251 = arith.constant 0 : i32
    %dma_start3A_252 = tpu.memref_slice %arg2[%dma_start3A_250, %dma_start3A_251] : memref<10240x128xbf16, #tpu.memory_space<hbm>> -> memref<10240x128xbf16, #tpu.memory_space<hbm>>
    tpu.enqueue_indirect_dma source(%dma_start3A_252 : memref<10240x128xbf16, #tpu.memory_space<hbm>>) target(%arg7 : memref<128x128xbf16, #tpu.memory_space<vmem>>) offsets(%dma_start3A_249 : memref<128xi32, #tpu.memory_space<vmem>>) semaphore(%arg13 : memref<!tpu.dma_semaphore, #tpu.memory_space<semaphore_mem>>)
    %mul3A_253 = arith.constant 80 : i32
    %mul3A_254 = arith.muli %add3A, %mul3A_253 : i32
    %add3A_255 = arith.constant 3 : i32
    %add3A_256 = arith.addi %mul3A_254, %add3A_255 : i32
    %dma_start3A_257 = arith.constant 3 : i32
    %dma_start3A_258 = arith.constant 0 : i32
    %dma_start3A_259 = tpu.memref_slice %arg5[%dma_start3A_257, %dma_start3A_258] : memref<4x128xi32, #tpu.memory_space<vmem>> -> memref<1x128xi32, #tpu.memory_space<vmem>>
    %dma_start3A_260 = tpu.memref_squeeze %dma_start3A_259 : memref<1x128xi32, #tpu.memory_space<vmem>> -> memref<128xi32, #tpu.memory_space<vmem>>
    %dma_start3A_261 = arith.constant 0 : i32
    %dma_start3A_262 = tpu.memref_slice %arg3[%add3A_256, %dma_start3A_261] : memref<2560x128xi32, #tpu.memory_space<hbm>> -> memref<1x128xi32, #tpu.memory_space<hbm>>
    %dma_start3A_263 = tpu.memref_squeeze %dma_start3A_262 : memref<1x128xi32, #tpu.memory_space<hbm>> -> memref<128xi32, #tpu.memory_space<hbm>>
    %dma_start3A_264 = arith.constant 0 : i32
    %dma_start3A_265 = tpu.memref_slice %arg5[%dma_start3A_257, %dma_start3A_264] : memref<4x128xi32, #tpu.memory_space<vmem>> -> memref<1x128xi32, #tpu.memory_space<vmem>>
    %dma_start3A_266 = tpu.memref_squeeze %dma_start3A_265 : memref<1x128xi32, #tpu.memory_space<vmem>> -> memref<128xi32, #tpu.memory_space<vmem>>
    %dma_start3A_267 = arith.constant 0 : i32
    %dma_start3A_268 = tpu.memref_slice %arg3[%add3A_256, %dma_start3A_267] : memref<2560x128xi32, #tpu.memory_space<hbm>> -> memref<1x128xi32, #tpu.memory_space<hbm>>
    %dma_start3A_269 = tpu.memref_squeeze %dma_start3A_268 : memref<1x128xi32, #tpu.memory_space<hbm>> -> memref<128xi32, #tpu.memory_space<hbm>>
    tpu.enqueue_dma source(%dma_start3A_269 : memref<128xi32, #tpu.memory_space<hbm>>) target(%dma_start3A_266 : memref<128xi32, #tpu.memory_space<vmem>>) target_semaphore(%arg20 : memref<!tpu.dma_semaphore, #tpu.memory_space<semaphore_mem>>)
    %dma_wait3A_270 = arith.constant 0 : i32
    %dma_wait3A_271 = arith.constant 1 : i32
    %dma_wait3A_272 = arith.constant 0 : i32
    %dma_wait3A_273 = tpu.memref_slice %arg5[%dma_wait3A_271, %dma_wait3A_272] : memref<4x128xi32, #tpu.memory_space<vmem>> -> memref<1x128xi32, #tpu.memory_space<vmem>>
    %dma_wait3A_274 = tpu.memref_squeeze %dma_wait3A_273 : memref<1x128xi32, #tpu.memory_space<vmem>> -> memref<128xi32, #tpu.memory_space<vmem>>
    %dma_wait3A_275 = arith.constant 0 : i32
    %dma_wait3A_276 = tpu.memref_slice %arg3[%dma_wait3A_270, %dma_wait3A_275] : memref<2560x128xi32, #tpu.memory_space<hbm>> -> memref<1x128xi32, #tpu.memory_space<hbm>>
    %dma_wait3A_277 = tpu.memref_squeeze %dma_wait3A_276 : memref<1x128xi32, #tpu.memory_space<hbm>> -> memref<128xi32, #tpu.memory_space<hbm>>
    %dma_wait3A_278 = arith.constant 0 : i32
    %dma_wait3A_279 = tpu.memref_slice %arg5[%dma_wait3A_271, %dma_wait3A_278] : memref<4x128xi32, #tpu.memory_space<vmem>> -> memref<1x128xi32, #tpu.memory_space<vmem>>
    %dma_wait3A_280 = tpu.memref_squeeze %dma_wait3A_279 : memref<1x128xi32, #tpu.memory_space<vmem>> -> memref<128xi32, #tpu.memory_space<vmem>>
    %dma_wait3A_281 = arith.constant 0 : i32
    %dma_wait3A_282 = tpu.memref_slice %arg3[%dma_wait3A_270, %dma_wait3A_281] : memref<2560x128xi32, #tpu.memory_space<hbm>> -> memref<1x128xi32, #tpu.memory_space<hbm>>
    %dma_wait3A_283 = tpu.memref_squeeze %dma_wait3A_282 : memref<1x128xi32, #tpu.memory_space<hbm>> -> memref<128xi32, #tpu.memory_space<hbm>>
    tpu.wait_dma2 semaphore(%arg18 : memref<!tpu.dma_semaphore, #tpu.memory_space<semaphore_mem>>) src(%dma_wait3A_283 : memref<128xi32, #tpu.memory_space<hbm>>) dst(%dma_wait3A_280 : memref<128xi32, #tpu.memory_space<vmem>>)
    %get3A_284 = arith.constant 1 : i32
    %get3A_285 = arith.index_cast %get3A_284 : i32 to index
    %get3A_286 = arith.constant 0 : index
    %get3A_287 = tpu.vector_load %arg5[%get3A_285, %get3A_286] {strides = array<i32>} : memref<4x128xi32, #tpu.memory_space<vmem>>, vector<16xi32>,
    %shift_right_arithmetic3A_288 = arith.constant 14 : i32
    %shift_right_arithmetic3A_289 = vector.broadcast %shift_right_arithmetic3A_288 : i32 to vector<16xi32>
    %shift_right_arithmetic3A_290 = arith.shrsi %get3A_287, %shift_right_arithmetic3A_289 : vector<16xi32>
    %swap3A_291 = arith.constant 1 : i32
    %swap3A_292 = arith.constant 0 : i32
    %swap3A_293 = arith.index_cast %swap3A_291 : i32 to index
    %swap3A_294 = arith.index_cast %swap3A_292 : i32 to index
    %swap3A_295 = arith.constant 0 : index
    %swap3A_296 = tpu.vector_load %arg6[%swap3A_293, %swap3A_294, %swap3A_295] {strides = array<i32>} : memref<4x2x128xi32, #tpu.memory_space<vmem>>, vector<16xi32>,
    tpu.vector_store %arg6[%swap3A_293, %swap3A_294, %swap3A_295], %shift_right_arithmetic3A_290 {strides = array<i32>} : memref<4x2x128xi32, #tpu.memory_space<vmem>>, vector<16xi32>,
    %and3A_297 = arith.constant 16383 : i32
    %and3A_298 = vector.broadcast %and3A_297 : i32 to vector<16xi32>
    %and3A_299 = arith.andi %get3A_287, %and3A_298 : vector<16xi32>
    %swap3A_300 = arith.constant 1 : i32
    %swap3A_301 = arith.constant 1 : i32
    %swap3A_302 = arith.index_cast %swap3A_300 : i32 to index
    %swap3A_303 = arith.index_cast %swap3A_301 : i32 to index
    %swap3A_304 = arith.constant 0 : index
    %swap3A_305 = tpu.vector_load %arg6[%swap3A_302, %swap3A_303, %swap3A_304] {strides = array<i32>} : memref<4x2x128xi32, #tpu.memory_space<vmem>>, vector<16xi32>,
    tpu.vector_store %arg6[%swap3A_302, %swap3A_303, %swap3A_304], %and3A_299 {strides = array<i32>} : memref<4x2x128xi32, #tpu.memory_space<vmem>>, vector<16xi32>,
    %get3A_306 = arith.constant 1 : i32
    %get3A_307 = arith.index_cast %get3A_306 : i32 to index
    %get3A_308 = arith.constant 16 : index
    %get3A_309 = tpu.vector_load %arg5[%get3A_307, %get3A_308] {strides = array<i32>} : memref<4x128xi32, #tpu.memory_space<vmem>>, vector<16xi32>,
    %shift_right_arithmetic3A_310 = arith.constant 14 : i32
    %shift_right_arithmetic3A_311 = vector.broadcast %shift_right_arithmetic3A_310 : i32 to vector<16xi32>
    %shift_right_arithmetic3A_312 = arith.shrsi %get3A_309, %shift_right_arithmetic3A_311 : vector<16xi32>
    %swap3A_313 = arith.constant 1 : i32
    %swap3A_314 = arith.constant 0 : i32
    %swap3A_315 = arith.index_cast %swap3A_313 : i32 to index
    %swap3A_316 = arith.index_cast %swap3A_314 : i32 to index
    %swap3A_317 = arith.constant 16 : index
    %swap3A_318 = tpu.vector_load %arg6[%swap3A_315, %swap3A_316, %swap3A_317] {strides = array<i32>} : memref<4x2x128xi32, #tpu.memory_space<vmem>>, vector<16xi32>,
    tpu.vector_store %arg6[%swap3A_315, %swap3A_316, %swap3A_317], %shift_right_arithmetic3A_312 {strides = array<i32>} : memref<4x2x128xi32, #tpu.memory_space<vmem>>, vector<16xi32>,
    %and3A_319 = arith.constant 16383 : i32
    %and3A_320 = vector.broadcast %and3A_319 : i32 to vector<16xi32>
    %and3A_321 = arith.andi %get3A_309, %and3A_320 : vector<16xi32>
    %swap3A_322 = arith.constant 1 : i32
    %swap3A_323 = arith.constant 1 : i32
    %swap3A_324 = arith.index_cast %swap3A_322 : i32 to index
    %swap3A_325 = arith.index_cast %swap3A_323 : i32 to index
    %swap3A_326 = arith.constant 16 : index
    %swap3A_327 = tpu.vector_load %arg6[%swap3A_324, %swap3A_325, %swap3A_326] {strides = array<i32>} : memref<4x2x128xi32, #tpu.memory_space<vmem>>, vector<16xi32>,
    tpu.vector_store %arg6[%swap3A_324, %swap3A_325, %swap3A_326], %and3A_321 {strides = array<i32>} : memref<4x2x128xi32, #tpu.memory_space<vmem>>, vector<16xi32>,
    %get3A_328 = arith.constant 1 : i32
    %get3A_329 = arith.index_cast %get3A_328 : i32 to index
    %get3A_330 = arith.constant 32 : index
    %get3A_331 = tpu.vector_load %arg5[%get3A_329, %get3A_330] {strides = array<i32>} : memref<4x128xi32, #tpu.memory_space<vmem>>, vector<16xi32>,
    %shift_right_arithmetic3A_332 = arith.constant 14 : i32
    %shift_right_arithmetic3A_333 = vector.broadcast %shift_right_arithmetic3A_332 : i32 to vector<16xi32>
    %shift_right_arithmetic3A_334 = arith.shrsi %get3A_331, %shift_right_arithmetic3A_333 : vector<16xi32>
    %swap3A_335 = arith.constant 1 : i32
    %swap3A_336 = arith.constant 0 : i32
    %swap3A_337 = arith.index_cast %swap3A_335 : i32 to index
    %swap3A_338 = arith.index_cast %swap3A_336 : i32 to index
    %swap3A_339 = arith.constant 32 : index
    %swap3A_340 = tpu.vector_load %arg6[%swap3A_337, %swap3A_338, %swap3A_339] {strides = array<i32>} : memref<4x2x128xi32, #tpu.memory_space<vmem>>, vector<16xi32>,
    tpu.vector_store %arg6[%swap3A_337, %swap3A_338, %swap3A_339], %shift_right_arithmetic3A_334 {strides = array<i32>} : memref<4x2x128xi32, #tpu.memory_space<vmem>>, vector<16xi32>,
    %and3A_341 = arith.constant 16383 : i32
    %and3A_342 = vector.broadcast %and3A_341 : i32 to vector<16xi32>
    %and3A_343 = arith.andi %get3A_331, %and3A_342 : vector<16xi32>
    %swap3A_344 = arith.constant 1 : i32
    %swap3A_345 = arith.constant 1 : i32
    %swap3A_346 = arith.index_cast %swap3A_344 : i32 to index
    %swap3A_347 = arith.index_cast %swap3A_345 : i32 to index
    %swap3A_348 = arith.constant 32 : index
    %swap3A_349 = tpu.vector_load %arg6[%swap3A_346, %swap3A_347, %swap3A_348] {strides = array<i32>} : memref<4x2x128xi32, #tpu.memory_space<vmem>>, vector<16xi32>,
    tpu.vector_store %arg6[%swap3A_346, %swap3A_347, %swap3A_348], %and3A_343 {strides = array<i32>} : memref<4x2x128xi32, #tpu.memory_space<vmem>>, vector<16xi32>,
    %get3A_350 = arith.constant 1 : i32
    %get3A_351 = arith.index_cast %get3A_350 : i32 to index
    %get3A_352 = arith.constant 48 : index
    %get3A_353 = tpu.vector_load %arg5[%get3A_351, %get3A_352] {strides = array<i32>} : memref<4x128xi32, #tpu.memory_space<vmem>>, vector<16xi32>,
    %shift_right_arithmetic3A_354 = arith.constant 14 : i32
    %shift_right_arithmetic3A_355 = vector.broadcast %shift_right_arithmetic3A_354 : i32 to vector<16xi32>
    %shift_right_arithmetic3A_356 = arith.shrsi %get3A_353, %shift_right_arithmetic3A_355 : vector<16xi32>
    %swap3A_357 = arith.constant 1 : i32
    %swap3A_358 = arith.constant 0 : i32
    %swap3A_359 = arith.index_cast %swap3A_357 : i32 to index
    %swap3A_360 = arith.index_cast %swap3A_358 : i32 to index
    %swap3A_361 = arith.constant 48 : index
    %swap3A_362 = tpu.vector_load %arg6[%swap3A_359, %swap3A_360, %swap3A_361] {strides = array<i32>} : memref<4x2x128xi32, #tpu.memory_space<vmem>>, vector<16xi32>,
    tpu.vector_store %arg6[%swap3A_359, %swap3A_360, %swap3A_361], %shift_right_arithmetic3A_356 {strides = array<i32>} : memref<4x2x128xi32, #tpu.memory_space<vmem>>, vector<16xi32>,
    %and3A_363 = arith.constant 16383 : i32
    %and3A_364 = vector.broadcast %and3A_363 : i32 to vector<16xi32>
    %and3A_365 = arith.andi %get3A_353, %and3A_364 : vector<16xi32>
    %swap3A_366 = arith.constant 1 : i32
    %swap3A_367 = arith.constant 1 : i32
    %swap3A_368 = arith.index_cast %swap3A_366 : i32 to index
    %swap3A_369 = arith.index_cast %swap3A_367 : i32 to index
    %swap3A_370 = arith.constant 48 : index
    %swap3A_371 = tpu.vector_load %arg6[%swap3A_368, %swap3A_369, %swap3A_370] {strides = array<i32>} : memref<4x2x128xi32, #tpu.memory_space<vmem>>, vector<16xi32>,
    tpu.vector_store %arg6[%swap3A_368, %swap3A_369, %swap3A_370], %and3A_365 {strides = array<i32>} : memref<4x2x128xi32, #tpu.memory_space<vmem>>, vector<16xi32>,
    %get3A_372 = arith.constant 1 : i32
    %get3A_373 = arith.index_cast %get3A_372 : i32 to index
    %get3A_374 = arith.constant 64 : index
    %get3A_375 = tpu.vector_load %arg5[%get3A_373, %get3A_374] {strides = array<i32>} : memref<4x128xi32, #tpu.memory_space<vmem>>, vector<16xi32>,
    %shift_right_arithmetic3A_376 = arith.constant 14 : i32
    %shift_right_arithmetic3A_377 = vector.broadcast %shift_right_arithmetic3A_376 : i32 to vector<16xi32>
    %shift_right_arithmetic3A_378 = arith.shrsi %get3A_375, %shift_right_arithmetic3A_377 : vector<16xi32>
    %swap3A_379 = arith.constant 1 : i32
    %swap3A_380 = arith.constant 0 : i32
    %swap3A_381 = arith.index_cast %swap3A_379 : i32 to index
    %swap3A_382 = arith.index_cast %swap3A_380 : i32 to index
    %swap3A_383 = arith.constant 64 : index
    %swap3A_384 = tpu.vector_load %arg6[%swap3A_381, %swap3A_382, %swap3A_383] {strides = array<i32>} : memref<4x2x128xi32, #tpu.memory_space<vmem>>, vector<16xi32>,
    tpu.vector_store %arg6[%swap3A_381, %swap3A_382, %swap3A_383], %shift_right_arithmetic3A_378 {strides = array<i32>} : memref<4x2x128xi32, #tpu.memory_space<vmem>>, vector<16xi32>,
    %and3A_385 = arith.constant 16383 : i32
    %and3A_386 = vector.broadcast %and3A_385 : i32 to vector<16xi32>
    %and3A_387 = arith.andi %get3A_375, %and3A_386 : vector<16xi32>
    %swap3A_388 = arith.constant 1 : i32
    %swap3A_389 = arith.constant 1 : i32
    %swap3A_390 = arith.index_cast %swap3A_388 : i32 to index
    %swap3A_391 = arith.index_cast %swap3A_389 : i32 to index
    %swap3A_392 = arith.constant 64 : index
    %swap3A_393 = tpu.vector_load %arg6[%swap3A_390, %swap3A_391, %swap3A_392] {strides = array<i32>} : memref<4x2x128xi32, #tpu.memory_space<vmem>>, vector<16xi32>,
    tpu.vector_store %arg6[%swap3A_390, %swap3A_391, %swap3A_392], %and3A_387 {strides = array<i32>} : memref<4x2x128xi32, #tpu.memory_space<vmem>>, vector<16xi32>,
    %get3A_394 = arith.constant 1 : i32
    %get3A_395 = arith.index_cast %get3A_394 : i32 to index
    %get3A_396 = arith.constant 80 : index
    %get3A_397 = tpu.vector_load %arg5[%get3A_395, %get3A_396] {strides = array<i32>} : memref<4x128xi32, #tpu.memory_space<vmem>>, vector<16xi32>,
    %shift_right_arithmetic3A_398 = arith.constant 14 : i32
    %shift_right_arithmetic3A_399 = vector.broadcast %shift_right_arithmetic3A_398 : i32 to vector<16xi32>
    %shift_right_arithmetic3A_400 = arith.shrsi %get3A_397, %shift_right_arithmetic3A_399 : vector<16xi32>
    %swap3A_401 = arith.constant 1 : i32
    %swap3A_402 = arith.constant 0 : i32
    %swap3A_403 = arith.index_cast %swap3A_401 : i32 to index
    %swap3A_404 = arith.index_cast %swap3A_402 : i32 to index
    %swap3A_405 = arith.constant 80 : index
    %swap3A_406 = tpu.vector_load %arg6[%swap3A_403, %swap3A_404, %swap3A_405] {strides = array<i32>} : memref<4x2x128xi32, #tpu.memory_space<vmem>>, vector<16xi32>,
    tpu.vector_store %arg6[%swap3A_403, %swap3A_404, %swap3A_405], %shift_right_arithmetic3A_400 {strides = array<i32>} : memref<4x2x128xi32, #tpu.memory_space<vmem>>, vector<16xi32>,
    %and3A_407 = arith.constant 16383 : i32
    %and3A_408 = vector.broadcast %and3A_407 : i32 to vector<16xi32>
    %and3A_409 = arith.andi %get3A_397, %and3A_408 : vector<16xi32>
    %swap3A_410 = arith.constant 1 : i32
    %swap3A_411 = arith.constant 1 : i32
    %swap3A_412 = arith.index_cast %swap3A_410 : i32 to index
    %swap3A_413 = arith.index_cast %swap3A_411 : i32 to index
    %swap3A_414 = arith.constant 80 : index
    %swap3A_415 = tpu.vector_load %arg6[%swap3A_412, %swap3A_413, %swap3A_414] {strides = array<i32>} : memref<4x2x128xi32, #tpu.memory_space<vmem>>, vector<16xi32>,
    tpu.vector_store %arg6[%swap3A_412, %swap3A_413, %swap3A_414], %and3A_409 {strides = array<i32>} : memref<4x2x128xi32, #tpu.memory_space<vmem>>, vector<16xi32>,
    %get3A_416 = arith.constant 1 : i32
    %get3A_417 = arith.index_cast %get3A_416 : i32 to index
    %get3A_418 = arith.constant 96 : index
    %get3A_419 = tpu.vector_load %arg5[%get3A_417, %get3A_418] {strides = array<i32>} : memref<4x128xi32, #tpu.memory_space<vmem>>, vector<16xi32>,
    %shift_right_arithmetic3A_420 = arith.constant 14 : i32
    %shift_right_arithmetic3A_421 = vector.broadcast %shift_right_arithmetic3A_420 : i32 to vector<16xi32>
    %shift_right_arithmetic3A_422 = arith.shrsi %get3A_419, %shift_right_arithmetic3A_421 : vector<16xi32>
    %swap3A_423 = arith.constant 1 : i32
    %swap3A_424 = arith.constant 0 : i32
    %swap3A_425 = arith.index_cast %swap3A_423 : i32 to index
    %swap3A_426 = arith.index_cast %swap3A_424 : i32 to index
    %swap3A_427 = arith.constant 96 : index
    %swap3A_428 = tpu.vector_load %arg6[%swap3A_425, %swap3A_426, %swap3A_427] {strides = array<i32>} : memref<4x2x128xi32, #tpu.memory_space<vmem>>, vector<16xi32>,
    tpu.vector_store %arg6[%swap3A_425, %swap3A_426, %swap3A_427], %shift_right_arithmetic3A_422 {strides = array<i32>} : memref<4x2x128xi32, #tpu.memory_space<vmem>>, vector<16xi32>,
    %and3A_429 = arith.constant 16383 : i32
    %and3A_430 = vector.broadcast %and3A_429 : i32 to vector<16xi32>
    %and3A_431 = arith.andi %get3A_419, %and3A_430 : vector<16xi32>
    %swap3A_432 = arith.constant 1 : i32
    %swap3A_433 = arith.constant 1 : i32
    %swap3A_434 = arith.index_cast %swap3A_432 : i32 to index
    %swap3A_435 = arith.index_cast %swap3A_433 : i32 to index
    %swap3A_436 = arith.constant 96 : index
    %swap3A_437 = tpu.vector_load %arg6[%swap3A_434, %swap3A_435, %swap3A_436] {strides = array<i32>} : memref<4x2x128xi32, #tpu.memory_space<vmem>>, vector<16xi32>,
    tpu.vector_store %arg6[%swap3A_434, %swap3A_435, %swap3A_436], %and3A_431 {strides = array<i32>} : memref<4x2x128xi32, #tpu.memory_space<vmem>>, vector<16xi32>,
    %get3A_438 = arith.constant 1 : i32
    %get3A_439 = arith.index_cast %get3A_438 : i32 to index
    %get3A_440 = arith.constant 112 : index
    %get3A_441 = tpu.vector_load %arg5[%get3A_439, %get3A_440] {strides = array<i32>} : memref<4x128xi32, #tpu.memory_space<vmem>>, vector<16xi32>,
    %shift_right_arithmetic3A_442 = arith.constant 14 : i32
    %shift_right_arithmetic3A_443 = vector.broadcast %shift_right_arithmetic3A_442 : i32 to vector<16xi32>
    %shift_right_arithmetic3A_444 = arith.shrsi %get3A_441, %shift_right_arithmetic3A_443 : vector<16xi32>
    %swap3A_445 = arith.constant 1 : i32
    %swap3A_446 = arith.constant 0 : i32
    %swap3A_447 = arith.index_cast %swap3A_445 : i32 to index
    %swap3A_448 = arith.index_cast %swap3A_446 : i32 to index
    %swap3A_449 = arith.constant 112 : index
    %swap3A_450 = tpu.vector_load %arg6[%swap3A_447, %swap3A_448, %swap3A_449] {strides = array<i32>} : memref<4x2x128xi32, #tpu.memory_space<vmem>>, vector<16xi32>,
    tpu.vector_store %arg6[%swap3A_447, %swap3A_448, %swap3A_449], %shift_right_arithmetic3A_444 {strides = array<i32>} : memref<4x2x128xi32, #tpu.memory_space<vmem>>, vector<16xi32>,
    %and3A_451 = arith.constant 16383 : i32
    %and3A_452 = vector.broadcast %and3A_451 : i32 to vector<16xi32>
    %and3A_453 = arith.andi %get3A_441, %and3A_452 : vector<16xi32>
    %swap3A_454 = arith.constant 1 : i32
    %swap3A_455 = arith.constant 1 : i32
    %swap3A_456 = arith.index_cast %swap3A_454 : i32 to index
    %swap3A_457 = arith.index_cast %swap3A_455 : i32 to index
    %swap3A_458 = arith.constant 112 : index
    %swap3A_459 = tpu.vector_load %arg6[%swap3A_456, %swap3A_457, %swap3A_458] {strides = array<i32>} : memref<4x2x128xi32, #tpu.memory_space<vmem>>, vector<16xi32>,
    tpu.vector_store %arg6[%swap3A_456, %swap3A_457, %swap3A_458], %and3A_453 {strides = array<i32>} : memref<4x2x128xi32, #tpu.memory_space<vmem>>, vector<16xi32>,
    %dma_start3A_460 = arith.constant 1 : i32
    %dma_start3A_461 = arith.constant 0 : i32
    %dma_start3A_462 = arith.constant 0 : i32
    %dma_start3A_463 = tpu.memref_slice %arg6[%dma_start3A_460, %dma_start3A_461, %dma_start3A_462] : memref<4x2x128xi32, #tpu.memory_space<vmem>> -> memref<1x1x128xi32, #tpu.memory_space<vmem>>
    %dma_start3A_464 = tpu.memref_squeeze %dma_start3A_463 : memref<1x1x128xi32, #tpu.memory_space<vmem>> -> memref<128xi32, #tpu.memory_space<vmem>>
    %dma_start3A_465 = arith.constant 0 : i32
    %dma_start3A_466 = arith.constant 0 : i32
    %dma_start3A_467 = tpu.memref_slice %arg2[%dma_start3A_465, %dma_start3A_466] : memref<10240x128xbf16, #tpu.memory_space<hbm>> -> memref<10240x128xbf16, #tpu.memory_space<hbm>>
    tpu.enqueue_indirect_dma source(%dma_start3A_467 : memref<10240x128xbf16, #tpu.memory_space<hbm>>) target(%arg8 : memref<128x128xbf16, #tpu.memory_space<vmem>>) offsets(%dma_start3A_464 : memref<128xi32, #tpu.memory_space<vmem>>) semaphore(%arg14 : memref<!tpu.dma_semaphore, #tpu.memory_space<semaphore_mem>>)
    %mul3A_468 = arith.constant 80 : i32
    %mul3A_469 = arith.muli %add3A, %mul3A_468 : i32
    %add3A_470 = arith.constant 4 : i32
    %add3A_471 = arith.addi %mul3A_469, %add3A_470 : i32
    %dma_start3A_472 = arith.constant 0 : i32
    %dma_start3A_473 = arith.constant 0 : i32
    %dma_start3A_474 = tpu.memref_slice %arg5[%dma_start3A_472, %dma_start3A_473] : memref<4x128xi32, #tpu.memory_space<vmem>> -> memref<1x128xi32, #tpu.memory_space<vmem>>
    %dma_start3A_475 = tpu.memref_squeeze %dma_start3A_474 : memref<1x128xi32, #tpu.memory_space<vmem>> -> memref<128xi32, #tpu.memory_space<vmem>>
    %dma_start3A_476 = arith.constant 0 : i32
    %dma_start3A_477 = tpu.memref_slice %arg3[%add3A_471, %dma_start3A_476] : memref<2560x128xi32, #tpu.memory_space<hbm>> -> memref<1x128xi32, #tpu.memory_space<hbm>>
    %dma_start3A_478 = tpu.memref_squeeze %dma_start3A_477 : memref<1x128xi32, #tpu.memory_space<hbm>> -> memref<128xi32, #tpu.memory_space<hbm>>
    %dma_start3A_479 = arith.constant 0 : i32
    %dma_start3A_480 = tpu.memref_slice %arg5[%dma_start3A_472, %dma_start3A_479] : memref<4x128xi32, #tpu.memory_space<vmem>> -> memref<1x128xi32, #tpu.memory_space<vmem>>
    %dma_start3A_481 = tpu.memref_squeeze %dma_start3A_480 : memref<1x128xi32, #tpu.memory_space<vmem>> -> memref<128xi32, #tpu.memory_space<vmem>>
    %dma_start3A_482 = arith.constant 0 : i32
    %dma_start3A_483 = tpu.memref_slice %arg3[%add3A_471, %dma_start3A_482] : memref<2560x128xi32, #tpu.memory_space<hbm>> -> memref<1x128xi32, #tpu.memory_space<hbm>>
    %dma_start3A_484 = tpu.memref_squeeze %dma_start3A_483 : memref<1x128xi32, #tpu.memory_space<hbm>> -> memref<128xi32, #tpu.memory_space<hbm>>
    tpu.enqueue_dma source(%dma_start3A_484 : memref<128xi32, #tpu.memory_space<hbm>>) target(%dma_start3A_481 : memref<128xi32, #tpu.memory_space<vmem>>) target_semaphore(%arg17 : memref<!tpu.dma_semaphore, #tpu.memory_space<semaphore_mem>>)
    %dma_wait3A_485 = arith.constant 0 : i32
    %dma_wait3A_486 = arith.constant 2 : i32
    %dma_wait3A_487 = arith.constant 0 : i32
    %dma_wait3A_488 = tpu.memref_slice %arg5[%dma_wait3A_486, %dma_wait3A_487] : memref<4x128xi32, #tpu.memory_space<vmem>> -> memref<1x128xi32, #tpu.memory_space<vmem>>
    %dma_wait3A_489 = tpu.memref_squeeze %dma_wait3A_488 : memref<1x128xi32, #tpu.memory_space<vmem>> -> memref<128xi32, #tpu.memory_space<vmem>>
    %dma_wait3A_490 = arith.constant 0 : i32
    %dma_wait3A_491 = tpu.memref_slice %arg3[%dma_wait3A_485, %dma_wait3A_490] : memref<2560x128xi32, #tpu.memory_space<hbm>> -> memref<1x128xi32, #tpu.memory_space<hbm>>
    %dma_wait3A_492 = tpu.memref_squeeze %dma_wait3A_491 : memref<1x128xi32, #tpu.memory_space<hbm>> -> memref<128xi32, #tpu.memory_space<hbm>>
    %dma_wait3A_493 = arith.constant 0 : i32
    %dma_wait3A_494 = tpu.memref_slice %arg5[%dma_wait3A_486, %dma_wait3A_493] : memref<4x128xi32, #tpu.memory_space<vmem>> -> memref<1x128xi32, #tpu.memory_space<vmem>>
    %dma_wait3A_495 = tpu.memref_squeeze %dma_wait3A_494 : memref<1x128xi32, #tpu.memory_space<vmem>> -> memref<128xi32, #tpu.memory_space<vmem>>
    %dma_wait3A_496 = arith.constant 0 : i32
    %dma_wait3A_497 = tpu.memref_slice %arg3[%dma_wait3A_485, %dma_wait3A_496] : memref<2560x128xi32, #tpu.memory_space<hbm>> -> memref<1x128xi32, #tpu.memory_space<hbm>>
    %dma_wait3A_498 = tpu.memref_squeeze %dma_wait3A_497 : memref<1x128xi32, #tpu.memory_space<hbm>> -> memref<128xi32, #tpu.memory_space<hbm>>
    tpu.wait_dma2 semaphore(%arg19 : memref<!tpu.dma_semaphore, #tpu.memory_space<semaphore_mem>>) src(%dma_wait3A_498 : memref<128xi32, #tpu.memory_space<hbm>>) dst(%dma_wait3A_495 : memref<128xi32, #tpu.memory_space<vmem>>)
    %get3A_499 = arith.constant 2 : i32
    %get3A_500 = arith.index_cast %get3A_499 : i32 to index
    %get3A_501 = arith.constant 0 : index
    %get3A_502 = tpu.vector_load %arg5[%get3A_500, %get3A_501] {strides = array<i32>} : memref<4x128xi32, #tpu.memory_space<vmem>>, vector<16xi32>,
    %shift_right_arithmetic3A_503 = arith.constant 14 : i32
    %shift_right_arithmetic3A_504 = vector.broadcast %shift_right_arithmetic3A_503 : i32 to vector<16xi32>
    %shift_right_arithmetic3A_505 = arith.shrsi %get3A_502, %shift_right_arithmetic3A_504 : vector<16xi32>
    %swap3A_506 = arith.constant 2 : i32
    %swap3A_507 = arith.constant 0 : i32
    %swap3A_508 = arith.index_cast %swap3A_506 : i32 to index
    %swap3A_509 = arith.index_cast %swap3A_507 : i32 to index
    %swap3A_510 = arith.constant 0 : index
    %swap3A_511 = tpu.vector_load %arg6[%swap3A_508, %swap3A_509, %swap3A_510] {strides = array<i32>} : memref<4x2x128xi32, #tpu.memory_space<vmem>>, vector<16xi32>,
    tpu.vector_store %arg6[%swap3A_508, %swap3A_509, %swap3A_510], %shift_right_arithmetic3A_505 {strides = array<i32>} : memref<4x2x128xi32, #tpu.memory_space<vmem>>, vector<16xi32>,
    %and3A_512 = arith.constant 16383 : i32
    %and3A_513 = vector.broadcast %and3A_512 : i32 to vector<16xi32>
    %and3A_514 = arith.andi %get3A_502, %and3A_513 : vector<16xi32>
    %swap3A_515 = arith.constant 2 : i32
    %swap3A_516 = arith.constant 1 : i32
    %swap3A_517 = arith.index_cast %swap3A_515 : i32 to index
    %swap3A_518 = arith.index_cast %swap3A_516 : i32 to index
    %swap3A_519 = arith.constant 0 : index
    %swap3A_520 = tpu.vector_load %arg6[%swap3A_517, %swap3A_518, %swap3A_519] {strides = array<i32>} : memref<4x2x128xi32, #tpu.memory_space<vmem>>, vector<16xi32>,
    tpu.vector_store %arg6[%swap3A_517, %swap3A_518, %swap3A_519], %and3A_514 {strides = array<i32>} : memref<4x2x128xi32, #tpu.memory_space<vmem>>, vector<16xi32>,
    %get3A_521 = arith.constant 2 : i32
    %get3A_522 = arith.index_cast %get3A_521 : i32 to index
    %get3A_523 = arith.constant 16 : index
    %get3A_524 = tpu.vector_load %arg5[%get3A_522, %get3A_523] {strides = array<i32>} : memref<4x128xi32, #tpu.memory_space<vmem>>, vector<16xi32>,
    %shift_right_arithmetic3A_525 = arith.constant 14 : i32
    %shift_right_arithmetic3A_526 = vector.broadcast %shift_right_arithmetic3A_525 : i32 to vector<16xi32>
    %shift_right_arithmetic3A_527 = arith.shrsi %get3A_524, %shift_right_arithmetic3A_526 : vector<16xi32>
    %swap3A_528 = arith.constant 2 : i32
    %swap3A_529 = arith.constant 0 : i32
    %swap3A_530 = arith.index_cast %swap3A_528 : i32 to index
    %swap3A_531 = arith.index_cast %swap3A_529 : i32 to index
    %swap3A_532 = arith.constant 16 : index
    %swap3A_533 = tpu.vector_load %arg6[%swap3A_530, %swap3A_531, %swap3A_532] {strides = array<i32>} : memref<4x2x128xi32, #tpu.memory_space<vmem>>, vector<16xi32>,
    tpu.vector_store %arg6[%swap3A_530, %swap3A_531, %swap3A_532], %shift_right_arithmetic3A_527 {strides = array<i32>} : memref<4x2x128xi32, #tpu.memory_space<vmem>>, vector<16xi32>,
    %and3A_534 = arith.constant 16383 : i32
    %and3A_535 = vector.broadcast %and3A_534 : i32 to vector<16xi32>
    %and3A_536 = arith.andi %get3A_524, %and3A_535 : vector<16xi32>
    %swap3A_537 = arith.constant 2 : i32
    %swap3A_538 = arith.constant 1 : i32
    %swap3A_539 = arith.index_cast %swap3A_537 : i32 to index
    %swap3A_540 = arith.index_cast %swap3A_538 : i32 to index
    %swap3A_541 = arith.constant 16 : index
    %swap3A_542 = tpu.vector_load %arg6[%swap3A_539, %swap3A_540, %swap3A_541] {strides = array<i32>} : memref<4x2x128xi32, #tpu.memory_space<vmem>>, vector<16xi32>,
    tpu.vector_store %arg6[%swap3A_539, %swap3A_540, %swap3A_541], %and3A_536 {strides = array<i32>} : memref<4x2x128xi32, #tpu.memory_space<vmem>>, vector<16xi32>,
    %get3A_543 = arith.constant 2 : i32
    %get3A_544 = arith.index_cast %get3A_543 : i32 to index
    %get3A_545 = arith.constant 32 : index
    %get3A_546 = tpu.vector_load %arg5[%get3A_544, %get3A_545] {strides = array<i32>} : memref<4x128xi32, #tpu.memory_space<vmem>>, vector<16xi32>,
    %shift_right_arithmetic3A_547 = arith.constant 14 : i32
    %shift_right_arithmetic3A_548 = vector.broadcast %shift_right_arithmetic3A_547 : i32 to vector<16xi32>
    %shift_right_arithmetic3A_549 = arith.shrsi %get3A_546, %shift_right_arithmetic3A_548 : vector<16xi32>
    %swap3A_550 = arith.constant 2 : i32
    %swap3A_551 = arith.constant 0 : i32
    %swap3A_552 = arith.index_cast %swap3A_550 : i32 to index
    %swap3A_553 = arith.index_cast %swap3A_551 : i32 to index
    %swap3A_554 = arith.constant 32 : index
    %swap3A_555 = tpu.vector_load %arg6[%swap3A_552, %swap3A_553, %swap3A_554] {strides = array<i32>} : memref<4x2x128xi32, #tpu.memory_space<vmem>>, vector<16xi32>,
    tpu.vector_store %arg6[%swap3A_552, %swap3A_553, %swap3A_554], %shift_right_arithmetic3A_549 {strides = array<i32>} : memref<4x2x128xi32, #tpu.memory_space<vmem>>, vector<16xi32>,
    %and3A_556 = arith.constant 16383 : i32
    %and3A_557 = vector.broadcast %and3A_556 : i32 to vector<16xi32>
    %and3A_558 = arith.andi %get3A_546, %and3A_557 : vector<16xi32>
    %swap3A_559 = arith.constant 2 : i32
    %swap3A_560 = arith.constant 1 : i32
    %swap3A_561 = arith.index_cast %swap3A_559 : i32 to index
    %swap3A_562 = arith.index_cast %swap3A_560 : i32 to index
    %swap3A_563 = arith.constant 32 : index
    %swap3A_564 = tpu.vector_load %arg6[%swap3A_561, %swap3A_562, %swap3A_563] {strides = array<i32>} : memref<4x2x128xi32, #tpu.memory_space<vmem>>, vector<16xi32>,
    tpu.vector_store %arg6[%swap3A_561, %swap3A_562, %swap3A_563], %and3A_558 {strides = array<i32>} : memref<4x2x128xi32, #tpu.memory_space<vmem>>, vector<16xi32>,
    %get3A_565 = arith.constant 2 : i32
    %get3A_566 = arith.index_cast %get3A_565 : i32 to index
    %get3A_567 = arith.constant 48 : index
    %get3A_568 = tpu.vector_load %arg5[%get3A_566, %get3A_567] {strides = array<i32>} : memref<4x128xi32, #tpu.memory_space<vmem>>, vector<16xi32>,
    %shift_right_arithmetic3A_569 = arith.constant 14 : i32
    %shift_right_arithmetic3A_570 = vector.broadcast %shift_right_arithmetic3A_569 : i32 to vector<16xi32>
    %shift_right_arithmetic3A_571 = arith.shrsi %get3A_568, %shift_right_arithmetic3A_570 : vector<16xi32>
    %swap3A_572 = arith.constant 2 : i32
    %swap3A_573 = arith.constant 0 : i32
    %swap3A_574 = arith.index_cast %swap3A_572 : i32 to index
    %swap3A_575 = arith.index_cast %swap3A_573 : i32 to index
    %swap3A_576 = arith.constant 48 : index
    %swap3A_577 = tpu.vector_load %arg6[%swap3A_574, %swap3A_575, %swap3A_576] {strides = array<i32>} : memref<4x2x128xi32, #tpu.memory_space<vmem>>, vector<16xi32>,
    tpu.vector_store %arg6[%swap3A_574, %swap3A_575, %swap3A_576], %shift_right_arithmetic3A_571 {strides = array<i32>} : memref<4x2x128xi32, #tpu.memory_space<vmem>>, vector<16xi32>,
    %and3A_578 = arith.constant 16383 : i32
    %and3A_579 = vector.broadcast %and3A_578 : i32 to vector<16xi32>
    %and3A_580 = arith.andi %get3A_568, %and3A_579 : vector<16xi32>
    %swap3A_581 = arith.constant 2 : i32
    %swap3A_582 = arith.constant 1 : i32
    %swap3A_583 = arith.index_cast %swap3A_581 : i32 to index
    %swap3A_584 = arith.index_cast %swap3A_582 : i32 to index
    %swap3A_585 = arith.constant 48 : index
    %swap3A_586 = tpu.vector_load %arg6[%swap3A_583, %swap3A_584, %swap3A_585] {strides = array<i32>} : memref<4x2x128xi32, #tpu.memory_space<vmem>>, vector<16xi32>,
    tpu.vector_store %arg6[%swap3A_583, %swap3A_584, %swap3A_585], %and3A_580 {strides = array<i32>} : memref<4x2x128xi32, #tpu.memory_space<vmem>>, vector<16xi32>,
    %get3A_587 = arith.constant 2 : i32
    %get3A_588 = arith.index_cast %get3A_587 : i32 to index
    %get3A_589 = arith.constant 64 : index
    %get3A_590 = tpu.vector_load %arg5[%get3A_588, %get3A_589] {strides = array<i32>} : memref<4x128xi32, #tpu.memory_space<vmem>>, vector<16xi32>,
    %shift_right_arithmetic3A_591 = arith.constant 14 : i32
    %shift_right_arithmetic3A_592 = vector.broadcast %shift_right_arithmetic3A_591 : i32 to vector<16xi32>
    %shift_right_arithmetic3A_593 = arith.shrsi %get3A_590, %shift_right_arithmetic3A_592 : vector<16xi32>
    %swap3A_594 = arith.constant 2 : i32
    %swap3A_595 = arith.constant 0 : i32
    %swap3A_596 = arith.index_cast %swap3A_594 : i32 to index
    %swap3A_597 = arith.index_cast %swap3A_595 : i32 to index
    %swap3A_598 = arith.constant 64 : index
    %swap3A_599 = tpu.vector_load %arg6[%swap3A_596, %swap3A_597, %swap3A_598] {strides = array<i32>} : memref<4x2x128xi32, #tpu.memory_space<vmem>>, vector<16xi32>,
    tpu.vector_store %arg6[%swap3A_596, %swap3A_597, %swap3A_598], %shift_right_arithmetic3A_593 {strides = array<i32>} : memref<4x2x128xi32, #tpu.memory_space<vmem>>, vector<16xi32>,
    %and3A_600 = arith.constant 16383 : i32
    %and3A_601 = vector.broadcast %and3A_600 : i32 to vector<16xi32>
    %and3A_602 = arith.andi %get3A_590, %and3A_601 : vector<16xi32>
    %swap3A_603 = arith.constant 2 : i32
    %swap3A_604 = arith.constant 1 : i32
    %swap3A_605 = arith.index_cast %swap3A_603 : i32 to index
    %swap3A_606 = arith.index_cast %swap3A_604 : i32 to index
    %swap3A_607 = arith.constant 64 : index
    %swap3A_608 = tpu.vector_load %arg6[%swap3A_605, %swap3A_606, %swap3A_607] {strides = array<i32>} : memref<4x2x128xi32, #tpu.memory_space<vmem>>, vector<16xi32>,
    tpu.vector_store %arg6[%swap3A_605, %swap3A_606, %swap3A_607], %and3A_602 {strides = array<i32>} : memref<4x2x128xi32, #tpu.memory_space<vmem>>, vector<16xi32>,
    %get3A_609 = arith.constant 2 : i32
    %get3A_610 = arith.index_cast %get3A_609 : i32 to index
    %get3A_611 = arith.constant 80 : index
    %get3A_612 = tpu.vector_load %arg5[%get3A_610, %get3A_611] {strides = array<i32>} : memref<4x128xi32, #tpu.memory_space<vmem>>, vector<16xi32>,
    %shift_right_arithmetic3A_613 = arith.constant 14 : i32
    %shift_right_arithmetic3A_614 = vector.broadcast %shift_right_arithmetic3A_613 : i32 to vector<16xi32>
    %shift_right_arithmetic3A_615 = arith.shrsi %get3A_612, %shift_right_arithmetic3A_614 : vector<16xi32>
    %swap3A_616 = arith.constant 2 : i32
    %swap3A_617 = arith.constant 0 : i32
    %swap3A_618 = arith.index_cast %swap3A_616 : i32 to index
    %swap3A_619 = arith.index_cast %swap3A_617 : i32 to index
    %swap3A_620 = arith.constant 80 : index
    %swap3A_621 = tpu.vector_load %arg6[%swap3A_618, %swap3A_619, %swap3A_620] {strides = array<i32>} : memref<4x2x128xi32, #tpu.memory_space<vmem>>, vector<16xi32>,
    tpu.vector_store %arg6[%swap3A_618, %swap3A_619, %swap3A_620], %shift_right_arithmetic3A_615 {strides = array<i32>} : memref<4x2x128xi32, #tpu.memory_space<vmem>>, vector<16xi32>,
    %and3A_622 = arith.constant 16383 : i32
    %and3A_623 = vector.broadcast %and3A_622 : i32 to vector<16xi32>
    %and3A_624 = arith.andi %get3A_612, %and3A_623 : vector<16xi32>
    %swap3A_625 = arith.constant 2 : i32
    %swap3A_626 = arith.constant 1 : i32
    %swap3A_627 = arith.index_cast %swap3A_625 : i32 to index
    %swap3A_628 = arith.index_cast %swap3A_626 : i32 to index
    %swap3A_629 = arith.constant 80 : index
    %swap3A_630 = tpu.vector_load %arg6[%swap3A_627, %swap3A_628, %swap3A_629] {strides = array<i32>} : memref<4x2x128xi32, #tpu.memory_space<vmem>>, vector<16xi32>,
    tpu.vector_store %arg6[%swap3A_627, %swap3A_628, %swap3A_629], %and3A_624 {strides = array<i32>} : memref<4x2x128xi32, #tpu.memory_space<vmem>>, vector<16xi32>,
    %get3A_631 = arith.constant 2 : i32
    %get3A_632 = arith.index_cast %get3A_631 : i32 to index
    %get3A_633 = arith.constant 96 : index
    %get3A_634 = tpu.vector_load %arg5[%get3A_632, %get3A_633] {strides = array<i32>} : memref<4x128xi32, #tpu.memory_space<vmem>>, vector<16xi32>,
    %shift_right_arithmetic3A_635 = arith.constant 14 : i32
    %shift_right_arithmetic3A_636 = vector.broadcast %shift_right_arithmetic3A_635 : i32 to vector<16xi32>
    %shift_right_arithmetic3A_637 = arith.shrsi %get3A_634, %shift_right_arithmetic3A_636 : vector<16xi32>
    %swap3A_638 = arith.constant 2 : i32
    %swap3A_639 = arith.constant 0 : i32
    %swap3A_640 = arith.index_cast %swap3A_638 : i32 to index
    %swap3A_641 = arith.index_cast %swap3A_639 : i32 to index
    %swap3A_642 = arith.constant 96 : index
    %swap3A_643 = tpu.vector_load %arg6[%swap3A_640, %swap3A_641, %swap3A_642] {strides = array<i32>} : memref<4x2x128xi32, #tpu.memory_space<vmem>>, vector<16xi32>,
    tpu.vector_store %arg6[%swap3A_640, %swap3A_641, %swap3A_642], %shift_right_arithmetic3A_637 {strides = array<i32>} : memref<4x2x128xi32, #tpu.memory_space<vmem>>, vector<16xi32>,
    %and3A_644 = arith.constant 16383 : i32
    %and3A_645 = vector.broadcast %and3A_644 : i32 to vector<16xi32>
    %and3A_646 = arith.andi %get3A_634, %and3A_645 : vector<16xi32>
    %swap3A_647 = arith.constant 2 : i32
    %swap3A_648 = arith.constant 1 : i32
    %swap3A_649 = arith.index_cast %swap3A_647 : i32 to index
    %swap3A_650 = arith.index_cast %swap3A_648 : i32 to index
    %swap3A_651 = arith.constant 96 : index
    %swap3A_652 = tpu.vector_load %arg6[%swap3A_649, %swap3A_650, %swap3A_651] {strides = array<i32>} : memref<4x2x128xi32, #tpu.memory_space<vmem>>, vector<16xi32>,
    tpu.vector_store %arg6[%swap3A_649, %swap3A_650, %swap3A_651], %and3A_646 {strides = array<i32>} : memref<4x2x128xi32, #tpu.memory_space<vmem>>, vector<16xi32>,
    %get3A_653 = arith.constant 2 : i32
    %get3A_654 = arith.index_cast %get3A_653 : i32 to index
    %get3A_655 = arith.constant 112 : index
    %get3A_656 = tpu.vector_load %arg5[%get3A_654, %get3A_655] {strides = array<i32>} : memref<4x128xi32, #tpu.memory_space<vmem>>, vector<16xi32>,
    %shift_right_arithmetic3A_657 = arith.constant 14 : i32
    %shift_right_arithmetic3A_658 = vector.broadcast %shift_right_arithmetic3A_657 : i32 to vector<16xi32>
    %shift_right_arithmetic3A_659 = arith.shrsi %get3A_656, %shift_right_arithmetic3A_658 : vector<16xi32>
    %swap3A_660 = arith.constant 2 : i32
    %swap3A_661 = arith.constant 0 : i32
    %swap3A_662 = arith.index_cast %swap3A_660 : i32 to index
    %swap3A_663 = arith.index_cast %swap3A_661 : i32 to index
    %swap3A_664 = arith.constant 112 : index
    %swap3A_665 = tpu.vector_load %arg6[%swap3A_662, %swap3A_663, %swap3A_664] {strides = array<i32>} : memref<4x2x128xi32, #tpu.memory_space<vmem>>, vector<16xi32>,
    tpu.vector_store %arg6[%swap3A_662, %swap3A_663, %swap3A_664], %shift_right_arithmetic3A_659 {strides = array<i32>} : memref<4x2x128xi32, #tpu.memory_space<vmem>>, vector<16xi32>,
    %and3A_666 = arith.constant 16383 : i32
    %and3A_667 = vector.broadcast %and3A_666 : i32 to vector<16xi32>
    %and3A_668 = arith.andi %get3A_656, %and3A_667 : vector<16xi32>
    %swap3A_669 = arith.constant 2 : i32
    %swap3A_670 = arith.constant 1 : i32
    %swap3A_671 = arith.index_cast %swap3A_669 : i32 to index
    %swap3A_672 = arith.index_cast %swap3A_670 : i32 to index
    %swap3A_673 = arith.constant 112 : index
    %swap3A_674 = tpu.vector_load %arg6[%swap3A_671, %swap3A_672, %swap3A_673] {strides = array<i32>} : memref<4x2x128xi32, #tpu.memory_space<vmem>>, vector<16xi32>,
    tpu.vector_store %arg6[%swap3A_671, %swap3A_672, %swap3A_673], %and3A_668 {strides = array<i32>} : memref<4x2x128xi32, #tpu.memory_space<vmem>>, vector<16xi32>,
    %dma_start3A_675 = arith.constant 2 : i32
    %dma_start3A_676 = arith.constant 0 : i32
    %dma_start3A_677 = arith.constant 0 : i32
    %dma_start3A_678 = tpu.memref_slice %arg6[%dma_start3A_675, %dma_start3A_676, %dma_start3A_677] : memref<4x2x128xi32, #tpu.memory_space<vmem>> -> memref<1x1x128xi32, #tpu.memory_space<vmem>>
    %dma_start3A_679 = tpu.memref_squeeze %dma_start3A_678 : memref<1x1x128xi32, #tpu.memory_space<vmem>> -> memref<128xi32, #tpu.memory_space<vmem>>
    %dma_start3A_680 = arith.constant 0 : i32
    %dma_start3A_681 = arith.constant 0 : i32
    %dma_start3A_682 = tpu.memref_slice %arg2[%dma_start3A_680, %dma_start3A_681] : memref<10240x128xbf16, #tpu.memory_space<hbm>> -> memref<10240x128xbf16, #tpu.memory_space<hbm>>
    tpu.enqueue_indirect_dma source(%dma_start3A_682 : memref<10240x128xbf16, #tpu.memory_space<hbm>>) target(%arg9 : memref<128x128xbf16, #tpu.memory_space<vmem>>) offsets(%dma_start3A_679 : memref<128xi32, #tpu.memory_space<vmem>>) semaphore(%arg15 : memref<!tpu.dma_semaphore, #tpu.memory_space<semaphore_mem>>)
    %scan3A_683 = arith.constant 0 : i32
    %scan3A_684 = arith.constant 20 : i32
    %scan3A_685 = arith.addi %scan3A_683, %scan3A_684 : i32
    %scan3A_686 = arith.constant 1 : i32
    scf.for %scan3A_694 = %scan3A_683 to %scan3A_685 step %scan3A_686  : i32 {
      %mul3A_695 = arith.constant 1 : i32
      %mul3A_696 = arith.muli %scan3A_694, %mul3A_695 : i32
      %add3A_697 = arith.constant 0 : i32
      %add3A_698 = arith.addi %add3A_697, %mul3A_696 : i32
      %mul3A_699 = arith.constant 4 : i32
      %mul3A_700 = arith.muli %mul3A_699, %add3A_698 : i32
      %dma_wait3A_701 = arith.constant 0 : i32
      %dma_wait3A_702 = arith.constant 0 : i32
      %dma_wait3A_703 = arith.constant 0 : i32
      %dma_wait3A_704 = tpu.memref_slice %arg6[%dma_wait3A_701, %dma_wait3A_702, %dma_wait3A_703] : memref<4x2x128xi32, #tpu.memory_space<vmem>> -> memref<1x1x128xi32, #tpu.memory_space<vmem>>
      %dma_wait3A_705 = tpu.memref_squeeze %dma_wait3A_704 : memref<1x1x128xi32, #tpu.memory_space<vmem>> -> memref<128xi32, #tpu.memory_space<vmem>>
      %dma_wait3A_706 = arith.constant 0 : i32
      %dma_wait3A_707 = arith.constant 0 : i32
      %dma_wait3A_708 = tpu.memref_slice %arg2[%dma_wait3A_706, %dma_wait3A_707] : memref<10240x128xbf16, #tpu.memory_space<hbm>> -> memref<10240x128xbf16, #tpu.memory_space<hbm>>
      tpu.wait_indirect_dma semaphore(%arg13 : memref<!tpu.dma_semaphore, #tpu.memory_space<semaphore_mem>>) src(%dma_wait3A_708 : memref<10240x128xbf16, #tpu.memory_space<hbm>>) dst(%arg7 : memref<128x128xbf16, #tpu.memory_space<vmem>>)
      %run_scoped3A = arith.constant 0 : i32
      %run_scoped3A_709 = arith.constant 1 : i32
      "tpu.region"() ({
        %run_scoped3A_809 = tpu.sem_alloc : memref<!tpu.dma_semaphore, #tpu.memory_space<semaphore_mem>>
        %dma_start3A_810 = arith.constant 0 : i32
        %dma_start3A_811 = tpu.memref_slice %arg6[%run_scoped3A, %run_scoped3A_709, %dma_start3A_810] : memref<4x2x128xi32, #tpu.memory_space<vmem>> -> memref<1x1x128xi32, #tpu.memory_space<vmem>>
        %dma_start3A_812 = tpu.memref_squeeze %dma_start3A_811 : memref<1x1x128xi32, #tpu.memory_space<vmem>> -> memref<128xi32, #tpu.memory_space<vmem>>
        %dma_start3A_813 = arith.constant 0 : i32
        %dma_start3A_814 = arith.constant 0 : i32
        %dma_start3A_815 = tpu.memref_slice %arg12[%dma_start3A_813, %dma_start3A_814] : memref<10240x128xbf16, #tpu.memory_space<vmem_shared>> -> memref<10240x128xbf16, #tpu.memory_space<vmem_shared>>
        tpu.enqueue_indirect_dma source(%arg7 : memref<128x128xbf16, #tpu.memory_space<vmem>>) target(%dma_start3A_815 : memref<10240x128xbf16, #tpu.memory_space<vmem_shared>>) offsets(%dma_start3A_812 : memref<128xi32, #tpu.memory_space<vmem>>) semaphore(%run_scoped3A_809 : memref<!tpu.dma_semaphore, #tpu.memory_space<semaphore_mem>>) {add = true}
        %dma_wait3A_816 = arith.constant 0 : i32
        %dma_wait3A_817 = tpu.memref_slice %arg6[%run_scoped3A, %run_scoped3A_709, %dma_wait3A_816] : memref<4x2x128xi32, #tpu.memory_space<vmem>> -> memref<1x1x128xi32, #tpu.memory_space<vmem>>
        %dma_wait3A_818 = tpu.memref_squeeze %dma_wait3A_817 : memref<1x1x128xi32, #tpu.memory_space<vmem>> -> memref<128xi32, #tpu.memory_space<vmem>>
        %dma_wait3A_819 = arith.constant 0 : i32
        %dma_wait3A_820 = arith.constant 0 : i32
        %dma_wait3A_821 = tpu.memref_slice %arg12[%dma_wait3A_819, %dma_wait3A_820] : memref<10240x128xbf16, #tpu.memory_space<vmem_shared>> -> memref<10240x128xbf16, #tpu.memory_space<vmem_shared>>
        tpu.wait_indirect_dma semaphore(%run_scoped3A_809 : memref<!tpu.dma_semaphore, #tpu.memory_space<semaphore_mem>>) src(%arg7 : memref<128x128xbf16, #tpu.memory_space<vmem>>) dst(%dma_wait3A_821 : memref<10240x128xbf16, #tpu.memory_space<vmem_shared>>)
        tpu.yield
      }) : () -> ()
      %add3A_710 = arith.constant 0 : i32
      %add3A_711 = arith.addi %mul3A_700, %add3A_710 : i32
      %add3A_712 = arith.constant 3 : i32
      %add3A_713 = arith.addi %add3A_711, %add3A_712 : i32
      %lt3A = arith.constant 80 : i32
      %lt3A_714 = arith.cmpi slt, %add3A_713, %lt3A : i32
      %convert_element_type3A = arith.extui %lt3A_714 : i1 to i32
      %cond3A = arith.constant 0 : i32
      %cond3A_715 = arith.cmpi ne, %convert_element_type3A, %cond3A : i32
      scf.if %cond3A_715 {
        %dma_wait3A_809 = arith.constant 0 : i32
        %dma_wait3A_810 = arith.constant 3 : i32
        %dma_wait3A_811 = arith.constant 0 : i32
        %dma_wait3A_812 = tpu.memref_slice %arg5[%dma_wait3A_810, %dma_wait3A_811] : memref<4x128xi32, #tpu.memory_space<vmem>> -> memref<1x128xi32, #tpu.memory_space<vmem>>
        %dma_wait3A_813 = tpu.memref_squeeze %dma_wait3A_812 : memref<1x128xi32, #tpu.memory_space<vmem>> -> memref<128xi32, #tpu.memory_space<vmem>>
        %dma_wait3A_814 = arith.constant 0 : i32
        %dma_wait3A_815 = tpu.memref_slice %arg3[%dma_wait3A_809, %dma_wait3A_814] : memref<2560x128xi32, #tpu.memory_space<hbm>> -> memref<1x128xi32, #tpu.memory_space<hbm>>
        %dma_wait3A_816 = tpu.memref_squeeze %dma_wait3A_815 : memref<1x128xi32, #tpu.memory_space<hbm>> -> memref<128xi32, #tpu.memory_space<hbm>>
        %dma_wait3A_817 = arith.constant 0 : i32
        %dma_wait3A_818 = tpu.memref_slice %arg5[%dma_wait3A_810, %dma_wait3A_817] : memref<4x128xi32, #tpu.memory_space<vmem>> -> memref<1x128xi32, #tpu.memory_space<vmem>>
        %dma_wait3A_819 = tpu.memref_squeeze %dma_wait3A_818 : memref<1x128xi32, #tpu.memory_space<vmem>> -> memref<128xi32, #tpu.memory_space<vmem>>
        %dma_wait3A_820 = arith.constant 0 : i32
        %dma_wait3A_821 = tpu.memref_slice %arg3[%dma_wait3A_809, %dma_wait3A_820] : memref<2560x128xi32, #tpu.memory_space<hbm>> -> memref<1x128xi32, #tpu.memory_space<hbm>>
        %dma_wait3A_822 = tpu.memref_squeeze %dma_wait3A_821 : memref<1x128xi32, #tpu.memory_space<hbm>> -> memref<128xi32, #tpu.memory_space<hbm>>
        tpu.wait_dma2 semaphore(%arg20 : memref<!tpu.dma_semaphore, #tpu.memory_space<semaphore_mem>>) src(%dma_wait3A_822 : memref<128xi32, #tpu.memory_space<hbm>>) dst(%dma_wait3A_819 : memref<128xi32, #tpu.memory_space<vmem>>)
        %get3A_823 = arith.constant 3 : i32
        %get3A_824 = arith.index_cast %get3A_823 : i32 to index
        %get3A_825 = arith.constant 0 : index
        %get3A_826 = tpu.vector_load %arg5[%get3A_824, %get3A_825] {strides = array<i32>} : memref<4x128xi32, #tpu.memory_space<vmem>>, vector<16xi32>,
        %shift_right_arithmetic3A_827 = arith.constant 14 : i32
        %shift_right_arithmetic3A_828 = vector.broadcast %shift_right_arithmetic3A_827 : i32 to vector<16xi32>
        %shift_right_arithmetic3A_829 = arith.shrsi %get3A_826, %shift_right_arithmetic3A_828 : vector<16xi32>
        %swap3A_830 = arith.constant 3 : i32
        %swap3A_831 = arith.constant 0 : i32
        %swap3A_832 = arith.index_cast %swap3A_830 : i32 to index
        %swap3A_833 = arith.index_cast %swap3A_831 : i32 to index
        %swap3A_834 = arith.constant 0 : index
        %swap3A_835 = tpu.vector_load %arg6[%swap3A_832, %swap3A_833, %swap3A_834] {strides = array<i32>} : memref<4x2x128xi32, #tpu.memory_space<vmem>>, vector<16xi32>,
        tpu.vector_store %arg6[%swap3A_832, %swap3A_833, %swap3A_834], %shift_right_arithmetic3A_829 {strides = array<i32>} : memref<4x2x128xi32, #tpu.memory_space<vmem>>, vector<16xi32>,
        %and3A_836 = arith.constant 16383 : i32
        %and3A_837 = vector.broadcast %and3A_836 : i32 to vector<16xi32>
        %and3A_838 = arith.andi %get3A_826, %and3A_837 : vector<16xi32>
        %swap3A_839 = arith.constant 3 : i32
        %swap3A_840 = arith.constant 1 : i32
        %swap3A_841 = arith.index_cast %swap3A_839 : i32 to index
        %swap3A_842 = arith.index_cast %swap3A_840 : i32 to index
        %swap3A_843 = arith.constant 0 : index
        %swap3A_844 = tpu.vector_load %arg6[%swap3A_841, %swap3A_842, %swap3A_843] {strides = array<i32>} : memref<4x2x128xi32, #tpu.memory_space<vmem>>, vector<16xi32>,
        tpu.vector_store %arg6[%swap3A_841, %swap3A_842, %swap3A_843], %and3A_838 {strides = array<i32>} : memref<4x2x128xi32, #tpu.memory_space<vmem>>, vector<16xi32>,
        %get3A_845 = arith.constant 3 : i32
        %get3A_846 = arith.index_cast %get3A_845 : i32 to index
        %get3A_847 = arith.constant 16 : index
        %get3A_848 = tpu.vector_load %arg5[%get3A_846, %get3A_847] {strides = array<i32>} : memref<4x128xi32, #tpu.memory_space<vmem>>, vector<16xi32>,
        %shift_right_arithmetic3A_849 = arith.constant 14 : i32
        %shift_right_arithmetic3A_850 = vector.broadcast %shift_right_arithmetic3A_849 : i32 to vector<16xi32>
        %shift_right_arithmetic3A_851 = arith.shrsi %get3A_848, %shift_right_arithmetic3A_850 : vector<16xi32>
        %swap3A_852 = arith.constant 3 : i32
        %swap3A_853 = arith.constant 0 : i32
        %swap3A_854 = arith.index_cast %swap3A_852 : i32 to index
        %swap3A_855 = arith.index_cast %swap3A_853 : i32 to index
        %swap3A_856 = arith.constant 16 : index
        %swap3A_857 = tpu.vector_load %arg6[%swap3A_854, %swap3A_855, %swap3A_856] {strides = array<i32>} : memref<4x2x128xi32, #tpu.memory_space<vmem>>, vector<16xi32>,
        tpu.vector_store %arg6[%swap3A_854, %swap3A_855, %swap3A_856], %shift_right_arithmetic3A_851 {strides = array<i32>} : memref<4x2x128xi32, #tpu.memory_space<vmem>>, vector<16xi32>,
        %and3A_858 = arith.constant 16383 : i32
        %and3A_859 = vector.broadcast %and3A_858 : i32 to vector<16xi32>
        %and3A_860 = arith.andi %get3A_848, %and3A_859 : vector<16xi32>
        %swap3A_861 = arith.constant 3 : i32
        %swap3A_862 = arith.constant 1 : i32
        %swap3A_863 = arith.index_cast %swap3A_861 : i32 to index
        %swap3A_864 = arith.index_cast %swap3A_862 : i32 to index
        %swap3A_865 = arith.constant 16 : index
        %swap3A_866 = tpu.vector_load %arg6[%swap3A_863, %swap3A_864, %swap3A_865] {strides = array<i32>} : memref<4x2x128xi32, #tpu.memory_space<vmem>>, vector<16xi32>,
        tpu.vector_store %arg6[%swap3A_863, %swap3A_864, %swap3A_865], %and3A_860 {strides = array<i32>} : memref<4x2x128xi32, #tpu.memory_space<vmem>>, vector<16xi32>,
        %get3A_867 = arith.constant 3 : i32
        %get3A_868 = arith.index_cast %get3A_867 : i32 to index
        %get3A_869 = arith.constant 32 : index
        %get3A_870 = tpu.vector_load %arg5[%get3A_868, %get3A_869] {strides = array<i32>} : memref<4x128xi32, #tpu.memory_space<vmem>>, vector<16xi32>,
        %shift_right_arithmetic3A_871 = arith.constant 14 : i32
        %shift_right_arithmetic3A_872 = vector.broadcast %shift_right_arithmetic3A_871 : i32 to vector<16xi32>
        %shift_right_arithmetic3A_873 = arith.shrsi %get3A_870, %shift_right_arithmetic3A_872 : vector<16xi32>
        %swap3A_874 = arith.constant 3 : i32
        %swap3A_875 = arith.constant 0 : i32
        %swap3A_876 = arith.index_cast %swap3A_874 : i32 to index
        %swap3A_877 = arith.index_cast %swap3A_875 : i32 to index
        %swap3A_878 = arith.constant 32 : index
        %swap3A_879 = tpu.vector_load %arg6[%swap3A_876, %swap3A_877, %swap3A_878] {strides = array<i32>} : memref<4x2x128xi32, #tpu.memory_space<vmem>>, vector<16xi32>,
        tpu.vector_store %arg6[%swap3A_876, %swap3A_877, %swap3A_878], %shift_right_arithmetic3A_873 {strides = array<i32>} : memref<4x2x128xi32, #tpu.memory_space<vmem>>, vector<16xi32>,
        %and3A_880 = arith.constant 16383 : i32
        %and3A_881 = vector.broadcast %and3A_880 : i32 to vector<16xi32>
        %and3A_882 = arith.andi %get3A_870, %and3A_881 : vector<16xi32>
        %swap3A_883 = arith.constant 3 : i32
        %swap3A_884 = arith.constant 1 : i32
        %swap3A_885 = arith.index_cast %swap3A_883 : i32 to index
        %swap3A_886 = arith.index_cast %swap3A_884 : i32 to index
        %swap3A_887 = arith.constant 32 : index
        %swap3A_888 = tpu.vector_load %arg6[%swap3A_885, %swap3A_886, %swap3A_887] {strides = array<i32>} : memref<4x2x128xi32, #tpu.memory_space<vmem>>, vector<16xi32>,
        tpu.vector_store %arg6[%swap3A_885, %swap3A_886, %swap3A_887], %and3A_882 {strides = array<i32>} : memref<4x2x128xi32, #tpu.memory_space<vmem>>, vector<16xi32>,
        %get3A_889 = arith.constant 3 : i32
        %get3A_890 = arith.index_cast %get3A_889 : i32 to index
        %get3A_891 = arith.constant 48 : index
        %get3A_892 = tpu.vector_load %arg5[%get3A_890, %get3A_891] {strides = array<i32>} : memref<4x128xi32, #tpu.memory_space<vmem>>, vector<16xi32>,
        %shift_right_arithmetic3A_893 = arith.constant 14 : i32
        %shift_right_arithmetic3A_894 = vector.broadcast %shift_right_arithmetic3A_893 : i32 to vector<16xi32>
        %shift_right_arithmetic3A_895 = arith.shrsi %get3A_892, %shift_right_arithmetic3A_894 : vector<16xi32>
        %swap3A_896 = arith.constant 3 : i32
        %swap3A_897 = arith.constant 0 : i32
        %swap3A_898 = arith.index_cast %swap3A_896 : i32 to index
        %swap3A_899 = arith.index_cast %swap3A_897 : i32 to index
        %swap3A_900 = arith.constant 48 : index
        %swap3A_901 = tpu.vector_load %arg6[%swap3A_898, %swap3A_899, %swap3A_900] {strides = array<i32>} : memref<4x2x128xi32, #tpu.memory_space<vmem>>, vector<16xi32>,
        tpu.vector_store %arg6[%swap3A_898, %swap3A_899, %swap3A_900], %shift_right_arithmetic3A_895 {strides = array<i32>} : memref<4x2x128xi32, #tpu.memory_space<vmem>>, vector<16xi32>,
        %and3A_902 = arith.constant 16383 : i32
        %and3A_903 = vector.broadcast %and3A_902 : i32 to vector<16xi32>
        %and3A_904 = arith.andi %get3A_892, %and3A_903 : vector<16xi32>
        %swap3A_905 = arith.constant 3 : i32
        %swap3A_906 = arith.constant 1 : i32
        %swap3A_907 = arith.index_cast %swap3A_905 : i32 to index
        %swap3A_908 = arith.index_cast %swap3A_906 : i32 to index
        %swap3A_909 = arith.constant 48 : index
        %swap3A_910 = tpu.vector_load %arg6[%swap3A_907, %swap3A_908, %swap3A_909] {strides = array<i32>} : memref<4x2x128xi32, #tpu.memory_space<vmem>>, vector<16xi32>,
        tpu.vector_store %arg6[%swap3A_907, %swap3A_908, %swap3A_909], %and3A_904 {strides = array<i32>} : memref<4x2x128xi32, #tpu.memory_space<vmem>>, vector<16xi32>,
        %get3A_911 = arith.constant 3 : i32
        %get3A_912 = arith.index_cast %get3A_911 : i32 to index
        %get3A_913 = arith.constant 64 : index
        %get3A_914 = tpu.vector_load %arg5[%get3A_912, %get3A_913] {strides = array<i32>} : memref<4x128xi32, #tpu.memory_space<vmem>>, vector<16xi32>,
        %shift_right_arithmetic3A_915 = arith.constant 14 : i32
        %shift_right_arithmetic3A_916 = vector.broadcast %shift_right_arithmetic3A_915 : i32 to vector<16xi32>
        %shift_right_arithmetic3A_917 = arith.shrsi %get3A_914, %shift_right_arithmetic3A_916 : vector<16xi32>
        %swap3A_918 = arith.constant 3 : i32
        %swap3A_919 = arith.constant 0 : i32
        %swap3A_920 = arith.index_cast %swap3A_918 : i32 to index
        %swap3A_921 = arith.index_cast %swap3A_919 : i32 to index
        %swap3A_922 = arith.constant 64 : index
        %swap3A_923 = tpu.vector_load %arg6[%swap3A_920, %swap3A_921, %swap3A_922] {strides = array<i32>} : memref<4x2x128xi32, #tpu.memory_space<vmem>>, vector<16xi32>,
        tpu.vector_store %arg6[%swap3A_920, %swap3A_921, %swap3A_922], %shift_right_arithmetic3A_917 {strides = array<i32>} : memref<4x2x128xi32, #tpu.memory_space<vmem>>, vector<16xi32>,
        %and3A_924 = arith.constant 16383 : i32
        %and3A_925 = vector.broadcast %and3A_924 : i32 to vector<16xi32>
        %and3A_926 = arith.andi %get3A_914, %and3A_925 : vector<16xi32>
        %swap3A_927 = arith.constant 3 : i32
        %swap3A_928 = arith.constant 1 : i32
        %swap3A_929 = arith.index_cast %swap3A_927 : i32 to index
        %swap3A_930 = arith.index_cast %swap3A_928 : i32 to index
        %swap3A_931 = arith.constant 64 : index
        %swap3A_932 = tpu.vector_load %arg6[%swap3A_929, %swap3A_930, %swap3A_931] {strides = array<i32>} : memref<4x2x128xi32, #tpu.memory_space<vmem>>, vector<16xi32>,
        tpu.vector_store %arg6[%swap3A_929, %swap3A_930, %swap3A_931], %and3A_926 {strides = array<i32>} : memref<4x2x128xi32, #tpu.memory_space<vmem>>, vector<16xi32>,
        %get3A_933 = arith.constant 3 : i32
        %get3A_934 = arith.index_cast %get3A_933 : i32 to index
        %get3A_935 = arith.constant 80 : index
        %get3A_936 = tpu.vector_load %arg5[%get3A_934, %get3A_935] {strides = array<i32>} : memref<4x128xi32, #tpu.memory_space<vmem>>, vector<16xi32>,
        %shift_right_arithmetic3A_937 = arith.constant 14 : i32
        %shift_right_arithmetic3A_938 = vector.broadcast %shift_right_arithmetic3A_937 : i32 to vector<16xi32>
        %shift_right_arithmetic3A_939 = arith.shrsi %get3A_936, %shift_right_arithmetic3A_938 : vector<16xi32>
        %swap3A_940 = arith.constant 3 : i32
        %swap3A_941 = arith.constant 0 : i32
        %swap3A_942 = arith.index_cast %swap3A_940 : i32 to index
        %swap3A_943 = arith.index_cast %swap3A_941 : i32 to index
        %swap3A_944 = arith.constant 80 : index
        %swap3A_945 = tpu.vector_load %arg6[%swap3A_942, %swap3A_943, %swap3A_944] {strides = array<i32>} : memref<4x2x128xi32, #tpu.memory_space<vmem>>, vector<16xi32>,
        tpu.vector_store %arg6[%swap3A_942, %swap3A_943, %swap3A_944], %shift_right_arithmetic3A_939 {strides = array<i32>} : memref<4x2x128xi32, #tpu.memory_space<vmem>>, vector<16xi32>,
        %and3A_946 = arith.constant 16383 : i32
        %and3A_947 = vector.broadcast %and3A_946 : i32 to vector<16xi32>
        %and3A_948 = arith.andi %get3A_936, %and3A_947 : vector<16xi32>
        %swap3A_949 = arith.constant 3 : i32
        %swap3A_950 = arith.constant 1 : i32
        %swap3A_951 = arith.index_cast %swap3A_949 : i32 to index
        %swap3A_952 = arith.index_cast %swap3A_950 : i32 to index
        %swap3A_953 = arith.constant 80 : index
        %swap3A_954 = tpu.vector_load %arg6[%swap3A_951, %swap3A_952, %swap3A_953] {strides = array<i32>} : memref<4x2x128xi32, #tpu.memory_space<vmem>>, vector<16xi32>,
        tpu.vector_store %arg6[%swap3A_951, %swap3A_952, %swap3A_953], %and3A_948 {strides = array<i32>} : memref<4x2x128xi32, #tpu.memory_space<vmem>>, vector<16xi32>,
        %get3A_955 = arith.constant 3 : i32
        %get3A_956 = arith.index_cast %get3A_955 : i32 to index
        %get3A_957 = arith.constant 96 : index
        %get3A_958 = tpu.vector_load %arg5[%get3A_956, %get3A_957] {strides = array<i32>} : memref<4x128xi32, #tpu.memory_space<vmem>>, vector<16xi32>,
        %shift_right_arithmetic3A_959 = arith.constant 14 : i32
        %shift_right_arithmetic3A_960 = vector.broadcast %shift_right_arithmetic3A_959 : i32 to vector<16xi32>
        %shift_right_arithmetic3A_961 = arith.shrsi %get3A_958, %shift_right_arithmetic3A_960 : vector<16xi32>
        %swap3A_962 = arith.constant 3 : i32
        %swap3A_963 = arith.constant 0 : i32
        %swap3A_964 = arith.index_cast %swap3A_962 : i32 to index
        %swap3A_965 = arith.index_cast %swap3A_963 : i32 to index
        %swap3A_966 = arith.constant 96 : index
        %swap3A_967 = tpu.vector_load %arg6[%swap3A_964, %swap3A_965, %swap3A_966] {strides = array<i32>} : memref<4x2x128xi32, #tpu.memory_space<vmem>>, vector<16xi32>,
        tpu.vector_store %arg6[%swap3A_964, %swap3A_965, %swap3A_966], %shift_right_arithmetic3A_961 {strides = array<i32>} : memref<4x2x128xi32, #tpu.memory_space<vmem>>, vector<16xi32>,
        %and3A_968 = arith.constant 16383 : i32
        %and3A_969 = vector.broadcast %and3A_968 : i32 to vector<16xi32>
        %and3A_970 = arith.andi %get3A_958, %and3A_969 : vector<16xi32>
        %swap3A_971 = arith.constant 3 : i32
        %swap3A_972 = arith.constant 1 : i32
        %swap3A_973 = arith.index_cast %swap3A_971 : i32 to index
        %swap3A_974 = arith.index_cast %swap3A_972 : i32 to index
        %swap3A_975 = arith.constant 96 : index
        %swap3A_976 = tpu.vector_load %arg6[%swap3A_973, %swap3A_974, %swap3A_975] {strides = array<i32>} : memref<4x2x128xi32, #tpu.memory_space<vmem>>, vector<16xi32>,
        tpu.vector_store %arg6[%swap3A_973, %swap3A_974, %swap3A_975], %and3A_970 {strides = array<i32>} : memref<4x2x128xi32, #tpu.memory_space<vmem>>, vector<16xi32>,
        %get3A_977 = arith.constant 3 : i32
        %get3A_978 = arith.index_cast %get3A_977 : i32 to index
        %get3A_979 = arith.constant 112 : index
        %get3A_980 = tpu.vector_load %arg5[%get3A_978, %get3A_979] {strides = array<i32>} : memref<4x128xi32, #tpu.memory_space<vmem>>, vector<16xi32>,
        %shift_right_arithmetic3A_981 = arith.constant 14 : i32
        %shift_right_arithmetic3A_982 = vector.broadcast %shift_right_arithmetic3A_981 : i32 to vector<16xi32>
        %shift_right_arithmetic3A_983 = arith.shrsi %get3A_980, %shift_right_arithmetic3A_982 : vector<16xi32>
        %swap3A_984 = arith.constant 3 : i32
        %swap3A_985 = arith.constant 0 : i32
        %swap3A_986 = arith.index_cast %swap3A_984 : i32 to index
        %swap3A_987 = arith.index_cast %swap3A_985 : i32 to index
        %swap3A_988 = arith.constant 112 : index
        %swap3A_989 = tpu.vector_load %arg6[%swap3A_986, %swap3A_987, %swap3A_988] {strides = array<i32>} : memref<4x2x128xi32, #tpu.memory_space<vmem>>, vector<16xi32>,
        tpu.vector_store %arg6[%swap3A_986, %swap3A_987, %swap3A_988], %shift_right_arithmetic3A_983 {strides = array<i32>} : memref<4x2x128xi32, #tpu.memory_space<vmem>>, vector<16xi32>,
        %and3A_990 = arith.constant 16383 : i32
        %and3A_991 = vector.broadcast %and3A_990 : i32 to vector<16xi32>
        %and3A_992 = arith.andi %get3A_980, %and3A_991 : vector<16xi32>
        %swap3A_993 = arith.constant 3 : i32
        %swap3A_994 = arith.constant 1 : i32
        %swap3A_995 = arith.index_cast %swap3A_993 : i32 to index
        %swap3A_996 = arith.index_cast %swap3A_994 : i32 to index
        %swap3A_997 = arith.constant 112 : index
        %swap3A_998 = tpu.vector_load %arg6[%swap3A_995, %swap3A_996, %swap3A_997] {strides = array<i32>} : memref<4x2x128xi32, #tpu.memory_space<vmem>>, vector<16xi32>,
        tpu.vector_store %arg6[%swap3A_995, %swap3A_996, %swap3A_997], %and3A_992 {strides = array<i32>} : memref<4x2x128xi32, #tpu.memory_space<vmem>>, vector<16xi32>,
        %dma_start3A_999 = arith.constant 3 : i32
        %dma_start3A_1000 = arith.constant 0 : i32
        %dma_start3A_1001 = arith.constant 0 : i32
        %dma_start3A_1002 = tpu.memref_slice %arg6[%dma_start3A_999, %dma_start3A_1000, %dma_start3A_1001] : memref<4x2x128xi32, #tpu.memory_space<vmem>> -> memref<1x1x128xi32, #tpu.memory_space<vmem>>
        %dma_start3A_1003 = tpu.memref_squeeze %dma_start3A_1002 : memref<1x1x128xi32, #tpu.memory_space<vmem>> -> memref<128xi32, #tpu.memory_space<vmem>>
        %dma_start3A_1004 = arith.constant 0 : i32
        %dma_start3A_1005 = arith.constant 0 : i32
        %dma_start3A_1006 = tpu.memref_slice %arg2[%dma_start3A_1004, %dma_start3A_1005] : memref<10240x128xbf16, #tpu.memory_space<hbm>> -> memref<10240x128xbf16, #tpu.memory_space<hbm>>
        tpu.enqueue_indirect_dma source(%dma_start3A_1006 : memref<10240x128xbf16, #tpu.memory_space<hbm>>) target(%arg10 : memref<128x128xbf16, #tpu.memory_space<vmem>>) offsets(%dma_start3A_1003 : memref<128xi32, #tpu.memory_space<vmem>>) semaphore(%arg16 : memref<!tpu.dma_semaphore, #tpu.memory_space<semaphore_mem>>)
      } else {
      }
      %add3A_716 = arith.constant 0 : i32
      %add3A_717 = arith.addi %mul3A_700, %add3A_716 : i32
      %add3A_718 = arith.constant 5 : i32
      %add3A_719 = arith.addi %add3A_717, %add3A_718 : i32
      %lt3A_720 = arith.constant 80 : i32
      %lt3A_721 = arith.cmpi slt, %add3A_719, %lt3A_720 : i32
      %convert_element_type3A_722 = arith.extui %lt3A_721 : i1 to i32
      %cond3A_723 = arith.constant 0 : i32
      %cond3A_724 = arith.cmpi ne, %convert_element_type3A_722, %cond3A_723 : i32
      scf.if %cond3A_724 {
        %mul3A_809 = arith.constant 80 : i32
        %mul3A_810 = arith.muli %add3A, %mul3A_809 : i32
        %add3A_811 = arith.addi %mul3A_810, %add3A_719 : i32
        %dma_start3A_812 = arith.constant 1 : i32
        %dma_start3A_813 = arith.constant 0 : i32
        %dma_start3A_814 = tpu.memref_slice %arg5[%dma_start3A_812, %dma_start3A_813] : memref<4x128xi32, #tpu.memory_space<vmem>> -> memref<1x128xi32, #tpu.memory_space<vmem>>
        %dma_start3A_815 = tpu.memref_squeeze %dma_start3A_814 : memref<1x128xi32, #tpu.memory_space<vmem>> -> memref<128xi32, #tpu.memory_space<vmem>>
        %dma_start3A_816 = arith.constant 0 : i32
        %dma_start3A_817 = tpu.memref_slice %arg3[%add3A_811, %dma_start3A_816] : memref<2560x128xi32, #tpu.memory_space<hbm>> -> memref<1x128xi32, #tpu.memory_space<hbm>>
        %dma_start3A_818 = tpu.memref_squeeze %dma_start3A_817 : memref<1x128xi32, #tpu.memory_space<hbm>> -> memref<128xi32, #tpu.memory_space<hbm>>
        %dma_start3A_819 = arith.constant 0 : i32
        %dma_start3A_820 = tpu.memref_slice %arg5[%dma_start3A_812, %dma_start3A_819] : memref<4x128xi32, #tpu.memory_space<vmem>> -> memref<1x128xi32, #tpu.memory_space<vmem>>
        %dma_start3A_821 = tpu.memref_squeeze %dma_start3A_820 : memref<1x128xi32, #tpu.memory_space<vmem>> -> memref<128xi32, #tpu.memory_space<vmem>>
        %dma_start3A_822 = arith.constant 0 : i32
        %dma_start3A_823 = tpu.memref_slice %arg3[%add3A_811, %dma_start3A_822] : memref<2560x128xi32, #tpu.memory_space<hbm>> -> memref<1x128xi32, #tpu.memory_space<hbm>>
        %dma_start3A_824 = tpu.memref_squeeze %dma_start3A_823 : memref<1x128xi32, #tpu.memory_space<hbm>> -> memref<128xi32, #tpu.memory_space<hbm>>
        tpu.enqueue_dma source(%dma_start3A_824 : memref<128xi32, #tpu.memory_space<hbm>>) target(%dma_start3A_821 : memref<128xi32, #tpu.memory_space<vmem>>) target_semaphore(%arg18 : memref<!tpu.dma_semaphore, #tpu.memory_space<semaphore_mem>>)
      } else {
      }
      %dma_wait3A_725 = arith.constant 1 : i32
      %dma_wait3A_726 = arith.constant 0 : i32
      %dma_wait3A_727 = arith.constant 0 : i32
      %dma_wait3A_728 = tpu.memref_slice %arg6[%dma_wait3A_725, %dma_wait3A_726, %dma_wait3A_727] : memref<4x2x128xi32, #tpu.memory_space<vmem>> -> memref<1x1x128xi32, #tpu.memory_space<vmem>>
      %dma_wait3A_729 = tpu.memref_squeeze %dma_wait3A_728 : memref<1x1x128xi32, #tpu.memory_space<vmem>> -> memref<128xi32, #tpu.memory_space<vmem>>
      %dma_wait3A_730 = arith.constant 0 : i32
      %dma_wait3A_731 = arith.constant 0 : i32
      %dma_wait3A_732 = tpu.memref_slice %arg2[%dma_wait3A_730, %dma_wait3A_731] : memref<10240x128xbf16, #tpu.memory_space<hbm>> -> memref<10240x128xbf16, #tpu.memory_space<hbm>>
      tpu.wait_indirect_dma semaphore(%arg14 : memref<!tpu.dma_semaphore, #tpu.memory_space<semaphore_mem>>) src(%dma_wait3A_732 : memref<10240x128xbf16, #tpu.memory_space<hbm>>) dst(%arg8 : memref<128x128xbf16, #tpu.memory_space<vmem>>)
      %run_scoped3A_733 = arith.constant 1 : i32
      %run_scoped3A_734 = arith.constant 1 : i32
      "tpu.region"() ({
        %run_scoped3A_809 = tpu.sem_alloc : memref<!tpu.dma_semaphore, #tpu.memory_space<semaphore_mem>>
        %dma_start3A_810 = arith.constant 0 : i32
        %dma_start3A_811 = tpu.memref_slice %arg6[%run_scoped3A_733, %run_scoped3A_734, %dma_start3A_810] : memref<4x2x128xi32, #tpu.memory_space<vmem>> -> memref<1x1x128xi32, #tpu.memory_space<vmem>>
        %dma_start3A_812 = tpu.memref_squeeze %dma_start3A_811 : memref<1x1x128xi32, #tpu.memory_space<vmem>> -> memref<128xi32, #tpu.memory_space<vmem>>
        %dma_start3A_813 = arith.constant 0 : i32
        %dma_start3A_814 = arith.constant 0 : i32
        %dma_start3A_815 = tpu.memref_slice %arg12[%dma_start3A_813, %dma_start3A_814] : memref<10240x128xbf16, #tpu.memory_space<vmem_shared>> -> memref<10240x128xbf16, #tpu.memory_space<vmem_shared>>
        tpu.enqueue_indirect_dma source(%arg8 : memref<128x128xbf16, #tpu.memory_space<vmem>>) target(%dma_start3A_815 : memref<10240x128xbf16, #tpu.memory_space<vmem_shared>>) offsets(%dma_start3A_812 : memref<128xi32, #tpu.memory_space<vmem>>) semaphore(%run_scoped3A_809 : memref<!tpu.dma_semaphore, #tpu.memory_space<semaphore_mem>>) {add = true}
        %dma_wait3A_816 = arith.constant 0 : i32
        %dma_wait3A_817 = tpu.memref_slice %arg6[%run_scoped3A_733, %run_scoped3A_734, %dma_wait3A_816] : memref<4x2x128xi32, #tpu.memory_space<vmem>> -> memref<1x1x128xi32, #tpu.memory_space<vmem>>
        %dma_wait3A_818 = tpu.memref_squeeze %dma_wait3A_817 : memref<1x1x128xi32, #tpu.memory_space<vmem>> -> memref<128xi32, #tpu.memory_space<vmem>>
        %dma_wait3A_819 = arith.constant 0 : i32
        %dma_wait3A_820 = arith.constant 0 : i32
        %dma_wait3A_821 = tpu.memref_slice %arg12[%dma_wait3A_819, %dma_wait3A_820] : memref<10240x128xbf16, #tpu.memory_space<vmem_shared>> -> memref<10240x128xbf16, #tpu.memory_space<vmem_shared>>
        tpu.wait_indirect_dma semaphore(%run_scoped3A_809 : memref<!tpu.dma_semaphore, #tpu.memory_space<semaphore_mem>>) src(%arg8 : memref<128x128xbf16, #tpu.memory_space<vmem>>) dst(%dma_wait3A_821 : memref<10240x128xbf16, #tpu.memory_space<vmem_shared>>)
        tpu.yield
      }) : () -> ()
      %add3A_735 = arith.constant 1 : i32
      %add3A_736 = arith.addi %mul3A_700, %add3A_735 : i32
      %add3A_737 = arith.constant 3 : i32
      %add3A_738 = arith.addi %add3A_736, %add3A_737 : i32
      %lt3A_739 = arith.constant 80 : i32
      %lt3A_740 = arith.cmpi slt, %add3A_738, %lt3A_739 : i32
      %convert_element_type3A_741 = arith.extui %lt3A_740 : i1 to i32
      %cond3A_742 = arith.constant 0 : i32
      %cond3A_743 = arith.cmpi ne, %convert_element_type3A_741, %cond3A_742 : i32
      scf.if %cond3A_743 {
        %dma_wait3A_809 = arith.constant 0 : i32
        %dma_wait3A_810 = arith.constant 0 : i32
        %dma_wait3A_811 = arith.constant 0 : i32
        %dma_wait3A_812 = tpu.memref_slice %arg5[%dma_wait3A_810, %dma_wait3A_811] : memref<4x128xi32, #tpu.memory_space<vmem>> -> memref<1x128xi32, #tpu.memory_space<vmem>>
        %dma_wait3A_813 = tpu.memref_squeeze %dma_wait3A_812 : memref<1x128xi32, #tpu.memory_space<vmem>> -> memref<128xi32, #tpu.memory_space<vmem>>
        %dma_wait3A_814 = arith.constant 0 : i32
        %dma_wait3A_815 = tpu.memref_slice %arg3[%dma_wait3A_809, %dma_wait3A_814] : memref<2560x128xi32, #tpu.memory_space<hbm>> -> memref<1x128xi32, #tpu.memory_space<hbm>>
        %dma_wait3A_816 = tpu.memref_squeeze %dma_wait3A_815 : memref<1x128xi32, #tpu.memory_space<hbm>> -> memref<128xi32, #tpu.memory_space<hbm>>
        %dma_wait3A_817 = arith.constant 0 : i32
        %dma_wait3A_818 = tpu.memref_slice %arg5[%dma_wait3A_810, %dma_wait3A_817] : memref<4x128xi32, #tpu.memory_space<vmem>> -> memref<1x128xi32, #tpu.memory_space<vmem>>
        %dma_wait3A_819 = tpu.memref_squeeze %dma_wait3A_818 : memref<1x128xi32, #tpu.memory_space<vmem>> -> memref<128xi32, #tpu.memory_space<vmem>>
        %dma_wait3A_820 = arith.constant 0 : i32
        %dma_wait3A_821 = tpu.memref_slice %arg3[%dma_wait3A_809, %dma_wait3A_820] : memref<2560x128xi32, #tpu.memory_space<hbm>> -> memref<1x128xi32, #tpu.memory_space<hbm>>
        %dma_wait3A_822 = tpu.memref_squeeze %dma_wait3A_821 : memref<1x128xi32, #tpu.memory_space<hbm>> -> memref<128xi32, #tpu.memory_space<hbm>>
        tpu.wait_dma2 semaphore(%arg17 : memref<!tpu.dma_semaphore, #tpu.memory_space<semaphore_mem>>) src(%dma_wait3A_822 : memref<128xi32, #tpu.memory_space<hbm>>) dst(%dma_wait3A_819 : memref<128xi32, #tpu.memory_space<vmem>>)
        %get3A_823 = arith.constant 0 : i32
        %get3A_824 = arith.index_cast %get3A_823 : i32 to index
        %get3A_825 = arith.constant 0 : index
        %get3A_826 = tpu.vector_load %arg5[%get3A_824, %get3A_825] {strides = array<i32>} : memref<4x128xi32, #tpu.memory_space<vmem>>, vector<16xi32>,
        %shift_right_arithmetic3A_827 = arith.constant 14 : i32
        %shift_right_arithmetic3A_828 = vector.broadcast %shift_right_arithmetic3A_827 : i32 to vector<16xi32>
        %shift_right_arithmetic3A_829 = arith.shrsi %get3A_826, %shift_right_arithmetic3A_828 : vector<16xi32>
        %swap3A_830 = arith.constant 0 : i32
        %swap3A_831 = arith.constant 0 : i32
        %swap3A_832 = arith.index_cast %swap3A_830 : i32 to index
        %swap3A_833 = arith.index_cast %swap3A_831 : i32 to index
        %swap3A_834 = arith.constant 0 : index
        %swap3A_835 = tpu.vector_load %arg6[%swap3A_832, %swap3A_833, %swap3A_834] {strides = array<i32>} : memref<4x2x128xi32, #tpu.memory_space<vmem>>, vector<16xi32>,
        tpu.vector_store %arg6[%swap3A_832, %swap3A_833, %swap3A_834], %shift_right_arithmetic3A_829 {strides = array<i32>} : memref<4x2x128xi32, #tpu.memory_space<vmem>>, vector<16xi32>,
        %and3A_836 = arith.constant 16383 : i32
        %and3A_837 = vector.broadcast %and3A_836 : i32 to vector<16xi32>
        %and3A_838 = arith.andi %get3A_826, %and3A_837 : vector<16xi32>
        %swap3A_839 = arith.constant 0 : i32
        %swap3A_840 = arith.constant 1 : i32
        %swap3A_841 = arith.index_cast %swap3A_839 : i32 to index
        %swap3A_842 = arith.index_cast %swap3A_840 : i32 to index
        %swap3A_843 = arith.constant 0 : index
        %swap3A_844 = tpu.vector_load %arg6[%swap3A_841, %swap3A_842, %swap3A_843] {strides = array<i32>} : memref<4x2x128xi32, #tpu.memory_space<vmem>>, vector<16xi32>,
        tpu.vector_store %arg6[%swap3A_841, %swap3A_842, %swap3A_843], %and3A_838 {strides = array<i32>} : memref<4x2x128xi32, #tpu.memory_space<vmem>>, vector<16xi32>,
        %get3A_845 = arith.constant 0 : i32
        %get3A_846 = arith.index_cast %get3A_845 : i32 to index
        %get3A_847 = arith.constant 16 : index
        %get3A_848 = tpu.vector_load %arg5[%get3A_846, %get3A_847] {strides = array<i32>} : memref<4x128xi32, #tpu.memory_space<vmem>>, vector<16xi32>,
        %shift_right_arithmetic3A_849 = arith.constant 14 : i32
        %shift_right_arithmetic3A_850 = vector.broadcast %shift_right_arithmetic3A_849 : i32 to vector<16xi32>
        %shift_right_arithmetic3A_851 = arith.shrsi %get3A_848, %shift_right_arithmetic3A_850 : vector<16xi32>
        %swap3A_852 = arith.constant 0 : i32
        %swap3A_853 = arith.constant 0 : i32
        %swap3A_854 = arith.index_cast %swap3A_852 : i32 to index
        %swap3A_855 = arith.index_cast %swap3A_853 : i32 to index
        %swap3A_856 = arith.constant 16 : index
        %swap3A_857 = tpu.vector_load %arg6[%swap3A_854, %swap3A_855, %swap3A_856] {strides = array<i32>} : memref<4x2x128xi32, #tpu.memory_space<vmem>>, vector<16xi32>,
        tpu.vector_store %arg6[%swap3A_854, %swap3A_855, %swap3A_856], %shift_right_arithmetic3A_851 {strides = array<i32>} : memref<4x2x128xi32, #tpu.memory_space<vmem>>, vector<16xi32>,
        %and3A_858 = arith.constant 16383 : i32
        %and3A_859 = vector.broadcast %and3A_858 : i32 to vector<16xi32>
        %and3A_860 = arith.andi %get3A_848, %and3A_859 : vector<16xi32>
        %swap3A_861 = arith.constant 0 : i32
        %swap3A_862 = arith.constant 1 : i32
        %swap3A_863 = arith.index_cast %swap3A_861 : i32 to index
        %swap3A_864 = arith.index_cast %swap3A_862 : i32 to index
        %swap3A_865 = arith.constant 16 : index
        %swap3A_866 = tpu.vector_load %arg6[%swap3A_863, %swap3A_864, %swap3A_865] {strides = array<i32>} : memref<4x2x128xi32, #tpu.memory_space<vmem>>, vector<16xi32>,
        tpu.vector_store %arg6[%swap3A_863, %swap3A_864, %swap3A_865], %and3A_860 {strides = array<i32>} : memref<4x2x128xi32, #tpu.memory_space<vmem>>, vector<16xi32>,
        %get3A_867 = arith.constant 0 : i32
        %get3A_868 = arith.index_cast %get3A_867 : i32 to index
        %get3A_869 = arith.constant 32 : index
        %get3A_870 = tpu.vector_load %arg5[%get3A_868, %get3A_869] {strides = array<i32>} : memref<4x128xi32, #tpu.memory_space<vmem>>, vector<16xi32>,
        %shift_right_arithmetic3A_871 = arith.constant 14 : i32
        %shift_right_arithmetic3A_872 = vector.broadcast %shift_right_arithmetic3A_871 : i32 to vector<16xi32>
        %shift_right_arithmetic3A_873 = arith.shrsi %get3A_870, %shift_right_arithmetic3A_872 : vector<16xi32>
        %swap3A_874 = arith.constant 0 : i32
        %swap3A_875 = arith.constant 0 : i32
        %swap3A_876 = arith.index_cast %swap3A_874 : i32 to index
        %swap3A_877 = arith.index_cast %swap3A_875 : i32 to index
        %swap3A_878 = arith.constant 32 : index
        %swap3A_879 = tpu.vector_load %arg6[%swap3A_876, %swap3A_877, %swap3A_878] {strides = array<i32>} : memref<4x2x128xi32, #tpu.memory_space<vmem>>, vector<16xi32>,
        tpu.vector_store %arg6[%swap3A_876, %swap3A_877, %swap3A_878], %shift_right_arithmetic3A_873 {strides = array<i32>} : memref<4x2x128xi32, #tpu.memory_space<vmem>>, vector<16xi32>,
        %and3A_880 = arith.constant 16383 : i32
        %and3A_881 = vector.broadcast %and3A_880 : i32 to vector<16xi32>
        %and3A_882 = arith.andi %get3A_870, %and3A_881 : vector<16xi32>
        %swap3A_883 = arith.constant 0 : i32
        %swap3A_884 = arith.constant 1 : i32
        %swap3A_885 = arith.index_cast %swap3A_883 : i32 to index
        %swap3A_886 = arith.index_cast %swap3A_884 : i32 to index
        %swap3A_887 = arith.constant 32 : index
        %swap3A_888 = tpu.vector_load %arg6[%swap3A_885, %swap3A_886, %swap3A_887] {strides = array<i32>} : memref<4x2x128xi32, #tpu.memory_space<vmem>>, vector<16xi32>,
        tpu.vector_store %arg6[%swap3A_885, %swap3A_886, %swap3A_887], %and3A_882 {strides = array<i32>} : memref<4x2x128xi32, #tpu.memory_space<vmem>>, vector<16xi32>,
        %get3A_889 = arith.constant 0 : i32
        %get3A_890 = arith.index_cast %get3A_889 : i32 to index
        %get3A_891 = arith.constant 48 : index
        %get3A_892 = tpu.vector_load %arg5[%get3A_890, %get3A_891] {strides = array<i32>} : memref<4x128xi32, #tpu.memory_space<vmem>>, vector<16xi32>,
        %shift_right_arithmetic3A_893 = arith.constant 14 : i32
        %shift_right_arithmetic3A_894 = vector.broadcast %shift_right_arithmetic3A_893 : i32 to vector<16xi32>
        %shift_right_arithmetic3A_895 = arith.shrsi %get3A_892, %shift_right_arithmetic3A_894 : vector<16xi32>
        %swap3A_896 = arith.constant 0 : i32
        %swap3A_897 = arith.constant 0 : i32
        %swap3A_898 = arith.index_cast %swap3A_896 : i32 to index
        %swap3A_899 = arith.index_cast %swap3A_897 : i32 to index
        %swap3A_900 = arith.constant 48 : index
        %swap3A_901 = tpu.vector_load %arg6[%swap3A_898, %swap3A_899, %swap3A_900] {strides = array<i32>} : memref<4x2x128xi32, #tpu.memory_space<vmem>>, vector<16xi32>,
        tpu.vector_store %arg6[%swap3A_898, %swap3A_899, %swap3A_900], %shift_right_arithmetic3A_895 {strides = array<i32>} : memref<4x2x128xi32, #tpu.memory_space<vmem>>, vector<16xi32>,
        %and3A_902 = arith.constant 16383 : i32
        %and3A_903 = vector.broadcast %and3A_902 : i32 to vector<16xi32>
        %and3A_904 = arith.andi %get3A_892, %and3A_903 : vector<16xi32>
        %swap3A_905 = arith.constant 0 : i32
        %swap3A_906 = arith.constant 1 : i32
        %swap3A_907 = arith.index_cast %swap3A_905 : i32 to index
        %swap3A_908 = arith.index_cast %swap3A_906 : i32 to index
        %swap3A_909 = arith.constant 48 : index
        %swap3A_910 = tpu.vector_load %arg6[%swap3A_907, %swap3A_908, %swap3A_909] {strides = array<i32>} : memref<4x2x128xi32, #tpu.memory_space<vmem>>, vector<16xi32>,
        tpu.vector_store %arg6[%swap3A_907, %swap3A_908, %swap3A_909], %and3A_904 {strides = array<i32>} : memref<4x2x128xi32, #tpu.memory_space<vmem>>, vector<16xi32>,
        %get3A_911 = arith.constant 0 : i32
        %get3A_912 = arith.index_cast %get3A_911 : i32 to index
        %get3A_913 = arith.constant 64 : index
        %get3A_914 = tpu.vector_load %arg5[%get3A_912, %get3A_913] {strides = array<i32>} : memref<4x128xi32, #tpu.memory_space<vmem>>, vector<16xi32>,
        %shift_right_arithmetic3A_915 = arith.constant 14 : i32
        %shift_right_arithmetic3A_916 = vector.broadcast %shift_right_arithmetic3A_915 : i32 to vector<16xi32>
        %shift_right_arithmetic3A_917 = arith.shrsi %get3A_914, %shift_right_arithmetic3A_916 : vector<16xi32>
        %swap3A_918 = arith.constant 0 : i32
        %swap3A_919 = arith.constant 0 : i32
        %swap3A_920 = arith.index_cast %swap3A_918 : i32 to index
        %swap3A_921 = arith.index_cast %swap3A_919 : i32 to index
        %swap3A_922 = arith.constant 64 : index
        %swap3A_923 = tpu.vector_load %arg6[%swap3A_920, %swap3A_921, %swap3A_922] {strides = array<i32>} : memref<4x2x128xi32, #tpu.memory_space<vmem>>, vector<16xi32>,
        tpu.vector_store %arg6[%swap3A_920, %swap3A_921, %swap3A_922], %shift_right_arithmetic3A_917 {strides = array<i32>} : memref<4x2x128xi32, #tpu.memory_space<vmem>>, vector<16xi32>,
        %and3A_924 = arith.constant 16383 : i32
        %and3A_925 = vector.broadcast %and3A_924 : i32 to vector<16xi32>
        %and3A_926 = arith.andi %get3A_914, %and3A_925 : vector<16xi32>
        %swap3A_927 = arith.constant 0 : i32
        %swap3A_928 = arith.constant 1 : i32
        %swap3A_929 = arith.index_cast %swap3A_927 : i32 to index
        %swap3A_930 = arith.index_cast %swap3A_928 : i32 to index
        %swap3A_931 = arith.constant 64 : index
        %swap3A_932 = tpu.vector_load %arg6[%swap3A_929, %swap3A_930, %swap3A_931] {strides = array<i32>} : memref<4x2x128xi32, #tpu.memory_space<vmem>>, vector<16xi32>,
        tpu.vector_store %arg6[%swap3A_929, %swap3A_930, %swap3A_931], %and3A_926 {strides = array<i32>} : memref<4x2x128xi32, #tpu.memory_space<vmem>>, vector<16xi32>,
        %get3A_933 = arith.constant 0 : i32
        %get3A_934 = arith.index_cast %get3A_933 : i32 to index
        %get3A_935 = arith.constant 80 : index
        %get3A_936 = tpu.vector_load %arg5[%get3A_934, %get3A_935] {strides = array<i32>} : memref<4x128xi32, #tpu.memory_space<vmem>>, vector<16xi32>,
        %shift_right_arithmetic3A_937 = arith.constant 14 : i32
        %shift_right_arithmetic3A_938 = vector.broadcast %shift_right_arithmetic3A_937 : i32 to vector<16xi32>
        %shift_right_arithmetic3A_939 = arith.shrsi %get3A_936, %shift_right_arithmetic3A_938 : vector<16xi32>
        %swap3A_940 = arith.constant 0 : i32
        %swap3A_941 = arith.constant 0 : i32
        %swap3A_942 = arith.index_cast %swap3A_940 : i32 to index
        %swap3A_943 = arith.index_cast %swap3A_941 : i32 to index
        %swap3A_944 = arith.constant 80 : index
        %swap3A_945 = tpu.vector_load %arg6[%swap3A_942, %swap3A_943, %swap3A_944] {strides = array<i32>} : memref<4x2x128xi32, #tpu.memory_space<vmem>>, vector<16xi32>,
        tpu.vector_store %arg6[%swap3A_942, %swap3A_943, %swap3A_944], %shift_right_arithmetic3A_939 {strides = array<i32>} : memref<4x2x128xi32, #tpu.memory_space<vmem>>, vector<16xi32>,
        %and3A_946 = arith.constant 16383 : i32
        %and3A_947 = vector.broadcast %and3A_946 : i32 to vector<16xi32>
        %and3A_948 = arith.andi %get3A_936, %and3A_947 : vector<16xi32>
        %swap3A_949 = arith.constant 0 : i32
        %swap3A_950 = arith.constant 1 : i32
        %swap3A_951 = arith.index_cast %swap3A_949 : i32 to index
        %swap3A_952 = arith.index_cast %swap3A_950 : i32 to index
        %swap3A_953 = arith.constant 80 : index
        %swap3A_954 = tpu.vector_load %arg6[%swap3A_951, %swap3A_952, %swap3A_953] {strides = array<i32>} : memref<4x2x128xi32, #tpu.memory_space<vmem>>, vector<16xi32>,
        tpu.vector_store %arg6[%swap3A_951, %swap3A_952, %swap3A_953], %and3A_948 {strides = array<i32>} : memref<4x2x128xi32, #tpu.memory_space<vmem>>, vector<16xi32>,
        %get3A_955 = arith.constant 0 : i32
        %get3A_956 = arith.index_cast %get3A_955 : i32 to index
        %get3A_957 = arith.constant 96 : index
        %get3A_958 = tpu.vector_load %arg5[%get3A_956, %get3A_957] {strides = array<i32>} : memref<4x128xi32, #tpu.memory_space<vmem>>, vector<16xi32>,
        %shift_right_arithmetic3A_959 = arith.constant 14 : i32
        %shift_right_arithmetic3A_960 = vector.broadcast %shift_right_arithmetic3A_959 : i32 to vector<16xi32>
        %shift_right_arithmetic3A_961 = arith.shrsi %get3A_958, %shift_right_arithmetic3A_960 : vector<16xi32>
        %swap3A_962 = arith.constant 0 : i32
        %swap3A_963 = arith.constant 0 : i32
        %swap3A_964 = arith.index_cast %swap3A_962 : i32 to index
        %swap3A_965 = arith.index_cast %swap3A_963 : i32 to index
        %swap3A_966 = arith.constant 96 : index
        %swap3A_967 = tpu.vector_load %arg6[%swap3A_964, %swap3A_965, %swap3A_966] {strides = array<i32>} : memref<4x2x128xi32, #tpu.memory_space<vmem>>, vector<16xi32>,
        tpu.vector_store %arg6[%swap3A_964, %swap3A_965, %swap3A_966], %shift_right_arithmetic3A_961 {strides = array<i32>} : memref<4x2x128xi32, #tpu.memory_space<vmem>>, vector<16xi32>,
        %and3A_968 = arith.constant 16383 : i32
        %and3A_969 = vector.broadcast %and3A_968 : i32 to vector<16xi32>
        %and3A_970 = arith.andi %get3A_958, %and3A_969 : vector<16xi32>
        %swap3A_971 = arith.constant 0 : i32
        %swap3A_972 = arith.constant 1 : i32
        %swap3A_973 = arith.index_cast %swap3A_971 : i32 to index
        %swap3A_974 = arith.index_cast %swap3A_972 : i32 to index
        %swap3A_975 = arith.constant 96 : index
        %swap3A_976 = tpu.vector_load %arg6[%swap3A_973, %swap3A_974, %swap3A_975] {strides = array<i32>} : memref<4x2x128xi32, #tpu.memory_space<vmem>>, vector<16xi32>,
        tpu.vector_store %arg6[%swap3A_973, %swap3A_974, %swap3A_975], %and3A_970 {strides = array<i32>} : memref<4x2x128xi32, #tpu.memory_space<vmem>>, vector<16xi32>,
        %get3A_977 = arith.constant 0 : i32
        %get3A_978 = arith.index_cast %get3A_977 : i32 to index
        %get3A_979 = arith.constant 112 : index
        %get3A_980 = tpu.vector_load %arg5[%get3A_978, %get3A_979] {strides = array<i32>} : memref<4x128xi32, #tpu.memory_space<vmem>>, vector<16xi32>,
        %shift_right_arithmetic3A_981 = arith.constant 14 : i32
        %shift_right_arithmetic3A_982 = vector.broadcast %shift_right_arithmetic3A_981 : i32 to vector<16xi32>
        %shift_right_arithmetic3A_983 = arith.shrsi %get3A_980, %shift_right_arithmetic3A_982 : vector<16xi32>
        %swap3A_984 = arith.constant 0 : i32
        %swap3A_985 = arith.constant 0 : i32
        %swap3A_986 = arith.index_cast %swap3A_984 : i32 to index
        %swap3A_987 = arith.index_cast %swap3A_985 : i32 to index
        %swap3A_988 = arith.constant 112 : index
        %swap3A_989 = tpu.vector_load %arg6[%swap3A_986, %swap3A_987, %swap3A_988] {strides = array<i32>} : memref<4x2x128xi32, #tpu.memory_space<vmem>>, vector<16xi32>,
        tpu.vector_store %arg6[%swap3A_986, %swap3A_987, %swap3A_988], %shift_right_arithmetic3A_983 {strides = array<i32>} : memref<4x2x128xi32, #tpu.memory_space<vmem>>, vector<16xi32>,
        %and3A_990 = arith.constant 16383 : i32
        %and3A_991 = vector.broadcast %and3A_990 : i32 to vector<16xi32>
        %and3A_992 = arith.andi %get3A_980, %and3A_991 : vector<16xi32>
        %swap3A_993 = arith.constant 0 : i32
        %swap3A_994 = arith.constant 1 : i32
        %swap3A_995 = arith.index_cast %swap3A_993 : i32 to index
        %swap3A_996 = arith.index_cast %swap3A_994 : i32 to index
        %swap3A_997 = arith.constant 112 : index
        %swap3A_998 = tpu.vector_load %arg6[%swap3A_995, %swap3A_996, %swap3A_997] {strides = array<i32>} : memref<4x2x128xi32, #tpu.memory_space<vmem>>, vector<16xi32>,
        tpu.vector_store %arg6[%swap3A_995, %swap3A_996, %swap3A_997], %and3A_992 {strides = array<i32>} : memref<4x2x128xi32, #tpu.memory_space<vmem>>, vector<16xi32>,
        %dma_start3A_999 = arith.constant 0 : i32
        %dma_start3A_1000 = arith.constant 0 : i32
        %dma_start3A_1001 = arith.constant 0 : i32
        %dma_start3A_1002 = tpu.memref_slice %arg6[%dma_start3A_999, %dma_start3A_1000, %dma_start3A_1001] : memref<4x2x128xi32, #tpu.memory_space<vmem>> -> memref<1x1x128xi32, #tpu.memory_space<vmem>>
        %dma_start3A_1003 = tpu.memref_squeeze %dma_start3A_1002 : memref<1x1x128xi32, #tpu.memory_space<vmem>> -> memref<128xi32, #tpu.memory_space<vmem>>
        %dma_start3A_1004 = arith.constant 0 : i32
        %dma_start3A_1005 = arith.constant 0 : i32
        %dma_start3A_1006 = tpu.memref_slice %arg2[%dma_start3A_1004, %dma_start3A_1005] : memref<10240x128xbf16, #tpu.memory_space<hbm>> -> memref<10240x128xbf16, #tpu.memory_space<hbm>>
        tpu.enqueue_indirect_dma source(%dma_start3A_1006 : memref<10240x128xbf16, #tpu.memory_space<hbm>>) target(%arg7 : memref<128x128xbf16, #tpu.memory_space<vmem>>) offsets(%dma_start3A_1003 : memref<128xi32, #tpu.memory_space<vmem>>) semaphore(%arg13 : memref<!tpu.dma_semaphore, #tpu.memory_space<semaphore_mem>>)
      } else {
      }
      %add3A_744 = arith.constant 1 : i32
      %add3A_745 = arith.addi %mul3A_700, %add3A_744 : i32
      %add3A_746 = arith.constant 5 : i32
      %add3A_747 = arith.addi %add3A_745, %add3A_746 : i32
      %lt3A_748 = arith.constant 80 : i32
      %lt3A_749 = arith.cmpi slt, %add3A_747, %lt3A_748 : i32
      %convert_element_type3A_750 = arith.extui %lt3A_749 : i1 to i32
      %cond3A_751 = arith.constant 0 : i32
      %cond3A_752 = arith.cmpi ne, %convert_element_type3A_750, %cond3A_751 : i32
      scf.if %cond3A_752 {
        %mul3A_809 = arith.constant 80 : i32
        %mul3A_810 = arith.muli %add3A, %mul3A_809 : i32
        %add3A_811 = arith.addi %mul3A_810, %add3A_747 : i32
        %dma_start3A_812 = arith.constant 2 : i32
        %dma_start3A_813 = arith.constant 0 : i32
        %dma_start3A_814 = tpu.memref_slice %arg5[%dma_start3A_812, %dma_start3A_813] : memref<4x128xi32, #tpu.memory_space<vmem>> -> memref<1x128xi32, #tpu.memory_space<vmem>>
        %dma_start3A_815 = tpu.memref_squeeze %dma_start3A_814 : memref<1x128xi32, #tpu.memory_space<vmem>> -> memref<128xi32, #tpu.memory_space<vmem>>
        %dma_start3A_816 = arith.constant 0 : i32
        %dma_start3A_817 = tpu.memref_slice %arg3[%add3A_811, %dma_start3A_816] : memref<2560x128xi32, #tpu.memory_space<hbm>> -> memref<1x128xi32, #tpu.memory_space<hbm>>
        %dma_start3A_818 = tpu.memref_squeeze %dma_start3A_817 : memref<1x128xi32, #tpu.memory_space<hbm>> -> memref<128xi32, #tpu.memory_space<hbm>>
        %dma_start3A_819 = arith.constant 0 : i32
        %dma_start3A_820 = tpu.memref_slice %arg5[%dma_start3A_812, %dma_start3A_819] : memref<4x128xi32, #tpu.memory_space<vmem>> -> memref<1x128xi32, #tpu.memory_space<vmem>>
        %dma_start3A_821 = tpu.memref_squeeze %dma_start3A_820 : memref<1x128xi32, #tpu.memory_space<vmem>> -> memref<128xi32, #tpu.memory_space<vmem>>
        %dma_start3A_822 = arith.constant 0 : i32
        %dma_start3A_823 = tpu.memref_slice %arg3[%add3A_811, %dma_start3A_822] : memref<2560x128xi32, #tpu.memory_space<hbm>> -> memref<1x128xi32, #tpu.memory_space<hbm>>
        %dma_start3A_824 = tpu.memref_squeeze %dma_start3A_823 : memref<1x128xi32, #tpu.memory_space<hbm>> -> memref<128xi32, #tpu.memory_space<hbm>>
        tpu.enqueue_dma source(%dma_start3A_824 : memref<128xi32, #tpu.memory_space<hbm>>) target(%dma_start3A_821 : memref<128xi32, #tpu.memory_space<vmem>>) target_semaphore(%arg19 : memref<!tpu.dma_semaphore, #tpu.memory_space<semaphore_mem>>)
      } else {
      }
      %dma_wait3A_753 = arith.constant 2 : i32
      %dma_wait3A_754 = arith.constant 0 : i32
      %dma_wait3A_755 = arith.constant 0 : i32
      %dma_wait3A_756 = tpu.memref_slice %arg6[%dma_wait3A_753, %dma_wait3A_754, %dma_wait3A_755] : memref<4x2x128xi32, #tpu.memory_space<vmem>> -> memref<1x1x128xi32, #tpu.memory_space<vmem>>
      %dma_wait3A_757 = tpu.memref_squeeze %dma_wait3A_756 : memref<1x1x128xi32, #tpu.memory_space<vmem>> -> memref<128xi32, #tpu.memory_space<vmem>>
      %dma_wait3A_758 = arith.constant 0 : i32
      %dma_wait3A_759 = arith.constant 0 : i32
      %dma_wait3A_760 = tpu.memref_slice %arg2[%dma_wait3A_758, %dma_wait3A_759] : memref<10240x128xbf16, #tpu.memory_space<hbm>> -> memref<10240x128xbf16, #tpu.memory_space<hbm>>
      tpu.wait_indirect_dma semaphore(%arg15 : memref<!tpu.dma_semaphore, #tpu.memory_space<semaphore_mem>>) src(%dma_wait3A_760 : memref<10240x128xbf16, #tpu.memory_space<hbm>>) dst(%arg9 : memref<128x128xbf16, #tpu.memory_space<vmem>>)
      %run_scoped3A_761 = arith.constant 2 : i32
      %run_scoped3A_762 = arith.constant 1 : i32
      "tpu.region"() ({
        %run_scoped3A_809 = tpu.sem_alloc : memref<!tpu.dma_semaphore, #tpu.memory_space<semaphore_mem>>
        %dma_start3A_810 = arith.constant 0 : i32
        %dma_start3A_811 = tpu.memref_slice %arg6[%run_scoped3A_761, %run_scoped3A_762, %dma_start3A_810] : memref<4x2x128xi32, #tpu.memory_space<vmem>> -> memref<1x1x128xi32, #tpu.memory_space<vmem>>
        %dma_start3A_812 = tpu.memref_squeeze %dma_start3A_811 : memref<1x1x128xi32, #tpu.memory_space<vmem>> -> memref<128xi32, #tpu.memory_space<vmem>>
        %dma_start3A_813 = arith.constant 0 : i32
        %dma_start3A_814 = arith.constant 0 : i32
        %dma_start3A_815 = tpu.memref_slice %arg12[%dma_start3A_813, %dma_start3A_814] : memref<10240x128xbf16, #tpu.memory_space<vmem_shared>> -> memref<10240x128xbf16, #tpu.memory_space<vmem_shared>>
        tpu.enqueue_indirect_dma source(%arg9 : memref<128x128xbf16, #tpu.memory_space<vmem>>) target(%dma_start3A_815 : memref<10240x128xbf16, #tpu.memory_space<vmem_shared>>) offsets(%dma_start3A_812 : memref<128xi32, #tpu.memory_space<vmem>>) semaphore(%run_scoped3A_809 : memref<!tpu.dma_semaphore, #tpu.memory_space<semaphore_mem>>) {add = true}
        %dma_wait3A_816 = arith.constant 0 : i32
        %dma_wait3A_817 = tpu.memref_slice %arg6[%run_scoped3A_761, %run_scoped3A_762, %dma_wait3A_816] : memref<4x2x128xi32, #tpu.memory_space<vmem>> -> memref<1x1x128xi32, #tpu.memory_space<vmem>>
        %dma_wait3A_818 = tpu.memref_squeeze %dma_wait3A_817 : memref<1x1x128xi32, #tpu.memory_space<vmem>> -> memref<128xi32, #tpu.memory_space<vmem>>
        %dma_wait3A_819 = arith.constant 0 : i32
        %dma_wait3A_820 = arith.constant 0 : i32
        %dma_wait3A_821 = tpu.memref_slice %arg12[%dma_wait3A_819, %dma_wait3A_820] : memref<10240x128xbf16, #tpu.memory_space<vmem_shared>> -> memref<10240x128xbf16, #tpu.memory_space<vmem_shared>>
        tpu.wait_indirect_dma semaphore(%run_scoped3A_809 : memref<!tpu.dma_semaphore, #tpu.memory_space<semaphore_mem>>) src(%arg9 : memref<128x128xbf16, #tpu.memory_space<vmem>>) dst(%dma_wait3A_821 : memref<10240x128xbf16, #tpu.memory_space<vmem_shared>>)
        tpu.yield
      }) : () -> ()
      %add3A_763 = arith.constant 2 : i32
      %add3A_764 = arith.addi %mul3A_700, %add3A_763 : i32
      %add3A_765 = arith.constant 3 : i32
      %add3A_766 = arith.addi %add3A_764, %add3A_765 : i32
      %lt3A_767 = arith.constant 80 : i32
      %lt3A_768 = arith.cmpi slt, %add3A_766, %lt3A_767 : i32
      %convert_element_type3A_769 = arith.extui %lt3A_768 : i1 to i32
      %cond3A_770 = arith.constant 0 : i32
      %cond3A_771 = arith.cmpi ne, %convert_element_type3A_769, %cond3A_770 : i32
      scf.if %cond3A_771 {
        %dma_wait3A_809 = arith.constant 0 : i32
        %dma_wait3A_810 = arith.constant 1 : i32
        %dma_wait3A_811 = arith.constant 0 : i32
        %dma_wait3A_812 = tpu.memref_slice %arg5[%dma_wait3A_810, %dma_wait3A_811] : memref<4x128xi32, #tpu.memory_space<vmem>> -> memref<1x128xi32, #tpu.memory_space<vmem>>
        %dma_wait3A_813 = tpu.memref_squeeze %dma_wait3A_812 : memref<1x128xi32, #tpu.memory_space<vmem>> -> memref<128xi32, #tpu.memory_space<vmem>>
        %dma_wait3A_814 = arith.constant 0 : i32
        %dma_wait3A_815 = tpu.memref_slice %arg3[%dma_wait3A_809, %dma_wait3A_814] : memref<2560x128xi32, #tpu.memory_space<hbm>> -> memref<1x128xi32, #tpu.memory_space<hbm>>
        %dma_wait3A_816 = tpu.memref_squeeze %dma_wait3A_815 : memref<1x128xi32, #tpu.memory_space<hbm>> -> memref<128xi32, #tpu.memory_space<hbm>>
        %dma_wait3A_817 = arith.constant 0 : i32
        %dma_wait3A_818 = tpu.memref_slice %arg5[%dma_wait3A_810, %dma_wait3A_817] : memref<4x128xi32, #tpu.memory_space<vmem>> -> memref<1x128xi32, #tpu.memory_space<vmem>>
        %dma_wait3A_819 = tpu.memref_squeeze %dma_wait3A_818 : memref<1x128xi32, #tpu.memory_space<vmem>> -> memref<128xi32, #tpu.memory_space<vmem>>
        %dma_wait3A_820 = arith.constant 0 : i32
        %dma_wait3A_821 = tpu.memref_slice %arg3[%dma_wait3A_809, %dma_wait3A_820] : memref<2560x128xi32, #tpu.memory_space<hbm>> -> memref<1x128xi32, #tpu.memory_space<hbm>>
        %dma_wait3A_822 = tpu.memref_squeeze %dma_wait3A_821 : memref<1x128xi32, #tpu.memory_space<hbm>> -> memref<128xi32, #tpu.memory_space<hbm>>
        tpu.wait_dma2 semaphore(%arg18 : memref<!tpu.dma_semaphore, #tpu.memory_space<semaphore_mem>>) src(%dma_wait3A_822 : memref<128xi32, #tpu.memory_space<hbm>>) dst(%dma_wait3A_819 : memref<128xi32, #tpu.memory_space<vmem>>)
        %get3A_823 = arith.constant 1 : i32
        %get3A_824 = arith.index_cast %get3A_823 : i32 to index
        %get3A_825 = arith.constant 0 : index
        %get3A_826 = tpu.vector_load %arg5[%get3A_824, %get3A_825] {strides = array<i32>} : memref<4x128xi32, #tpu.memory_space<vmem>>, vector<16xi32>,
        %shift_right_arithmetic3A_827 = arith.constant 14 : i32
        %shift_right_arithmetic3A_828 = vector.broadcast %shift_right_arithmetic3A_827 : i32 to vector<16xi32>
        %shift_right_arithmetic3A_829 = arith.shrsi %get3A_826, %shift_right_arithmetic3A_828 : vector<16xi32>
        %swap3A_830 = arith.constant 1 : i32
        %swap3A_831 = arith.constant 0 : i32
        %swap3A_832 = arith.index_cast %swap3A_830 : i32 to index
        %swap3A_833 = arith.index_cast %swap3A_831 : i32 to index
        %swap3A_834 = arith.constant 0 : index
        %swap3A_835 = tpu.vector_load %arg6[%swap3A_832, %swap3A_833, %swap3A_834] {strides = array<i32>} : memref<4x2x128xi32, #tpu.memory_space<vmem>>, vector<16xi32>,
        tpu.vector_store %arg6[%swap3A_832, %swap3A_833, %swap3A_834], %shift_right_arithmetic3A_829 {strides = array<i32>} : memref<4x2x128xi32, #tpu.memory_space<vmem>>, vector<16xi32>,
        %and3A_836 = arith.constant 16383 : i32
        %and3A_837 = vector.broadcast %and3A_836 : i32 to vector<16xi32>
        %and3A_838 = arith.andi %get3A_826, %and3A_837 : vector<16xi32>
        %swap3A_839 = arith.constant 1 : i32
        %swap3A_840 = arith.constant 1 : i32
        %swap3A_841 = arith.index_cast %swap3A_839 : i32 to index
        %swap3A_842 = arith.index_cast %swap3A_840 : i32 to index
        %swap3A_843 = arith.constant 0 : index
        %swap3A_844 = tpu.vector_load %arg6[%swap3A_841, %swap3A_842, %swap3A_843] {strides = array<i32>} : memref<4x2x128xi32, #tpu.memory_space<vmem>>, vector<16xi32>,
        tpu.vector_store %arg6[%swap3A_841, %swap3A_842, %swap3A_843], %and3A_838 {strides = array<i32>} : memref<4x2x128xi32, #tpu.memory_space<vmem>>, vector<16xi32>,
        %get3A_845 = arith.constant 1 : i32
        %get3A_846 = arith.index_cast %get3A_845 : i32 to index
        %get3A_847 = arith.constant 16 : index
        %get3A_848 = tpu.vector_load %arg5[%get3A_846, %get3A_847] {strides = array<i32>} : memref<4x128xi32, #tpu.memory_space<vmem>>, vector<16xi32>,
        %shift_right_arithmetic3A_849 = arith.constant 14 : i32
        %shift_right_arithmetic3A_850 = vector.broadcast %shift_right_arithmetic3A_849 : i32 to vector<16xi32>
        %shift_right_arithmetic3A_851 = arith.shrsi %get3A_848, %shift_right_arithmetic3A_850 : vector<16xi32>
        %swap3A_852 = arith.constant 1 : i32
        %swap3A_853 = arith.constant 0 : i32
        %swap3A_854 = arith.index_cast %swap3A_852 : i32 to index
        %swap3A_855 = arith.index_cast %swap3A_853 : i32 to index
        %swap3A_856 = arith.constant 16 : index
        %swap3A_857 = tpu.vector_load %arg6[%swap3A_854, %swap3A_855, %swap3A_856] {strides = array<i32>} : memref<4x2x128xi32, #tpu.memory_space<vmem>>, vector<16xi32>,
        tpu.vector_store %arg6[%swap3A_854, %swap3A_855, %swap3A_856], %shift_right_arithmetic3A_851 {strides = array<i32>} : memref<4x2x128xi32, #tpu.memory_space<vmem>>, vector<16xi32>,
        %and3A_858 = arith.constant 16383 : i32
        %and3A_859 = vector.broadcast %and3A_858 : i32 to vector<16xi32>
        %and3A_860 = arith.andi %get3A_848, %and3A_859 : vector<16xi32>
        %swap3A_861 = arith.constant 1 : i32
        %swap3A_862 = arith.constant 1 : i32
        %swap3A_863 = arith.index_cast %swap3A_861 : i32 to index
        %swap3A_864 = arith.index_cast %swap3A_862 : i32 to index
        %swap3A_865 = arith.constant 16 : index
        %swap3A_866 = tpu.vector_load %arg6[%swap3A_863, %swap3A_864, %swap3A_865] {strides = array<i32>} : memref<4x2x128xi32, #tpu.memory_space<vmem>>, vector<16xi32>,
        tpu.vector_store %arg6[%swap3A_863, %swap3A_864, %swap3A_865], %and3A_860 {strides = array<i32>} : memref<4x2x128xi32, #tpu.memory_space<vmem>>, vector<16xi32>,
        %get3A_867 = arith.constant 1 : i32
        %get3A_868 = arith.index_cast %get3A_867 : i32 to index
        %get3A_869 = arith.constant 32 : index
        %get3A_870 = tpu.vector_load %arg5[%get3A_868, %get3A_869] {strides = array<i32>} : memref<4x128xi32, #tpu.memory_space<vmem>>, vector<16xi32>,
        %shift_right_arithmetic3A_871 = arith.constant 14 : i32
        %shift_right_arithmetic3A_872 = vector.broadcast %shift_right_arithmetic3A_871 : i32 to vector<16xi32>
        %shift_right_arithmetic3A_873 = arith.shrsi %get3A_870, %shift_right_arithmetic3A_872 : vector<16xi32>
        %swap3A_874 = arith.constant 1 : i32
        %swap3A_875 = arith.constant 0 : i32
        %swap3A_876 = arith.index_cast %swap3A_874 : i32 to index
        %swap3A_877 = arith.index_cast %swap3A_875 : i32 to index
        %swap3A_878 = arith.constant 32 : index
        %swap3A_879 = tpu.vector_load %arg6[%swap3A_876, %swap3A_877, %swap3A_878] {strides = array<i32>} : memref<4x2x128xi32, #tpu.memory_space<vmem>>, vector<16xi32>,
        tpu.vector_store %arg6[%swap3A_876, %swap3A_877, %swap3A_878], %shift_right_arithmetic3A_873 {strides = array<i32>} : memref<4x2x128xi32, #tpu.memory_space<vmem>>, vector<16xi32>,
        %and3A_880 = arith.constant 16383 : i32
        %and3A_881 = vector.broadcast %and3A_880 : i32 to vector<16xi32>
        %and3A_882 = arith.andi %get3A_870, %and3A_881 : vector<16xi32>
        %swap3A_883 = arith.constant 1 : i32
        %swap3A_884 = arith.constant 1 : i32
        %swap3A_885 = arith.index_cast %swap3A_883 : i32 to index
        %swap3A_886 = arith.index_cast %swap3A_884 : i32 to index
        %swap3A_887 = arith.constant 32 : index
        %swap3A_888 = tpu.vector_load %arg6[%swap3A_885, %swap3A_886, %swap3A_887] {strides = array<i32>} : memref<4x2x128xi32, #tpu.memory_space<vmem>>, vector<16xi32>,
        tpu.vector_store %arg6[%swap3A_885, %swap3A_886, %swap3A_887], %and3A_882 {strides = array<i32>} : memref<4x2x128xi32, #tpu.memory_space<vmem>>, vector<16xi32>,
        %get3A_889 = arith.constant 1 : i32
        %get3A_890 = arith.index_cast %get3A_889 : i32 to index
        %get3A_891 = arith.constant 48 : index
        %get3A_892 = tpu.vector_load %arg5[%get3A_890, %get3A_891] {strides = array<i32>} : memref<4x128xi32, #tpu.memory_space<vmem>>, vector<16xi32>,
        %shift_right_arithmetic3A_893 = arith.constant 14 : i32
        %shift_right_arithmetic3A_894 = vector.broadcast %shift_right_arithmetic3A_893 : i32 to vector<16xi32>
        %shift_right_arithmetic3A_895 = arith.shrsi %get3A_892, %shift_right_arithmetic3A_894 : vector<16xi32>
        %swap3A_896 = arith.constant 1 : i32
        %swap3A_897 = arith.constant 0 : i32
        %swap3A_898 = arith.index_cast %swap3A_896 : i32 to index
        %swap3A_899 = arith.index_cast %swap3A_897 : i32 to index
        %swap3A_900 = arith.constant 48 : index
        %swap3A_901 = tpu.vector_load %arg6[%swap3A_898, %swap3A_899, %swap3A_900] {strides = array<i32>} : memref<4x2x128xi32, #tpu.memory_space<vmem>>, vector<16xi32>,
        tpu.vector_store %arg6[%swap3A_898, %swap3A_899, %swap3A_900], %shift_right_arithmetic3A_895 {strides = array<i32>} : memref<4x2x128xi32, #tpu.memory_space<vmem>>, vector<16xi32>,
        %and3A_902 = arith.constant 16383 : i32
        %and3A_903 = vector.broadcast %and3A_902 : i32 to vector<16xi32>
        %and3A_904 = arith.andi %get3A_892, %and3A_903 : vector<16xi32>
        %swap3A_905 = arith.constant 1 : i32
        %swap3A_906 = arith.constant 1 : i32
        %swap3A_907 = arith.index_cast %swap3A_905 : i32 to index
        %swap3A_908 = arith.index_cast %swap3A_906 : i32 to index
        %swap3A_909 = arith.constant 48 : index
        %swap3A_910 = tpu.vector_load %arg6[%swap3A_907, %swap3A_908, %swap3A_909] {strides = array<i32>} : memref<4x2x128xi32, #tpu.memory_space<vmem>>, vector<16xi32>,
        tpu.vector_store %arg6[%swap3A_907, %swap3A_908, %swap3A_909], %and3A_904 {strides = array<i32>} : memref<4x2x128xi32, #tpu.memory_space<vmem>>, vector<16xi32>,
        %get3A_911 = arith.constant 1 : i32
        %get3A_912 = arith.index_cast %get3A_911 : i32 to index
        %get3A_913 = arith.constant 64 : index
        %get3A_914 = tpu.vector_load %arg5[%get3A_912, %get3A_913] {strides = array<i32>} : memref<4x128xi32, #tpu.memory_space<vmem>>, vector<16xi32>,
        %shift_right_arithmetic3A_915 = arith.constant 14 : i32
        %shift_right_arithmetic3A_916 = vector.broadcast %shift_right_arithmetic3A_915 : i32 to vector<16xi32>
        %shift_right_arithmetic3A_917 = arith.shrsi %get3A_914, %shift_right_arithmetic3A_916 : vector<16xi32>
        %swap3A_918 = arith.constant 1 : i32
        %swap3A_919 = arith.constant 0 : i32
        %swap3A_920 = arith.index_cast %swap3A_918 : i32 to index
        %swap3A_921 = arith.index_cast %swap3A_919 : i32 to index
        %swap3A_922 = arith.constant 64 : index
        %swap3A_923 = tpu.vector_load %arg6[%swap3A_920, %swap3A_921, %swap3A_922] {strides = array<i32>} : memref<4x2x128xi32, #tpu.memory_space<vmem>>, vector<16xi32>,
        tpu.vector_store %arg6[%swap3A_920, %swap3A_921, %swap3A_922], %shift_right_arithmetic3A_917 {strides = array<i32>} : memref<4x2x128xi32, #tpu.memory_space<vmem>>, vector<16xi32>,
        %and3A_924 = arith.constant 16383 : i32
        %and3A_925 = vector.broadcast %and3A_924 : i32 to vector<16xi32>
        %and3A_926 = arith.andi %get3A_914, %and3A_925 : vector<16xi32>
        %swap3A_927 = arith.constant 1 : i32
        %swap3A_928 = arith.constant 1 : i32
        %swap3A_929 = arith.index_cast %swap3A_927 : i32 to index
        %swap3A_930 = arith.index_cast %swap3A_928 : i32 to index
        %swap3A_931 = arith.constant 64 : index
        %swap3A_932 = tpu.vector_load %arg6[%swap3A_929, %swap3A_930, %swap3A_931] {strides = array<i32>} : memref<4x2x128xi32, #tpu.memory_space<vmem>>, vector<16xi32>,
        tpu.vector_store %arg6[%swap3A_929, %swap3A_930, %swap3A_931], %and3A_926 {strides = array<i32>} : memref<4x2x128xi32, #tpu.memory_space<vmem>>, vector<16xi32>,
        %get3A_933 = arith.constant 1 : i32
        %get3A_934 = arith.index_cast %get3A_933 : i32 to index
        %get3A_935 = arith.constant 80 : index
        %get3A_936 = tpu.vector_load %arg5[%get3A_934, %get3A_935] {strides = array<i32>} : memref<4x128xi32, #tpu.memory_space<vmem>>, vector<16xi32>,
        %shift_right_arithmetic3A_937 = arith.constant 14 : i32
        %shift_right_arithmetic3A_938 = vector.broadcast %shift_right_arithmetic3A_937 : i32 to vector<16xi32>
        %shift_right_arithmetic3A_939 = arith.shrsi %get3A_936, %shift_right_arithmetic3A_938 : vector<16xi32>
        %swap3A_940 = arith.constant 1 : i32
        %swap3A_941 = arith.constant 0 : i32
        %swap3A_942 = arith.index_cast %swap3A_940 : i32 to index
        %swap3A_943 = arith.index_cast %swap3A_941 : i32 to index
        %swap3A_944 = arith.constant 80 : index
        %swap3A_945 = tpu.vector_load %arg6[%swap3A_942, %swap3A_943, %swap3A_944] {strides = array<i32>} : memref<4x2x128xi32, #tpu.memory_space<vmem>>, vector<16xi32>,
        tpu.vector_store %arg6[%swap3A_942, %swap3A_943, %swap3A_944], %shift_right_arithmetic3A_939 {strides = array<i32>} : memref<4x2x128xi32, #tpu.memory_space<vmem>>, vector<16xi32>,
        %and3A_946 = arith.constant 16383 : i32
        %and3A_947 = vector.broadcast %and3A_946 : i32 to vector<16xi32>
        %and3A_948 = arith.andi %get3A_936, %and3A_947 : vector<16xi32>
        %swap3A_949 = arith.constant 1 : i32
        %swap3A_950 = arith.constant 1 : i32
        %swap3A_951 = arith.index_cast %swap3A_949 : i32 to index
        %swap3A_952 = arith.index_cast %swap3A_950 : i32 to index
        %swap3A_953 = arith.constant 80 : index
        %swap3A_954 = tpu.vector_load %arg6[%swap3A_951, %swap3A_952, %swap3A_953] {strides = array<i32>} : memref<4x2x128xi32, #tpu.memory_space<vmem>>, vector<16xi32>,
        tpu.vector_store %arg6[%swap3A_951, %swap3A_952, %swap3A_953], %and3A_948 {strides = array<i32>} : memref<4x2x128xi32, #tpu.memory_space<vmem>>, vector<16xi32>,
        %get3A_955 = arith.constant 1 : i32
        %get3A_956 = arith.index_cast %get3A_955 : i32 to index
        %get3A_957 = arith.constant 96 : index
        %get3A_958 = tpu.vector_load %arg5[%get3A_956, %get3A_957] {strides = array<i32>} : memref<4x128xi32, #tpu.memory_space<vmem>>, vector<16xi32>,
        %shift_right_arithmetic3A_959 = arith.constant 14 : i32
        %shift_right_arithmetic3A_960 = vector.broadcast %shift_right_arithmetic3A_959 : i32 to vector<16xi32>
        %shift_right_arithmetic3A_961 = arith.shrsi %get3A_958, %shift_right_arithmetic3A_960 : vector<16xi32>
        %swap3A_962 = arith.constant 1 : i32
        %swap3A_963 = arith.constant 0 : i32
        %swap3A_964 = arith.index_cast %swap3A_962 : i32 to index
        %swap3A_965 = arith.index_cast %swap3A_963 : i32 to index
        %swap3A_966 = arith.constant 96 : index
        %swap3A_967 = tpu.vector_load %arg6[%swap3A_964, %swap3A_965, %swap3A_966] {strides = array<i32>} : memref<4x2x128xi32, #tpu.memory_space<vmem>>, vector<16xi32>,
        tpu.vector_store %arg6[%swap3A_964, %swap3A_965, %swap3A_966], %shift_right_arithmetic3A_961 {strides = array<i32>} : memref<4x2x128xi32, #tpu.memory_space<vmem>>, vector<16xi32>,
        %and3A_968 = arith.constant 16383 : i32
        %and3A_969 = vector.broadcast %and3A_968 : i32 to vector<16xi32>
        %and3A_970 = arith.andi %get3A_958, %and3A_969 : vector<16xi32>
        %swap3A_971 = arith.constant 1 : i32
        %swap3A_972 = arith.constant 1 : i32
        %swap3A_973 = arith.index_cast %swap3A_971 : i32 to index
        %swap3A_974 = arith.index_cast %swap3A_972 : i32 to index
        %swap3A_975 = arith.constant 96 : index
        %swap3A_976 = tpu.vector_load %arg6[%swap3A_973, %swap3A_974, %swap3A_975] {strides = array<i32>} : memref<4x2x128xi32, #tpu.memory_space<vmem>>, vector<16xi32>,
        tpu.vector_store %arg6[%swap3A_973, %swap3A_974, %swap3A_975], %and3A_970 {strides = array<i32>} : memref<4x2x128xi32, #tpu.memory_space<vmem>>, vector<16xi32>,
        %get3A_977 = arith.constant 1 : i32
        %get3A_978 = arith.index_cast %get3A_977 : i32 to index
        %get3A_979 = arith.constant 112 : index
        %get3A_980 = tpu.vector_load %arg5[%get3A_978, %get3A_979] {strides = array<i32>} : memref<4x128xi32, #tpu.memory_space<vmem>>, vector<16xi32>,
        %shift_right_arithmetic3A_981 = arith.constant 14 : i32
        %shift_right_arithmetic3A_982 = vector.broadcast %shift_right_arithmetic3A_981 : i32 to vector<16xi32>
        %shift_right_arithmetic3A_983 = arith.shrsi %get3A_980, %shift_right_arithmetic3A_982 : vector<16xi32>
        %swap3A_984 = arith.constant 1 : i32
        %swap3A_985 = arith.constant 0 : i32
        %swap3A_986 = arith.index_cast %swap3A_984 : i32 to index
        %swap3A_987 = arith.index_cast %swap3A_985 : i32 to index
        %swap3A_988 = arith.constant 112 : index
        %swap3A_989 = tpu.vector_load %arg6[%swap3A_986, %swap3A_987, %swap3A_988] {strides = array<i32>} : memref<4x2x128xi32, #tpu.memory_space<vmem>>, vector<16xi32>,
        tpu.vector_store %arg6[%swap3A_986, %swap3A_987, %swap3A_988], %shift_right_arithmetic3A_983 {strides = array<i32>} : memref<4x2x128xi32, #tpu.memory_space<vmem>>, vector<16xi32>,
        %and3A_990 = arith.constant 16383 : i32
        %and3A_991 = vector.broadcast %and3A_990 : i32 to vector<16xi32>
        %and3A_992 = arith.andi %get3A_980, %and3A_991 : vector<16xi32>
        %swap3A_993 = arith.constant 1 : i32
        %swap3A_994 = arith.constant 1 : i32
        %swap3A_995 = arith.index_cast %swap3A_993 : i32 to index
        %swap3A_996 = arith.index_cast %swap3A_994 : i32 to index
        %swap3A_997 = arith.constant 112 : index
        %swap3A_998 = tpu.vector_load %arg6[%swap3A_995, %swap3A_996, %swap3A_997] {strides = array<i32>} : memref<4x2x128xi32, #tpu.memory_space<vmem>>, vector<16xi32>,
        tpu.vector_store %arg6[%swap3A_995, %swap3A_996, %swap3A_997], %and3A_992 {strides = array<i32>} : memref<4x2x128xi32, #tpu.memory_space<vmem>>, vector<16xi32>,
        %dma_start3A_999 = arith.constant 1 : i32
        %dma_start3A_1000 = arith.constant 0 : i32
        %dma_start3A_1001 = arith.constant 0 : i32
        %dma_start3A_1002 = tpu.memref_slice %arg6[%dma_start3A_999, %dma_start3A_1000, %dma_start3A_1001] : memref<4x2x128xi32, #tpu.memory_space<vmem>> -> memref<1x1x128xi32, #tpu.memory_space<vmem>>
        %dma_start3A_1003 = tpu.memref_squeeze %dma_start3A_1002 : memref<1x1x128xi32, #tpu.memory_space<vmem>> -> memref<128xi32, #tpu.memory_space<vmem>>
        %dma_start3A_1004 = arith.constant 0 : i32
        %dma_start3A_1005 = arith.constant 0 : i32
        %dma_start3A_1006 = tpu.memref_slice %arg2[%dma_start3A_1004, %dma_start3A_1005] : memref<10240x128xbf16, #tpu.memory_space<hbm>> -> memref<10240x128xbf16, #tpu.memory_space<hbm>>
        tpu.enqueue_indirect_dma source(%dma_start3A_1006 : memref<10240x128xbf16, #tpu.memory_space<hbm>>) target(%arg8 : memref<128x128xbf16, #tpu.memory_space<vmem>>) offsets(%dma_start3A_1003 : memref<128xi32, #tpu.memory_space<vmem>>) semaphore(%arg14 : memref<!tpu.dma_semaphore, #tpu.memory_space<semaphore_mem>>)
      } else {
      }
      %add3A_772 = arith.constant 2 : i32
      %add3A_773 = arith.addi %mul3A_700, %add3A_772 : i32
      %add3A_774 = arith.constant 5 : i32
      %add3A_775 = arith.addi %add3A_773, %add3A_774 : i32
      %lt3A_776 = arith.constant 80 : i32
      %lt3A_777 = arith.cmpi slt, %add3A_775, %lt3A_776 : i32
      %convert_element_type3A_778 = arith.extui %lt3A_777 : i1 to i32
      %cond3A_779 = arith.constant 0 : i32
      %cond3A_780 = arith.cmpi ne, %convert_element_type3A_778, %cond3A_779 : i32
      scf.if %cond3A_780 {
        %mul3A_809 = arith.constant 80 : i32
        %mul3A_810 = arith.muli %add3A, %mul3A_809 : i32
        %add3A_811 = arith.addi %mul3A_810, %add3A_775 : i32
        %dma_start3A_812 = arith.constant 3 : i32
        %dma_start3A_813 = arith.constant 0 : i32
        %dma_start3A_814 = tpu.memref_slice %arg5[%dma_start3A_812, %dma_start3A_813] : memref<4x128xi32, #tpu.memory_space<vmem>> -> memref<1x128xi32, #tpu.memory_space<vmem>>
        %dma_start3A_815 = tpu.memref_squeeze %dma_start3A_814 : memref<1x128xi32, #tpu.memory_space<vmem>> -> memref<128xi32, #tpu.memory_space<vmem>>
        %dma_start3A_816 = arith.constant 0 : i32
        %dma_start3A_817 = tpu.memref_slice %arg3[%add3A_811, %dma_start3A_816] : memref<2560x128xi32, #tpu.memory_space<hbm>> -> memref<1x128xi32, #tpu.memory_space<hbm>>
        %dma_start3A_818 = tpu.memref_squeeze %dma_start3A_817 : memref<1x128xi32, #tpu.memory_space<hbm>> -> memref<128xi32, #tpu.memory_space<hbm>>
        %dma_start3A_819 = arith.constant 0 : i32
        %dma_start3A_820 = tpu.memref_slice %arg5[%dma_start3A_812, %dma_start3A_819] : memref<4x128xi32, #tpu.memory_space<vmem>> -> memref<1x128xi32, #tpu.memory_space<vmem>>
        %dma_start3A_821 = tpu.memref_squeeze %dma_start3A_820 : memref<1x128xi32, #tpu.memory_space<vmem>> -> memref<128xi32, #tpu.memory_space<vmem>>
        %dma_start3A_822 = arith.constant 0 : i32
        %dma_start3A_823 = tpu.memref_slice %arg3[%add3A_811, %dma_start3A_822] : memref<2560x128xi32, #tpu.memory_space<hbm>> -> memref<1x128xi32, #tpu.memory_space<hbm>>
        %dma_start3A_824 = tpu.memref_squeeze %dma_start3A_823 : memref<1x128xi32, #tpu.memory_space<hbm>> -> memref<128xi32, #tpu.memory_space<hbm>>
        tpu.enqueue_dma source(%dma_start3A_824 : memref<128xi32, #tpu.memory_space<hbm>>) target(%dma_start3A_821 : memref<128xi32, #tpu.memory_space<vmem>>) target_semaphore(%arg20 : memref<!tpu.dma_semaphore, #tpu.memory_space<semaphore_mem>>)
      } else {
      }
      %dma_wait3A_781 = arith.constant 3 : i32
      %dma_wait3A_782 = arith.constant 0 : i32
      %dma_wait3A_783 = arith.constant 0 : i32
      %dma_wait3A_784 = tpu.memref_slice %arg6[%dma_wait3A_781, %dma_wait3A_782, %dma_wait3A_783] : memref<4x2x128xi32, #tpu.memory_space<vmem>> -> memref<1x1x128xi32, #tpu.memory_space<vmem>>
      %dma_wait3A_785 = tpu.memref_squeeze %dma_wait3A_784 : memref<1x1x128xi32, #tpu.memory_space<vmem>> -> memref<128xi32, #tpu.memory_space<vmem>>
      %dma_wait3A_786 = arith.constant 0 : i32
      %dma_wait3A_787 = arith.constant 0 : i32
      %dma_wait3A_788 = tpu.memref_slice %arg2[%dma_wait3A_786, %dma_wait3A_787] : memref<10240x128xbf16, #tpu.memory_space<hbm>> -> memref<10240x128xbf16, #tpu.memory_space<hbm>>
      tpu.wait_indirect_dma semaphore(%arg16 : memref<!tpu.dma_semaphore, #tpu.memory_space<semaphore_mem>>) src(%dma_wait3A_788 : memref<10240x128xbf16, #tpu.memory_space<hbm>>) dst(%arg10 : memref<128x128xbf16, #tpu.memory_space<vmem>>)
      %run_scoped3A_789 = arith.constant 3 : i32
      %run_scoped3A_790 = arith.constant 1 : i32
      "tpu.region"() ({
        %run_scoped3A_809 = tpu.sem_alloc : memref<!tpu.dma_semaphore, #tpu.memory_space<semaphore_mem>>
        %dma_start3A_810 = arith.constant 0 : i32
        %dma_start3A_811 = tpu.memref_slice %arg6[%run_scoped3A_789, %run_scoped3A_790, %dma_start3A_810] : memref<4x2x128xi32, #tpu.memory_space<vmem>> -> memref<1x1x128xi32, #tpu.memory_space<vmem>>
        %dma_start3A_812 = tpu.memref_squeeze %dma_start3A_811 : memref<1x1x128xi32, #tpu.memory_space<vmem>> -> memref<128xi32, #tpu.memory_space<vmem>>
        %dma_start3A_813 = arith.constant 0 : i32
        %dma_start3A_814 = arith.constant 0 : i32
        %dma_start3A_815 = tpu.memref_slice %arg12[%dma_start3A_813, %dma_start3A_814] : memref<10240x128xbf16, #tpu.memory_space<vmem_shared>> -> memref<10240x128xbf16, #tpu.memory_space<vmem_shared>>
        tpu.enqueue_indirect_dma source(%arg10 : memref<128x128xbf16, #tpu.memory_space<vmem>>) target(%dma_start3A_815 : memref<10240x128xbf16, #tpu.memory_space<vmem_shared>>) offsets(%dma_start3A_812 : memref<128xi32, #tpu.memory_space<vmem>>) semaphore(%run_scoped3A_809 : memref<!tpu.dma_semaphore, #tpu.memory_space<semaphore_mem>>) {add = true}
        %dma_wait3A_816 = arith.constant 0 : i32
        %dma_wait3A_817 = tpu.memref_slice %arg6[%run_scoped3A_789, %run_scoped3A_790, %dma_wait3A_816] : memref<4x2x128xi32, #tpu.memory_space<vmem>> -> memref<1x1x128xi32, #tpu.memory_space<vmem>>
        %dma_wait3A_818 = tpu.memref_squeeze %dma_wait3A_817 : memref<1x1x128xi32, #tpu.memory_space<vmem>> -> memref<128xi32, #tpu.memory_space<vmem>>
        %dma_wait3A_819 = arith.constant 0 : i32
        %dma_wait3A_820 = arith.constant 0 : i32
        %dma_wait3A_821 = tpu.memref_slice %arg12[%dma_wait3A_819, %dma_wait3A_820] : memref<10240x128xbf16, #tpu.memory_space<vmem_shared>> -> memref<10240x128xbf16, #tpu.memory_space<vmem_shared>>
        tpu.wait_indirect_dma semaphore(%run_scoped3A_809 : memref<!tpu.dma_semaphore, #tpu.memory_space<semaphore_mem>>) src(%arg10 : memref<128x128xbf16, #tpu.memory_space<vmem>>) dst(%dma_wait3A_821 : memref<10240x128xbf16, #tpu.memory_space<vmem_shared>>)
        tpu.yield
      }) : () -> ()
      %add3A_791 = arith.constant 3 : i32
      %add3A_792 = arith.addi %mul3A_700, %add3A_791 : i32
      %add3A_793 = arith.constant 3 : i32
      %add3A_794 = arith.addi %add3A_792, %add3A_793 : i32
      %lt3A_795 = arith.constant 80 : i32
      %lt3A_796 = arith.cmpi slt, %add3A_794, %lt3A_795 : i32
      %convert_element_type3A_797 = arith.extui %lt3A_796 : i1 to i32
      %cond3A_798 = arith.constant 0 : i32
      %cond3A_799 = arith.cmpi ne, %convert_element_type3A_797, %cond3A_798 : i32
      scf.if %cond3A_799 {
        %dma_wait3A_809 = arith.constant 0 : i32
        %dma_wait3A_810 = arith.constant 2 : i32
        %dma_wait3A_811 = arith.constant 0 : i32
        %dma_wait3A_812 = tpu.memref_slice %arg5[%dma_wait3A_810, %dma_wait3A_811] : memref<4x128xi32, #tpu.memory_space<vmem>> -> memref<1x128xi32, #tpu.memory_space<vmem>>
        %dma_wait3A_813 = tpu.memref_squeeze %dma_wait3A_812 : memref<1x128xi32, #tpu.memory_space<vmem>> -> memref<128xi32, #tpu.memory_space<vmem>>
        %dma_wait3A_814 = arith.constant 0 : i32
        %dma_wait3A_815 = tpu.memref_slice %arg3[%dma_wait3A_809, %dma_wait3A_814] : memref<2560x128xi32, #tpu.memory_space<hbm>> -> memref<1x128xi32, #tpu.memory_space<hbm>>
        %dma_wait3A_816 = tpu.memref_squeeze %dma_wait3A_815 : memref<1x128xi32, #tpu.memory_space<hbm>> -> memref<128xi32, #tpu.memory_space<hbm>>
        %dma_wait3A_817 = arith.constant 0 : i32
        %dma_wait3A_818 = tpu.memref_slice %arg5[%dma_wait3A_810, %dma_wait3A_817] : memref<4x128xi32, #tpu.memory_space<vmem>> -> memref<1x128xi32, #tpu.memory_space<vmem>>
        %dma_wait3A_819 = tpu.memref_squeeze %dma_wait3A_818 : memref<1x128xi32, #tpu.memory_space<vmem>> -> memref<128xi32, #tpu.memory_space<vmem>>
        %dma_wait3A_820 = arith.constant 0 : i32
        %dma_wait3A_821 = tpu.memref_slice %arg3[%dma_wait3A_809, %dma_wait3A_820] : memref<2560x128xi32, #tpu.memory_space<hbm>> -> memref<1x128xi32, #tpu.memory_space<hbm>>
        %dma_wait3A_822 = tpu.memref_squeeze %dma_wait3A_821 : memref<1x128xi32, #tpu.memory_space<hbm>> -> memref<128xi32, #tpu.memory_space<hbm>>
        tpu.wait_dma2 semaphore(%arg19 : memref<!tpu.dma_semaphore, #tpu.memory_space<semaphore_mem>>) src(%dma_wait3A_822 : memref<128xi32, #tpu.memory_space<hbm>>) dst(%dma_wait3A_819 : memref<128xi32, #tpu.memory_space<vmem>>)
        %get3A_823 = arith.constant 2 : i32
        %get3A_824 = arith.index_cast %get3A_823 : i32 to index
        %get3A_825 = arith.constant 0 : index
        %get3A_826 = tpu.vector_load %arg5[%get3A_824, %get3A_825] {strides = array<i32>} : memref<4x128xi32, #tpu.memory_space<vmem>>, vector<16xi32>,
        %shift_right_arithmetic3A_827 = arith.constant 14 : i32
        %shift_right_arithmetic3A_828 = vector.broadcast %shift_right_arithmetic3A_827 : i32 to vector<16xi32>
        %shift_right_arithmetic3A_829 = arith.shrsi %get3A_826, %shift_right_arithmetic3A_828 : vector<16xi32>
        %swap3A_830 = arith.constant 2 : i32
        %swap3A_831 = arith.constant 0 : i32
        %swap3A_832 = arith.index_cast %swap3A_830 : i32 to index
        %swap3A_833 = arith.index_cast %swap3A_831 : i32 to index
        %swap3A_834 = arith.constant 0 : index
        %swap3A_835 = tpu.vector_load %arg6[%swap3A_832, %swap3A_833, %swap3A_834] {strides = array<i32>} : memref<4x2x128xi32, #tpu.memory_space<vmem>>, vector<16xi32>,
        tpu.vector_store %arg6[%swap3A_832, %swap3A_833, %swap3A_834], %shift_right_arithmetic3A_829 {strides = array<i32>} : memref<4x2x128xi32, #tpu.memory_space<vmem>>, vector<16xi32>,
        %and3A_836 = arith.constant 16383 : i32
        %and3A_837 = vector.broadcast %and3A_836 : i32 to vector<16xi32>
        %and3A_838 = arith.andi %get3A_826, %and3A_837 : vector<16xi32>
        %swap3A_839 = arith.constant 2 : i32
        %swap3A_840 = arith.constant 1 : i32
        %swap3A_841 = arith.index_cast %swap3A_839 : i32 to index
        %swap3A_842 = arith.index_cast %swap3A_840 : i32 to index
        %swap3A_843 = arith.constant 0 : index
        %swap3A_844 = tpu.vector_load %arg6[%swap3A_841, %swap3A_842, %swap3A_843] {strides = array<i32>} : memref<4x2x128xi32, #tpu.memory_space<vmem>>, vector<16xi32>,
        tpu.vector_store %arg6[%swap3A_841, %swap3A_842, %swap3A_843], %and3A_838 {strides = array<i32>} : memref<4x2x128xi32, #tpu.memory_space<vmem>>, vector<16xi32>,
        %get3A_845 = arith.constant 2 : i32
        %get3A_846 = arith.index_cast %get3A_845 : i32 to index
        %get3A_847 = arith.constant 16 : index
        %get3A_848 = tpu.vector_load %arg5[%get3A_846, %get3A_847] {strides = array<i32>} : memref<4x128xi32, #tpu.memory_space<vmem>>, vector<16xi32>,
        %shift_right_arithmetic3A_849 = arith.constant 14 : i32
        %shift_right_arithmetic3A_850 = vector.broadcast %shift_right_arithmetic3A_849 : i32 to vector<16xi32>
        %shift_right_arithmetic3A_851 = arith.shrsi %get3A_848, %shift_right_arithmetic3A_850 : vector<16xi32>
        %swap3A_852 = arith.constant 2 : i32
        %swap3A_853 = arith.constant 0 : i32
        %swap3A_854 = arith.index_cast %swap3A_852 : i32 to index
        %swap3A_855 = arith.index_cast %swap3A_853 : i32 to index
        %swap3A_856 = arith.constant 16 : index
        %swap3A_857 = tpu.vector_load %arg6[%swap3A_854, %swap3A_855, %swap3A_856] {strides = array<i32>} : memref<4x2x128xi32, #tpu.memory_space<vmem>>, vector<16xi32>,
        tpu.vector_store %arg6[%swap3A_854, %swap3A_855, %swap3A_856], %shift_right_arithmetic3A_851 {strides = array<i32>} : memref<4x2x128xi32, #tpu.memory_space<vmem>>, vector<16xi32>,
        %and3A_858 = arith.constant 16383 : i32
        %and3A_859 = vector.broadcast %and3A_858 : i32 to vector<16xi32>
        %and3A_860 = arith.andi %get3A_848, %and3A_859 : vector<16xi32>
        %swap3A_861 = arith.constant 2 : i32
        %swap3A_862 = arith.constant 1 : i32
        %swap3A_863 = arith.index_cast %swap3A_861 : i32 to index
        %swap3A_864 = arith.index_cast %swap3A_862 : i32 to index
        %swap3A_865 = arith.constant 16 : index
        %swap3A_866 = tpu.vector_load %arg6[%swap3A_863, %swap3A_864, %swap3A_865] {strides = array<i32>} : memref<4x2x128xi32, #tpu.memory_space<vmem>>, vector<16xi32>,
        tpu.vector_store %arg6[%swap3A_863, %swap3A_864, %swap3A_865], %and3A_860 {strides = array<i32>} : memref<4x2x128xi32, #tpu.memory_space<vmem>>, vector<16xi32>,
        %get3A_867 = arith.constant 2 : i32
        %get3A_868 = arith.index_cast %get3A_867 : i32 to index
        %get3A_869 = arith.constant 32 : index
        %get3A_870 = tpu.vector_load %arg5[%get3A_868, %get3A_869] {strides = array<i32>} : memref<4x128xi32, #tpu.memory_space<vmem>>, vector<16xi32>,
        %shift_right_arithmetic3A_871 = arith.constant 14 : i32
        %shift_right_arithmetic3A_872 = vector.broadcast %shift_right_arithmetic3A_871 : i32 to vector<16xi32>
        %shift_right_arithmetic3A_873 = arith.shrsi %get3A_870, %shift_right_arithmetic3A_872 : vector<16xi32>
        %swap3A_874 = arith.constant 2 : i32
        %swap3A_875 = arith.constant 0 : i32
        %swap3A_876 = arith.index_cast %swap3A_874 : i32 to index
        %swap3A_877 = arith.index_cast %swap3A_875 : i32 to index
        %swap3A_878 = arith.constant 32 : index
        %swap3A_879 = tpu.vector_load %arg6[%swap3A_876, %swap3A_877, %swap3A_878] {strides = array<i32>} : memref<4x2x128xi32, #tpu.memory_space<vmem>>, vector<16xi32>,
        tpu.vector_store %arg6[%swap3A_876, %swap3A_877, %swap3A_878], %shift_right_arithmetic3A_873 {strides = array<i32>} : memref<4x2x128xi32, #tpu.memory_space<vmem>>, vector<16xi32>,
        %and3A_880 = arith.constant 16383 : i32
        %and3A_881 = vector.broadcast %and3A_880 : i32 to vector<16xi32>
        %and3A_882 = arith.andi %get3A_870, %and3A_881 : vector<16xi32>
        %swap3A_883 = arith.constant 2 : i32
        %swap3A_884 = arith.constant 1 : i32
        %swap3A_885 = arith.index_cast %swap3A_883 : i32 to index
        %swap3A_886 = arith.index_cast %swap3A_884 : i32 to index
        %swap3A_887 = arith.constant 32 : index
        %swap3A_888 = tpu.vector_load %arg6[%swap3A_885, %swap3A_886, %swap3A_887] {strides = array<i32>} : memref<4x2x128xi32, #tpu.memory_space<vmem>>, vector<16xi32>,
        tpu.vector_store %arg6[%swap3A_885, %swap3A_886, %swap3A_887], %and3A_882 {strides = array<i32>} : memref<4x2x128xi32, #tpu.memory_space<vmem>>, vector<16xi32>,
        %get3A_889 = arith.constant 2 : i32
        %get3A_890 = arith.index_cast %get3A_889 : i32 to index
        %get3A_891 = arith.constant 48 : index
        %get3A_892 = tpu.vector_load %arg5[%get3A_890, %get3A_891] {strides = array<i32>} : memref<4x128xi32, #tpu.memory_space<vmem>>, vector<16xi32>,
        %shift_right_arithmetic3A_893 = arith.constant 14 : i32
        %shift_right_arithmetic3A_894 = vector.broadcast %shift_right_arithmetic3A_893 : i32 to vector<16xi32>
        %shift_right_arithmetic3A_895 = arith.shrsi %get3A_892, %shift_right_arithmetic3A_894 : vector<16xi32>
        %swap3A_896 = arith.constant 2 : i32
        %swap3A_897 = arith.constant 0 : i32
        %swap3A_898 = arith.index_cast %swap3A_896 : i32 to index
        %swap3A_899 = arith.index_cast %swap3A_897 : i32 to index
        %swap3A_900 = arith.constant 48 : index
        %swap3A_901 = tpu.vector_load %arg6[%swap3A_898, %swap3A_899, %swap3A_900] {strides = array<i32>} : memref<4x2x128xi32, #tpu.memory_space<vmem>>, vector<16xi32>,
        tpu.vector_store %arg6[%swap3A_898, %swap3A_899, %swap3A_900], %shift_right_arithmetic3A_895 {strides = array<i32>} : memref<4x2x128xi32, #tpu.memory_space<vmem>>, vector<16xi32>,
        %and3A_902 = arith.constant 16383 : i32
        %and3A_903 = vector.broadcast %and3A_902 : i32 to vector<16xi32>
        %and3A_904 = arith.andi %get3A_892, %and3A_903 : vector<16xi32>
        %swap3A_905 = arith.constant 2 : i32
        %swap3A_906 = arith.constant 1 : i32
        %swap3A_907 = arith.index_cast %swap3A_905 : i32 to index
        %swap3A_908 = arith.index_cast %swap3A_906 : i32 to index
        %swap3A_909 = arith.constant 48 : index
        %swap3A_910 = tpu.vector_load %arg6[%swap3A_907, %swap3A_908, %swap3A_909] {strides = array<i32>} : memref<4x2x128xi32, #tpu.memory_space<vmem>>, vector<16xi32>,
        tpu.vector_store %arg6[%swap3A_907, %swap3A_908, %swap3A_909], %and3A_904 {strides = array<i32>} : memref<4x2x128xi32, #tpu.memory_space<vmem>>, vector<16xi32>,
        %get3A_911 = arith.constant 2 : i32
        %get3A_912 = arith.index_cast %get3A_911 : i32 to index
        %get3A_913 = arith.constant 64 : index
        %get3A_914 = tpu.vector_load %arg5[%get3A_912, %get3A_913] {strides = array<i32>} : memref<4x128xi32, #tpu.memory_space<vmem>>, vector<16xi32>,
        %shift_right_arithmetic3A_915 = arith.constant 14 : i32
        %shift_right_arithmetic3A_916 = vector.broadcast %shift_right_arithmetic3A_915 : i32 to vector<16xi32>
        %shift_right_arithmetic3A_917 = arith.shrsi %get3A_914, %shift_right_arithmetic3A_916 : vector<16xi32>
        %swap3A_918 = arith.constant 2 : i32
        %swap3A_919 = arith.constant 0 : i32
        %swap3A_920 = arith.index_cast %swap3A_918 : i32 to index
        %swap3A_921 = arith.index_cast %swap3A_919 : i32 to index
        %swap3A_922 = arith.constant 64 : index
        %swap3A_923 = tpu.vector_load %arg6[%swap3A_920, %swap3A_921, %swap3A_922] {strides = array<i32>} : memref<4x2x128xi32, #tpu.memory_space<vmem>>, vector<16xi32>,
        tpu.vector_store %arg6[%swap3A_920, %swap3A_921, %swap3A_922], %shift_right_arithmetic3A_917 {strides = array<i32>} : memref<4x2x128xi32, #tpu.memory_space<vmem>>, vector<16xi32>,
        %and3A_924 = arith.constant 16383 : i32
        %and3A_925 = vector.broadcast %and3A_924 : i32 to vector<16xi32>
        %and3A_926 = arith.andi %get3A_914, %and3A_925 : vector<16xi32>
        %swap3A_927 = arith.constant 2 : i32
        %swap3A_928 = arith.constant 1 : i32
        %swap3A_929 = arith.index_cast %swap3A_927 : i32 to index
        %swap3A_930 = arith.index_cast %swap3A_928 : i32 to index
        %swap3A_931 = arith.constant 64 : index
        %swap3A_932 = tpu.vector_load %arg6[%swap3A_929, %swap3A_930, %swap3A_931] {strides = array<i32>} : memref<4x2x128xi32, #tpu.memory_space<vmem>>, vector<16xi32>,
        tpu.vector_store %arg6[%swap3A_929, %swap3A_930, %swap3A_931], %and3A_926 {strides = array<i32>} : memref<4x2x128xi32, #tpu.memory_space<vmem>>, vector<16xi32>,
        %get3A_933 = arith.constant 2 : i32
        %get3A_934 = arith.index_cast %get3A_933 : i32 to index
        %get3A_935 = arith.constant 80 : index
        %get3A_936 = tpu.vector_load %arg5[%get3A_934, %get3A_935] {strides = array<i32>} : memref<4x128xi32, #tpu.memory_space<vmem>>, vector<16xi32>,
        %shift_right_arithmetic3A_937 = arith.constant 14 : i32
        %shift_right_arithmetic3A_938 = vector.broadcast %shift_right_arithmetic3A_937 : i32 to vector<16xi32>
        %shift_right_arithmetic3A_939 = arith.shrsi %get3A_936, %shift_right_arithmetic3A_938 : vector<16xi32>
        %swap3A_940 = arith.constant 2 : i32
        %swap3A_941 = arith.constant 0 : i32
        %swap3A_942 = arith.index_cast %swap3A_940 : i32 to index
        %swap3A_943 = arith.index_cast %swap3A_941 : i32 to index
        %swap3A_944 = arith.constant 80 : index
        %swap3A_945 = tpu.vector_load %arg6[%swap3A_942, %swap3A_943, %swap3A_944] {strides = array<i32>} : memref<4x2x128xi32, #tpu.memory_space<vmem>>, vector<16xi32>,
        tpu.vector_store %arg6[%swap3A_942, %swap3A_943, %swap3A_944], %shift_right_arithmetic3A_939 {strides = array<i32>} : memref<4x2x128xi32, #tpu.memory_space<vmem>>, vector<16xi32>,
        %and3A_946 = arith.constant 16383 : i32
        %and3A_947 = vector.broadcast %and3A_946 : i32 to vector<16xi32>
        %and3A_948 = arith.andi %get3A_936, %and3A_947 : vector<16xi32>
        %swap3A_949 = arith.constant 2 : i32
        %swap3A_950 = arith.constant 1 : i32
        %swap3A_951 = arith.index_cast %swap3A_949 : i32 to index
        %swap3A_952 = arith.index_cast %swap3A_950 : i32 to index
        %swap3A_953 = arith.constant 80 : index
        %swap3A_954 = tpu.vector_load %arg6[%swap3A_951, %swap3A_952, %swap3A_953] {strides = array<i32>} : memref<4x2x128xi32, #tpu.memory_space<vmem>>, vector<16xi32>,
        tpu.vector_store %arg6[%swap3A_951, %swap3A_952, %swap3A_953], %and3A_948 {strides = array<i32>} : memref<4x2x128xi32, #tpu.memory_space<vmem>>, vector<16xi32>,
        %get3A_955 = arith.constant 2 : i32
        %get3A_956 = arith.index_cast %get3A_955 : i32 to index
        %get3A_957 = arith.constant 96 : index
        %get3A_958 = tpu.vector_load %arg5[%get3A_956, %get3A_957] {strides = array<i32>} : memref<4x128xi32, #tpu.memory_space<vmem>>, vector<16xi32>,
        %shift_right_arithmetic3A_959 = arith.constant 14 : i32
        %shift_right_arithmetic3A_960 = vector.broadcast %shift_right_arithmetic3A_959 : i32 to vector<16xi32>
        %shift_right_arithmetic3A_961 = arith.shrsi %get3A_958, %shift_right_arithmetic3A_960 : vector<16xi32>
        %swap3A_962 = arith.constant 2 : i32
        %swap3A_963 = arith.constant 0 : i32
        %swap3A_964 = arith.index_cast %swap3A_962 : i32 to index
        %swap3A_965 = arith.index_cast %swap3A_963 : i32 to index
        %swap3A_966 = arith.constant 96 : index
        %swap3A_967 = tpu.vector_load %arg6[%swap3A_964, %swap3A_965, %swap3A_966] {strides = array<i32>} : memref<4x2x128xi32, #tpu.memory_space<vmem>>, vector<16xi32>,
        tpu.vector_store %arg6[%swap3A_964, %swap3A_965, %swap3A_966], %shift_right_arithmetic3A_961 {strides = array<i32>} : memref<4x2x128xi32, #tpu.memory_space<vmem>>, vector<16xi32>,
        %and3A_968 = arith.constant 16383 : i32
        %and3A_969 = vector.broadcast %and3A_968 : i32 to vector<16xi32>
        %and3A_970 = arith.andi %get3A_958, %and3A_969 : vector<16xi32>
        %swap3A_971 = arith.constant 2 : i32
        %swap3A_972 = arith.constant 1 : i32
        %swap3A_973 = arith.index_cast %swap3A_971 : i32 to index
        %swap3A_974 = arith.index_cast %swap3A_972 : i32 to index
        %swap3A_975 = arith.constant 96 : index
        %swap3A_976 = tpu.vector_load %arg6[%swap3A_973, %swap3A_974, %swap3A_975] {strides = array<i32>} : memref<4x2x128xi32, #tpu.memory_space<vmem>>, vector<16xi32>,
        tpu.vector_store %arg6[%swap3A_973, %swap3A_974, %swap3A_975], %and3A_970 {strides = array<i32>} : memref<4x2x128xi32, #tpu.memory_space<vmem>>, vector<16xi32>,
        %get3A_977 = arith.constant 2 : i32
        %get3A_978 = arith.index_cast %get3A_977 : i32 to index
        %get3A_979 = arith.constant 112 : index
        %get3A_980 = tpu.vector_load %arg5[%get3A_978, %get3A_979] {strides = array<i32>} : memref<4x128xi32, #tpu.memory_space<vmem>>, vector<16xi32>,
        %shift_right_arithmetic3A_981 = arith.constant 14 : i32
        %shift_right_arithmetic3A_982 = vector.broadcast %shift_right_arithmetic3A_981 : i32 to vector<16xi32>
        %shift_right_arithmetic3A_983 = arith.shrsi %get3A_980, %shift_right_arithmetic3A_982 : vector<16xi32>
        %swap3A_984 = arith.constant 2 : i32
        %swap3A_985 = arith.constant 0 : i32
        %swap3A_986 = arith.index_cast %swap3A_984 : i32 to index
        %swap3A_987 = arith.index_cast %swap3A_985 : i32 to index
        %swap3A_988 = arith.constant 112 : index
        %swap3A_989 = tpu.vector_load %arg6[%swap3A_986, %swap3A_987, %swap3A_988] {strides = array<i32>} : memref<4x2x128xi32, #tpu.memory_space<vmem>>, vector<16xi32>,
        tpu.vector_store %arg6[%swap3A_986, %swap3A_987, %swap3A_988], %shift_right_arithmetic3A_983 {strides = array<i32>} : memref<4x2x128xi32, #tpu.memory_space<vmem>>, vector<16xi32>,
        %and3A_990 = arith.constant 16383 : i32
        %and3A_991 = vector.broadcast %and3A_990 : i32 to vector<16xi32>
        %and3A_992 = arith.andi %get3A_980, %and3A_991 : vector<16xi32>
        %swap3A_993 = arith.constant 2 : i32
        %swap3A_994 = arith.constant 1 : i32
        %swap3A_995 = arith.index_cast %swap3A_993 : i32 to index
        %swap3A_996 = arith.index_cast %swap3A_994 : i32 to index
        %swap3A_997 = arith.constant 112 : index
        %swap3A_998 = tpu.vector_load %arg6[%swap3A_995, %swap3A_996, %swap3A_997] {strides = array<i32>} : memref<4x2x128xi32, #tpu.memory_space<vmem>>, vector<16xi32>,
        tpu.vector_store %arg6[%swap3A_995, %swap3A_996, %swap3A_997], %and3A_992 {strides = array<i32>} : memref<4x2x128xi32, #tpu.memory_space<vmem>>, vector<16xi32>,
        %dma_start3A_999 = arith.constant 2 : i32
        %dma_start3A_1000 = arith.constant 0 : i32
        %dma_start3A_1001 = arith.constant 0 : i32
        %dma_start3A_1002 = tpu.memref_slice %arg6[%dma_start3A_999, %dma_start3A_1000, %dma_start3A_1001] : memref<4x2x128xi32, #tpu.memory_space<vmem>> -> memref<1x1x128xi32, #tpu.memory_space<vmem>>
        %dma_start3A_1003 = tpu.memref_squeeze %dma_start3A_1002 : memref<1x1x128xi32, #tpu.memory_space<vmem>> -> memref<128xi32, #tpu.memory_space<vmem>>
        %dma_start3A_1004 = arith.constant 0 : i32
        %dma_start3A_1005 = arith.constant 0 : i32
        %dma_start3A_1006 = tpu.memref_slice %arg2[%dma_start3A_1004, %dma_start3A_1005] : memref<10240x128xbf16, #tpu.memory_space<hbm>> -> memref<10240x128xbf16, #tpu.memory_space<hbm>>
        tpu.enqueue_indirect_dma source(%dma_start3A_1006 : memref<10240x128xbf16, #tpu.memory_space<hbm>>) target(%arg9 : memref<128x128xbf16, #tpu.memory_space<vmem>>) offsets(%dma_start3A_1003 : memref<128xi32, #tpu.memory_space<vmem>>) semaphore(%arg15 : memref<!tpu.dma_semaphore, #tpu.memory_space<semaphore_mem>>)
      } else {
      }
      %add3A_800 = arith.constant 3 : i32
      %add3A_801 = arith.addi %mul3A_700, %add3A_800 : i32
      %add3A_802 = arith.constant 5 : i32
      %add3A_803 = arith.addi %add3A_801, %add3A_802 : i32
      %lt3A_804 = arith.constant 80 : i32
      %lt3A_805 = arith.cmpi slt, %add3A_803, %lt3A_804 : i32
      %convert_element_type3A_806 = arith.extui %lt3A_805 : i1 to i32
      %cond3A_807 = arith.constant 0 : i32
      %cond3A_808 = arith.cmpi ne, %convert_element_type3A_806, %cond3A_807 : i32
      scf.if %cond3A_808 {
        %mul3A_809 = arith.constant 80 : i32
        %mul3A_810 = arith.muli %add3A, %mul3A_809 : i32
        %add3A_811 = arith.addi %mul3A_810, %add3A_803 : i32
        %dma_start3A_812 = arith.constant 0 : i32
        %dma_start3A_813 = arith.constant 0 : i32
        %dma_start3A_814 = tpu.memref_slice %arg5[%dma_start3A_812, %dma_start3A_813] : memref<4x128xi32, #tpu.memory_space<vmem>> -> memref<1x128xi32, #tpu.memory_space<vmem>>
        %dma_start3A_815 = tpu.memref_squeeze %dma_start3A_814 : memref<1x128xi32, #tpu.memory_space<vmem>> -> memref<128xi32, #tpu.memory_space<vmem>>
        %dma_start3A_816 = arith.constant 0 : i32
        %dma_start3A_817 = tpu.memref_slice %arg3[%add3A_811, %dma_start3A_816] : memref<2560x128xi32, #tpu.memory_space<hbm>> -> memref<1x128xi32, #tpu.memory_space<hbm>>
        %dma_start3A_818 = tpu.memref_squeeze %dma_start3A_817 : memref<1x128xi32, #tpu.memory_space<hbm>> -> memref<128xi32, #tpu.memory_space<hbm>>
        %dma_start3A_819 = arith.constant 0 : i32
        %dma_start3A_820 = tpu.memref_slice %arg5[%dma_start3A_812, %dma_start3A_819] : memref<4x128xi32, #tpu.memory_space<vmem>> -> memref<1x128xi32, #tpu.memory_space<vmem>>
        %dma_start3A_821 = tpu.memref_squeeze %dma_start3A_820 : memref<1x128xi32, #tpu.memory_space<vmem>> -> memref<128xi32, #tpu.memory_space<vmem>>
        %dma_start3A_822 = arith.constant 0 : i32
        %dma_start3A_823 = tpu.memref_slice %arg3[%add3A_811, %dma_start3A_822] : memref<2560x128xi32, #tpu.memory_space<hbm>> -> memref<1x128xi32, #tpu.memory_space<hbm>>
        %dma_start3A_824 = tpu.memref_squeeze %dma_start3A_823 : memref<1x128xi32, #tpu.memory_space<hbm>> -> memref<128xi32, #tpu.memory_space<hbm>>
        tpu.enqueue_dma source(%dma_start3A_824 : memref<128xi32, #tpu.memory_space<hbm>>) target(%dma_start3A_821 : memref<128xi32, #tpu.memory_space<vmem>>) target_semaphore(%arg17 : memref<!tpu.dma_semaphore, #tpu.memory_space<semaphore_mem>>)
      } else {
      }
    }
    %scan3A_687 = arith.constant 20 : i32
    %barrier3A_688 = arith.constant 0 : index
    tpu.barrier barrier_id(%barrier3A_688)
    %scan3A_689 = arith.constant 0 : i32
    %scan3A_690 = arith.constant 40 : i32
    %scan3A_691 = arith.addi %scan3A_689, %scan3A_690 : i32
    %scan3A_692 = arith.constant 1 : i32
    scf.for %scan3A_694 = %scan3A_689 to %scan3A_691 step %scan3A_692  : i32 {
      %mul3A_695 = arith.constant 1 : i32
      %mul3A_696 = arith.muli %scan3A_694, %mul3A_695 : i32
      %add3A_697 = arith.constant 0 : i32
      %add3A_698 = arith.addi %add3A_697, %mul3A_696 : i32
      %mul3A_699 = arith.constant 40 : i32
      %mul3A_700 = arith.muli %arg1, %mul3A_699 : i32
      %add3A_701 = arith.addi %mul3A_700, %add3A_698 : i32
      %mul3A_702 = arith.constant 16 : i32
      %mul3A_703 = arith.muli %add3A_701, %mul3A_702 : i32
      "tpu.region"() ({
        %run_scoped3A = tpu.sem_alloc : memref<!tpu.dma_semaphore, #tpu.memory_space<semaphore_mem>>
        %dma_start3A_704 = arith.constant 0 : i32
        %dma_start3A_705 = arith.constant 0 : i32
        %dma_start3A_706 = tpu.memref_slice %arg4[%arg0, %dma_start3A_704, %dma_start3A_705] : memref<2x10240x128xbf16, #tpu.memory_space<hbm>> -> memref<1x10240x128xbf16, #tpu.memory_space<hbm>>
        %dma_start3A_707 = tpu.memref_squeeze %dma_start3A_706 : memref<1x10240x128xbf16, #tpu.memory_space<hbm>> -> memref<10240x128xbf16, #tpu.memory_space<hbm>>
        %dma_start3A_708 = arith.constant 0 : i32
        %dma_start3A_709 = tpu.memref_slice %dma_start3A_707[%mul3A_703, %dma_start3A_708] : memref<10240x128xbf16, #tpu.memory_space<hbm>> -> memref<16x128xbf16, #tpu.memory_space<hbm>>
        %dma_start3A_710 = arith.constant 0 : i32
        %dma_start3A_711 = tpu.memref_slice %arg12[%mul3A_703, %dma_start3A_710] : memref<10240x128xbf16, #tpu.memory_space<vmem_shared>> -> memref<16x128xbf16, #tpu.memory_space<vmem_shared>>
        tpu.enqueue_dma source(%dma_start3A_711 : memref<16x128xbf16, #tpu.memory_space<vmem_shared>>) target(%dma_start3A_709 : memref<16x128xbf16, #tpu.memory_space<hbm>>) target_semaphore(%run_scoped3A : memref<!tpu.dma_semaphore, #tpu.memory_space<semaphore_mem>>)
        %dma_wait3A_712 = arith.constant 0 : i32
        %dma_wait3A_713 = arith.constant 0 : i32
        %dma_wait3A_714 = tpu.memref_slice %arg4[%arg0, %dma_wait3A_712, %dma_wait3A_713] : memref<2x10240x128xbf16, #tpu.memory_space<hbm>> -> memref<1x10240x128xbf16, #tpu.memory_space<hbm>>
        %dma_wait3A_715 = tpu.memref_squeeze %dma_wait3A_714 : memref<1x10240x128xbf16, #tpu.memory_space<hbm>> -> memref<10240x128xbf16, #tpu.memory_space<hbm>>
        %dma_wait3A_716 = arith.constant 0 : i32
        %dma_wait3A_717 = tpu.memref_slice %dma_wait3A_715[%mul3A_703, %dma_wait3A_716] : memref<10240x128xbf16, #tpu.memory_space<hbm>> -> memref<16x128xbf16, #tpu.memory_space<hbm>>
        %dma_wait3A_718 = arith.constant 0 : i32
        %dma_wait3A_719 = tpu.memref_slice %arg12[%mul3A_703, %dma_wait3A_718] : memref<10240x128xbf16, #tpu.memory_space<vmem_shared>> -> memref<16x128xbf16, #tpu.memory_space<vmem_shared>>
        tpu.wait_dma2 semaphore(%run_scoped3A : memref<!tpu.dma_semaphore, #tpu.memory_space<semaphore_mem>>) src(%dma_wait3A_719 : memref<16x128xbf16, #tpu.memory_space<vmem_shared>>) dst(%dma_wait3A_717 : memref<16x128xbf16, #tpu.memory_space<hbm>>)
        tpu.yield
      }) : () -> ()
    }
    %scan3A_693 = arith.constant 40 : i32
    return
  }
}

module attributes {stable_mosaic.version = 14 : i64} {
  func.func @_linear_body(%arg0: i32, %arg1: memref<1280x128xf32, #tpu.memory_space<vmem>>, %arg2: memref<128x128xf32, #tpu.memory_space<vmem>>, %arg3: memref<1x128xf32, #tpu.memory_space<vmem>>, %arg4: memref<1280x128xf32, #tpu.memory_space<vmem>>) attributes {dimension_semantics = [#tpu.dimension_semantics<arbitrary>], iteration_bounds = array<i64: 8>, scalar_prefetch = 0 : i64, scratch_operands = 0 : i64, tpu.core_type = #tpu.core_type<tc>, window_params = [{transform_indices = @transform_0, window_bounds = array<i64: 1280, 128>}, {pipeline_mode = #tpu.pipeline_mode<synchronous>, transform_indices = @transform_1, window_bounds = array<i64: 128, 128>}, {pipeline_mode = #tpu.pipeline_mode<synchronous>, transform_indices = @transform_2, window_bounds = array<i64: 1, 128>}, {transform_indices = @transform_3, window_bounds = array<i64: 1280, 128>}]} {
    %get3A = arith.constant 0 : index
    %get3A_0 = arith.constant 0 : index
    %get3A_1 = vector.load %arg1[%get3A, %get3A_0] : memref<1280x128xf32, #tpu.memory_space<vmem>>, vector<1280x128xf32>
    %get3A_2 = arith.constant 0 : index
    %get3A_3 = arith.constant 0 : index
    %get3A_4 = vector.load %arg2[%get3A_2, %get3A_3] : memref<128x128xf32, #tpu.memory_space<vmem>>, vector<128x128xf32>
    %dot_general3A = arith.constant dense<0.000000e+00> : vector<1280x128xf32>
    %dot_general3A_5 = tpu.matmul %get3A_1, %get3A_4, %dot_general3A {dimension_numbers = #tpu.dot_dimension_numbers<[1], [0], [0], [1], [0, 0, 1, 1], [], []>, transpose_lhs_hint = false} : vector<1280x128xf32>, vector<128x128xf32>, vector<1280x128xf32> -> vector<1280x128xf32>
    %get3A_6 = arith.constant 0 : index
    %get3A_7 = arith.constant 0 : index
    %get3A_8 = vector.load %arg3[%get3A_6, %get3A_7] : memref<1x128xf32, #tpu.memory_space<vmem>>, vector<1x128xf32>
    %add3A = vector.broadcast %get3A_8 : vector<1x128xf32> to vector<1280x128xf32>
    %add3A_9 = arith.addf %dot_general3A_5, %add3A : vector<1280x128xf32>
    %swap3A = arith.constant 0 : index
    %swap3A_10 = arith.constant 0 : index
    %swap3A_11 = vector.load %arg4[%swap3A, %swap3A_10] : memref<1280x128xf32, #tpu.memory_space<vmem>>, vector<1280x128xf32>
    tpu.vector_store %arg4[%swap3A, %swap3A_10], %add3A_9 {strides = array<i32>} : memref<1280x128xf32, #tpu.memory_space<vmem>>, vector<1280x128xf32>,
    return
  }
  func.func @transform_0(%arg0: i32) -> (i32, i32) {
    %c0_i32 = arith.constant 0 : i32
    %c0_i32_0 = arith.constant 0 : i32
    return %arg0, %c0_i32 : i32, i32
  }
  func.func @transform_1(%arg0: i32) -> (i32, i32) {
    %c0_i32 = arith.constant 0 : i32
    %c0_i32_0 = arith.constant 0 : i32
    %c0_i32_1 = arith.constant 0 : i32
    return %c0_i32, %c0_i32_0 : i32, i32
  }
  func.func @transform_2(%arg0: i32) -> (i32, i32) {
    %c0_i32 = arith.constant 0 : i32
    %c0_i32_0 = arith.constant 0 : i32
    %c0_i32_1 = arith.constant 0 : i32
    return %c0_i32, %c0_i32_0 : i32, i32
  }
  func.func @transform_3(%arg0: i32) -> (i32, i32) {
    %c0_i32 = arith.constant 0 : i32
    %c0_i32_0 = arith.constant 0 : i32
    return %arg0, %c0_i32 : i32, i32
  }
}

module attributes {stable_mosaic.version = 14 : i64} {
  func.func @body(%arg0: i32, %arg1: memref<2x1280x128xbf16, #tpu.memory_space<vmem>>, %arg2: memref<2x1280x1xf32, #tpu.memory_space<vmem>>, %arg3: memref<1280x128xf32, #tpu.memory_space<vmem>>, %arg4: memref<128x128xf32, #tpu.memory_space<vmem>>, %arg5: memref<1280x128xf32, #tpu.memory_space<vmem>>, %arg6: memref<1280x128xbf16, #tpu.memory_space<vmem>>) attributes {dimension_semantics = [#tpu.dimension_semantics<arbitrary>], iteration_bounds = array<i64: 8>, scalar_prefetch = 0 : i64, scratch_operands = 0 : i64, tpu.core_type = #tpu.core_type<tc>, window_params = [{transform_indices = @transform_0, window_bounds = array<i64: 2, 1280, 128>}, {transform_indices = @transform_1, window_bounds = array<i64: 2, 1280, 1>}, {transform_indices = @transform_2, window_bounds = array<i64: 1280, 128>}, {pipeline_mode = #tpu.pipeline_mode<synchronous>, transform_indices = @transform_3, window_bounds = array<i64: 128, 128>}, {transform_indices = @transform_4, window_bounds = array<i64: 1280, 128>}, {transform_indices = @transform_5, window_bounds = array<i64: 1280, 128>}]} {
    %get3A = arith.constant 0 : index
    %get3A_0 = arith.constant 0 : index
    %get3A_1 = arith.constant 0 : index
    %get3A_2 = vector.load %arg1[%get3A, %get3A_0, %get3A_1] : memref<2x1280x128xbf16, #tpu.memory_space<vmem>>, vector<1x1280x128xbf16>
    %get3A_3 = vector.shape_cast %get3A_2 : vector<1x1280x128xbf16> to vector<1280x128xbf16>
    %convert_element_type3A = arith.extf %get3A_3 : vector<1280x128xbf16> to vector<1280x128xf32>
    %get3A_4 = arith.constant 1 : index
    %get3A_5 = arith.constant 0 : index
    %get3A_6 = arith.constant 0 : index
    %get3A_7 = vector.load %arg1[%get3A_4, %get3A_5, %get3A_6] : memref<2x1280x128xbf16, #tpu.memory_space<vmem>>, vector<1x1280x128xbf16>
    %get3A_8 = vector.shape_cast %get3A_7 : vector<1x1280x128xbf16> to vector<1280x128xbf16>
    %convert_element_type3A_9 = arith.extf %get3A_8 : vector<1280x128xbf16> to vector<1280x128xf32>
    %add3A = arith.addf %convert_element_type3A, %convert_element_type3A_9 : vector<1280x128xf32>
    %get3A_10 = arith.constant 0 : index
    %get3A_11 = arith.constant 0 : index
    %get3A_12 = arith.constant 0 : index
    %get3A_13 = vector.load %arg2[%get3A_10, %get3A_11, %get3A_12] : memref<2x1280x1xf32, #tpu.memory_space<vmem>>, vector<1x1280x1xf32>
    %get3A_14 = vector.shape_cast %get3A_13 : vector<1x1280x1xf32> to vector<1280x1xf32>
    %get3A_15 = arith.constant 1 : index
    %get3A_16 = arith.constant 0 : index
    %get3A_17 = arith.constant 0 : index
    %get3A_18 = vector.load %arg2[%get3A_15, %get3A_16, %get3A_17] : memref<2x1280x1xf32, #tpu.memory_space<vmem>>, vector<1x1280x1xf32>
    %get3A_19 = vector.shape_cast %get3A_18 : vector<1x1280x1xf32> to vector<1280x1xf32>
    %add3A_20 = arith.addf %get3A_14, %get3A_19 : vector<1280x1xf32>
    %max3A = arith.constant 1.000000e+00 : f32
    %max3A_21 = vector.broadcast %max3A : f32 to vector<1280x1xf32>
    %max3A_22 = arith.maximumf %add3A_20, %max3A_21 : vector<1280x1xf32>
    %div3A = vector.broadcast %max3A_22 : vector<1280x1xf32> to vector<1280x128xf32>
    %div3A_23 = arith.divf %add3A, %div3A : vector<1280x128xf32>
    %get3A_24 = arith.constant 0 : index
    %get3A_25 = arith.constant 0 : index
    %get3A_26 = vector.load %arg4[%get3A_24, %get3A_25] : memref<128x128xf32, #tpu.memory_space<vmem>>, vector<128x128xf32>
    %dot_general3A = arith.constant dense<0.000000e+00> : vector<1280x128xf32>
    %dot_general3A_27 = tpu.matmul %div3A_23, %get3A_26, %dot_general3A {dimension_numbers = #tpu.dot_dimension_numbers<[1], [0], [0], [1], [0, 0, 1, 1], [], []>, transpose_lhs_hint = false} : vector<1280x128xf32>, vector<128x128xf32>, vector<1280x128xf32> -> vector<1280x128xf32>
    %get3A_28 = arith.constant 0 : index
    %get3A_29 = arith.constant 0 : index
    %get3A_30 = vector.load %arg3[%get3A_28, %get3A_29] : memref<1280x128xf32, #tpu.memory_space<vmem>>, vector<1280x128xf32>
    %add3A_31 = arith.addf %dot_general3A_27, %get3A_30 : vector<1280x128xf32>
    %max3A_32 = arith.constant 0.000000e+00 : f32
    %max3A_33 = vector.broadcast %max3A_32 : f32 to vector<1280x128xf32>
    %max3A_34 = arith.maximumf %add3A_31, %max3A_33 : vector<1280x128xf32>
    %swap3A = arith.constant 0 : index
    %swap3A_35 = arith.constant 0 : index
    %swap3A_36 = vector.load %arg5[%swap3A, %swap3A_35] : memref<1280x128xf32, #tpu.memory_space<vmem>>, vector<1280x128xf32>
    tpu.vector_store %arg5[%swap3A, %swap3A_35], %max3A_34 {strides = array<i32>} : memref<1280x128xf32, #tpu.memory_space<vmem>>, vector<1280x128xf32>,
    %convert_element_type3A_37 = arith.truncf %max3A_34 : vector<1280x128xf32> to vector<1280x128xbf16>
    %swap3A_38 = arith.constant 0 : index
    %swap3A_39 = arith.constant 0 : index
    %swap3A_40 = vector.load %arg6[%swap3A_38, %swap3A_39] : memref<1280x128xbf16, #tpu.memory_space<vmem>>, vector<1280x128xbf16>
    tpu.vector_store %arg6[%swap3A_38, %swap3A_39], %convert_element_type3A_37 {strides = array<i32>} : memref<1280x128xbf16, #tpu.memory_space<vmem>>, vector<1280x128xbf16>,
    return
  }
  func.func @transform_0(%arg0: i32) -> (i32, i32, i32) {
    %c0_i32 = arith.constant 0 : i32
    %c0_i32_0 = arith.constant 0 : i32
    %c0_i32_1 = arith.constant 0 : i32
    return %c0_i32, %arg0, %c0_i32_0 : i32, i32, i32
  }
  func.func @transform_1(%arg0: i32) -> (i32, i32, i32) {
    %c0_i32 = arith.constant 0 : i32
    %c0_i32_0 = arith.constant 0 : i32
    %c0_i32_1 = arith.constant 0 : i32
    return %c0_i32, %arg0, %c0_i32_0 : i32, i32, i32
  }
  func.func @transform_2(%arg0: i32) -> (i32, i32) {
    %c0_i32 = arith.constant 0 : i32
    %c0_i32_0 = arith.constant 0 : i32
    return %arg0, %c0_i32 : i32, i32
  }
  func.func @transform_3(%arg0: i32) -> (i32, i32) {
    %c0_i32 = arith.constant 0 : i32
    %c0_i32_0 = arith.constant 0 : i32
    %c0_i32_1 = arith.constant 0 : i32
    return %c0_i32, %c0_i32_0 : i32, i32
  }
  func.func @transform_4(%arg0: i32) -> (i32, i32) {
    %c0_i32 = arith.constant 0 : i32
    %c0_i32_0 = arith.constant 0 : i32
    return %arg0, %c0_i32 : i32, i32
  }
  func.func @transform_5(%arg0: i32) -> (i32, i32) {
    %c0_i32 = arith.constant 0 : i32
    %c0_i32_0 = arith.constant 0 : i32
    return %arg0, %c0_i32 : i32, i32
  }
}

module attributes {stable_mosaic.version = 14 : i64} {
  func.func @_combine_body(%arg0: i32, %arg1: memref<2x1280x128xbf16, #tpu.memory_space<vmem>>, %arg2: memref<2x1280x1xf32, #tpu.memory_space<vmem>>, %arg3: memref<1280x128xf32, #tpu.memory_space<vmem>>, %arg4: memref<128x128xf32, #tpu.memory_space<vmem>>, %arg5: memref<128x128xf32, #tpu.memory_space<vmem>>, %arg6: memref<1x128xf32, #tpu.memory_space<vmem>>, %arg7: memref<1280x128xf32, #tpu.memory_space<vmem>>) attributes {dimension_semantics = [#tpu.dimension_semantics<arbitrary>], iteration_bounds = array<i64: 8>, scalar_prefetch = 0 : i64, scratch_operands = 0 : i64, tpu.core_type = #tpu.core_type<tc>, window_params = [{transform_indices = @transform_0, window_bounds = array<i64: 2, 1280, 128>}, {transform_indices = @transform_1, window_bounds = array<i64: 2, 1280, 1>}, {transform_indices = @transform_2, window_bounds = array<i64: 1280, 128>}, {pipeline_mode = #tpu.pipeline_mode<synchronous>, transform_indices = @transform_3, window_bounds = array<i64: 128, 128>}, {pipeline_mode = #tpu.pipeline_mode<synchronous>, transform_indices = @transform_4, window_bounds = array<i64: 128, 128>}, {pipeline_mode = #tpu.pipeline_mode<synchronous>, transform_indices = @transform_5, window_bounds = array<i64: 1, 128>}, {transform_indices = @transform_6, window_bounds = array<i64: 1280, 128>}]} {
    %get3A = arith.constant 0 : index
    %get3A_0 = arith.constant 0 : index
    %get3A_1 = arith.constant 0 : index
    %get3A_2 = vector.load %arg1[%get3A, %get3A_0, %get3A_1] : memref<2x1280x128xbf16, #tpu.memory_space<vmem>>, vector<1x1280x128xbf16>
    %get3A_3 = vector.shape_cast %get3A_2 : vector<1x1280x128xbf16> to vector<1280x128xbf16>
    %convert_element_type3A = arith.extf %get3A_3 : vector<1280x128xbf16> to vector<1280x128xf32>
    %get3A_4 = arith.constant 1 : index
    %get3A_5 = arith.constant 0 : index
    %get3A_6 = arith.constant 0 : index
    %get3A_7 = vector.load %arg1[%get3A_4, %get3A_5, %get3A_6] : memref<2x1280x128xbf16, #tpu.memory_space<vmem>>, vector<1x1280x128xbf16>
    %get3A_8 = vector.shape_cast %get3A_7 : vector<1x1280x128xbf16> to vector<1280x128xbf16>
    %convert_element_type3A_9 = arith.extf %get3A_8 : vector<1280x128xbf16> to vector<1280x128xf32>
    %add3A = arith.addf %convert_element_type3A, %convert_element_type3A_9 : vector<1280x128xf32>
    %get3A_10 = arith.constant 0 : index
    %get3A_11 = arith.constant 0 : index
    %get3A_12 = arith.constant 0 : index
    %get3A_13 = vector.load %arg2[%get3A_10, %get3A_11, %get3A_12] : memref<2x1280x1xf32, #tpu.memory_space<vmem>>, vector<1x1280x1xf32>
    %get3A_14 = vector.shape_cast %get3A_13 : vector<1x1280x1xf32> to vector<1280x1xf32>
    %get3A_15 = arith.constant 1 : index
    %get3A_16 = arith.constant 0 : index
    %get3A_17 = arith.constant 0 : index
    %get3A_18 = vector.load %arg2[%get3A_15, %get3A_16, %get3A_17] : memref<2x1280x1xf32, #tpu.memory_space<vmem>>, vector<1x1280x1xf32>
    %get3A_19 = vector.shape_cast %get3A_18 : vector<1x1280x1xf32> to vector<1280x1xf32>
    %add3A_20 = arith.addf %get3A_14, %get3A_19 : vector<1280x1xf32>
    %max3A = arith.constant 1.000000e+00 : f32
    %max3A_21 = vector.broadcast %max3A : f32 to vector<1280x1xf32>
    %max3A_22 = arith.maximumf %add3A_20, %max3A_21 : vector<1280x1xf32>
    %div3A = vector.broadcast %max3A_22 : vector<1280x1xf32> to vector<1280x128xf32>
    %div3A_23 = arith.divf %add3A, %div3A : vector<1280x128xf32>
    %get3A_24 = arith.constant 0 : index
    %get3A_25 = arith.constant 0 : index
    %get3A_26 = vector.load %arg4[%get3A_24, %get3A_25] : memref<128x128xf32, #tpu.memory_space<vmem>>, vector<128x128xf32>
    %dot_general3A = arith.constant dense<0.000000e+00> : vector<1280x128xf32>
    %dot_general3A_27 = tpu.matmul %div3A_23, %get3A_26, %dot_general3A {dimension_numbers = #tpu.dot_dimension_numbers<[1], [0], [0], [1], [0, 0, 1, 1], [], []>, transpose_lhs_hint = false} : vector<1280x128xf32>, vector<128x128xf32>, vector<1280x128xf32> -> vector<1280x128xf32>
    %get3A_28 = arith.constant 0 : index
    %get3A_29 = arith.constant 0 : index
    %get3A_30 = vector.load %arg3[%get3A_28, %get3A_29] : memref<1280x128xf32, #tpu.memory_space<vmem>>, vector<1280x128xf32>
    %add3A_31 = arith.addf %dot_general3A_27, %get3A_30 : vector<1280x128xf32>
    %max3A_32 = arith.constant 0.000000e+00 : f32
    %max3A_33 = vector.broadcast %max3A_32 : f32 to vector<1280x128xf32>
    %max3A_34 = arith.maximumf %add3A_31, %max3A_33 : vector<1280x128xf32>
    %get3A_35 = arith.constant 0 : index
    %get3A_36 = arith.constant 0 : index
    %get3A_37 = vector.load %arg5[%get3A_35, %get3A_36] : memref<128x128xf32, #tpu.memory_space<vmem>>, vector<128x128xf32>
    %dot_general3A_38 = arith.constant dense<0.000000e+00> : vector<1280x128xf32>
    %dot_general3A_39 = tpu.matmul %max3A_34, %get3A_37, %dot_general3A_38 {dimension_numbers = #tpu.dot_dimension_numbers<[1], [0], [0], [1], [0, 0, 1, 1], [], []>, transpose_lhs_hint = false} : vector<1280x128xf32>, vector<128x128xf32>, vector<1280x128xf32> -> vector<1280x128xf32>
    %get3A_40 = arith.constant 0 : index
    %get3A_41 = arith.constant 0 : index
    %get3A_42 = vector.load %arg6[%get3A_40, %get3A_41] : memref<1x128xf32, #tpu.memory_space<vmem>>, vector<1x128xf32>
    %add3A_43 = vector.broadcast %get3A_42 : vector<1x128xf32> to vector<1280x128xf32>
    %add3A_44 = arith.addf %dot_general3A_39, %add3A_43 : vector<1280x128xf32>
    %swap3A = arith.constant 0 : index
    %swap3A_45 = arith.constant 0 : index
    %swap3A_46 = vector.load %arg7[%swap3A, %swap3A_45] : memref<1280x128xf32, #tpu.memory_space<vmem>>, vector<1280x128xf32>
    tpu.vector_store %arg7[%swap3A, %swap3A_45], %add3A_44 {strides = array<i32>} : memref<1280x128xf32, #tpu.memory_space<vmem>>, vector<1280x128xf32>,
    return
  }
  func.func @transform_0(%arg0: i32) -> (i32, i32, i32) {
    %c0_i32 = arith.constant 0 : i32
    %c0_i32_0 = arith.constant 0 : i32
    %c0_i32_1 = arith.constant 0 : i32
    return %c0_i32, %arg0, %c0_i32_0 : i32, i32, i32
  }
  func.func @transform_1(%arg0: i32) -> (i32, i32, i32) {
    %c0_i32 = arith.constant 0 : i32
    %c0_i32_0 = arith.constant 0 : i32
    %c0_i32_1 = arith.constant 0 : i32
    return %c0_i32, %arg0, %c0_i32_0 : i32, i32, i32
  }
  func.func @transform_2(%arg0: i32) -> (i32, i32) {
    %c0_i32 = arith.constant 0 : i32
    %c0_i32_0 = arith.constant 0 : i32
    return %arg0, %c0_i32 : i32, i32
  }
  func.func @transform_3(%arg0: i32) -> (i32, i32) {
    %c0_i32 = arith.constant 0 : i32
    %c0_i32_0 = arith.constant 0 : i32
    %c0_i32_1 = arith.constant 0 : i32
    return %c0_i32, %c0_i32_0 : i32, i32
  }
  func.func @transform_4(%arg0: i32) -> (i32, i32) {
    %c0_i32 = arith.constant 0 : i32
    %c0_i32_0 = arith.constant 0 : i32
    %c0_i32_1 = arith.constant 0 : i32
    return %c0_i32, %c0_i32_0 : i32, i32
  }
  func.func @transform_5(%arg0: i32) -> (i32, i32) {
    %c0_i32 = arith.constant 0 : i32
    %c0_i32_0 = arith.constant 0 : i32
    %c0_i32_1 = arith.constant 0 : i32
    return %c0_i32, %c0_i32_0 : i32, i32
  }
  func.func @transform_6(%arg0: i32) -> (i32, i32) {
    %c0_i32 = arith.constant 0 : i32
    %c0_i32_0 = arith.constant 0 : i32
    return %arg0, %c0_i32 : i32, i32
  }
}

</mosaic_0001>

<sc_bundles>
// kernel: kernel.11.cloned.1.call-start
scs
__scs_entry_jumppad:
0x0: {  	(pc) =	sbr.rel $0x88, $3  }
0x1: {  	(tag) =	ssettag $0x0;
	lr =	simm.s32 $0x1  }
0x2: {  	[smem:$0x3F97] =	sst lr;
	_ =	strace $0xD0000000  }
0x3: {  	_ = 	snop  }
0x4: {  	_ = 	snop  }
0x5: {  	_ = 	snop  }
0x6: {  	_ = 	snop  }
0x7: {  	_ = 	snop  }
__scs_overlays_trampoline_lowered:
0x8: {  	[smem:$0x3FA6] =	sst s0  }
0x9: {  	[smem:$0x3FA7] =	sst s1  }
0xa: {  	[smem:$0x3FA8] =	sst s2  }
0xb: {  	[smem:$0x3FA9] =	sst s3  }
0xc: {  	[smem:$0x3FAA] =	sst s4  }
0xd: {  	[smem:$0x3FAB] =	sst s5  }
0xe: {  	[smem:$0x3FAC] =	sst s6  }
0xf: {  	[smem:$0x3FAD] =	sst s7  }
0x10: {  	[smem:$0x3FAE] =	sst s8  }
0x11: {  	[smem:$0x3FAF] =	sst s9;
	s0 =	simm.s32 @!p0 $0x0  }
0x12: {  	s1 =	sld [smem:$0x3F95];
	s0 =	simm.s32 @p0 $0x1  }
0x13: {  	[smem:$0x3FB0] =	sst s0;
	s0 =	simm.s32 @!p1 $0x0  }
0x14: {  	s2 =	sld [smem:$0x3F94];
	s0 =	simm.s32 @p1 $0x1  }
0x15: {  	[smem:$0x3FB1] =	sst s0;
	s0 =	simm.s32 @!p2 $0x0  }
0x16: {  	s3 =	sld [smem:$0x3FDB];
	s0 =	simm.s32 @p2 $0x1  }
0x17: {  	s4 =	simm.s32 $0x1BF5;
	[smem:$0x3FB3] =	sst s0  }
0x18: {  	s0 =	sld [smem:$0x3F96];
	_ =	swait.ge [sflag:s4], $0x0  }
0x19: {  	s7 =	sld [smem:$0x3F97]  }
0x1a: {  	s8 =	sadd.s32 $0xFFFFE003, lr  }
0x1b: {  	s9 =	sadd.s32 $0xFFFFFEF7, lr;
	s5 =	simm.s32 $0xFFFFFFFF;
	p2 =	slt.u32 s8, $0xFFFFF086  }
0x1c: {  	p1 =	slt.u32 s9, $0xF7A;
	s5 =	simm.s32 @!p2 $0x0  }
0x1d: {  	s5 =	simm.s32 @p1 $0x1;
	p0 =	seq.s32 s7, s2  }
0x1e: {  	s7 =	smul.u32 @!p0 $0xF7A, s2;
	p2 =	seq.s32 @!p0 s5, $0x0  }
0x1f: {  	s9 =	smul.u32 $0xF7A, s1;
	s8 =	simm.s32 @!p0 $0x1BF5;
	p2 =	por !p2, p0  }
0x20: {  	[sflag:s8] =	ssyncset.s32 @!p0 $0xFFFFF086;
	s6 =	sadd.s32 @!p0 s3, s7;
	s7 =	simm.s32 @!p0 $0x108  }
0x21: {  	s3 =	sadd.s32 s3, s9;
	s6 =	sadd.s32 @!p0 $0x88, s6;
	s7 =	simm.s32 @p2 $0x1082  }
0x22: {  	[simem:s7], [sflag:s8] =	dma.local @!p0 [hbm:s6], $0xF7A  }
0x23: {  	s9 =	sor.u32 $0xD0000000, s2;
	s6 =	simm.s32 $0x108;
	_ =	swait.ge @!p0 [sflag:s8], $0x0  }
0x24: {  	s3 =	sadd.s32 $0x88, s3;
	s6 =	simm.s32 @!p1 $0x1082;
	[sflag:s4] =	ssyncset.s32 $0xFFFFF086  }
0x25: {  	[simem:s6], [sflag:s4] =	dma.local [hbm:s3], $0xF7A  }
0x26: {  	[smem:$0x3F97] =	sst s1;
	(tag) =	ssettag s2;
	_ =	strace s9  }
0x27: {  	s1 =	sld [smem:$0x3FA7]  }
0x28: {  	s2 =	sld [smem:$0x3FA8]  }
0x29: {  	s4 =	sld [smem:$0x3FAA]  }
0x2a: {  	p0 =	seq.s32 s5, $0x0;
	s5 =	sld [smem:$0x3FAB]  }
0x2b: {  	s6 =	sld [smem:$0x3FAC]  }
0x2c: {  	s7 =	sld [smem:$0x3FAD]  }
0x2d: {  	s3 =	simm.s32 $0x108;
	s8 =	sld [smem:$0x3FAE]  }
0x2e: {  	s3 =	simm.s32 @!p0 $0x1082;
	s9 =	sld [smem:$0x3FAF]  }
0x2f: {  	lr =	sadd.s32 s0, s3;
	s0 =	sld [smem:$0x3FA6]  }
0x30: {  	s3 =	sld [smem:$0x3FA9]  }
0x31: {  	[smem:$0x3FB2] =	sst s10  }
0x32: {  	s10 =	sld [smem:$0x3FB0];
	_ =	sdelay $0x3  }
0x33: {  	p0 =	seq.s32 s10, $0x1;
	s10 =	sld [smem:$0x3FB2];
	_ =	sdelay $0x3  }
0x34: {  	[smem:$0x3FB2] =	sst s10  }
0x35: {  	s10 =	sld [smem:$0x3FB1];
	_ =	sdelay $0x3  }
0x36: {  	p1 =	seq.s32 s10, $0x1;
	s10 =	sld [smem:$0x3FB2];
	_ =	sdelay $0x3  }
0x37: {  	[smem:$0x3FB2] =	sst s10  }
0x38: {  	s10 =	sld [smem:$0x3FB3]  }
0x39: {  	_ = 	snop;
	(pc) =	sbr.ind lr, $3  }
0x3a: {  	_ = 	snop  }
0x3b: {  	_ = 	snop  }
0x3c: {  	p2 =	seq.s32 s10, $0x1;
	s10 =	sld [smem:$0x3FB2]  }
0x3d: {  	_ =	shalt  }
0x3e: {  	_ =	shalt  }
0x3f: {  	_ =	shalt  }
0x40: {  	_ =	shalt  }
0x41: {  	_ =	shalt  }
0x42: {  	_ =	shalt  }
0x43: {  	_ =	shalt  }
0x44: {  	_ =	shalt  }
0x45: {  	_ =	shalt  }
0x46: {  	_ =	shalt  }
0x47: {  	_ =	shalt  }
0x48: {  	_ =	shalt  }
0x49: {  	_ =	shalt  }
0x4a: {  	_ =	shalt  }
0x4b: {  	_ =	shalt  }
0x4c: {  	_ =	shalt  }
0x4d: {  	_ =	shalt  }
0x4e: {  	_ =	shalt  }
0x4f: {  	_ =	shalt  }
0x50: {  	_ =	shalt  }
0x51: {  	_ =	shalt  }
0x52: {  	_ =	shalt  }
0x53: {  	_ =	shalt  }
0x54: {  	_ =	shalt  }
0x55: {  	_ =	shalt  }
0x56: {  	_ =	shalt  }
0x57: {  	_ =	shalt  }
0x58: {  	_ =	shalt  }
0x59: {  	_ =	shalt  }
0x5a: {  	_ =	shalt  }
0x5b: {  	_ =	shalt  }
0x5c: {  	_ =	shalt  }
0x5d: {  	_ =	shalt  }
0x5e: {  	_ =	shalt  }
0x5f: {  	_ =	shalt  }
0x60: {  	_ =	shalt  }
0x61: {  	_ =	shalt  }
0x62: {  	_ =	shalt  }
0x63: {  	_ =	shalt  }
0x64: {  	_ =	shalt  }
0x65: {  	_ =	shalt  }
0x66: {  	_ =	shalt  }
0x67: {  	_ =	shalt  }
0x68: {  	_ =	shalt  }
0x69: {  	_ =	shalt  }
0x6a: {  	_ =	shalt  }
0x6b: {  	_ =	shalt  }
0x6c: {  	_ =	shalt  }
0x6d: {  	_ =	shalt  }
0x6e: {  	_ =	shalt  }
0x6f: {  	_ =	shalt  }
0x70: {  	_ =	shalt  }
0x71: {  	_ =	shalt  }
0x72: {  	_ =	shalt  }
0x73: {  	_ =	shalt  }
0x74: {  	_ =	shalt  }
0x75: {  	_ =	shalt  }
0x76: {  	_ =	shalt  }
0x77: {  	_ =	shalt  }
0x78: {  	_ =	shalt  }
0x79: {  	_ =	shalt  }
0x7a: {  	_ =	shalt  }
0x7b: {  	_ =	shalt  }
0x7c: {  	_ =	shalt  }
0x7d: {  	_ =	shalt  }
0x7e: {  	_ =	shalt  }
0x7f: {  	_ =	shalt  }
0x80: {  	_ =	shalt  }
0x81: {  	_ =	shalt  }
0x82: {  	_ =	shalt  }
0x83: {  	_ =	shalt  }
0x84: {  	_ =	shalt  }
0x85: {  	_ =	shalt  }
0x86: {  	_ =	shalt  }
0x87: {  	_ =	shalt  }
.Lfunc_end0:
.L_simem_size_0:
called_computation.1_lowered:
.L_overlay_start_0:
0x88: {  	s2 =	sld [smem:$0x3FD9]  }
0x89: {  	s3 =	sld [smem:$0x3FFE];
	_ =	sdelay $0x1  }
0x8a: {  	s1 =	srdreg.scid  }
0x8b: {  	s0 =	sand.u32 $0x1, s1  }
0x8c: {  	s17 =	sshll.u32 s0, $0xA;
	s2 =	sadd.s32 s3, s2  }
0x8d: {  	s2 =	sadd.s32 s2, s17  }
0x8e: {  	[smem:$0x3FBE] =	sst s2  }
0x8f: {  	_ = 	snop  }
0x90: {  	s2 =	sld [smem:$0x3FD0];
	(tm) =	ssettm $0x1  }
0x91: {  	s18 =	sld [smem:$0x3FFB];
	_ =	sdelay $0x3  }
0x92: {  	_ =	strace s18  }
0x93: {  	s3 =	sld [smem:$0x3FFC];
	_ =	sdelay $0x3  }
0x94: {  	_ =	strace s3  }
0x95: {  	s3 =	sld [smem:$0x3FFD];
	_ =	sdelay $0x3  }
0x96: {  	_ =	strace s3  }
0x97: {  	_ =	strace $0x8FFFFFFF  }
0x98: {  	s19 =	sld [smem:$0x3FDB];
	_ =	sdelay $0x1  }
0x99: {  	s4 =	simm.s32 $_scs_section_size  }
0x9a: {  	s5 =	simm.s32 $_size__tile_overlayer_lowered;
	s6 =	simm.s32 $_tile_overlayer_lowered  }
0x9b: {  	s22 =	simm.s32 $0x1BFF;
	s21 =	sshll.u32 s6, $0x1;
	s3 =	sadd.s32 s4, s19  }
0x9c: {  	s7 =	simm.s32 $0x0;
	s20 =	sshll.u32 s5, $0x1;
	s5 =	sadd.s32 s21, s3  }
0x9d: {  	[timem:s7], [sflag:s22] =	dma.local [hbm:s5], s20  }
0x9e: {  	_ =	swait.ge [sflag:s22], s20  }
0x9f: {  	s4 =	ssub.s32 $0x0, s20;
	[sflag:s22] =	ssyncset.done $0x0  }
0xa0: {  	[sflag:s22] =	ssyncadd.s32 s4;
	_ =	sdelay $0x1  }
0xa1: {  	s23 =	simm.s32 $0x1B8B  }
0xa2: {  	_ =	swait.ge [sflag:s23], $0x1  }
0xa3: {  	[sflag:s23] =	ssyncset.done $0x0  }
0xa4: {  	s25 =	simm.s32 $0x1B8E;
	s24 =	sld [smem:$0x3FFE];
	[sflag:s23] =	ssyncadd.s32 $0xFFFFFFFF  }
0xa5: {  	s26 =	simm.s32 $execute0_lowered;
	[smem:$0x3FD2] =	sst s25  }
0xa6: {  	s5 =	sshll.u32 s26, $0x1;
	_ =	strace $0x80000049;
	[dreg:$0x1] =	wrdreg $0xFFFFFFFF  }
0xa7: {  	s28 =	simm.s32 $_size_execute0_lowered;
	s3 =	sadd.s32 s3, s5;
	[dreg:$0x0] =	wrdreg $0x0  }
0xa8: {  	s5 =	sshll.u32 s28, $0x1;
	[dreg:$0x2] =	wrdreg s3  }
0xa9: {  	[dreg:$0x3] =	wrdreg s5  }
0xaa: {  	[dreg:$0x4] =	wrdreg $0xC0  }
0xab: {  	_ =	task [dreg:s7], $0x5FFFF  }
0xac: {  	[dreg:$0x1] =	wrdreg $0xFFFFFFFF  }
0xad: {  	[dreg:$0x0] =	wrdreg $0x60  }
0xae: {  	[dreg:$0x2] =	wrdreg s2  }
0xaf: {  	[dreg:$0x3] =	wrdreg s24  }
0xb0: {  	[dreg:$0x4] =	wrdreg $0x8A000  }
0xb1: {  	[dreg:$0x5] =	wrdreg $0x9  }
0xb2: {  	_ =	task.clear_ibuf [dreg:s7], $0x6FFFF;
	_ =	strace $0x90000049  }
0xb3: {  	s29 =	simm.s32 $0x9;
	_ =	strace $0x8000004B  }
0xb4: {  	_ =	swait.ge [sflag:s29], $0x1  }
0xb5: {  	[sflag:s29] =	ssyncadd.s32 $0xFFFFFFFF  }
0xb6: {  	_ =	strace $0x9000004B  }
0xb7: {  	_ =	sfence  }
0xb8: {  	s30 =	sld [smem:$0x0];
	_ =	sdelay $0x2  }
0xb9: {  	s31 =	sshll.u32 s1, $0xD;
	s1 =	sshrl.u32 s1, $0x2  }
0xba: {  	s3 =	sand.u32 $0x4000, s31;
	s1 =	sadd.s32 s1, s30  }
0xbb: {  	s0 =	sor.u32 s3, s0;
	s1 =	sshll.u32 s1, $0x11  }
0xbc: {  	s0 =	sor.u32 s1, s0  }
0xbd: {  	s0 =	sadd.s32 $0x8F2B, s0  }
0xbe: {  	[sflag:s0] =	ssyncadd.remote.s32 $0x1  }
0xbf: {  	_ =	sfence.sel $0xFFFF  }
0xc0: {  	[dreg:$0x0] =	wrdreg $0xFFFFFFFF;
	(pc) =	sbr.abs _section_cstart, $3  }
0xc1: {  	[dreg:$0x1] =	wrdreg $0xFFFFFFFF  }
0xc2: {  	_ =	task.clear_ibuf [dreg:s7], $0x2FFFF;
	_ =	strace $0x9FFFFFFF  }
0xc3: {  	(tm) =	ssettm $0x7FFFFFFF  }
tec
execute0_lowered:
.L_overlay_start_1:
0x0: {  	(tag) =	ssettag $0x1  }
0x1: {  	s1 =	rddreg [dreg:$0x0]  }
0x2: {  	s0 =	rddreg [dreg:$0x1]  }
0x3: {  	s3 =	rddreg [dreg:$0x2]  }
0x4: {  	s4 =	simm.s32 $0x0;
	s2 =	srdreg.scid;
	s10 =	stileid.u32  }
0x5: {  	s15 =	simm.s32 $0x8600;
	s16 =	simm.s32 $0x9;
	s17 =	simm.s32 $0x80  }
0x6: {  	s19 =	simm.s32 $0x5;
	s21 =	simm.s32 $0x600;
	s28 =	simm.s32 $0x7  }
0x7: {  	s29 =	simm.s32 $0x400;
	s30 =	simm.s32 $0x4600;
	s31 =	simm.s32 $0x1  }
0x8: {  	s18 =	simm.s32 $0x4;
	s20 =	simm.s32 $0x580;
	s9 =	smul.u32 $0xA0, s10  }
0x9: {  	[smem:$0x7FF] =	sst s4;
	s2 =	sand.u32 $0x1, s2;
	s25 =	smul.u32 $0x28000, s10  }
0xa: {  	s5 =	sshll.u32 s10, $0x1;
	s7 =	sadd.s32 $0x1A00, s0;
	s26 =	smul.u32 $0x1400, s10  }
0xb: {  	s10 =	simm.s32 $0x3;
	_ =	strace $0x8000004A;
	s6 =	smul.u32 $0x14000, s2  }
0xc: {  	s5 =	sor.u32 s2, s5;
	s8 =	ssub.s32 $0x2, s2;
	s2 =	smul.u32 $0x50, s2  }
0xd: {  	s5 =	smul.u32 $0x500, s5;
	s22 =	sshrl.u32 s8, $0x1;
	s0 =	sadd.s32 s6, s0  }
0xe: {  	s6 =	ssub.s32 s8, s22;
	s2 =	sadd.s32 s2, s9;
	s22 =	simm.s32 $0x100  }
0xf: {  	s23 =	sadd.s32 s7, s5;
	s0 =	sadd.s32 $0x5BA00, s0;
	s2 =	sshll.u32 s2, $0x4  }
0x10: {  	s6 =	smax.u32 s6, $0x1;
	s5 =	sadd.s32 $0x10, s23;
	[dreg:$0x4] =	wrdreg s23  }
0x11: {  	s24 =	sadd.s32 $0x20, s23;
	s11 =	sadd.s32 $0x30, s23;
	[dreg:$0x9] =	wrdreg s6  }
0x12: {  	s8 =	sadd.s32 $0x40, s23;
	s12 =	sadd.s32 s2, s7;
	[dreg:$0x5] =	wrdreg s5  }
0x13: {  	s23 =	simm.s32 $0x6;
	s2 =	simm.s32 $0x8;
	[dreg:$0x6] =	wrdreg s24  }
0x14: {  	s7 =	simm.s32 $0x6600;
	s6 =	simm.s32 $0x0;
	[dreg:$0x7] =	wrdreg s11  }
0x15: {  	[dreg:$0x8] =	wrdreg s8;
	s5 =	sshrl.u32 s25, $0x2;
	s13 =	sadd.s32 $0x80, s12  }
0x16: {  	s24 =	sadd.s32 s0, s26;
	s25 =	simm.s32 $0x300;
	s26 =	simm.s32 $0x2600  }
0x17: {  	v0 =	vimm.bf16 $0.0e+00;
	s8 =	simm.s32 $0x2;
	s11 =	sadd.s32 s5, s3;
	s5 =	sadd.s32 $0x60, s12  }
.LBB2_1:
0x18: {  	[tilespmem:$0x8600] =	vst v0  }
0x19: {  	[tilespmem:$0x8610] =	vst v0  }
0x1a: {  	[tilespmem:$0x8620] =	vst v0  }
0x1b: {  	[tilespmem:$0x8630] =	vst v0  }
0x1c: {  	[tilespmem:$0x8640] =	vst v0  }
0x1d: {  	[tilespmem:$0x8650] =	vst v0  }
0x1e: {  	[tilespmem:$0x8660] =	vst v0  }
0x1f: {  	[tilespmem:$0x8670] =	vst v0  }
0x20: {  	[tilespmem:$0x8680] =	vst v0  }
0x21: {  	[tilespmem:$0x8690] =	vst v0  }
0x22: {  	[tilespmem:$0x86A0] =	vst v0  }
0x23: {  	[tilespmem:$0x86B0] =	vst v0  }
0x24: {  	[tilespmem:$0x86C0] =	vst v0  }
0x25: {  	[tilespmem:$0x86D0] =	vst v0  }
0x26: {  	[tilespmem:$0x86E0] =	vst v0  }
0x27: {  	[tilespmem:$0x86F0] =	vst v0  }
0x28: {  	[tilespmem:$0x8700] =	vst v0  }
0x29: {  	[tilespmem:$0x8710] =	vst v0  }
0x2a: {  	[tilespmem:$0x8720] =	vst v0  }
0x2b: {  	[tilespmem:$0x8730] =	vst v0  }
0x2c: {  	[tilespmem:$0x8740] =	vst v0  }
0x2d: {  	[tilespmem:$0x8750] =	vst v0  }
0x2e: {  	[tilespmem:$0x8760] =	vst v0  }
0x2f: {  	[tilespmem:$0x8770] =	vst v0  }
0x30: {  	[tilespmem:$0x8780] =	vst v0  }
0x31: {  	[tilespmem:$0x8790] =	vst v0  }
0x32: {  	[tilespmem:$0x87A0] =	vst v0  }
0x33: {  	[tilespmem:$0x87B0] =	vst v0  }
0x34: {  	[tilespmem:$0x87C0] =	vst v0  }
0x35: {  	[tilespmem:$0x87D0] =	vst v0  }
0x36: {  	[tilespmem:$0x87E0] =	vst v0  }
0x37: {  	[tilespmem:$0x87F0] =	vst v0  }
0x38: {  	[tilespmem:$0x8800] =	vst v0  }
0x39: {  	[tilespmem:$0x8810] =	vst v0  }
0x3a: {  	[tilespmem:$0x8820] =	vst v0  }
0x3b: {  	[tilespmem:$0x8830] =	vst v0  }
0x3c: {  	[tilespmem:$0x8840] =	vst v0  }
0x3d: {  	[tilespmem:$0x8850] =	vst v0  }
0x3e: {  	[tilespmem:$0x8860] =	vst v0  }
0x3f: {  	[tilespmem:$0x8870] =	vst v0  }
0x40: {  	[tilespmem:$0x8880] =	vst v0  }
0x41: {  	[tilespmem:$0x8890] =	vst v0  }
0x42: {  	[tilespmem:$0x88A0] =	vst v0  }
0x43: {  	[tilespmem:$0x88B0] =	vst v0  }
0x44: {  	[tilespmem:$0x88C0] =	vst v0  }
0x45: {  	[tilespmem:$0x88D0] =	vst v0  }
0x46: {  	[tilespmem:$0x88E0] =	vst v0  }
0x47: {  	[tilespmem:$0x88F0] =	vst v0  }
0x48: {  	[tilespmem:$0x8900] =	vst v0  }
0x49: {  	[tilespmem:$0x8910] =	vst v0  }
0x4a: {  	[tilespmem:$0x8920] =	vst v0  }
0x4b: {  	[tilespmem:$0x8930] =	vst v0  }
0x4c: {  	[tilespmem:$0x8940] =	vst v0  }
0x4d: {  	[tilespmem:$0x8950] =	vst v0  }
0x4e: {  	[tilespmem:$0x8960] =	vst v0  }
0x4f: {  	[tilespmem:$0x8970] =	vst v0  }
0x50: {  	[tilespmem:$0x8980] =	vst v0  }
0x51: {  	[tilespmem:$0x8990] =	vst v0  }
0x52: {  	[tilespmem:$0x89A0] =	vst v0  }
0x53: {  	[tilespmem:$0x89B0] =	vst v0  }
0x54: {  	[tilespmem:$0x89C0] =	vst v0  }
0x55: {  	[tilespmem:$0x89D0] =	vst v0  }
0x56: {  	[tilespmem:$0x89E0] =	vst v0  }
0x57: {  	[dreg:$0xa] =	wrdreg s6;
	[tilespmem:$0x89F0] =	vst v0;
	s0 =	sadd.s32 $0x0, s11  }
0x58: {  	[spmem:s0] =	stream.linear.scatter [tilespmem:s15], [sflag:$0x9], $0x400, $0x38;
	[tilespmem:$0x12A00] =	vst v63  }
0x59: {  	s0 =	simm.s32 $0x1000;
	_ =	swait.ge [sflag:s16], $0x400  }
.LBB2_2:
0x5a: {  	s6 =	sshra.s32 s0, $0x2;
	[sflag:s16] =	ssyncset.done $0x0;
	p0 =	sne.s32 s0, $0x27000  }
.Ltmp0:
0x5b: {  	s6 =	sadd.s32 s6, s11;
	[sflag:s16] =	ssyncadd.s32 $0xFFFFFC00;
	(pc) =	sbr.rel @p0 .LBB2_2-.Ltmp0, $3  }
0x5c: {  	[spmem:s6] =	stream.linear.scatter [tilespmem:s15], [sflag:$0x9], $0x400, $0x38;
	[tilespmem:$0x12A00] =	vst v63  }
0x5d: {  	s0 =	sadd.s32 $0x1000, s0;
	_ =	sdelay $0x1  }
0x5e: {  	_ =	swait.ge [sflag:s16], $0x400  }
0x5f: {  	[sflag:s16] =	ssyncset.done $0x0  }
0x60: {  	[sflag:s16] =	ssyncadd.s32 $0xFFFFFC00  }
0x61: {  	[bflag:$0x0] =	sbarrier.arrive $0xFFFF  }
0x62: {  	s14 =	simm.s32 $0x0;
	s0 =	rddreg [dreg:$0x4]  }
0x63: {  	[tilespmem:s14], [sflag:$0x5] =	stream.linear.gather [hbm4b:s0+s14], $0x80, $0x38;
	[tilespmem:$0x12A00] =	vst v63  }
0x64: {  	s6 =	rddreg [dreg:$0x5]  }
0x65: {  	[tilespmem:s17], [sflag:$0x6] =	stream.linear.gather [hbm4b:s6+s14], $0x80, $0x38;
	[tilespmem:$0x12A00] =	vst v63  }
0x66: {  	s9 =	rddreg [dreg:$0x6]  }
0x67: {  	[tilespmem:s22], [sflag:$0x7] =	stream.linear.gather [hbm4b:s9+s14], $0x80, $0x38;
	[tilespmem:$0x12A00] =	vst v63  }
0x68: {  	_ =	swait.ge [sflag:s19], $0x80  }
0x69: {  	[sflag:s19] =	ssyncset.done $0x0  }
0x6a: {  	[sflag:s19] =	ssyncadd.s32 $0xFFFFFF80  }
0x6b: {  	v1 =	vld [tilespmem:$0x0];
	_ =	sdelay $0x1  }
0x6c: {  	v2 =	vld [tilespmem:$0x10];
	_ =	sdelay $0x1  }
0x6d: {  	v3 =	vld [tilespmem:$0x20]  }
0x6e: {  	v4 =	vshra.s32 v1, $0xE  }
0x6f: {  	v56 =	vld [tilespmem:$0x30];
	v1 =	vand.u32 $0x3FFF, v1;
	[tilespmem:$0x200] =	vst v4  }
0x70: {  	[tilespmem:$0x280] =	vst v1;
	v1 =	vshra.s32 v2, $0xE  }
0x71: {  	[tilespmem:$0x210] =	vst v1;
	v1 =	vand.u32 $0x3FFF, v2;
	v2 =	vld [tilespmem:$0x40]  }
0x72: {  	[tilespmem:$0x290] =	vst v1;
	v1 =	vshra.s32 v3, $0xE  }
0x73: {  	[tilespmem:$0x220] =	vst v1;
	v1 =	vand.u32 $0x3FFF, v3;
	v3 =	vld [tilespmem:$0x50]  }
0x74: {  	[tilespmem:$0x2A0] =	vst v1;
	v1 =	vshra.s32 v56, $0xE  }
0x75: {  	v57 =	vld [tilespmem:$0x60];
	[tilespmem:$0x230] =	vst v1;
	v1 =	vand.u32 $0x3FFF, v56  }
0x76: {  	[tilespmem:$0x2B0] =	vst v1;
	v1 =	vshra.s32 v2, $0xE  }
0x77: {  	[tilespmem:$0x240] =	vst v1;
	v1 =	vand.u32 $0x3FFF, v2;
	v2 =	vld [tilespmem:$0x70]  }
0x78: {  	[tilespmem:$0x2C0] =	vst v1;
	v1 =	vshra.s32 v3, $0xE  }
0x79: {  	[tilespmem:$0x250] =	vst v1;
	v1 =	vand.u32 $0x3FFF, v3  }
0x7a: {  	[tilespmem:$0x2D0] =	vst v1;
	v1 =	vshra.s32 v57, $0xE  }
0x7b: {  	[tilespmem:$0x260] =	vst v1;
	v1 =	vand.u32 $0x3FFF, v57  }
0x7c: {  	[tilespmem:$0x2E0] =	vst v1;
	v1 =	vshra.s32 v2, $0xE  }
0x7d: {  	[tilespmem:$0x270] =	vst v1;
	v1 =	vand.u32 $0x3FFF, v2  }
0x7e: {  	s6 =	simm.s32 $0x200;
	[tilespmem:$0x2F0] =	vst v1  }
0x7f: {  	[tilespmem:s21], [sflag:$0x1] =	stream.indirect.gather [hbm4b:s1+s17], $0x40, s6, s17, $0xb8;
	[tilespmem:$0x12A00] =	vst v63  }
0x80: {  	s9 =	rddreg [dreg:$0x7];
	s6 =	simm.s32 $0x180  }
0x81: {  	[tilespmem:s6], [sflag:$0x8] =	stream.linear.gather [hbm4b:s9+s14], $0x80, $0x38;
	[tilespmem:$0x12A00] =	vst v63  }
0x82: {  	_ =	swait.ge [sflag:s23], $0x80  }
0x83: {  	[sflag:s23] =	ssyncset.done $0x0  }
0x84: {  	[sflag:s23] =	ssyncadd.s32 $0xFFFFFF80  }
0x85: {  	v1 =	vld [tilespmem:$0x80];
	_ =	sdelay $0x1  }
0x86: {  	v2 =	vld [tilespmem:$0x90];
	_ =	sdelay $0x1  }
0x87: {  	v3 =	vld [tilespmem:$0xA0]  }
0x88: {  	v58 =	vshra.s32 v1, $0xE  }
0x89: {  	v59 =	vld [tilespmem:$0xB0];
	v1 =	vand.u32 $0x3FFF, v1;
	[tilespmem:$0x300] =	vst v58  }
0x8a: {  	[tilespmem:$0x380] =	vst v1;
	v1 =	vshra.s32 v2, $0xE  }
0x8b: {  	[tilespmem:$0x310] =	vst v1;
	v1 =	vand.u32 $0x3FFF, v2;
	v2 =	vld [tilespmem:$0xC0]  }
0x8c: {  	[tilespmem:$0x390] =	vst v1;
	v1 =	vshra.s32 v3, $0xE  }
0x8d: {  	[tilespmem:$0x320] =	vst v1;
	v1 =	vand.u32 $0x3FFF, v3;
	v3 =	vld [tilespmem:$0xD0]  }
0x8e: {  	[tilespmem:$0x3A0] =	vst v1;
	v1 =	vshra.s32 v59, $0xE  }
0x8f: {  	v60 =	vld [tilespmem:$0xE0];
	[tilespmem:$0x330] =	vst v1;
	v1 =	vand.u32 $0x3FFF, v59  }
0x90: {  	[tilespmem:$0x3B0] =	vst v1;
	v1 =	vshra.s32 v2, $0xE  }
0x91: {  	[tilespmem:$0x340] =	vst v1;
	v1 =	vand.u32 $0x3FFF, v2;
	v2 =	vld [tilespmem:$0xF0]  }
0x92: {  	[tilespmem:$0x3C0] =	vst v1;
	v1 =	vshra.s32 v3, $0xE  }
0x93: {  	[tilespmem:$0x350] =	vst v1;
	v1 =	vand.u32 $0x3FFF, v3  }
0x94: {  	[tilespmem:$0x3D0] =	vst v1;
	v1 =	vshra.s32 v60, $0xE  }
0x95: {  	[tilespmem:$0x360] =	vst v1;
	v1 =	vand.u32 $0x3FFF, v60  }
0x96: {  	[tilespmem:$0x3E0] =	vst v1;
	v1 =	vshra.s32 v2, $0xE  }
0x97: {  	[tilespmem:$0x370] =	vst v1;
	v1 =	vand.u32 $0x3FFF, v2  }
0x98: {  	[tilespmem:$0x3F0] =	vst v1  }
0x99: {  	[tilespmem:s26], [sflag:$0x2] =	stream.indirect.gather [hbm4b:s1+s17], $0x40, s25, s17, $0xb8;
	[tilespmem:$0x12A00] =	vst v63  }
0x9a: {  	s9 =	rddreg [dreg:$0x8]  }
0x9b: {  	[tilespmem:s14], [sflag:$0x5] =	stream.linear.gather [hbm4b:s9+s14], $0x80, $0x38;
	[tilespmem:$0x12A00] =	vst v63  }
0x9c: {  	_ =	swait.ge [sflag:s28], $0x80  }
0x9d: {  	[sflag:s28] =	ssyncset.done $0x0  }
0x9e: {  	[sflag:s28] =	ssyncadd.s32 $0xFFFFFF80  }
0x9f: {  	v1 =	vld [tilespmem:$0x100];
	_ =	sdelay $0x1  }
0xa0: {  	v2 =	vld [tilespmem:$0x110];
	_ =	sdelay $0x1  }
0xa1: {  	v3 =	vld [tilespmem:$0x120]  }
0xa2: {  	v61 =	vshra.s32 v1, $0xE  }
0xa3: {  	v62 =	vld [tilespmem:$0x130];
	v1 =	vand.u32 $0x3FFF, v1;
	[tilespmem:$0x400] =	vst v61  }
0xa4: {  	[tilespmem:$0x480] =	vst v1;
	v1 =	vshra.s32 v2, $0xE  }
0xa5: {  	[tilespmem:$0x410] =	vst v1;
	v1 =	vand.u32 $0x3FFF, v2;
	v2 =	vld [tilespmem:$0x140]  }
0xa6: {  	[tilespmem:$0x490] =	vst v1;
	v1 =	vshra.s32 v3, $0xE  }
0xa7: {  	[tilespmem:$0x420] =	vst v1;
	v1 =	vand.u32 $0x3FFF, v3;
	v3 =	vld [tilespmem:$0x150]  }
0xa8: {  	[tilespmem:$0x4A0] =	vst v1;
	v1 =	vshra.s32 v62, $0xE  }
0xa9: {  	v63 =	vld [tilespmem:$0x160];
	[tilespmem:$0x430] =	vst v1;
	v1 =	vand.u32 $0x3FFF, v62  }
0xaa: {  	[tilespmem:$0x4B0] =	vst v1;
	v1 =	vshra.s32 v2, $0xE  }
0xab: {  	[tilespmem:$0x440] =	vst v1;
	v1 =	vand.u32 $0x3FFF, v2;
	v2 =	vld [tilespmem:$0x170]  }
0xac: {  	[tilespmem:$0x4C0] =	vst v1;
	v1 =	vshra.s32 v3, $0xE  }
0xad: {  	[tilespmem:$0x450] =	vst v1;
	v1 =	vand.u32 $0x3FFF, v3  }
0xae: {  	[tilespmem:$0x4D0] =	vst v1;
	v1 =	vshra.s32 v63, $0xE  }
0xaf: {  	[tilespmem:$0x460] =	vst v1;
	v1 =	vand.u32 $0x3FFF, v63  }
0xb0: {  	[tilespmem:$0x4E0] =	vst v1;
	v1 =	vshra.s32 v2, $0xE  }
0xb1: {  	[tilespmem:$0x470] =	vst v1;
	v1 =	vand.u32 $0x3FFF, v2  }
0xb2: {  	s0 =	simm.s32 $0x0;
	[tilespmem:$0x4F0] =	vst v1  }
0xb3: {  	[tilespmem:s30], [sflag:$0x3] =	stream.indirect.gather [hbm4b:s1+s17], $0x40, s29, s17, $0xb8;
	[tilespmem:$0x12A00] =	vst v63  }
.LBB2_4:
0xb4: {  	_ =	swait.ge [sflag:s31], $0x2000  }
0xb5: {  	[sflag:s31] =	ssyncset.done $0x0  }
0xb6: {  	s6 =	simm.s32 $0x280;
	[sflag:s31] =	ssyncadd.s32 $0xFFFFE000  }
0xb7: {  	[spmem:s3] =	stream.indirect.scatter.add.bf16 [tilespmem:s21], [sflag:$0x9], $0x40, s6, s17, $0xb8;
	[tilespmem:$0x12A00] =	vst v63  }
0xb8: {  	_ =	swait.ge [sflag:s16], $0x2000  }
0xb9: {  	[sflag:s16] =	ssyncset.done $0x0  }
0xba: {  	[sflag:s16] =	ssyncadd.s32 $0xFFFFE000  }
0xbb: {  	_ =	swait.ge [sflag:s2], $0x80  }
0xbc: {  	[sflag:s2] =	ssyncset.done $0x0  }
0xbd: {  	[sflag:s2] =	ssyncadd.s32 $0xFFFFFF80  }
0xbe: {  	v1 =	vld [tilespmem:$0x180];
	_ =	sdelay $0x1  }
0xbf: {  	v2 =	vld [tilespmem:$0x190];
	_ =	sdelay $0x1  }
0xc0: {  	v3 =	vld [tilespmem:$0x1A0]  }
0xc1: {  	v4 =	vshra.s32 v1, $0xE  }
0xc2: {  	v62 =	vld [tilespmem:$0x1B0];
	v1 =	vand.u32 $0x3FFF, v1;
	[tilespmem:$0x500] =	vst v4  }
0xc3: {  	[tilespmem:$0x580] =	vst v1;
	v1 =	vshra.s32 v2, $0xE  }
0xc4: {  	[tilespmem:$0x510] =	vst v1;
	v1 =	vand.u32 $0x3FFF, v2;
	v2 =	vld [tilespmem:$0x1C0]  }
0xc5: {  	[tilespmem:$0x590] =	vst v1;
	v1 =	vshra.s32 v3, $0xE  }
0xc6: {  	[tilespmem:$0x520] =	vst v1;
	v1 =	vand.u32 $0x3FFF, v3;
	v3 =	vld [tilespmem:$0x1D0]  }
0xc7: {  	[tilespmem:$0x5A0] =	vst v1;
	v1 =	vshra.s32 v62, $0xE  }
0xc8: {  	v63 =	vld [tilespmem:$0x1E0];
	[tilespmem:$0x530] =	vst v1;
	v1 =	vand.u32 $0x3FFF, v62  }
0xc9: {  	[tilespmem:$0x5B0] =	vst v1;
	v1 =	vshra.s32 v2, $0xE  }
0xca: {  	[tilespmem:$0x540] =	vst v1;
	v1 =	vand.u32 $0x3FFF, v2;
	v2 =	vld [tilespmem:$0x1F0]  }
0xcb: {  	[tilespmem:$0x5C0] =	vst v1;
	v1 =	vshra.s32 v3, $0xE  }
0xcc: {  	[tilespmem:$0x550] =	vst v1;
	v1 =	vand.u32 $0x3FFF, v3  }
0xcd: {  	p0 =	seq.s32 s14, $0x4C0;
	[tilespmem:$0x5D0] =	vst v1;
	v1 =	vshra.s32 v63, $0xE  }
.Ltmp1:
0xce: {  	[tilespmem:$0x560] =	vst v1;
	v1 =	vand.u32 $0x3FFF, v63;
	(pc) =	sbr.rel @!p0 .LBB2_5-.Ltmp1, $4  }
0xcf: {  	[tilespmem:$0x5E0] =	vst v1;
	v1 =	vshra.s32 v2, $0xE  }
0xd0: {  	[tilespmem:$0x570] =	vst v1;
	v1 =	vand.u32 $0x3FFF, v2  }
0xd1: {  	s9 =	simm.s32 $0x500;
	[tilespmem:$0x5F0] =	vst v1  }
0xd2: {  	[tilespmem:s7], [sflag:$0x4] =	stream.indirect.gather [hbm4b:s1+s17], $0x40, s9, s17, $0xb8;
	[tilespmem:$0x12A00] =	vst v63  }
0xd3: {  	_ =	swait.ge [sflag:s8], $0x2000  }
0xd4: {  	[sflag:s8] =	ssyncset.done $0x0  }
.Ltmp2:
0xd5: {  	s6 =	simm.s32 $0x380;
	[sflag:s8] =	ssyncadd.s32 $0xFFFFE000;
	(pc) =	sbr.rel .LBB2_7-.Ltmp2, $4  }
0xd6: {  	[spmem:s3] =	stream.indirect.scatter.add.bf16 [tilespmem:s26], [sflag:$0x9], $0x40, s6, s17, $0xb8;
	[tilespmem:$0x12A00] =	vst v63  }
0xd7: {  	_ =	swait.ge [sflag:s16], $0x2000  }
0xd8: {  	[sflag:s16] =	ssyncset.done $0x0  }
0xd9: {  	[sflag:s16] =	ssyncadd.s32 $0xFFFFE000  }
.LBB2_5:
0xda: {  	s6 =	sadd.s32 s14, s12  }
0xdb: {  	s6 =	sadd.s32 $0x50, s6  }
0xdc: {  	[tilespmem:s17], [sflag:$0x6] =	stream.linear.gather [hbm4b:s6+s4], $0x80, $0x38;
	[tilespmem:$0x12A00] =	vst v63  }
0xdd: {  	_ =	swait.ge [sflag:s8], $0x2000  }
0xde: {  	[sflag:s8] =	ssyncset.done $0x0  }
0xdf: {  	s9 =	simm.s32 $0x380;
	[sflag:s8] =	ssyncadd.s32 $0xFFFFE000  }
0xe0: {  	[spmem:s3] =	stream.indirect.scatter.add.bf16 [tilespmem:s26], [sflag:$0x9], $0x40, s9, s17, $0xb8;
	[tilespmem:$0x12A00] =	vst v63  }
0xe1: {  	_ =	swait.ge [sflag:s16], $0x2000  }
0xe2: {  	[sflag:s16] =	ssyncset.done $0x0  }
0xe3: {  	[sflag:s16] =	ssyncadd.s32 $0xFFFFE000  }
0xe4: {  	_ =	swait.ge [sflag:s19], $0x80  }
0xe5: {  	[sflag:s19] =	ssyncset.done $0x0  }
0xe6: {  	[sflag:s19] =	ssyncadd.s32 $0xFFFFFF80  }
0xe7: {  	v1 =	vld [tilespmem:$0x0];
	_ =	sdelay $0x1  }
0xe8: {  	v2 =	vld [tilespmem:$0x10];
	_ =	sdelay $0x1  }
0xe9: {  	v3 =	vld [tilespmem:$0x20]  }
0xea: {  	v4 =	vshra.s32 v1, $0xE  }
0xeb: {  	v62 =	vld [tilespmem:$0x30];
	v1 =	vand.u32 $0x3FFF, v1;
	[tilespmem:$0x200] =	vst v4  }
0xec: {  	[tilespmem:$0x280] =	vst v1;
	v1 =	vshra.s32 v2, $0xE  }
0xed: {  	[tilespmem:$0x210] =	vst v1;
	v1 =	vand.u32 $0x3FFF, v2;
	v2 =	vld [tilespmem:$0x40]  }
0xee: {  	[tilespmem:$0x290] =	vst v1;
	v1 =	vshra.s32 v3, $0xE  }
0xef: {  	[tilespmem:$0x220] =	vst v1;
	v1 =	vand.u32 $0x3FFF, v3;
	v3 =	vld [tilespmem:$0x50]  }
0xf0: {  	[tilespmem:$0x2A0] =	vst v1;
	v1 =	vshra.s32 v62, $0xE  }
0xf1: {  	v63 =	vld [tilespmem:$0x60];
	[tilespmem:$0x230] =	vst v1;
	v1 =	vand.u32 $0x3FFF, v62  }
0xf2: {  	[tilespmem:$0x2B0] =	vst v1;
	v1 =	vshra.s32 v2, $0xE  }
0xf3: {  	[tilespmem:$0x240] =	vst v1;
	v1 =	vand.u32 $0x3FFF, v2;
	v2 =	vld [tilespmem:$0x70]  }
0xf4: {  	[tilespmem:$0x2C0] =	vst v1;
	v1 =	vshra.s32 v3, $0xE  }
0xf5: {  	[tilespmem:$0x250] =	vst v1;
	v1 =	vand.u32 $0x3FFF, v3  }
0xf6: {  	[tilespmem:$0x2D0] =	vst v1;
	v1 =	vshra.s32 v63, $0xE  }
0xf7: {  	[tilespmem:$0x260] =	vst v1;
	v1 =	vand.u32 $0x3FFF, v63  }
0xf8: {  	[tilespmem:$0x2E0] =	vst v1;
	v1 =	vshra.s32 v2, $0xE  }
0xf9: {  	[tilespmem:$0x270] =	vst v1;
	v1 =	vand.u32 $0x3FFF, v2  }
0xfa: {  	s9 =	simm.s32 $0x200;
	[tilespmem:$0x2F0] =	vst v1  }
0xfb: {  	[tilespmem:s21], [sflag:$0x1] =	stream.indirect.gather [hbm4b:s1+s17], $0x40, s9, s17, $0xb8;
	[tilespmem:$0x12A00] =	vst v63  }
0xfc: {  	s9 =	sadd.s32 s14, s5  }
0xfd: {  	[tilespmem:s22], [sflag:$0x7] =	stream.linear.gather [hbm4b:s9+s4], $0x80, $0x38;
	[tilespmem:$0x12A00] =	vst v63  }
.LBB2_7:
0xfe: {  	_ =	swait.ge [sflag:s10], $0x2000  }
0xff: {  	[sflag:s10] =	ssyncset.done $0x0  }
.Ltmp3:
0x100: {  	s6 =	simm.s32 $0x480;
	[sflag:s10] =	ssyncadd.s32 $0xFFFFE000;
	(pc) =	sbr.rel @p0 .LBB2_13-.Ltmp3, $4  }
0x101: {  	[spmem:s3] =	stream.indirect.scatter.add.bf16 [tilespmem:s30], [sflag:$0x9], $0x40, s6, s17, $0xb8;
	[tilespmem:$0x12A00] =	vst v63  }
0x102: {  	_ =	swait.ge [sflag:s16], $0x2000  }
0x103: {  	[sflag:s16] =	ssyncset.done $0x0  }
0x104: {  	[sflag:s16] =	ssyncadd.s32 $0xFFFFE000  }
0x105: {  	_ =	swait.ge [sflag:s23], $0x80  }
0x106: {  	[sflag:s23] =	ssyncset.done $0x0  }
0x107: {  	[sflag:s23] =	ssyncadd.s32 $0xFFFFFF80  }
0x108: {  	v1 =	vld [tilespmem:$0x80];
	_ =	sdelay $0x1  }
0x109: {  	v2 =	vld [tilespmem:$0x90];
	_ =	sdelay $0x1  }
0x10a: {  	v3 =	vld [tilespmem:$0xA0]  }
0x10b: {  	v4 =	vshra.s32 v1, $0xE  }
0x10c: {  	v59 =	vld [tilespmem:$0xB0];
	v1 =	vand.u32 $0x3FFF, v1;
	[tilespmem:$0x300] =	vst v4  }
0x10d: {  	[tilespmem:$0x380] =	vst v1;
	v1 =	vshra.s32 v2, $0xE  }
0x10e: {  	[tilespmem:$0x310] =	vst v1;
	v1 =	vand.u32 $0x3FFF, v2;
	v2 =	vld [tilespmem:$0xC0]  }
0x10f: {  	[tilespmem:$0x390] =	vst v1;
	v1 =	vshra.s32 v3, $0xE  }
0x110: {  	[tilespmem:$0x320] =	vst v1;
	v1 =	vand.u32 $0x3FFF, v3;
	v3 =	vld [tilespmem:$0xD0]  }
0x111: {  	[tilespmem:$0x3A0] =	vst v1;
	v1 =	vshra.s32 v59, $0xE  }
0x112: {  	v60 =	vld [tilespmem:$0xE0];
	[tilespmem:$0x330] =	vst v1;
	v1 =	vand.u32 $0x3FFF, v59  }
0x113: {  	[tilespmem:$0x3B0] =	vst v1;
	v1 =	vshra.s32 v2, $0xE  }
0x114: {  	[tilespmem:$0x340] =	vst v1;
	v1 =	vand.u32 $0x3FFF, v2;
	v2 =	vld [tilespmem:$0xF0]  }
0x115: {  	[tilespmem:$0x3C0] =	vst v1;
	v1 =	vshra.s32 v3, $0xE  }
0x116: {  	[tilespmem:$0x350] =	vst v1;
	v1 =	vand.u32 $0x3FFF, v3  }
0x117: {  	[tilespmem:$0x3D0] =	vst v1;
	v1 =	vshra.s32 v60, $0xE  }
0x118: {  	[tilespmem:$0x360] =	vst v1;
	v1 =	vand.u32 $0x3FFF, v60  }
0x119: {  	[tilespmem:$0x3E0] =	vst v1;
	v1 =	vshra.s32 v2, $0xE  }
0x11a: {  	[tilespmem:$0x370] =	vst v1;
	v1 =	vand.u32 $0x3FFF, v2  }
0x11b: {  	s6 =	sadd.s32 s14, s12;
	[tilespmem:$0x3F0] =	vst v1  }
0x11c: {  	[tilespmem:s26], [sflag:$0x2] =	stream.indirect.gather [hbm4b:s1+s17], $0x40, s25, s17, $0xb8;
	[tilespmem:$0x12A00] =	vst v63  }
0x11d: {  	s9 =	simm.s32 $0x180;
	s6 =	sadd.s32 $0x70, s6  }
0x11e: {  	[tilespmem:s9], [sflag:$0x8] =	stream.linear.gather [hbm4b:s6+s4], $0x80, $0x38;
	[tilespmem:$0x12A00] =	vst v63  }
0x11f: {  	_ =	swait.ge [sflag:s18], $0x2000  }
0x120: {  	[sflag:s18] =	ssyncset.done $0x0  }
0x121: {  	[sflag:s18] =	ssyncadd.s32 $0xFFFFE000  }
0x122: {  	[spmem:s3] =	stream.indirect.scatter.add.bf16 [tilespmem:s7], [sflag:$0x9], $0x40, s20, s17, $0xb8;
	[tilespmem:$0x12A00] =	vst v63  }
0x123: {  	_ =	swait.ge [sflag:s16], $0x2000  }
0x124: {  	[sflag:s16] =	ssyncset.done $0x0  }
0x125: {  	[sflag:s16] =	ssyncadd.s32 $0xFFFFE000  }
0x126: {  	_ =	swait.ge [sflag:s28], $0x80  }
0x127: {  	[sflag:s28] =	ssyncset.done $0x0  }
0x128: {  	[sflag:s28] =	ssyncadd.s32 $0xFFFFFF80  }
0x129: {  	v1 =	vld [tilespmem:$0x100];
	_ =	sdelay $0x1  }
0x12a: {  	v2 =	vld [tilespmem:$0x110];
	_ =	sdelay $0x1  }
0x12b: {  	v3 =	vld [tilespmem:$0x120]  }
0x12c: {  	v61 =	vshra.s32 v1, $0xE  }
0x12d: {  	v62 =	vld [tilespmem:$0x130];
	v1 =	vand.u32 $0x3FFF, v1;
	[tilespmem:$0x400] =	vst v61  }
0x12e: {  	[tilespmem:$0x480] =	vst v1;
	v1 =	vshra.s32 v2, $0xE  }
0x12f: {  	[tilespmem:$0x410] =	vst v1;
	v1 =	vand.u32 $0x3FFF, v2;
	v2 =	vld [tilespmem:$0x140]  }
0x130: {  	[tilespmem:$0x490] =	vst v1;
	v1 =	vshra.s32 v3, $0xE  }
0x131: {  	[tilespmem:$0x420] =	vst v1;
	v1 =	vand.u32 $0x3FFF, v3;
	v3 =	vld [tilespmem:$0x150]  }
0x132: {  	[tilespmem:$0x4A0] =	vst v1;
	v1 =	vshra.s32 v62, $0xE  }
0x133: {  	v63 =	vld [tilespmem:$0x160];
	[tilespmem:$0x430] =	vst v1;
	v1 =	vand.u32 $0x3FFF, v62  }
0x134: {  	[tilespmem:$0x4B0] =	vst v1;
	v1 =	vshra.s32 v2, $0xE  }
0x135: {  	[tilespmem:$0x440] =	vst v1;
	v1 =	vand.u32 $0x3FFF, v2;
	v2 =	vld [tilespmem:$0x170]  }
0x136: {  	[tilespmem:$0x4C0] =	vst v1;
	v1 =	vshra.s32 v3, $0xE  }
0x137: {  	[tilespmem:$0x450] =	vst v1;
	v1 =	vand.u32 $0x3FFF, v3  }
0x138: {  	[tilespmem:$0x4D0] =	vst v1;
	v1 =	vshra.s32 v63, $0xE  }
0x139: {  	[tilespmem:$0x460] =	vst v1;
	v1 =	vand.u32 $0x3FFF, v63  }
0x13a: {  	[tilespmem:$0x4E0] =	vst v1;
	v1 =	vshra.s32 v2, $0xE  }
0x13b: {  	[tilespmem:$0x470] =	vst v1;
	v1 =	vand.u32 $0x3FFF, v2  }
0x13c: {  	p0 =	sgt.u32 s0, $0x11;
	[tilespmem:$0x4F0] =	vst v1  }
0x13d: {  	[tilespmem:s30], [sflag:$0x3] =	stream.indirect.gather [hbm4b:s1+s17], $0x40, s29, s17, $0xb8;
	[tilespmem:$0x12A00] =	vst v63  }
0x13e: {  	s6 =	sadd.s32 @!p0 s14, s13;
	s9 =	simm.s32 @!p0 $0x0;
	s14 =	sadd.s32 $0x40, s14  }
0x13f: {  	[tilespmem:s9], [sflag:$0x5] =	stream.linear.gather @!p0 [hbm4b:s6+s9], $0x80, $0x38;
	[tilespmem:$0x12A00] =	vst v63  }
0x140: {  	p0 =	sne.s32 s14, $0x500  }
.Ltmp4:
0x141: {  	_ = 	snop;
	(pc) =	sbr.rel @p0 .LBB2_4-.Ltmp4, $4  }
.Ltmp5:
0x142: {  	_ = 	snop;
	(pc) =	sbr.rel @!p0 .LBB2_9-.Ltmp5, $4  }
0x143: {  	_ = 	snop  }
0x144: {  	_ = 	snop  }
0x145: {  	s0 =	sadd.s32 $0x1, s0  }
0x146: {  	_ = 	snop  }
.LBB2_13:
0x147: {  	_ =	swait.ge [sflag:s18], $0x2000  }
0x148: {  	[sflag:s18] =	ssyncset.done $0x0  }
0x149: {  	[sflag:s18] =	ssyncadd.s32 $0xFFFFE000  }
0x14a: {  	[spmem:s3] =	stream.indirect.scatter.add.bf16 [tilespmem:s7], [sflag:$0x9], $0x40, s20, s17, $0xb8;
	[tilespmem:$0x12A00] =	vst v63  }
0x14b: {  	_ =	swait.ge [sflag:s16], $0x2000  }
0x14c: {  	[sflag:s16] =	ssyncset.done $0x0  }
0x14d: {  	[sflag:s16] =	ssyncadd.s32 $0xFFFFE000  }
.LBB2_9:
0x14e: {  	s0 =	stileid.u32  }
0x14f: {  	s22 =	smov.u32 s5;
	[bflag:$0x0] =	sbarrier.arrive $0xFFFF;
	s0 =	sshll.u32 s0, $0x6  }
0x150: {  	s6 =	sadd.s32 $0x0, s24;
	s9 =	sshrl.u32 s11, $0x3;
	s0 =	sor.u32 $0x1C09, s0  }
0x151: {  	[hbm:s6], [sflag:s0] =	dma.local [spmem:s9], $0x80  }
0x152: {  	s14 =	simm.s32 $0x80;
	s6 =	sadd.s32 $0x400, s11;
	_ =	swait.ge [sflag:s16], $0x80  }
.LBB2_10:
0x153: {  	s9 =	sadd.s32 s14, s24;
	[sflag:s16] =	ssyncset.done $0x0;
	p0 =	sne.s32 s14, $0x1380  }
.Ltmp6:
0x154: {  	s5 =	sshrl.u32 s6, $0x3;
	[sflag:s16] =	ssyncadd.s32 $0xFFFFFF80;
	(pc) =	sbr.rel @p0 .LBB2_10-.Ltmp6, $3  }
0x155: {  	[hbm:s9], [sflag:s0] =	dma.local [spmem:s5], $0x80  }
0x156: {  	s14 =	sadd.s32 $0x80, s14;
	_ =	sdelay $0x1  }
0x157: {  	s6 =	sadd.s32 $0x400, s6;
	_ =	swait.ge [sflag:s16], $0x80  }
0x158: {  	s6 =	rddreg [dreg:$0xa]  }
0x159: {  	s0 =	rddreg [dreg:$0x9];
	s6 =	sadd.s32 $0x1, s6  }
0x15a: {  	p0 =	sne.s32 s6, s0  }
.Ltmp7:
0x15b: {  	_ = 	snop;
	(pc) =	sbr.rel @p0 .LBB2_1-.Ltmp7, $3  }
0x15c: {  	_ =	sdelay $0x1  }
0x15d: {  	[sflag:s16] =	ssyncset.done $0x0  }
0x15e: {  	s5 =	smov.u32 s22;
	s22 =	simm.s32 $0x100;
	[sflag:s16] =	ssyncadd.s32 $0xFFFFFF80  }
0x15f: {  	_ =	sfence.sel $0x180000  }
0x160: {  	[bflag:$0x0] =	sbarrier.arrive $0xFFFF  }
0x161: {  	_ =	strace $0x9000004A  }
0x162: {  	s0 =	stileid.u32;
	[bflag:$0x2] =	sbarrier.arrive $0xFFFF  }
0x163: {  	p0 =	sne.s32 s0, $0x0;
	s0 =	rddreg [dreg:$0x3]  }
0x164: {  	s0 =	sadd.s32 @!p0 $0x100000, s0  }
0x165: {  	[sflag:s0] =	ssyncadd.tile.s32 @!p0 $0x1;
	_ =	shalt  }
.Lfunc_end2:
_tile_overlayer_lowered:
.L_overlay_start_2:
0x166: {  	(tag) =	ssettag $0x2  }
0x167: {  	s0 =	rddreg [dreg:$0x0];
	s2 =	stileid.u32  }
0x168: {  	s1 =	rddreg [dreg:$0x1];
	p0 =	sne.s32 s2, $0x0  }
0x169: {  	s3 =	rddreg [dreg:$0x2];
	[bflag:$0x3] =	sbarrier.arrive $0xFFFF;
	s2 =	simm.s32 @!p0 $0x1C09  }
0x16a: {  	[timem:s3], [sflag:s2] =	dma.local @!p0 [hbm:s0], s1  }
0x16b: {  	s0 =	simm.s32 @!p0 $0x9  }
0x16c: {  	_ =	swait.ge @!p0 [sflag:s0], s1  }
0x16d: {  	s1 =	ssub.s32 @!p0 $0x0, s1;
	[sflag:s0] =	ssyncset.done @!p0 $0x0  }
0x16e: {  	[sflag:s0] =	ssyncadd.s32 @!p0 s1  }
0x16f: {  	[bflag:$0x3] =	sbarrier.arrive $0xFFFF  }
0x170: {  	_ =	shalt  }

// kernel: kernel.8.cloned.1.call-start
scs
__scs_entry_jumppad:
0x0: {  	(pc) =	sbr.rel $0x88, $3  }
0x1: {  	(tag) =	ssettag $0x0;
	lr =	simm.s32 $0x1  }
0x2: {  	[smem:$0x3F97] =	sst lr;
	_ =	strace $0xD0000000  }
0x3: {  	_ = 	snop  }
0x4: {  	_ = 	snop  }
0x5: {  	_ = 	snop  }
0x6: {  	_ = 	snop  }
0x7: {  	_ = 	snop  }
__scs_overlays_trampoline_lowered:
0x8: {  	[smem:$0x3FA6] =	sst s0  }
0x9: {  	[smem:$0x3FA7] =	sst s1  }
0xa: {  	[smem:$0x3FA8] =	sst s2  }
0xb: {  	[smem:$0x3FA9] =	sst s3  }
0xc: {  	[smem:$0x3FAA] =	sst s4  }
0xd: {  	[smem:$0x3FAB] =	sst s5  }
0xe: {  	[smem:$0x3FAC] =	sst s6  }
0xf: {  	[smem:$0x3FAD] =	sst s7  }
0x10: {  	[smem:$0x3FAE] =	sst s8  }
0x11: {  	[smem:$0x3FAF] =	sst s9;
	s0 =	simm.s32 @!p0 $0x0  }
0x12: {  	s1 =	sld [smem:$0x3F95];
	s0 =	simm.s32 @p0 $0x1  }
0x13: {  	[smem:$0x3FB0] =	sst s0;
	s0 =	simm.s32 @!p1 $0x0  }
0x14: {  	s2 =	sld [smem:$0x3F94];
	s0 =	simm.s32 @p1 $0x1  }
0x15: {  	[smem:$0x3FB1] =	sst s0;
	s0 =	simm.s32 @!p2 $0x0  }
0x16: {  	s3 =	sld [smem:$0x3FDB];
	s0 =	simm.s32 @p2 $0x1  }
0x17: {  	s4 =	simm.s32 $0x1BF5;
	[smem:$0x3FB3] =	sst s0  }
0x18: {  	s0 =	sld [smem:$0x3F96];
	_ =	swait.ge [sflag:s4], $0x0  }
0x19: {  	s7 =	sld [smem:$0x3F97]  }
0x1a: {  	s8 =	sadd.s32 $0xFFFFE003, lr  }
0x1b: {  	s9 =	sadd.s32 $0xFFFFFEF7, lr;
	s5 =	simm.s32 $0xFFFFFFFF;
	p2 =	slt.u32 s8, $0xFFFFF086  }
0x1c: {  	p1 =	slt.u32 s9, $0xF7A;
	s5 =	simm.s32 @!p2 $0x0  }
0x1d: {  	s5 =	simm.s32 @p1 $0x1;
	p0 =	seq.s32 s7, s2  }
0x1e: {  	s7 =	smul.u32 @!p0 $0xF7A, s2;
	p2 =	seq.s32 @!p0 s5, $0x0  }
0x1f: {  	s9 =	smul.u32 $0xF7A, s1;
	s8 =	simm.s32 @!p0 $0x1BF5;
	p2 =	por !p2, p0  }
0x20: {  	[sflag:s8] =	ssyncset.s32 @!p0 $0xFFFFF086;
	s6 =	sadd.s32 @!p0 s3, s7;
	s7 =	simm.s32 @!p0 $0x108  }
0x21: {  	s3 =	sadd.s32 s3, s9;
	s6 =	sadd.s32 @!p0 $0x88, s6;
	s7 =	simm.s32 @p2 $0x1082  }
0x22: {  	[simem:s7], [sflag:s8] =	dma.local @!p0 [hbm:s6], $0xF7A  }
0x23: {  	s9 =	sor.u32 $0xD0000000, s2;
	s6 =	simm.s32 $0x108;
	_ =	swait.ge @!p0 [sflag:s8], $0x0  }
0x24: {  	s3 =	sadd.s32 $0x88, s3;
	s6 =	simm.s32 @!p1 $0x1082;
	[sflag:s4] =	ssyncset.s32 $0xFFFFF086  }
0x25: {  	[simem:s6], [sflag:s4] =	dma.local [hbm:s3], $0xF7A  }
0x26: {  	[smem:$0x3F97] =	sst s1;
	(tag) =	ssettag s2;
	_ =	strace s9  }
0x27: {  	s1 =	sld [smem:$0x3FA7]  }
0x28: {  	s2 =	sld [smem:$0x3FA8]  }
0x29: {  	s4 =	sld [smem:$0x3FAA]  }
0x2a: {  	p0 =	seq.s32 s5, $0x0;
	s5 =	sld [smem:$0x3FAB]  }
0x2b: {  	s6 =	sld [smem:$0x3FAC]  }
0x2c: {  	s7 =	sld [smem:$0x3FAD]  }
0x2d: {  	s3 =	simm.s32 $0x108;
	s8 =	sld [smem:$0x3FAE]  }
0x2e: {  	s3 =	simm.s32 @!p0 $0x1082;
	s9 =	sld [smem:$0x3FAF]  }
0x2f: {  	lr =	sadd.s32 s0, s3;
	s0 =	sld [smem:$0x3FA6]  }
0x30: {  	s3 =	sld [smem:$0x3FA9]  }
0x31: {  	[smem:$0x3FB2] =	sst s10  }
0x32: {  	s10 =	sld [smem:$0x3FB0];
	_ =	sdelay $0x3  }
0x33: {  	p0 =	seq.s32 s10, $0x1;
	s10 =	sld [smem:$0x3FB2];
	_ =	sdelay $0x3  }
0x34: {  	[smem:$0x3FB2] =	sst s10  }
0x35: {  	s10 =	sld [smem:$0x3FB1];
	_ =	sdelay $0x3  }
0x36: {  	p1 =	seq.s32 s10, $0x1;
	s10 =	sld [smem:$0x3FB2];
	_ =	sdelay $0x3  }
0x37: {  	[smem:$0x3FB2] =	sst s10  }
0x38: {  	s10 =	sld [smem:$0x3FB3]  }
0x39: {  	_ = 	snop;
	(pc) =	sbr.ind lr, $3  }
0x3a: {  	_ = 	snop  }
0x3b: {  	_ = 	snop  }
0x3c: {  	p2 =	seq.s32 s10, $0x1;
	s10 =	sld [smem:$0x3FB2]  }
0x3d: {  	_ =	shalt  }
0x3e: {  	_ =	shalt  }
0x3f: {  	_ =	shalt  }
0x40: {  	_ =	shalt  }
0x41: {  	_ =	shalt  }
0x42: {  	_ =	shalt  }
0x43: {  	_ =	shalt  }
0x44: {  	_ =	shalt  }
0x45: {  	_ =	shalt  }
0x46: {  	_ =	shalt  }
0x47: {  	_ =	shalt  }
0x48: {  	_ =	shalt  }
0x49: {  	_ =	shalt  }
0x4a: {  	_ =	shalt  }
0x4b: {  	_ =	shalt  }
0x4c: {  	_ =	shalt  }
0x4d: {  	_ =	shalt  }
0x4e: {  	_ =	shalt  }
0x4f: {  	_ =	shalt  }
0x50: {  	_ =	shalt  }
0x51: {  	_ =	shalt  }
0x52: {  	_ =	shalt  }
0x53: {  	_ =	shalt  }
0x54: {  	_ =	shalt  }
0x55: {  	_ =	shalt  }
0x56: {  	_ =	shalt  }
0x57: {  	_ =	shalt  }
0x58: {  	_ =	shalt  }
0x59: {  	_ =	shalt  }
0x5a: {  	_ =	shalt  }
0x5b: {  	_ =	shalt  }
0x5c: {  	_ =	shalt  }
0x5d: {  	_ =	shalt  }
0x5e: {  	_ =	shalt  }
0x5f: {  	_ =	shalt  }
0x60: {  	_ =	shalt  }
0x61: {  	_ =	shalt  }
0x62: {  	_ =	shalt  }
0x63: {  	_ =	shalt  }
0x64: {  	_ =	shalt  }
0x65: {  	_ =	shalt  }
0x66: {  	_ =	shalt  }
0x67: {  	_ =	shalt  }
0x68: {  	_ =	shalt  }
0x69: {  	_ =	shalt  }
0x6a: {  	_ =	shalt  }
0x6b: {  	_ =	shalt  }
0x6c: {  	_ =	shalt  }
0x6d: {  	_ =	shalt  }
0x6e: {  	_ =	shalt  }
0x6f: {  	_ =	shalt  }
0x70: {  	_ =	shalt  }
0x71: {  	_ =	shalt  }
0x72: {  	_ =	shalt  }
0x73: {  	_ =	shalt  }
0x74: {  	_ =	shalt  }
0x75: {  	_ =	shalt  }
0x76: {  	_ =	shalt  }
0x77: {  	_ =	shalt  }
0x78: {  	_ =	shalt  }
0x79: {  	_ =	shalt  }
0x7a: {  	_ =	shalt  }
0x7b: {  	_ =	shalt  }
0x7c: {  	_ =	shalt  }
0x7d: {  	_ =	shalt  }
0x7e: {  	_ =	shalt  }
0x7f: {  	_ =	shalt  }
0x80: {  	_ =	shalt  }
0x81: {  	_ =	shalt  }
0x82: {  	_ =	shalt  }
0x83: {  	_ =	shalt  }
0x84: {  	_ =	shalt  }
0x85: {  	_ =	shalt  }
0x86: {  	_ =	shalt  }
0x87: {  	_ =	shalt  }
.Lfunc_end0:
.L_simem_size_0:
called_computation_lowered:
.L_overlay_start_0:
0x88: {  	s2 =	sld [smem:$0x3FD9]  }
0x89: {  	s3 =	sld [smem:$0x3FFE];
	_ =	sdelay $0x1  }
0x8a: {  	s1 =	srdreg.scid  }
0x8b: {  	s0 =	sand.u32 $0x1, s1  }
0x8c: {  	s17 =	sshll.u32 s0, $0xA;
	s2 =	sadd.s32 s3, s2  }
0x8d: {  	s2 =	sadd.s32 s2, s17  }
0x8e: {  	[smem:$0x3FBE] =	sst s2  }
0x8f: {  	_ = 	snop  }
0x90: {  	s2 =	sld [smem:$0x3FD0];
	(tm) =	ssettm $0x1  }
0x91: {  	s18 =	sld [smem:$0x3FFB];
	_ =	sdelay $0x3  }
0x92: {  	_ =	strace s18  }
0x93: {  	s3 =	sld [smem:$0x3FFC];
	_ =	sdelay $0x3  }
0x94: {  	_ =	strace s3  }
0x95: {  	s3 =	sld [smem:$0x3FFD];
	_ =	sdelay $0x3  }
0x96: {  	_ =	strace s3  }
0x97: {  	_ =	strace $0x8FFFFFFF  }
0x98: {  	s19 =	sld [smem:$0x3FDB];
	_ =	sdelay $0x1  }
0x99: {  	s4 =	simm.s32 $_scs_section_size  }
0x9a: {  	s5 =	simm.s32 $_size__tile_overlayer_lowered;
	s6 =	simm.s32 $_tile_overlayer_lowered  }
0x9b: {  	s22 =	simm.s32 $0x1BFF;
	s21 =	sshll.u32 s6, $0x1;
	s3 =	sadd.s32 s4, s19  }
0x9c: {  	s7 =	simm.s32 $0x0;
	s20 =	sshll.u32 s5, $0x1;
	s5 =	sadd.s32 s21, s3  }
0x9d: {  	[timem:s7], [sflag:s22] =	dma.local [hbm:s5], s20  }
0x9e: {  	_ =	swait.ge [sflag:s22], s20  }
0x9f: {  	s4 =	ssub.s32 $0x0, s20;
	[sflag:s22] =	ssyncset.done $0x0  }
0xa0: {  	[sflag:s22] =	ssyncadd.s32 s4;
	_ =	sdelay $0x1  }
0xa1: {  	s23 =	simm.s32 $0x1B8B  }
0xa2: {  	_ =	swait.ge [sflag:s23], $0x1  }
0xa3: {  	[sflag:s23] =	ssyncset.done $0x0  }
0xa4: {  	s25 =	simm.s32 $0x1B8E;
	s24 =	sld [smem:$0x3FFE];
	[sflag:s23] =	ssyncadd.s32 $0xFFFFFFFF  }
0xa5: {  	s26 =	simm.s32 $execute0_lowered;
	[smem:$0x3FD2] =	sst s25  }
0xa6: {  	s5 =	sshll.u32 s26, $0x1;
	_ =	strace $0x80000046;
	[dreg:$0x1] =	wrdreg $0xFFFFFFFF  }
0xa7: {  	s28 =	simm.s32 $_size_execute0_lowered;
	s3 =	sadd.s32 s3, s5;
	[dreg:$0x0] =	wrdreg $0x0  }
0xa8: {  	s5 =	sshll.u32 s28, $0x1;
	[dreg:$0x2] =	wrdreg s3  }
0xa9: {  	[dreg:$0x3] =	wrdreg s5  }
0xaa: {  	[dreg:$0x4] =	wrdreg $0xC0  }
0xab: {  	_ =	task [dreg:s7], $0x5FFFF  }
0xac: {  	[dreg:$0x1] =	wrdreg $0xFFFFFFFF  }
0xad: {  	[dreg:$0x0] =	wrdreg $0x60  }
0xae: {  	[dreg:$0x2] =	wrdreg s2  }
0xaf: {  	[dreg:$0x3] =	wrdreg s24  }
0xb0: {  	[dreg:$0x4] =	wrdreg $0xBA500  }
0xb1: {  	[dreg:$0x5] =	wrdreg $0x15A500  }
0xb2: {  	[dreg:$0x6] =	wrdreg $0x9  }
0xb3: {  	_ =	task.clear_ibuf [dreg:s7], $0x7FFFF;
	_ =	strace $0x90000046  }
0xb4: {  	s29 =	simm.s32 $0x9;
	_ =	strace $0x80000048  }
0xb5: {  	_ =	swait.ge [sflag:s29], $0x1  }
0xb6: {  	[sflag:s29] =	ssyncadd.s32 $0xFFFFFFFF  }
0xb7: {  	_ =	strace $0x90000048  }
0xb8: {  	_ =	sfence  }
0xb9: {  	s30 =	sld [smem:$0x0];
	_ =	sdelay $0x2  }
0xba: {  	s31 =	sshll.u32 s1, $0xD;
	s1 =	sshrl.u32 s1, $0x2  }
0xbb: {  	s3 =	sand.u32 $0x4000, s31;
	s1 =	sadd.s32 s1, s30  }
0xbc: {  	s0 =	sor.u32 s3, s0;
	s1 =	sshll.u32 s1, $0x11  }
0xbd: {  	s0 =	sor.u32 s1, s0  }
0xbe: {  	s0 =	sadd.s32 $0x8F2B, s0  }
0xbf: {  	[sflag:s0] =	ssyncadd.remote.s32 $0x1  }
0xc0: {  	_ =	sfence.sel $0xFFFF  }
0xc1: {  	[dreg:$0x0] =	wrdreg $0xFFFFFFFF;
	(pc) =	sbr.abs _section_cstart, $3  }
0xc2: {  	[dreg:$0x1] =	wrdreg $0xFFFFFFFF  }
0xc3: {  	_ =	task.clear_ibuf [dreg:s7], $0x2FFFF;
	_ =	strace $0x9FFFFFFF  }
0xc4: {  	(tm) =	ssettm $0x7FFFFFFF  }
0xc5: {  	_ =	shalt  }
tec
execute0_lowered:
.L_overlay_start_1:
0x0: {  	(tag) =	ssettag $0x1  }
0x1: {  	s1 =	rddreg [dreg:$0x0]  }
0x2: {  	s0 =	rddreg [dreg:$0x1]  }
0x3: {  	s2 =	rddreg [dreg:$0x2]  }
0x4: {  	s4 =	rddreg [dreg:$0x3];
	s14 =	simm.s32 $0x0  }
0x5: {  	s3 =	srdreg.scid;
	s11 =	stileid.u32;
	s30 =	simm.s32 $0x2600  }
0x6: {  	s31 =	simm.s32 $0x280;
	s29 =	simm.s32 $0x8A00;
	[smem:$0x7FF] =	sst s14  }
0x7: {  	s3 =	sand.u32 $0x1, s3;
	s5 =	sadd.s32 $0x1A00, s0;
	s18 =	smul.u32 $0xA0, s11  }
0x8: {  	s7 =	sshll.u32 s11, $0x1;
	s19 =	sshll.u32 s11, $0xB;
	s23 =	smul.u32 $0x28000, s11  }
0x9: {  	s28 =	smul.u32 $0x1400, s11;
	p0 =	sgt.u32 s11, $0x4;
	p1 =	sne.s32 s11, $0x0  }
0xa: {  	s11 =	simm.s32 $0x4;
	_ =	strace $0x80000047;
	s6 =	smul.u32 $0x14000, s3  }
0xb: {  	s8 =	smul.u32 $0x500, s3;
	s9 =	ssub.s32 $0x2, s3;
	s7 =	sor.u32 s3, s7  }
0xc: {  	s3 =	smul.u32 $0x50, s3;
	s4 =	sadd.s32 s19, s4;
	s19 =	simm.s32 $0x9  }
0xd: {  	s10 =	sshrl.u32 s9, $0x1;
	s7 =	smul.u32 $0x500, s7;
	[dreg:$0x7] =	wrdreg s4  }
0xe: {  	s25 =	sshrl.u32 s23, $0x2;
	s23 =	simm.s32 $0x1;
	s6 =	sadd.s32 s6, s0  }
0xf: {  	s0 =	sadd.s32 s8, s0;
	s17 =	ssub.s32 s9, s10;
	s3 =	sadd.s32 s3, s18  }
0x10: {  	s15 =	sadd.s32 s25, s2;
	s18 =	simm.s32 $0x8600;
	s25 =	simm.s32 $0x600  }
0x11: {  	s8 =	simm.s32 $0x380;
	s9 =	simm.s32 $0x3;
	s10 =	simm.s32 $0x480  }
0x12: {  	s12 =	sadd.s32 s5, s7;
	s6 =	sadd.s32 $0xBA00, s6;
	s3 =	sshll.u32 s3, $0x4  }
0x13: {  	s0 =	sadd.s32 $0x33A00, s0;
	s26 =	smax.u32 s17, $0x1;
	[dreg:$0x6] =	wrdreg s12  }
0x14: {  	s7 =	simm.s32 $0x2;
	s20 =	sadd.s32 $0x10, s12;
	[dreg:$0xc] =	wrdreg s0  }
0x15: {  	s21 =	sadd.s32 $0x20, s12;
	s22 =	sadd.s32 $0x30, s12;
	[dreg:$0xd] =	wrdreg s26  }
0x16: {  	s24 =	sadd.s32 $0x40, s12;
	s13 =	sadd.s32 s3, s5;
	[dreg:$0x8] =	wrdreg s20  }
0x17: {  	s0 =	simm.s32 $0x8;
	s5 =	simm.s32 $0x500;
	[dreg:$0x9] =	wrdreg s21  }
0x18: {  	v0 =	vimm.bf16 $0.0e+00;
	v1 =	vlaneseq.u32;
	s3 =	simm.s32 $0x6600;
	s12 =	simm.s32 $0x580;
	[dreg:$0xa] =	wrdreg s22  }
0x19: {  	v2 =	vimm.f32 $0.0e+00;
	v7 =	vimm.f32 $1.000000000e+00;
	v3 =	vor.u32 $0x10, v1;
	[dreg:$0xb] =	wrdreg s24;
	s16 =	sadd.s32 $0x80, s13;
	s17 =	sadd.s32 $0x60, s13  }
0x1a: {  	v4 =	vor.u32 $0x20, v1;
	v5 =	vor.u32 $0x30, v1;
	v6 =	vor.u32 $0x40, v1;
	s20 =	simm.s32 $0x80;
	s24 =	sadd.s32 s6, s28;
	s21 =	simm.s32 $0x4600  }
.LBB2_1:
0x1b: {  	[tilespmem:$0x8600] =	vst v0  }
0x1c: {  	[tilespmem:$0x8610] =	vst v0  }
0x1d: {  	[tilespmem:$0x8620] =	vst v0  }
0x1e: {  	[tilespmem:$0x8630] =	vst v0  }
0x1f: {  	[tilespmem:$0x8640] =	vst v0  }
0x20: {  	[tilespmem:$0x8650] =	vst v0  }
0x21: {  	[tilespmem:$0x8660] =	vst v0  }
0x22: {  	[tilespmem:$0x8670] =	vst v0  }
0x23: {  	[tilespmem:$0x8680] =	vst v0  }
0x24: {  	[tilespmem:$0x8690] =	vst v0  }
0x25: {  	[tilespmem:$0x86A0] =	vst v0  }
0x26: {  	[tilespmem:$0x86B0] =	vst v0  }
0x27: {  	[tilespmem:$0x86C0] =	vst v0  }
0x28: {  	[tilespmem:$0x86D0] =	vst v0  }
0x29: {  	[tilespmem:$0x86E0] =	vst v0  }
0x2a: {  	[tilespmem:$0x86F0] =	vst v0  }
0x2b: {  	[tilespmem:$0x8700] =	vst v0  }
0x2c: {  	[tilespmem:$0x8710] =	vst v0  }
0x2d: {  	[tilespmem:$0x8720] =	vst v0  }
0x2e: {  	[tilespmem:$0x8730] =	vst v0  }
0x2f: {  	[tilespmem:$0x8740] =	vst v0  }
0x30: {  	[tilespmem:$0x8750] =	vst v0  }
0x31: {  	[tilespmem:$0x8760] =	vst v0  }
0x32: {  	[tilespmem:$0x8770] =	vst v0  }
0x33: {  	[tilespmem:$0x8780] =	vst v0  }
0x34: {  	[tilespmem:$0x8790] =	vst v0  }
0x35: {  	[tilespmem:$0x87A0] =	vst v0  }
0x36: {  	[tilespmem:$0x87B0] =	vst v0  }
0x37: {  	[tilespmem:$0x87C0] =	vst v0  }
0x38: {  	[tilespmem:$0x87D0] =	vst v0  }
0x39: {  	[tilespmem:$0x87E0] =	vst v0  }
0x3a: {  	[tilespmem:$0x87F0] =	vst v0  }
0x3b: {  	[tilespmem:$0x8800] =	vst v0  }
0x3c: {  	[tilespmem:$0x8810] =	vst v0  }
0x3d: {  	[tilespmem:$0x8820] =	vst v0  }
0x3e: {  	[tilespmem:$0x8830] =	vst v0  }
0x3f: {  	[tilespmem:$0x8840] =	vst v0  }
0x40: {  	[tilespmem:$0x8850] =	vst v0  }
0x41: {  	[tilespmem:$0x8860] =	vst v0  }
0x42: {  	[tilespmem:$0x8870] =	vst v0  }
0x43: {  	[tilespmem:$0x8880] =	vst v0  }
0x44: {  	[tilespmem:$0x8890] =	vst v0  }
0x45: {  	[tilespmem:$0x88A0] =	vst v0  }
0x46: {  	[tilespmem:$0x88B0] =	vst v0  }
0x47: {  	[tilespmem:$0x88C0] =	vst v0  }
0x48: {  	[tilespmem:$0x88D0] =	vst v0  }
0x49: {  	[tilespmem:$0x88E0] =	vst v0  }
0x4a: {  	[tilespmem:$0x88F0] =	vst v0  }
0x4b: {  	[tilespmem:$0x8900] =	vst v0  }
0x4c: {  	[tilespmem:$0x8910] =	vst v0  }
0x4d: {  	[tilespmem:$0x8920] =	vst v0  }
0x4e: {  	[tilespmem:$0x8930] =	vst v0  }
0x4f: {  	[tilespmem:$0x8940] =	vst v0  }
0x50: {  	[tilespmem:$0x8950] =	vst v0  }
0x51: {  	[tilespmem:$0x8960] =	vst v0  }
0x52: {  	[tilespmem:$0x8970] =	vst v0  }
0x53: {  	[tilespmem:$0x8980] =	vst v0  }
0x54: {  	[tilespmem:$0x8990] =	vst v0  }
0x55: {  	[tilespmem:$0x89A0] =	vst v0  }
0x56: {  	[tilespmem:$0x89B0] =	vst v0  }
0x57: {  	[tilespmem:$0x89C0] =	vst v0  }
0x58: {  	[tilespmem:$0x89D0] =	vst v0  }
0x59: {  	[tilespmem:$0x89E0] =	vst v0  }
0x5a: {  	[dreg:$0x5] =	wrdreg s14;
	[tilespmem:$0x89F0] =	vst v0;
	s6 =	sadd.s32 $0x0, s15  }
0x5b: {  	[spmem:s6] =	stream.linear.scatter [tilespmem:s18], [sflag:$0x9], $0x400, $0x38;
	[tilespmem:$0x15CD0] =	vst v63  }
0x5c: {  	s6 =	simm.s32 $0x1000;
	_ =	swait.ge [sflag:s19], $0x400  }
.LBB2_2:
0x5d: {  	s14 =	sshra.s32 s6, $0x2;
	[sflag:s19] =	ssyncset.done $0x0;
	p2 =	sne.s32 s6, $0x27000  }
.Ltmp0:
0x5e: {  	s14 =	sadd.s32 s14, s15;
	[sflag:s19] =	ssyncadd.s32 $0xFFFFFC00;
	(pc) =	sbr.rel @p2 .LBB2_2-.Ltmp0, $3  }
0x5f: {  	[spmem:s14] =	stream.linear.scatter [tilespmem:s18], [sflag:$0x9], $0x400, $0x38;
	[tilespmem:$0x15CD0] =	vst v63  }
0x60: {  	s6 =	sadd.s32 $0x1000, s6;
	_ =	sdelay $0x1  }
0x61: {  	_ =	swait.ge [sflag:s19], $0x400  }
0x62: {  	[sflag:s19] =	ssyncset.done $0x0  }
0x63: {  	s6 =	simm.s32 $0x0;
	s14 =	simm.s32 $0x200;
	[sflag:s19] =	ssyncadd.s32 $0xFFFFFC00  }
.LBB2_4:
0x64: {  	p2 =	sne.s32 s14, $0x9E00;
	[tilespmem:s6+$0x8A70] =	vst v2  }
0x65: {  	[tilespmem:s6+$0x8A00] =	vst v2  }
0x66: {  	[tilespmem:s6+$0x8A10] =	vst v2  }
.Ltmp1:
0x67: {  	[tilespmem:s6+$0x8A20] =	vst v2;
	(pc) =	sbr.rel @p2 .LBB2_4-.Ltmp1, $4  }
0x68: {  	[tilespmem:s6+$0x8A30] =	vst v2  }
0x69: {  	[tilespmem:s6+$0x8A40] =	vst v2  }
0x6a: {  	[tilespmem:s6+$0x8A50] =	vst v2  }
0x6b: {  	[tilespmem:s6+$0x8A60] =	vst v2;
	s6 =	sshra.s32 s14, $0x2;
	s14 =	sadd.s32 $0x200, s14  }
0x6c: {  	[tilespmem:s6+$0x8A70] =	vst v2  }
0x6d: {  	[tilespmem:s6+$0x8A00] =	vst v2  }
0x6e: {  	[tilespmem:s6+$0x8A10] =	vst v2  }
0x6f: {  	[tilespmem:s6+$0x8A20] =	vst v2  }
0x70: {  	[tilespmem:s6+$0x8A30] =	vst v2  }
0x71: {  	[tilespmem:s6+$0x8A40] =	vst v2  }
0x72: {  	[tilespmem:s6+$0x8A50] =	vst v2  }
0x73: {  	[tilespmem:s6+$0x8A60] =	vst v2  }
0x74: {  	[tilespmem:$0xB200] =	vst v1  }
0x75: {  	[tilespmem:$0xB210] =	vst v3  }
0x76: {  	[tilespmem:$0xB220] =	vst v4  }
0x77: {  	[tilespmem:$0xB230] =	vst v5  }
0x78: {  	s6 =	simm.s32 $0x0;
	s14 =	simm.s32 $0x200;
	[tilespmem:$0xB240] =	vst v6  }
.LBB2_6:
0x79: {  	p2 =	sne.s32 s14, $0x1E00;
	[tilespmem:s6+$0xB2C0] =	vst v2  }
0x7a: {  	[tilespmem:s6+$0xB250] =	vst v2  }
0x7b: {  	[tilespmem:s6+$0xB260] =	vst v2  }
.Ltmp2:
0x7c: {  	[tilespmem:s6+$0xB270] =	vst v2;
	(pc) =	sbr.rel @p2 .LBB2_6-.Ltmp2, $4  }
0x7d: {  	[tilespmem:s6+$0xB280] =	vst v2  }
0x7e: {  	[tilespmem:s6+$0xB290] =	vst v2  }
0x7f: {  	[tilespmem:s6+$0xB2A0] =	vst v2  }
0x80: {  	[tilespmem:s6+$0xB2B0] =	vst v2;
	s6 =	sshra.s32 s14, $0x2;
	s14 =	sadd.s32 $0x200, s14  }
0x81: {  	[tilespmem:s6+$0xB2C0] =	vst v2  }
0x82: {  	[tilespmem:s6+$0xB250] =	vst v2  }
0x83: {  	[tilespmem:s6+$0xB260] =	vst v2  }
0x84: {  	[tilespmem:s6+$0xB270] =	vst v2  }
0x85: {  	[tilespmem:s6+$0xB280] =	vst v2  }
0x86: {  	[tilespmem:s6+$0xB290] =	vst v2  }
0x87: {  	[tilespmem:s6+$0xB2A0] =	vst v2  }
0x88: {  	[tilespmem:s6+$0xB2B0] =	vst v2;
	s6 =	simm.s32 @!p0 $0xB250;
	s4 =	rddreg [dreg:$0x7]  }
0x89: {  	[spmem:s4] =	stream.linear.scatter @!p0 [tilespmem:s6], [sflag:$0x9], $0x800, $0x38;
	[tilespmem:$0x15CD0] =	vst v63  }
0x8a: {  	s6 =	simm.s32 @!p0 $0x9  }
0x8b: {  	_ =	swait.ge @!p0 [sflag:s6], $0x800  }
0x8c: {  	[sflag:s6] =	ssyncset.done @!p0 $0x0  }
0x8d: {  	[sflag:s6] =	ssyncadd.s32 @!p0 $0xFFFFF800  }
0x8e: {  	[bflag:$0x0] =	sbarrier.arrive $0xFFFF  }
0x8f: {  	s14 =	simm.s32 $0x0;
	s28 =	rddreg [dreg:$0x6]  }
0x90: {  	[tilespmem:s14], [sflag:$0x5] =	stream.linear.gather [hbm4b:s28+s14], $0x80, $0x38;
	[tilespmem:$0x15CD0] =	vst v63  }
0x91: {  	s6 =	rddreg [dreg:$0x8]  }
0x92: {  	[tilespmem:s20], [sflag:$0x6] =	stream.linear.gather [hbm4b:s6+s14], $0x80, $0x38;
	[tilespmem:$0x15CD0] =	vst v63  }
0x93: {  	s26 =	simm.s32 $0x100;
	s22 =	rddreg [dreg:$0x9];
	s28 =	simm.s32 $0x5  }
0x94: {  	[tilespmem:s26], [sflag:$0x7] =	stream.linear.gather [hbm4b:s22+s14], $0x80, $0x38;
	[tilespmem:$0x15CD0] =	vst v63  }
0x95: {  	_ =	swait.ge [sflag:s28], $0x80  }
0x96: {  	[sflag:s28] =	ssyncset.done $0x0  }
0x97: {  	[sflag:s28] =	ssyncadd.s32 $0xFFFFFF80  }
0x98: {  	v8 =	vld [tilespmem:$0x0];
	_ =	sdelay $0x1  }
0x99: {  	v9 =	vld [tilespmem:$0x10];
	_ =	sdelay $0x1  }
0x9a: {  	v10 =	vld [tilespmem:$0x20]  }
0x9b: {  	v11 =	vshra.s32 v8, $0xE  }
0x9c: {  	v43 =	vld [tilespmem:$0x30];
	v8 =	vand.u32 $0x3FFF, v8;
	[tilespmem:$0x200] =	vst v11  }
0x9d: {  	[tilespmem:$0x280] =	vst v8;
	v8 =	vshra.s32 v9, $0xE  }
0x9e: {  	v44 =	vld [tilespmem:$0x40];
	[tilespmem:$0x210] =	vst v8;
	v8 =	vand.u32 $0x3FFF, v9  }
0x9f: {  	[tilespmem:$0x290] =	vst v8;
	v8 =	vshra.s32 v10, $0xE  }
0xa0: {  	v45 =	vld [tilespmem:$0x50];
	[tilespmem:$0x220] =	vst v8;
	v8 =	vand.u32 $0x3FFF, v10  }
0xa1: {  	[tilespmem:$0x2A0] =	vst v8;
	v8 =	vshra.s32 v43, $0xE  }
0xa2: {  	v46 =	vld [tilespmem:$0x60];
	[tilespmem:$0x230] =	vst v8;
	v8 =	vand.u32 $0x3FFF, v43  }
0xa3: {  	[tilespmem:$0x2B0] =	vst v8;
	v8 =	vshra.s32 v44, $0xE  }
0xa4: {  	v47 =	vld [tilespmem:$0x70];
	[tilespmem:$0x240] =	vst v8;
	v8 =	vand.u32 $0x3FFF, v44  }
0xa5: {  	[tilespmem:$0x2C0] =	vst v8;
	v8 =	vshra.s32 v45, $0xE  }
0xa6: {  	[tilespmem:$0x250] =	vst v8;
	v8 =	vand.u32 $0x3FFF, v45  }
0xa7: {  	[tilespmem:$0x2D0] =	vst v8;
	v8 =	vshra.s32 v46, $0xE  }
0xa8: {  	[tilespmem:$0x260] =	vst v8;
	v8 =	vand.u32 $0x3FFF, v46  }
0xa9: {  	[tilespmem:$0x2E0] =	vst v8;
	v8 =	vshra.s32 v47, $0xE  }
0xaa: {  	[tilespmem:$0x270] =	vst v8;
	v8 =	vand.u32 $0x3FFF, v47  }
0xab: {  	s6 =	simm.s32 $0x200;
	[tilespmem:$0x2F0] =	vst v8  }
0xac: {  	[tilespmem:s25], [sflag:$0x1] =	stream.indirect.gather [hbm4b:s1+s20], $0x40, s6, s20, $0xb8;
	[tilespmem:$0x15CD0] =	vst v63  }
0xad: {  	s26 =	simm.s32 $0x180;
	s22 =	rddreg [dreg:$0xa];
	s28 =	simm.s32 $0x6  }
0xae: {  	[tilespmem:s26], [sflag:$0x8] =	stream.linear.gather [hbm4b:s22+s14], $0x80, $0x38;
	[tilespmem:$0x15CD0] =	vst v63  }
0xaf: {  	_ =	swait.ge [sflag:s28], $0x80  }
0xb0: {  	[sflag:s28] =	ssyncset.done $0x0  }
0xb1: {  	[sflag:s28] =	ssyncadd.s32 $0xFFFFFF80  }
0xb2: {  	v8 =	vld [tilespmem:$0x80];
	_ =	sdelay $0x1  }
0xb3: {  	v48 =	vld [tilespmem:$0x90];
	_ =	sdelay $0x1  }
0xb4: {  	v49 =	vld [tilespmem:$0xA0]  }
0xb5: {  	v50 =	vshra.s32 v8, $0xE  }
0xb6: {  	v51 =	vld [tilespmem:$0xB0];
	v8 =	vand.u32 $0x3FFF, v8;
	[tilespmem:$0x300] =	vst v50  }
0xb7: {  	[tilespmem:$0x380] =	vst v8;
	v8 =	vshra.s32 v48, $0xE  }
0xb8: {  	v52 =	vld [tilespmem:$0xC0];
	[tilespmem:$0x310] =	vst v8;
	v8 =	vand.u32 $0x3FFF, v48  }
0xb9: {  	[tilespmem:$0x390] =	vst v8;
	v8 =	vshra.s32 v49, $0xE  }
0xba: {  	v53 =	vld [tilespmem:$0xD0];
	[tilespmem:$0x320] =	vst v8;
	v8 =	vand.u32 $0x3FFF, v49  }
0xbb: {  	[tilespmem:$0x3A0] =	vst v8;
	v8 =	vshra.s32 v51, $0xE  }
0xbc: {  	v54 =	vld [tilespmem:$0xE0];
	[tilespmem:$0x330] =	vst v8;
	v8 =	vand.u32 $0x3FFF, v51  }
0xbd: {  	[tilespmem:$0x3B0] =	vst v8;
	v8 =	vshra.s32 v52, $0xE  }
0xbe: {  	v55 =	vld [tilespmem:$0xF0];
	[tilespmem:$0x340] =	vst v8;
	v8 =	vand.u32 $0x3FFF, v52  }
0xbf: {  	[tilespmem:$0x3C0] =	vst v8;
	v8 =	vshra.s32 v53, $0xE  }
0xc0: {  	[tilespmem:$0x350] =	vst v8;
	v8 =	vand.u32 $0x3FFF, v53  }
0xc1: {  	[tilespmem:$0x3D0] =	vst v8;
	v8 =	vshra.s32 v54, $0xE  }
0xc2: {  	[tilespmem:$0x360] =	vst v8;
	v8 =	vand.u32 $0x3FFF, v54  }
0xc3: {  	[tilespmem:$0x3E0] =	vst v8;
	v8 =	vshra.s32 v55, $0xE  }
0xc4: {  	[tilespmem:$0x370] =	vst v8;
	v8 =	vand.u32 $0x3FFF, v55  }
0xc5: {  	s6 =	simm.s32 $0x300;
	[tilespmem:$0x3F0] =	vst v8  }
0xc6: {  	[tilespmem:s30], [sflag:$0x2] =	stream.indirect.gather [hbm4b:s1+s20], $0x40, s6, s20, $0xb8;
	[tilespmem:$0x15CD0] =	vst v63  }
0xc7: {  	s26 =	simm.s32 $0x7;
	s22 =	rddreg [dreg:$0xb]  }
0xc8: {  	[tilespmem:s14], [sflag:$0x5] =	stream.linear.gather [hbm4b:s22+s14], $0x80, $0x38;
	[tilespmem:$0x15CD0] =	vst v63  }
0xc9: {  	_ =	swait.ge [sflag:s26], $0x80  }
0xca: {  	[sflag:s26] =	ssyncset.done $0x0  }
0xcb: {  	[sflag:s26] =	ssyncadd.s32 $0xFFFFFF80  }
0xcc: {  	v8 =	vld [tilespmem:$0x100];
	_ =	sdelay $0x1  }
0xcd: {  	v56 =	vld [tilespmem:$0x110];
	_ =	sdelay $0x1  }
0xce: {  	v57 =	vld [tilespmem:$0x120]  }
0xcf: {  	v58 =	vshra.s32 v8, $0xE  }
0xd0: {  	v59 =	vld [tilespmem:$0x130];
	v8 =	vand.u32 $0x3FFF, v8;
	[tilespmem:$0x400] =	vst v58  }
0xd1: {  	[tilespmem:$0x480] =	vst v8;
	v8 =	vshra.s32 v56, $0xE  }
0xd2: {  	v60 =	vld [tilespmem:$0x140];
	[tilespmem:$0x410] =	vst v8;
	v8 =	vand.u32 $0x3FFF, v56  }
0xd3: {  	[tilespmem:$0x490] =	vst v8;
	v8 =	vshra.s32 v57, $0xE  }
0xd4: {  	v61 =	vld [tilespmem:$0x150];
	[tilespmem:$0x420] =	vst v8;
	v8 =	vand.u32 $0x3FFF, v57  }
0xd5: {  	[tilespmem:$0x4A0] =	vst v8;
	v8 =	vshra.s32 v59, $0xE  }
0xd6: {  	v62 =	vld [tilespmem:$0x160];
	[tilespmem:$0x430] =	vst v8;
	v8 =	vand.u32 $0x3FFF, v59  }
0xd7: {  	[tilespmem:$0x4B0] =	vst v8;
	v8 =	vshra.s32 v60, $0xE  }
0xd8: {  	v63 =	vld [tilespmem:$0x170];
	[tilespmem:$0x440] =	vst v8;
	v8 =	vand.u32 $0x3FFF, v60  }
0xd9: {  	[tilespmem:$0x4C0] =	vst v8;
	v8 =	vshra.s32 v61, $0xE  }
0xda: {  	[tilespmem:$0x450] =	vst v8;
	v8 =	vand.u32 $0x3FFF, v61  }
0xdb: {  	[tilespmem:$0x4D0] =	vst v8;
	v8 =	vshra.s32 v62, $0xE  }
0xdc: {  	[tilespmem:$0x460] =	vst v8;
	v8 =	vand.u32 $0x3FFF, v62  }
0xdd: {  	[tilespmem:$0x4E0] =	vst v8;
	v8 =	vshra.s32 v63, $0xE  }
0xde: {  	[tilespmem:$0x470] =	vst v8;
	v8 =	vand.u32 $0x3FFF, v63  }
0xdf: {  	s28 =	simm.s32 $0x400;
	s6 =	simm.s32 $0x0;
	[tilespmem:$0x4F0] =	vst v8  }
0xe0: {  	[tilespmem:s21], [sflag:$0x3] =	stream.indirect.gather [hbm4b:s1+s20], $0x40, s28, s20, $0xb8;
	[tilespmem:$0x15CD0] =	vst v63  }
.LBB2_8:
0xe1: {  	_ =	swait.ge [sflag:s23], $0x2000  }
0xe2: {  	[sflag:s23] =	ssyncset.done $0x0  }
0xe3: {  	[sflag:s23] =	ssyncadd.s32 $0xFFFFE000  }
0xe4: {  	[spmem:s2] =	stream.indirect.scatter.add.bf16 [tilespmem:s25], [sflag:$0x9], $0x40, s31, s20, $0xb8;
	[tilespmem:$0x15CD0] =	vst v63  }
0xe5: {  	_ =	swait.ge [sflag:s19], $0x2000  }
0xe6: {  	[sflag:s19] =	ssyncset.done $0x0  }
0xe7: {  	[sflag:s19] =	ssyncadd.s32 $0xFFFFE000  }
0xe8: {  	v8 =	vld [tilespmem:$0x280];
	_ =	sdelay $0x7  }
0xe9: {  	[tilespmem:v8+s29+$0x0] =	vst.idx.add.f32.msk $0xffff, v7  }
0xea: {  	v8 =	vld [tilespmem:$0x290];
	_ =	sdelay $0x7  }
0xeb: {  	[tilespmem:v8+s29+$0x0] =	vst.idx.add.f32.msk $0xffff, v7  }
0xec: {  	v8 =	vld [tilespmem:$0x2A0];
	_ =	sdelay $0x7  }
0xed: {  	[tilespmem:v8+s29+$0x0] =	vst.idx.add.f32.msk $0xffff, v7  }
0xee: {  	v8 =	vld [tilespmem:$0x2B0];
	_ =	sdelay $0x7  }
0xef: {  	[tilespmem:v8+s29+$0x0] =	vst.idx.add.f32.msk $0xffff, v7  }
0xf0: {  	v8 =	vld [tilespmem:$0x2C0];
	_ =	sdelay $0x7  }
0xf1: {  	[tilespmem:v8+s29+$0x0] =	vst.idx.add.f32.msk $0xffff, v7  }
0xf2: {  	v8 =	vld [tilespmem:$0x2D0];
	_ =	sdelay $0x7  }
0xf3: {  	[tilespmem:v8+s29+$0x0] =	vst.idx.add.f32.msk $0xffff, v7  }
0xf4: {  	v8 =	vld [tilespmem:$0x2E0];
	_ =	sdelay $0x7  }
0xf5: {  	[tilespmem:v8+s29+$0x0] =	vst.idx.add.f32.msk $0xffff, v7  }
0xf6: {  	v8 =	vld [tilespmem:$0x2F0];
	_ =	sdelay $0x7  }
0xf7: {  	[tilespmem:v8+s29+$0x0] =	vst.idx.add.f32.msk $0xffff, v7  }
0xf8: {  	_ =	swait.ge [sflag:s0], $0x80  }
0xf9: {  	[sflag:s0] =	ssyncset.done $0x0  }
0xfa: {  	[sflag:s0] =	ssyncadd.s32 $0xFFFFFF80  }
0xfb: {  	v8 =	vld [tilespmem:$0x180];
	_ =	sdelay $0x1  }
0xfc: {  	v9 =	vld [tilespmem:$0x190];
	_ =	sdelay $0x1  }
0xfd: {  	v10 =	vld [tilespmem:$0x1A0]  }
0xfe: {  	v11 =	vshra.s32 v8, $0xE  }
0xff: {  	v59 =	vld [tilespmem:$0x1B0];
	v8 =	vand.u32 $0x3FFF, v8;
	[tilespmem:$0x500] =	vst v11  }
0x100: {  	[tilespmem:$0x580] =	vst v8;
	v8 =	vshra.s32 v9, $0xE  }
0x101: {  	v60 =	vld [tilespmem:$0x1C0];
	[tilespmem:$0x510] =	vst v8;
	v8 =	vand.u32 $0x3FFF, v9  }
0x102: {  	[tilespmem:$0x590] =	vst v8;
	v8 =	vshra.s32 v10, $0xE  }
0x103: {  	v61 =	vld [tilespmem:$0x1D0];
	[tilespmem:$0x520] =	vst v8;
	v8 =	vand.u32 $0x3FFF, v10  }
0x104: {  	[tilespmem:$0x5A0] =	vst v8;
	v8 =	vshra.s32 v59, $0xE  }
0x105: {  	v62 =	vld [tilespmem:$0x1E0];
	[tilespmem:$0x530] =	vst v8;
	v8 =	vand.u32 $0x3FFF, v59  }
0x106: {  	[tilespmem:$0x5B0] =	vst v8;
	v8 =	vshra.s32 v60, $0xE  }
0x107: {  	v63 =	vld [tilespmem:$0x1F0];
	[tilespmem:$0x540] =	vst v8;
	v8 =	vand.u32 $0x3FFF, v60  }
0x108: {  	[tilespmem:$0x5C0] =	vst v8;
	v8 =	vshra.s32 v61, $0xE  }
0x109: {  	[tilespmem:$0x550] =	vst v8;
	v8 =	vand.u32 $0x3FFF, v61  }
0x10a: {  	[tilespmem:$0x5D0] =	vst v8;
	v8 =	vshra.s32 v62, $0xE  }
0x10b: {  	[tilespmem:$0x560] =	vst v8;
	v8 =	vand.u32 $0x3FFF, v62  }
0x10c: {  	[tilespmem:$0x5E0] =	vst v8;
	v8 =	vshra.s32 v63, $0xE  }
0x10d: {  	p2 =	seq.s32 s14, $0x4C0;
	[tilespmem:$0x570] =	vst v8;
	v8 =	vand.u32 $0x3FFF, v63  }
0x10e: {  	s28 =	sadd.s32 @!p2 s14, s13;
	[tilespmem:$0x5F0] =	vst v8  }
0x10f: {  	[tilespmem:s3], [sflag:$0x4] =	stream.indirect.gather [hbm4b:s1+s20], $0x40, s5, s20, $0xb8;
	[tilespmem:$0x15CD0] =	vst v63  }
0x110: {  	s22 =	simm.s32 @!p2 $0x80;
	s4 =	sadd.s32 @!p2 $0x50, s28;
	s31 =	simm.s32 @!p2 $0x0  }
0x111: {  	[tilespmem:s22], [sflag:$0x6] =	stream.linear.gather @!p2 [hbm4b:s4+s31], $0x80, $0x38;
	[tilespmem:$0x15CD0] =	vst v63  }
0x112: {  	_ =	swait.ge [sflag:s7], $0x2000  }
0x113: {  	[sflag:s7] =	ssyncset.done $0x0  }
0x114: {  	[sflag:s7] =	ssyncadd.s32 $0xFFFFE000  }
0x115: {  	[spmem:s2] =	stream.indirect.scatter.add.bf16 [tilespmem:s30], [sflag:$0x9], $0x40, s8, s20, $0xb8;
	[tilespmem:$0x15CD0] =	vst v63  }
0x116: {  	_ =	swait.ge [sflag:s19], $0x2000  }
0x117: {  	[sflag:s19] =	ssyncset.done $0x0  }
0x118: {  	[sflag:s19] =	ssyncadd.s32 $0xFFFFE000  }
0x119: {  	v8 =	vld [tilespmem:$0x380];
	_ =	sdelay $0x7  }
0x11a: {  	[tilespmem:v8+s29+$0x0] =	vst.idx.add.f32.msk $0xffff, v7  }
0x11b: {  	v8 =	vld [tilespmem:$0x390];
	_ =	sdelay $0x7  }
0x11c: {  	[tilespmem:v8+s29+$0x0] =	vst.idx.add.f32.msk $0xffff, v7  }
0x11d: {  	v8 =	vld [tilespmem:$0x3A0];
	_ =	sdelay $0x7  }
0x11e: {  	[tilespmem:v8+s29+$0x0] =	vst.idx.add.f32.msk $0xffff, v7  }
0x11f: {  	v8 =	vld [tilespmem:$0x3B0];
	_ =	sdelay $0x7  }
0x120: {  	[tilespmem:v8+s29+$0x0] =	vst.idx.add.f32.msk $0xffff, v7  }
0x121: {  	v8 =	vld [tilespmem:$0x3C0];
	_ =	sdelay $0x7  }
0x122: {  	[tilespmem:v8+s29+$0x0] =	vst.idx.add.f32.msk $0xffff, v7  }
0x123: {  	v8 =	vld [tilespmem:$0x3D0];
	_ =	sdelay $0x7  }
0x124: {  	[tilespmem:v8+s29+$0x0] =	vst.idx.add.f32.msk $0xffff, v7  }
0x125: {  	v8 =	vld [tilespmem:$0x3E0];
	_ =	sdelay $0x7  }
0x126: {  	[tilespmem:v8+s29+$0x0] =	vst.idx.add.f32.msk $0xffff, v7  }
0x127: {  	v8 =	vld [tilespmem:$0x3F0];
	_ =	sdelay $0x7  }
0x128: {  	s4 =	simm.s32 @!p2 $0x5;
	[tilespmem:v8+s29+$0x0] =	vst.idx.add.f32.msk $0xffff, v7  }
0x129: {  	_ =	swait.ge @!p2 [sflag:s4], $0x80  }
0x12a: {  	[sflag:s4] =	ssyncset.done @!p2 $0x0  }
0x12b: {  	[sflag:s4] =	ssyncadd.s32 @!p2 $0xFFFFFF80  }
0x12c: {  	v8 =	vld @!p2 [tilespmem:$0x0];
	_ =	sdelay $0x1  }
0x12d: {  	v9 =	vld @!p2 [tilespmem:$0x10];
	_ =	sdelay $0x1  }
0x12e: {  	v10 =	vld @!p2 [tilespmem:$0x20]  }
0x12f: {  	v11 =	vshra.s32 @!p2 v8, $0xE  }
0x130: {  	v8 =	vand.u32 @!p2 $0x3FFF, v8;
	[tilespmem:$0x200] =	vst @!p2 v11;
	v11 =	vld @!p2 [tilespmem:$0x30]  }
0x131: {  	[tilespmem:$0x280] =	vst @!p2 v8;
	v8 =	vshra.s32 @!p2 v9, $0xE  }
0x132: {  	[tilespmem:$0x210] =	vst @!p2 v8;
	v8 =	vand.u32 @!p2 $0x3FFF, v9;
	v9 =	vld @!p2 [tilespmem:$0x40]  }
0x133: {  	[tilespmem:$0x290] =	vst @!p2 v8;
	v8 =	vshra.s32 @!p2 v10, $0xE  }
0x134: {  	[tilespmem:$0x220] =	vst @!p2 v8;
	v8 =	vand.u32 @!p2 $0x3FFF, v10;
	v10 =	vld @!p2 [tilespmem:$0x50]  }
0x135: {  	[tilespmem:$0x2A0] =	vst @!p2 v8;
	v8 =	vshra.s32 @!p2 v11, $0xE  }
0x136: {  	[tilespmem:$0x230] =	vst @!p2 v8;
	v8 =	vand.u32 @!p2 $0x3FFF, v11;
	v11 =	vld @!p2 [tilespmem:$0x60]  }
0x137: {  	[tilespmem:$0x2B0] =	vst @!p2 v8;
	v8 =	vshra.s32 @!p2 v9, $0xE  }
0x138: {  	[tilespmem:$0x240] =	vst @!p2 v8;
	v8 =	vand.u32 @!p2 $0x3FFF, v9;
	v9 =	vld @!p2 [tilespmem:$0x70]  }
0x139: {  	[tilespmem:$0x2C0] =	vst @!p2 v8;
	v8 =	vshra.s32 @!p2 v10, $0xE  }
0x13a: {  	[tilespmem:$0x250] =	vst @!p2 v8;
	v8 =	vand.u32 @!p2 $0x3FFF, v10  }
0x13b: {  	[tilespmem:$0x2D0] =	vst @!p2 v8;
	v8 =	vshra.s32 @!p2 v11, $0xE  }
0x13c: {  	[tilespmem:$0x260] =	vst @!p2 v8;
	v8 =	vand.u32 @!p2 $0x3FFF, v11  }
0x13d: {  	[tilespmem:$0x2E0] =	vst @!p2 v8;
	v8 =	vshra.s32 @!p2 v9, $0xE  }
0x13e: {  	[tilespmem:$0x270] =	vst @!p2 v8;
	v8 =	vand.u32 @!p2 $0x3FFF, v9  }
0x13f: {  	s26 =	simm.s32 @!p2 $0x600;
	s4 =	simm.s32 @!p2 $0x200;
	[tilespmem:$0x2F0] =	vst @!p2 v8  }
0x140: {  	[tilespmem:s26], [sflag:$0x1] =	stream.indirect.gather @!p2 [hbm4b:s1+s22], $0x40, s4, s22, $0xb8;
	[tilespmem:$0x15CD0] =	vst v63  }
0x141: {  	s4 =	sadd.s32 @!p2 s14, s17;
	s26 =	simm.s32 @!p2 $0x100  }
0x142: {  	[tilespmem:s26], [sflag:$0x7] =	stream.linear.gather @!p2 [hbm4b:s4+s31], $0x80, $0x38;
	[tilespmem:$0x15CD0] =	vst v63  }
0x143: {  	_ =	swait.ge [sflag:s9], $0x2000  }
0x144: {  	[sflag:s9] =	ssyncset.done $0x0  }
0x145: {  	[sflag:s9] =	ssyncadd.s32 $0xFFFFE000  }
0x146: {  	[spmem:s2] =	stream.indirect.scatter.add.bf16 [tilespmem:s21], [sflag:$0x9], $0x40, s10, s20, $0xb8;
	[tilespmem:$0x15CD0] =	vst v63  }
0x147: {  	_ =	swait.ge [sflag:s19], $0x2000  }
0x148: {  	[sflag:s19] =	ssyncset.done $0x0  }
0x149: {  	[sflag:s19] =	ssyncadd.s32 $0xFFFFE000  }
0x14a: {  	v8 =	vld [tilespmem:$0x480];
	_ =	sdelay $0x7  }
0x14b: {  	[tilespmem:v8+s29+$0x0] =	vst.idx.add.f32.msk $0xffff, v7  }
0x14c: {  	v8 =	vld [tilespmem:$0x490];
	_ =	sdelay $0x7  }
0x14d: {  	[tilespmem:v8+s29+$0x0] =	vst.idx.add.f32.msk $0xffff, v7  }
0x14e: {  	v8 =	vld [tilespmem:$0x4A0];
	_ =	sdelay $0x7  }
0x14f: {  	[tilespmem:v8+s29+$0x0] =	vst.idx.add.f32.msk $0xffff, v7  }
0x150: {  	v8 =	vld [tilespmem:$0x4B0];
	_ =	sdelay $0x7  }
0x151: {  	[tilespmem:v8+s29+$0x0] =	vst.idx.add.f32.msk $0xffff, v7  }
0x152: {  	v8 =	vld [tilespmem:$0x4C0];
	_ =	sdelay $0x7  }
0x153: {  	[tilespmem:v8+s29+$0x0] =	vst.idx.add.f32.msk $0xffff, v7  }
0x154: {  	v8 =	vld [tilespmem:$0x4D0];
	_ =	sdelay $0x7  }
0x155: {  	[tilespmem:v8+s29+$0x0] =	vst.idx.add.f32.msk $0xffff, v7  }
0x156: {  	v8 =	vld [tilespmem:$0x4E0];
	_ =	sdelay $0x7  }
0x157: {  	[tilespmem:v8+s29+$0x0] =	vst.idx.add.f32.msk $0xffff, v7  }
0x158: {  	v8 =	vld [tilespmem:$0x4F0];
	_ =	sdelay $0x7  }
0x159: {  	s4 =	simm.s32 @!p2 $0x6;
	[tilespmem:v8+s29+$0x0] =	vst.idx.add.f32.msk $0xffff, v7  }
0x15a: {  	_ =	swait.ge @!p2 [sflag:s4], $0x80  }
0x15b: {  	[sflag:s4] =	ssyncset.done @!p2 $0x0  }
0x15c: {  	[sflag:s4] =	ssyncadd.s32 @!p2 $0xFFFFFF80  }
0x15d: {  	v8 =	vld @!p2 [tilespmem:$0x80];
	_ =	sdelay $0x1  }
0x15e: {  	v9 =	vld @!p2 [tilespmem:$0x90];
	_ =	sdelay $0x1  }
0x15f: {  	v10 =	vld @!p2 [tilespmem:$0xA0]  }
0x160: {  	v11 =	vshra.s32 @!p2 v8, $0xE  }
0x161: {  	v8 =	vand.u32 @!p2 $0x3FFF, v8;
	[tilespmem:$0x300] =	vst @!p2 v11;
	v11 =	vld @!p2 [tilespmem:$0xB0]  }
0x162: {  	[tilespmem:$0x380] =	vst @!p2 v8;
	v8 =	vshra.s32 @!p2 v9, $0xE  }
0x163: {  	[tilespmem:$0x310] =	vst @!p2 v8;
	v8 =	vand.u32 @!p2 $0x3FFF, v9;
	v9 =	vld @!p2 [tilespmem:$0xC0]  }
0x164: {  	[tilespmem:$0x390] =	vst @!p2 v8;
	v8 =	vshra.s32 @!p2 v10, $0xE  }
0x165: {  	[tilespmem:$0x320] =	vst @!p2 v8;
	v8 =	vand.u32 @!p2 $0x3FFF, v10;
	v10 =	vld @!p2 [tilespmem:$0xD0]  }
0x166: {  	[tilespmem:$0x3A0] =	vst @!p2 v8;
	v8 =	vshra.s32 @!p2 v11, $0xE  }
0x167: {  	[tilespmem:$0x330] =	vst @!p2 v8;
	v8 =	vand.u32 @!p2 $0x3FFF, v11;
	v11 =	vld @!p2 [tilespmem:$0xE0]  }
0x168: {  	[tilespmem:$0x3B0] =	vst @!p2 v8;
	v8 =	vshra.s32 @!p2 v9, $0xE  }
0x169: {  	[tilespmem:$0x340] =	vst @!p2 v8;
	v8 =	vand.u32 @!p2 $0x3FFF, v9;
	v9 =	vld @!p2 [tilespmem:$0xF0]  }
0x16a: {  	[tilespmem:$0x3C0] =	vst @!p2 v8;
	v8 =	vshra.s32 @!p2 v10, $0xE  }
0x16b: {  	[tilespmem:$0x350] =	vst @!p2 v8;
	v8 =	vand.u32 @!p2 $0x3FFF, v10  }
0x16c: {  	[tilespmem:$0x3D0] =	vst @!p2 v8;
	v8 =	vshra.s32 @!p2 v11, $0xE  }
0x16d: {  	[tilespmem:$0x360] =	vst @!p2 v8;
	v8 =	vand.u32 @!p2 $0x3FFF, v11  }
0x16e: {  	[tilespmem:$0x3E0] =	vst @!p2 v8;
	v8 =	vshra.s32 @!p2 v9, $0xE  }
0x16f: {  	[tilespmem:$0x370] =	vst @!p2 v8;
	v8 =	vand.u32 @!p2 $0x3FFF, v9  }
0x170: {  	s26 =	simm.s32 @!p2 $0x2600;
	s4 =	simm.s32 @!p2 $0x300;
	[tilespmem:$0x3F0] =	vst @!p2 v8  }
0x171: {  	[tilespmem:s26], [sflag:$0x2] =	stream.indirect.gather @!p2 [hbm4b:s1+s22], $0x40, s4, s22, $0xb8;
	[tilespmem:$0x15CD0] =	vst v63  }
0x172: {  	s4 =	sadd.s32 @!p2 $0x70, s28;
	s26 =	simm.s32 @!p2 $0x180  }
0x173: {  	[tilespmem:s26], [sflag:$0x8] =	stream.linear.gather @!p2 [hbm4b:s4+s31], $0x80, $0x38;
	[tilespmem:$0x15CD0] =	vst v63  }
0x174: {  	_ =	swait.ge [sflag:s11], $0x2000  }
0x175: {  	[sflag:s11] =	ssyncset.done $0x0  }
0x176: {  	[sflag:s11] =	ssyncadd.s32 $0xFFFFE000  }
0x177: {  	[spmem:s2] =	stream.indirect.scatter.add.bf16 [tilespmem:s3], [sflag:$0x9], $0x40, s12, s20, $0xb8;
	[tilespmem:$0x15CD0] =	vst v63  }
0x178: {  	_ =	swait.ge [sflag:s19], $0x2000  }
0x179: {  	[sflag:s19] =	ssyncset.done $0x0  }
0x17a: {  	[sflag:s19] =	ssyncadd.s32 $0xFFFFE000  }
0x17b: {  	v8 =	vld [tilespmem:$0x580];
	_ =	sdelay $0x7  }
0x17c: {  	[tilespmem:v8+s29+$0x0] =	vst.idx.add.f32.msk $0xffff, v7  }
0x17d: {  	v8 =	vld [tilespmem:$0x590];
	_ =	sdelay $0x7  }
0x17e: {  	[tilespmem:v8+s29+$0x0] =	vst.idx.add.f32.msk $0xffff, v7  }
0x17f: {  	v8 =	vld [tilespmem:$0x5A0];
	_ =	sdelay $0x7  }
0x180: {  	[tilespmem:v8+s29+$0x0] =	vst.idx.add.f32.msk $0xffff, v7  }
0x181: {  	v8 =	vld [tilespmem:$0x5B0];
	_ =	sdelay $0x7  }
0x182: {  	[tilespmem:v8+s29+$0x0] =	vst.idx.add.f32.msk $0xffff, v7  }
0x183: {  	v8 =	vld [tilespmem:$0x5C0];
	_ =	sdelay $0x7  }
0x184: {  	[tilespmem:v8+s29+$0x0] =	vst.idx.add.f32.msk $0xffff, v7  }
0x185: {  	v8 =	vld [tilespmem:$0x5D0];
	_ =	sdelay $0x7  }
0x186: {  	[tilespmem:v8+s29+$0x0] =	vst.idx.add.f32.msk $0xffff, v7  }
0x187: {  	v8 =	vld [tilespmem:$0x5E0];
	_ =	sdelay $0x7  }
0x188: {  	[tilespmem:v8+s29+$0x0] =	vst.idx.add.f32.msk $0xffff, v7  }
0x189: {  	v8 =	vld [tilespmem:$0x5F0];
	_ =	sdelay $0x7  }
0x18a: {  	s4 =	simm.s32 @!p2 $0x7;
	[tilespmem:v8+s29+$0x0] =	vst.idx.add.f32.msk $0xffff, v7  }
0x18b: {  	_ =	swait.ge @!p2 [sflag:s4], $0x80  }
0x18c: {  	[sflag:s4] =	ssyncset.done @!p2 $0x0  }
0x18d: {  	[sflag:s4] =	ssyncadd.s32 @!p2 $0xFFFFFF80  }
0x18e: {  	v8 =	vld @!p2 [tilespmem:$0x100];
	_ =	sdelay $0x1  }
0x18f: {  	v9 =	vld @!p2 [tilespmem:$0x110];
	_ =	sdelay $0x1  }
0x190: {  	v10 =	vld @!p2 [tilespmem:$0x120]  }
0x191: {  	v11 =	vshra.s32 @!p2 v8, $0xE  }
0x192: {  	v8 =	vand.u32 @!p2 $0x3FFF, v8;
	[tilespmem:$0x400] =	vst @!p2 v11;
	v11 =	vld @!p2 [tilespmem:$0x130]  }
0x193: {  	[tilespmem:$0x480] =	vst @!p2 v8;
	v8 =	vshra.s32 @!p2 v9, $0xE  }
0x194: {  	[tilespmem:$0x410] =	vst @!p2 v8;
	v8 =	vand.u32 @!p2 $0x3FFF, v9;
	v9 =	vld @!p2 [tilespmem:$0x140]  }
0x195: {  	[tilespmem:$0x490] =	vst @!p2 v8;
	v8 =	vshra.s32 @!p2 v10, $0xE  }
0x196: {  	[tilespmem:$0x420] =	vst @!p2 v8;
	v8 =	vand.u32 @!p2 $0x3FFF, v10;
	v10 =	vld @!p2 [tilespmem:$0x150]  }
0x197: {  	[tilespmem:$0x4A0] =	vst @!p2 v8;
	v8 =	vshra.s32 @!p2 v11, $0xE  }
0x198: {  	[tilespmem:$0x430] =	vst @!p2 v8;
	v8 =	vand.u32 @!p2 $0x3FFF, v11;
	v11 =	vld @!p2 [tilespmem:$0x160]  }
0x199: {  	[tilespmem:$0x4B0] =	vst @!p2 v8;
	v8 =	vshra.s32 @!p2 v9, $0xE  }
0x19a: {  	[tilespmem:$0x440] =	vst @!p2 v8;
	v8 =	vand.u32 @!p2 $0x3FFF, v9;
	v9 =	vld @!p2 [tilespmem:$0x170]  }
0x19b: {  	[tilespmem:$0x4C0] =	vst @!p2 v8;
	v8 =	vshra.s32 @!p2 v10, $0xE  }
0x19c: {  	[tilespmem:$0x450] =	vst @!p2 v8;
	v8 =	vand.u32 @!p2 $0x3FFF, v10  }
0x19d: {  	[tilespmem:$0x4D0] =	vst @!p2 v8;
	v8 =	vshra.s32 @!p2 v11, $0xE  }
0x19e: {  	[tilespmem:$0x460] =	vst @!p2 v8;
	v8 =	vand.u32 @!p2 $0x3FFF, v11  }
0x19f: {  	[tilespmem:$0x4E0] =	vst @!p2 v8;
	v8 =	vshra.s32 @!p2 v9, $0xE  }
0x1a0: {  	p3 =	sgt.u32 @!p2 s6, $0x11;
	[tilespmem:$0x470] =	vst @!p2 v8;
	v8 =	vand.u32 @!p2 $0x3FFF, v9  }
0x1a1: {  	p3 =	por p3, p2;
	s26 =	simm.s32 @!p2 $0x4600;
	s4 =	simm.s32 @!p2 $0x400;
	[tilespmem:$0x4F0] =	vst @!p2 v8  }
0x1a2: {  	[tilespmem:s26], [sflag:$0x3] =	stream.indirect.gather @!p2 [hbm4b:s1+s22], $0x40, s4, s22, $0xb8;
	[tilespmem:$0x15CD0] =	vst v63  }
0x1a3: {  	s4 =	sadd.s32 @!p3 s14, s16;
	s22 =	simm.s32 @!p3 $0x0;
	s14 =	sadd.s32 @!p2 $0x40, s14  }
0x1a4: {  	[tilespmem:s22], [sflag:$0x5] =	stream.linear.gather @!p3 [hbm4b:s4+s22], $0x80, $0x38;
	[tilespmem:$0x15CD0] =	vst v63  }
0x1a5: {  	p3 =	sne.s32 @!p2 s14, $0x500  }
0x1a6: {  	p3 =	por p2, !p3  }
.Ltmp3:
0x1a7: {  	_ = 	snop;
	(pc) =	sbr.rel @!p3 .LBB2_8-.Ltmp3, $2  }
0x1a8: {  	_ =	sdelay $0x2  }
0x1a9: {  	s6 =	sadd.s32 @!p2 $0x1, s6;
	s31 =	simm.s32 $0x280  }
0x1aa: {  	s28 =	rddreg [dreg:$0x3];
	s4 =	simm.s32 $0x50;
	s6 =	simm.s32 $0xB200  }
0x1ab: {  	[spmem:s28] =	stream.indirect.scatter.add.f32 [tilespmem:s29], [sflag:$0x9], $0x80, s6, s4, $0xb8;
	[tilespmem:$0x15CD0] =	vst v63  }
0x1ac: {  	_ =	swait.ge [sflag:s19], $0x2800  }
0x1ad: {  	s22 =	stileid.u32;
	[sflag:s19] =	ssyncset.done $0x0  }
0x1ae: {  	s14 =	sadd.s32 $0x0, s24;
	s4 =	sshll.u32 s22, $0x6;
	[sflag:s19] =	ssyncadd.s32 $0xFFFFD800  }
0x1af: {  	s26 =	sshrl.u32 s15, $0x3;
	s6 =	sor.u32 $0x1C09, s4;
	[bflag:$0x0] =	sbarrier.arrive $0xFFFF  }
0x1b0: {  	[hbm:s14], [sflag:s6] =	dma.local [spmem:s26], $0x80  }
0x1b1: {  	s22 =	sadd.s32 $0x400, s15;
	s14 =	simm.s32 $0x80;
	_ =	swait.ge [sflag:s19], $0x80  }
.LBB2_10:
0x1b2: {  	s4 =	sadd.s32 s14, s24;
	[sflag:s19] =	ssyncset.done $0x0;
	p2 =	sne.s32 s14, $0x1380  }
.Ltmp4:
0x1b3: {  	s26 =	sshrl.u32 s22, $0x3;
	[sflag:s19] =	ssyncadd.s32 $0xFFFFFF80;
	(pc) =	sbr.rel @p2 .LBB2_10-.Ltmp4, $3  }
0x1b4: {  	[hbm:s4], [sflag:s6] =	dma.local [spmem:s26], $0x80  }
0x1b5: {  	s14 =	sadd.s32 $0x80, s14;
	_ =	sdelay $0x1  }
0x1b6: {  	s22 =	sadd.s32 $0x400, s22;
	_ =	swait.ge [sflag:s19], $0x80  }
0x1b7: {  	[sflag:s19] =	ssyncset.done $0x0;
	s4 =	sshrl.u32 @!p1 s28, $0x3  }
0x1b8: {  	s6 =	simm.s32 @!p1 $0x1C09;
	s14 =	rddreg [dreg:$0xc];
	[sflag:s19] =	ssyncadd.s32 $0xFFFFFF80  }
0x1b9: {  	[hbm:s14], [sflag:s6] =	dma.local @!p1 [spmem:s4], $0x500  }
0x1ba: {  	s4 =	simm.s32 @!p1 $0x9  }
0x1bb: {  	_ =	swait.ge @!p1 [sflag:s4], $0x500  }
0x1bc: {  	s26 =	rddreg [dreg:$0x5]  }
0x1bd: {  	s28 =	rddreg [dreg:$0xd];
	s14 =	sadd.s32 $0x1, s26  }
0x1be: {  	p2 =	sne.s32 s14, s28  }
.Ltmp5:
0x1bf: {  	_ = 	snop;
	(pc) =	sbr.rel @p2 .LBB2_1-.Ltmp5, $3  }
0x1c0: {  	_ =	sdelay $0x1  }
0x1c1: {  	[sflag:s4] =	ssyncset.done @!p1 $0x0  }
0x1c2: {  	[sflag:s4] =	ssyncadd.s32 @!p1 $0xFFFFFB00  }
0x1c3: {  	_ =	sfence.sel $0x180000  }
0x1c4: {  	[bflag:$0x0] =	sbarrier.arrive $0xFFFF  }
0x1c5: {  	_ =	strace $0x90000047  }
0x1c6: {  	[bflag:$0x2] =	sbarrier.arrive $0xFFFF  }
0x1c7: {  	s0 =	rddreg [dreg:$0x4]  }
0x1c8: {  	s0 =	sadd.s32 @!p1 $0x100000, s0  }
0x1c9: {  	[sflag:s0] =	ssyncadd.tile.s32 @!p1 $0x1;
	_ =	shalt  }
.Lfunc_end2:
_tile_overlayer_lowered:
.L_overlay_start_2:
0x1ca: {  	(tag) =	ssettag $0x2  }
0x1cb: {  	s0 =	rddreg [dreg:$0x0];
	s2 =	stileid.u32  }
0x1cc: {  	s1 =	rddreg [dreg:$0x1];
	p0 =	sne.s32 s2, $0x0  }
0x1cd: {  	s3 =	rddreg [dreg:$0x2];
	[bflag:$0x3] =	sbarrier.arrive $0xFFFF;
	s2 =	simm.s32 @!p0 $0x1C09  }
0x1ce: {  	[timem:s3], [sflag:s2] =	dma.local @!p0 [hbm:s0], s1  }
0x1cf: {  	s0 =	simm.s32 @!p0 $0x9  }
0x1d0: {  	_ =	swait.ge @!p0 [sflag:s0], s1  }
0x1d1: {  	s1 =	ssub.s32 @!p0 $0x0, s1;
	[sflag:s0] =	ssyncset.done @!p0 $0x0  }
0x1d2: {  	[sflag:s0] =	ssyncadd.s32 @!p0 s1  }
0x1d3: {  	[bflag:$0x3] =	sbarrier.arrive $0xFFFF  }
0x1d4: {  	_ =	shalt  }

</sc_bundles>
